<compile_context>
chip_gen: v7x
topology: tpu7x:2x2x1
jax: 0.10.2.dev20260603
libtpu: 0.0.44.dev20260713+nightly
codegen_flags: <defaults>
</compile_context>

<pallas_src>
import functools

import jax
import jax.numpy as jnp
from jax import lax
from jax.experimental import pallas as pl
from jax.experimental.pallas import tpu as pltpu
from jax.experimental.pallas import tpu_sc as plsc

N = 10000
E = 160000
H = 32
ED = 16
NUM_UNIT = 256
B = 128
NP = 10240
CH = 128
NCHUNKS = E // CH
NSUB = 16
NCORE = 2
ZR = NP // NSUB


DW = 128


def _emb_body(ut_ref, emb_ref, out_ref):
    ut = ut_ref[...]
    oh = (ut == lax.broadcasted_iota(jnp.int32, (ut.shape[0], NUM_UNIT), 1))
    out_ref[...] = jnp.dot(oh.astype(jnp.float32), emb_ref[...],
                           preferred_element_type=jnp.float32)


def _embed(ut_col, emb128):
    TA = 2560
    return pl.pallas_call(
        _emb_body,
        grid=(NP // TA,),
        in_specs=[
            pl.BlockSpec((TA, 1), lambda i: (i, 0)),
            pl.BlockSpec((NUM_UNIT, DW), lambda i: (0, 0)),
        ],
        out_specs=pl.BlockSpec((TA, DW), lambda i: (i, 0)),
        out_shape=jax.ShapeDtypeStruct((NP, DW), jnp.float32),
    )(ut_col, emb128)


def _gather_sc(table, nin2d):
    mesh = plsc.VectorSubcoreMesh(core_axis_name="c", subcore_axis_name="s")
    nchunks = nin2d.shape[0]
    nw = NCORE * NSUB
    cpw = (nchunks + nw - 1) // nw

    @functools.partial(
        pl.kernel, mesh=mesh,
        out_type=jax.ShapeDtypeStruct((nchunks * CH, DW), jnp.float32),
        compiler_params=pltpu.CompilerParams(use_tc_tiling_on_sc=False),
        scratch_types=[
            pltpu.VMEM((CH,), jnp.int32),
            pltpu.VMEM((CH,), jnp.int32),
            pltpu.VMEM((CH, DW), jnp.float32),
            pltpu.VMEM((CH, DW), jnp.float32),
            pltpu.SemaphoreType.DMA,
            pltpu.SemaphoreType.DMA,
        ],
    )
    def k(table_hbm, nin_hbm, out_hbm, idx0, idx1, rows0, rows1, sem0, sem1):
        idx = (idx0, idx1)
        rows = (rows0, rows1)
        sems = (sem0, sem1)
        wid = lax.axis_index("c") * NSUB + lax.axis_index("s")

        for b in range(2):
            first = wid + b * nw

            @pl.when(first < nchunks)
            def _(b=b, first=first):
                pltpu.sync_copy(nin_hbm.at[first], idx[b])
                pltpu.async_copy(table_hbm.at[idx[b]], rows[b], sems[b])

        def body(g, carry):
            for b in range(2):
                chunk = wid + (g * 2 + b) * nw

                @pl.when(chunk < nchunks)
                def _(b=b, chunk=chunk):
                    pltpu.make_async_copy(
                        table_hbm.at[idx[b]], rows[b], sems[b]).wait()
                    pltpu.sync_copy(rows[b], out_hbm.at[pl.ds(chunk * CH, CH)])
                    nxt = chunk + 2 * nw

                    @pl.when(nxt < nchunks)
                    def _():
                        pltpu.sync_copy(nin_hbm.at[nxt], idx[b])
                        pltpu.async_copy(table_hbm.at[idx[b]], rows[b], sems[b])

            return carry

        lax.fori_loop(0, (cpw + 1) // 2, body, 0)

    return k(table, nin2d)


def _edge_body(eaT_ref, xs_ref, w1T_ref, b1c_ref, w2T_ref, b2T_ref, out_ref):
    eaT = eaT_ref[...]
    xT = xs_ref[:, :H].T
    hmidT = jnp.maximum(
        jnp.dot(w1T_ref[...], eaT, preferred_element_type=jnp.float32)
        + b1c_ref[:, 0:1], 0.0)
    pT = jnp.concatenate(
        [xT[j:j + 1, :] * hmidT for j in range(H)], axis=0)
    msgT = jnp.dot(w2T_ref[...], pT, preferred_element_type=jnp.float32) \
        + jnp.dot(b2T_ref[...], xT, preferred_element_type=jnp.float32)
    te = msgT.shape[1]
    out_ref[...] = jnp.concatenate(
        [msgT.T, jnp.zeros((te, DW - H), jnp.float32)], axis=1)


def _edge_msg(edge_attrT, x_src, w1T, b1c, w2T, b2T):
    TE = 1280
    e = x_src.shape[0]
    return pl.pallas_call(
        _edge_body,
        grid=(e // TE,),
        in_specs=[
            pl.BlockSpec((ED, TE), lambda i: (0, i)),
            pl.BlockSpec((TE, DW), lambda i: (i, 0)),
            pl.BlockSpec((H, ED), lambda i: (0, 0)),
            pl.BlockSpec((H, 8), lambda i: (0, 0)),
            pl.BlockSpec((H, H * H), lambda i: (0, 0)),
            pl.BlockSpec((H, H), lambda i: (0, 0)),
        ],
        out_specs=pl.BlockSpec((TE, DW), lambda i: (i, 0)),
        out_shape=jax.ShapeDtypeStruct((e, DW), jnp.float32),
    )(edge_attrT, x_src, w1T, b1c, w2T, b2T)


def _scatter_sc(msg, nout2d, zeros_np):
    mesh = plsc.VectorSubcoreMesh(core_axis_name="c", subcore_axis_name="s")
    half = nout2d.shape[0] // NCORE
    cpw = (half + NSUB - 1) // NSUB

    @functools.partial(
        pl.kernel, mesh=mesh,
        out_type=jax.ShapeDtypeStruct((NCORE, NP, H), jnp.float32),
        compiler_params=pltpu.CompilerParams(use_tc_tiling_on_sc=False),
        scratch_types=[
            pltpu.VMEM((CH,), jnp.int32),
            pltpu.VMEM((CH,), jnp.int32),
            pltpu.VMEM((CH, H), jnp.float32),
            pltpu.VMEM((CH, H), jnp.float32),
            pltpu.VMEM_SHARED((NP, H), jnp.float32),
            pltpu.SemaphoreType.DMA,
            pltpu.SemaphoreType.DMA,
        ],
    )
    def k(msg_hbm, nout_hbm, zeros_hbm, parts_hbm,
          idx0, idx1, rows0, rows1, acc_sh, sem0, sem1):
        idx = (idx0, idx1)
        rows = (rows0, rows1)
        sems = (sem0, sem1)
        c = lax.axis_index("c")
        s = lax.axis_index("s")
        pltpu.sync_copy(zeros_hbm.at[pl.ds(s * ZR, ZR)],
                        acc_sh.at[pl.ds(s * ZR, ZR)])

        for b in range(2):
            first = c * half + s + b * NSUB

            @pl.when(first < (c + 1) * half)
            def _(b=b, first=first):
                pltpu.sync_copy(nout_hbm.at[first], idx[b])
                pltpu.async_copy(
                    msg_hbm.at[pl.ds(first * CH, CH), pl.ds(0, H)],
                    rows[b], sems[b])

        plsc.subcore_barrier()

        def body(g, carry):
            for b in range(2):
                chunk = c * half + s + (g * 2 + b) * NSUB

                @pl.when(chunk < (c + 1) * half)
                def _(b=b, chunk=chunk):
                    pltpu.make_async_copy(
                        msg_hbm.at[pl.ds(chunk * CH, CH), pl.ds(0, H)],
                        rows[b], sems[b]).wait()
                    pltpu.sync_copy(rows[b], acc_sh.at[idx[b]], add=True)
                    nxt = chunk + 2 * NSUB

                    @pl.when(nxt < (c + 1) * half)
                    def _():
                        pltpu.sync_copy(nout_hbm.at[nxt], idx[b])
                        pltpu.async_copy(
                            msg_hbm.at[pl.ds(nxt * CH, CH), pl.ds(0, H)],
                            rows[b], sems[b])

            return carry

        lax.fori_loop(0, (cpw + 1) // 2, body, 0)
        plsc.subcore_barrier()
        pltpu.sync_copy(acc_sh.at[pl.ds(s * ZR, ZR)],
                        parts_hbm.at[c, pl.ds(s * ZR, ZR)])

    return k(msg, nout2d, zeros_np)


def _gru_body(up_ref, up2_ref, up3_ref, li_ref, giT_ref, ghT_ref, gb_ref,
              nf_ref):
    x = jnp.maximum(up_ref[0] + up_ref[1] + up2_ref[0] + up2_ref[1]
                    + up3_ref[0] + up3_ref[1], 0.0)
    hx = li_ref[:, :H]
    gi = jnp.dot(x, giT_ref[...], preferred_element_type=jnp.float32) \
        + gb_ref[0:1, :]
    gh = jnp.dot(hx, ghT_ref[...], preferred_element_type=jnp.float32) \
        + gb_ref[1:2, :]
    r = jax.nn.sigmoid(gi[:, :H] + gh[:, :H])
    z = jax.nn.sigmoid(gi[:, H:2 * H] + gh[:, H:2 * H])
    nn_ = jnp.tanh(gi[:, 2 * H:] + r * gh[:, 2 * H:])
    nf_ref[...] = (1.0 - z) * nn_ + z * hx


def _gru(parts, parts2, parts3, li, giT, ghT, gb):
    TN = 2560
    return pl.pallas_call(
        _gru_body,
        grid=(NP // TN,),
        in_specs=[
            pl.BlockSpec((2, TN, H), lambda i: (0, i, 0)),
            pl.BlockSpec((2, TN, H), lambda i: (0, i, 0)),
            pl.BlockSpec((2, TN, H), lambda i: (0, i, 0)),
            pl.BlockSpec((TN, DW), lambda i: (i, 0)),
            pl.BlockSpec((H, 3 * H), lambda i: (0, 0)),
            pl.BlockSpec((H, 3 * H), lambda i: (0, 0)),
            pl.BlockSpec((8, 3 * H), lambda i: (0, 0)),
        ],
        out_specs=pl.BlockSpec((TN, H), lambda i: (i, 0)),
        out_shape=jax.ShapeDtypeStruct((NP, H), jnp.float32),
    )(parts, parts2, parts3, li, giT, ghT, gb)


def _s2s_body(nf_ref, nfT_ref, n2gr_ref, liT_ref, lhT_ref, lb_ref, qs_ref):
    nf = nf_ref[...]
    nfT = nfT_ref[...]
    n2gr = n2gr_ref[0:1, :]
    ohT = (n2gr == lax.broadcasted_iota(jnp.int32, (B, NP), 0))
    ohf = ohT.astype(jnp.float32)

    h_l = jnp.zeros((B, H), jnp.float32)
    c_l = jnp.zeros((B, H), jnp.float32)
    q_star = jnp.zeros((B, 2 * H), jnp.float32)
    for _ in range(3):
        gates = jnp.dot(q_star, liT_ref[...], preferred_element_type=jnp.float32) \
            + jnp.dot(h_l, lhT_ref[...], preferred_element_type=jnp.float32) \
            + lb_ref[0:1, :]
        ig = jax.nn.sigmoid(gates[:, :H])
        fg = jax.nn.sigmoid(gates[:, H:2 * H])
        gg = jnp.tanh(gates[:, 2 * H:3 * H])
        og = jax.nn.sigmoid(gates[:, 3 * H:])
        c_l = fg * c_l + ig * gg
        h_l = og * jnp.tanh(c_l)
        q = h_l
        s = jnp.dot(q, nfT, preferred_element_type=jnp.float32)
        product = jnp.sum(ohf * s, axis=0, keepdims=True)
        pmax_b = jnp.max(jnp.where(ohT, product, -1e30), axis=1,
                         keepdims=True)
        pmax_n = jnp.sum(jnp.where(ohT, pmax_b, 0.0), axis=0,
                         keepdims=True)
        pexp = jnp.exp(product - pmax_n)
        psum_b = jnp.sum(ohf * pexp, axis=1, keepdims=True)
        psum_n = jnp.sum(jnp.where(ohT, psum_b, 0.0), axis=0,
                         keepdims=True)
        att = pexp / (psum_n + 1e-10)
        out = jnp.dot(ohf * att, nf, preferred_element_type=jnp.float32)
        q_star = jnp.concatenate([q, out], axis=1)
    qs_ref[...] = q_star


def _s2s(nf, nfT, n2gr, liT, lhT, lb):
    return pl.pallas_call(
        _s2s_body,
        out_shape=jax.ShapeDtypeStruct((B, 2 * H), jnp.float32),
        compiler_params=pltpu.CompilerParams(
            vmem_limit_bytes=64 * 1024 * 1024),
    )(nf, nfT, n2gr, liT, lhT, lb)


def kernel(unit_type, edge_index, edge_attr, node2graph, input, emb,
           mlp_w1, mlp_b1, mlp_w2, mlp_b2,
           gru_w_ih, gru_w_hh, gru_b_ih, gru_b_hh,
           lstm_w_ih, lstm_w_hh, lstm_b_ih, lstm_b_hh):
    ut_col = jnp.concatenate(
        [unit_type.astype(jnp.int32), jnp.zeros((NP - N,), jnp.int32)]
    ).reshape(NP, 1)
    n2g = jnp.concatenate(
        [node2graph.astype(jnp.int32), jnp.full((NP - N,), B, jnp.int32)])
    n2gr = jnp.broadcast_to(n2g.reshape(1, NP), (8, NP))

    nin2d = edge_index[0].astype(jnp.int32).reshape(NCHUNKS, CH)
    nout2d = edge_index[1].astype(jnp.int32).reshape(NCHUNKS, CH)

    w2T = mlp_w2.reshape(H, H, H).transpose(1, 2, 0).reshape(H, H * H)
    b2T = mlp_b2.reshape(H, H)
    w1T = mlp_w1.T
    b1c = jnp.broadcast_to(mlp_b1.reshape(H, 1), (H, 8))
    eaT = edge_attr.T

    giT = gru_w_ih.T
    ghT = gru_w_hh.T
    gb = jnp.concatenate(
        [gru_b_ih.reshape(1, 3 * H), gru_b_hh.reshape(1, 3 * H)], axis=0)
    gb = jnp.concatenate([gb, jnp.zeros((6, 3 * H), jnp.float32)], axis=0)
    liT = lstm_w_ih.T
    lhT = lstm_w_hh.T
    lb = jnp.broadcast_to(
        (lstm_b_ih + lstm_b_hh).reshape(1, 4 * H), (8, 4 * H))

    emb128 = jnp.concatenate(
        [emb, jnp.zeros((NUM_UNIT, DW - H), jnp.float32)], axis=1)
    layer_input = _embed(ut_col, emb128)
    sizes = (25600, 64000, 70400)
    zeros_np = jnp.zeros((NP, H), jnp.float32)

    xs_l, msg_l, parts_l = [], [], []
    off = 0
    for sz in sizes:
        a, b = off // CH, (off + sz) // CH
        x_i = _gather_sc(layer_input, nin2d[a:b])
        msg_i = _edge_msg(eaT[:, off:off + sz], x_i, w1T, b1c, w2T, b2T)
        parts_l.append(_scatter_sc(msg_i, nout2d[a:b], zeros_np))
        off += sz
    nf = _gru(parts_l[0], parts_l[1], parts_l[2], layer_input, giT, ghT, gb)
    q_star = _s2s(nf, nf.T, n2gr, liT, lhT, lb)
    return (q_star, nf[:N])

# --- scband reference (transcript-rebuilt; emitter-appended) ---
"""Pipeline reference for scband-glycan-mpnn-34995393527946 (READ-ONLY COPY).

The authoritative reference and input builder live on the scoring server;
editing this copy changes nothing except your own understanding.
"""

import jax, jax.numpy as jnp
import numpy as np

N = 10000
E = 160000
H = 32
ED = 16
NUM_UNIT = 256
B = 128
NUM_S2S_STEP = 3


def setup_inputs(seed: int = 0) -> dict:
    key = jax.random.key(seed)
    ks = jax.random.split(key, 16)
    inp = {}
    inp["unit_type"] = jax.random.randint(ks[0], (N,), 0, NUM_UNIT)
    inp["edge_index"] = jax.random.randint(ks[1], (2, E), 0, N)
    inp["edge_attr"] = jax.random.normal(ks[2], (E, ED), dtype=jnp.float32)
    inp["node2graph"] = jnp.sort(jax.random.randint(ks[3], (N,), 0, B))
    inp["input"] = jax.random.normal(ks[11], (N, H), dtype=jnp.float32)
    s_ed = 1.0 / np.sqrt(ED)
    s_h = 1.0 / np.sqrt(H)
    inp["emb"] = jax.random.normal(ks[4], (NUM_UNIT, H), dtype=jnp.float32) * 0.1
    inp["mlp_w1"] = jax.random.normal(ks[5], (ED, H), dtype=jnp.float32) * s_ed
    inp["mlp_b1"] = jnp.zeros((H,), dtype=jnp.float32)
    inp["mlp_w2"] = jax.random.normal(ks[6], (H, H * H), dtype=jnp.float32) * s_h
    inp["mlp_b2"] = jnp.zeros((H * H,), dtype=jnp.float32)
    inp["gru_w_ih"] = jax.random.normal(ks[7], (3 * H, H), dtype=jnp.float32) * s_h
    inp["gru_w_hh"] = jax.random.normal(ks[8], (3 * H, H), dtype=jnp.float32) * s_h
    inp["gru_b_ih"] = jnp.zeros((3 * H,), dtype=jnp.float32)
    inp["gru_b_hh"] = jnp.zeros((3 * H,), dtype=jnp.float32)
    inp["lstm_w_ih"] = jax.random.normal(ks[9], (4 * H, 2 * H), dtype=jnp.float32) * s_h
    inp["lstm_w_hh"] = jax.random.normal(ks[10], (4 * H, H), dtype=jnp.float32) * s_h
    inp["lstm_b_ih"] = jnp.zeros((4 * H,), dtype=jnp.float32)
    inp["lstm_b_hh"] = jnp.zeros((4 * H,), dtype=jnp.float32)
    return inp


def reference(unit_type, edge_index, edge_attr, node2graph, input, emb,
              mlp_w1, mlp_b1, mlp_w2, mlp_b2,
              gru_w_ih, gru_w_hh, gru_b_ih, gru_b_hh,
              lstm_w_ih, lstm_w_hh, lstm_b_ih, lstm_b_hh):
    # NOTE: original torch forward ignores `input`; node features come from embedding_init(unit_type)
    layer_input = emb[unit_type]  # [N, H] embedding gather
    hx = layer_input  # num_gru_layer = 1 -> repeat(1,1,1)
    # --- layers.MessagePassing (MPNN edge-network conv), num_layer = 1 ---
    hmid = jax.nn.relu(edge_attr @ mlp_w1 + mlp_b1)          # [E, H]
    transform = (hmid @ mlp_w2 + mlp_b2).reshape(-1, H, H)   # [E, H, H]
    node_in = edge_index[0]
    node_out = edge_index[1]
    msg = jnp.einsum("eij,ej->ei", transform, layer_input[node_in])  # gather + per-edge matvec
    update = jax.ops.segment_sum(msg, node_out, num_segments=N)       # scatter-add (edge_weight = 1)
    x = jax.nn.relu(update)  # combine: activation, no batch_norm
    # --- nn.GRU, 1 layer, seq_len 1 ---
    gi = x @ gru_w_ih.T + gru_b_ih
    gh = hx @ gru_w_hh.T + gru_b_hh
    i_r, i_z, i_n = jnp.split(gi, 3, axis=-1)
    h_r, h_z, h_n = jnp.split(gh, 3, axis=-1)
    r = jax.nn.sigmoid(i_r + h_r)
    z = jax.nn.sigmoid(i_z + h_z)
    n = jnp.tanh(i_n + r * h_n)
    node_feature = (1.0 - z) * n + z * hx  # [N, H] (concat_hidden=False, short_cut=False)
    # --- Set2Set readout (LSTM + segment softmax attention), num_step = 3 ---
    h_l = jnp.zeros((B, H), dtype=node_feature.dtype)
    c_l = jnp.zeros((B, H), dtype=node_feature.dtype)
    q_star = jnp.zeros((B, 2 * H), dtype=node_feature.dtype)
    for _ in range(NUM_S2S_STEP):
        gates = q_star @ lstm_w_ih.T + lstm_b_ih + h_l @ lstm_w_hh.T + lstm_b_hh
        ig, fg, gg, og = jnp.split(gates, 4, axis=-1)
        ig = jax.nn.sigmoid(ig)
        fg = jax.nn.sigmoid(fg)
        gg = jnp.tanh(gg)
        og = jax.nn.sigmoid(og)
        c_l = fg * c_l + ig * gg
        h_l = og * jnp.tanh(c_l)
        q = h_l  # [B, H]
        product = jnp.sum(q[node2graph] * node_feature, axis=-1)  # [N]
        pmax = jax.ops.segment_max(product, node2graph, num_segments=B)
        pexp = jnp.exp(product - pmax[node2graph])
        psum = jax.ops.segment_sum(pexp, node2graph, num_segments=B)
        attention = pexp / (psum[node2graph] + 1e-10)
        out = jax.ops.segment_sum(attention[:, None] * node_feature, node2graph, num_segments=B)
        q_star = jnp.concatenate([q, out], axis=-1)  # [B, 2H]
    graph_feature = q_star
    return (graph_feature, node_feature)

if __name__ == "__main__":
    import jax
    _d = setup_inputs()
    print(jax.jit(kernel)(*tuple(_d.values())))

</pallas_src>

<mosaic_0001>
#map = affine_map<(d0, d1) -> (0, 0)>
module attributes {stable_mosaic.version = 14 : i64} {
  func.func @k(%arg0: i32, %arg1: i32, %arg2: memref<10240x128xf32, #tpu.memory_space<hbm>>, %arg3: memref<550x128xi32, #tpu.memory_space<hbm>>, %arg4: memref<70400x128xf32, #tpu.memory_space<hbm>>, %arg5: memref<128xi32, #tpu.memory_space<vmem>>, %arg6: memref<128xi32, #tpu.memory_space<vmem>>, %arg7: memref<128x128xf32, #tpu.memory_space<vmem>>, %arg8: memref<128x128xf32, #tpu.memory_space<vmem>>, %arg9: memref<!tpu.dma_semaphore, #tpu.memory_space<semaphore_mem>>, %arg10: memref<!tpu.dma_semaphore, #tpu.memory_space<semaphore_mem>>) attributes {dimension_semantics = [#tpu.dimension_semantics<core_parallel>, #tpu.dimension_semantics<subcore_parallel>], iteration_bounds = array<i64: 2, 16>, scalar_prefetch = 0 : i64, scratch_operands = 6 : i64, tpu.core_type = #tpu.core_type<sc_vector_subcore>, window_params = [{transform_indices = #map}, {transform_indices = #map}, {transform_indices = #map}]} {
    %mul3A = arith.constant 16 : i32
    %mul3A_0 = arith.muli %arg0, %mul3A : i32
    %add3A = arith.addi %mul3A_0, %arg1 : i32
    %add3A_1 = arith.constant 0 : i32
    %add3A_2 = arith.addi %add3A, %add3A_1 : i32
    %lt3A = arith.constant 550 : i32
    %lt3A_3 = arith.cmpi slt, %add3A_2, %lt3A : i32
    %convert_element_type3A = arith.extui %lt3A_3 : i1 to i32
    %cond3A = arith.constant 0 : i32
    %cond3A_4 = arith.cmpi ne, %convert_element_type3A, %cond3A : i32
    scf.if %cond3A_4 {
      "tpu.region"() ({
        %run_scoped3A = tpu.sem_alloc : memref<!tpu.dma_semaphore, #tpu.memory_space<semaphore_mem>>
        %dma_start3A_19 = arith.constant 0 : i32
        %dma_start3A_20 = tpu.memref_slice %arg3[%add3A_2, %dma_start3A_19] : memref<550x128xi32, #tpu.memory_space<hbm>> -> memref<1x128xi32, #tpu.memory_space<hbm>>
        %dma_start3A_21 = tpu.memref_squeeze %dma_start3A_20 : memref<1x128xi32, #tpu.memory_space<hbm>> -> memref<128xi32, #tpu.memory_space<hbm>>
        %dma_start3A_22 = arith.constant 0 : i32
        %dma_start3A_23 = tpu.memref_slice %arg3[%add3A_2, %dma_start3A_22] : memref<550x128xi32, #tpu.memory_space<hbm>> -> memref<1x128xi32, #tpu.memory_space<hbm>>
        %dma_start3A_24 = tpu.memref_squeeze %dma_start3A_23 : memref<1x128xi32, #tpu.memory_space<hbm>> -> memref<128xi32, #tpu.memory_space<hbm>>
        tpu.enqueue_dma source(%dma_start3A_24 : memref<128xi32, #tpu.memory_space<hbm>>) target(%arg5 : memref<128xi32, #tpu.memory_space<vmem>>) target_semaphore(%run_scoped3A : memref<!tpu.dma_semaphore, #tpu.memory_space<semaphore_mem>>)
        %dma_wait3A = arith.constant 0 : i32
        %dma_wait3A_25 = tpu.memref_slice %arg3[%add3A_2, %dma_wait3A] : memref<550x128xi32, #tpu.memory_space<hbm>> -> memref<1x128xi32, #tpu.memory_space<hbm>>
        %dma_wait3A_26 = tpu.memref_squeeze %dma_wait3A_25 : memref<1x128xi32, #tpu.memory_space<hbm>> -> memref<128xi32, #tpu.memory_space<hbm>>
        %dma_wait3A_27 = arith.constant 0 : i32
        %dma_wait3A_28 = tpu.memref_slice %arg3[%add3A_2, %dma_wait3A_27] : memref<550x128xi32, #tpu.memory_space<hbm>> -> memref<1x128xi32, #tpu.memory_space<hbm>>
        %dma_wait3A_29 = tpu.memref_squeeze %dma_wait3A_28 : memref<1x128xi32, #tpu.memory_space<hbm>> -> memref<128xi32, #tpu.memory_space<hbm>>
        tpu.wait_dma2 semaphore(%run_scoped3A : memref<!tpu.dma_semaphore, #tpu.memory_space<semaphore_mem>>) src(%dma_wait3A_29 : memref<128xi32, #tpu.memory_space<hbm>>) dst(%arg5 : memref<128xi32, #tpu.memory_space<vmem>>)
        tpu.yield
      }) : () -> ()
      %dma_start3A = arith.constant 0 : i32
      %dma_start3A_17 = arith.constant 0 : i32
      %dma_start3A_18 = tpu.memref_slice %arg2[%dma_start3A, %dma_start3A_17] : memref<10240x128xf32, #tpu.memory_space<hbm>> -> memref<10240x128xf32, #tpu.memory_space<hbm>>
      tpu.enqueue_indirect_dma source(%dma_start3A_18 : memref<10240x128xf32, #tpu.memory_space<hbm>>) target(%arg7 : memref<128x128xf32, #tpu.memory_space<vmem>>) offsets(%arg5 : memref<128xi32, #tpu.memory_space<vmem>>) semaphore(%arg9 : memref<!tpu.dma_semaphore, #tpu.memory_space<semaphore_mem>>)
    } else {
    }
    %add3A_5 = arith.constant 32 : i32
    %add3A_6 = arith.addi %add3A, %add3A_5 : i32
    %lt3A_7 = arith.constant 550 : i32
    %lt3A_8 = arith.cmpi slt, %add3A_6, %lt3A_7 : i32
    %convert_element_type3A_9 = arith.extui %lt3A_8 : i1 to i32
    %cond3A_10 = arith.constant 0 : i32
    %cond3A_11 = arith.cmpi ne, %convert_element_type3A_9, %cond3A_10 : i32
    scf.if %cond3A_11 {
      "tpu.region"() ({
        %run_scoped3A = tpu.sem_alloc : memref<!tpu.dma_semaphore, #tpu.memory_space<semaphore_mem>>
        %dma_start3A_19 = arith.constant 0 : i32
        %dma_start3A_20 = tpu.memref_slice %arg3[%add3A_6, %dma_start3A_19] : memref<550x128xi32, #tpu.memory_space<hbm>> -> memref<1x128xi32, #tpu.memory_space<hbm>>
        %dma_start3A_21 = tpu.memref_squeeze %dma_start3A_20 : memref<1x128xi32, #tpu.memory_space<hbm>> -> memref<128xi32, #tpu.memory_space<hbm>>
        %dma_start3A_22 = arith.constant 0 : i32
        %dma_start3A_23 = tpu.memref_slice %arg3[%add3A_6, %dma_start3A_22] : memref<550x128xi32, #tpu.memory_space<hbm>> -> memref<1x128xi32, #tpu.memory_space<hbm>>
        %dma_start3A_24 = tpu.memref_squeeze %dma_start3A_23 : memref<1x128xi32, #tpu.memory_space<hbm>> -> memref<128xi32, #tpu.memory_space<hbm>>
        tpu.enqueue_dma source(%dma_start3A_24 : memref<128xi32, #tpu.memory_space<hbm>>) target(%arg6 : memref<128xi32, #tpu.memory_space<vmem>>) target_semaphore(%run_scoped3A : memref<!tpu.dma_semaphore, #tpu.memory_space<semaphore_mem>>)
        %dma_wait3A = arith.constant 0 : i32
        %dma_wait3A_25 = tpu.memref_slice %arg3[%add3A_6, %dma_wait3A] : memref<550x128xi32, #tpu.memory_space<hbm>> -> memref<1x128xi32, #tpu.memory_space<hbm>>
        %dma_wait3A_26 = tpu.memref_squeeze %dma_wait3A_25 : memref<1x128xi32, #tpu.memory_space<hbm>> -> memref<128xi32, #tpu.memory_space<hbm>>
        %dma_wait3A_27 = arith.constant 0 : i32
        %dma_wait3A_28 = tpu.memref_slice %arg3[%add3A_6, %dma_wait3A_27] : memref<550x128xi32, #tpu.memory_space<hbm>> -> memref<1x128xi32, #tpu.memory_space<hbm>>
        %dma_wait3A_29 = tpu.memref_squeeze %dma_wait3A_28 : memref<1x128xi32, #tpu.memory_space<hbm>> -> memref<128xi32, #tpu.memory_space<hbm>>
        tpu.wait_dma2 semaphore(%run_scoped3A : memref<!tpu.dma_semaphore, #tpu.memory_space<semaphore_mem>>) src(%dma_wait3A_29 : memref<128xi32, #tpu.memory_space<hbm>>) dst(%arg6 : memref<128xi32, #tpu.memory_space<vmem>>)
        tpu.yield
      }) : () -> ()
      %dma_start3A = arith.constant 0 : i32
      %dma_start3A_17 = arith.constant 0 : i32
      %dma_start3A_18 = tpu.memref_slice %arg2[%dma_start3A, %dma_start3A_17] : memref<10240x128xf32, #tpu.memory_space<hbm>> -> memref<10240x128xf32, #tpu.memory_space<hbm>>
      tpu.enqueue_indirect_dma source(%dma_start3A_18 : memref<10240x128xf32, #tpu.memory_space<hbm>>) target(%arg8 : memref<128x128xf32, #tpu.memory_space<vmem>>) offsets(%arg6 : memref<128xi32, #tpu.memory_space<vmem>>) semaphore(%arg10 : memref<!tpu.dma_semaphore, #tpu.memory_space<semaphore_mem>>)
    } else {
    }
    %scan3A = arith.constant 0 : i32
    %scan3A_12 = arith.constant 0 : i32
    %scan3A_13 = arith.constant 9 : i32
    %scan3A_14 = arith.addi %scan3A_12, %scan3A_13 : i32
    %scan3A_15 = arith.constant 1 : i32
    scf.for %scan3A_17 = %scan3A_12 to %scan3A_14 step %scan3A_15  : i32 {
      %mul3A_18 = arith.constant 2 : i32
      %mul3A_19 = arith.muli %scan3A_17, %mul3A_18 : i32
      %add3A_20 = arith.constant 0 : i32
      %add3A_21 = arith.addi %mul3A_19, %add3A_20 : i32
      %mul3A_22 = arith.constant 32 : i32
      %mul3A_23 = arith.muli %add3A_21, %mul3A_22 : i32
      %add3A_24 = arith.addi %add3A, %mul3A_23 : i32
      %lt3A_25 = arith.constant 550 : i32
      %lt3A_26 = arith.cmpi slt, %add3A_24, %lt3A_25 : i32
      %convert_element_type3A_27 = arith.extui %lt3A_26 : i1 to i32
      %cond3A_28 = arith.constant 0 : i32
      %cond3A_29 = arith.cmpi ne, %convert_element_type3A_27, %cond3A_28 : i32
      scf.if %cond3A_29 {
        %dma_wait3A = arith.constant 0 : i32
        %dma_wait3A_42 = arith.constant 0 : i32
        %dma_wait3A_43 = tpu.memref_slice %arg2[%dma_wait3A, %dma_wait3A_42] : memref<10240x128xf32, #tpu.memory_space<hbm>> -> memref<10240x128xf32, #tpu.memory_space<hbm>>
        tpu.wait_indirect_dma semaphore(%arg9 : memref<!tpu.dma_semaphore, #tpu.memory_space<semaphore_mem>>) src(%dma_wait3A_43 : memref<10240x128xf32, #tpu.memory_space<hbm>>) dst(%arg7 : memref<128x128xf32, #tpu.memory_space<vmem>>)
        %mul3A_44 = arith.constant 128 : i32
        %mul3A_45 = arith.muli %add3A_24, %mul3A_44 : i32
        "tpu.region"() ({
          %run_scoped3A = tpu.sem_alloc : memref<!tpu.dma_semaphore, #tpu.memory_space<semaphore_mem>>
          %dma_start3A = arith.constant 0 : i32
          %dma_start3A_53 = tpu.memref_slice %arg4[%mul3A_45, %dma_start3A] : memref<70400x128xf32, #tpu.memory_space<hbm>> -> memref<128x128xf32, #tpu.memory_space<hbm>>
          %dma_start3A_54 = arith.constant 0 : i32
          %dma_start3A_55 = tpu.memref_slice %arg4[%mul3A_45, %dma_start3A_54] : memref<70400x128xf32, #tpu.memory_space<hbm>> -> memref<128x128xf32, #tpu.memory_space<hbm>>
          tpu.enqueue_dma source(%arg7 : memref<128x128xf32, #tpu.memory_space<vmem>>) target(%dma_start3A_55 : memref<128x128xf32, #tpu.memory_space<hbm>>) target_semaphore(%run_scoped3A : memref<!tpu.dma_semaphore, #tpu.memory_space<semaphore_mem>>)
          %dma_wait3A_56 = arith.constant 0 : i32
          %dma_wait3A_57 = tpu.memref_slice %arg4[%mul3A_45, %dma_wait3A_56] : memref<70400x128xf32, #tpu.memory_space<hbm>> -> memref<128x128xf32, #tpu.memory_space<hbm>>
          %dma_wait3A_58 = arith.constant 0 : i32
          %dma_wait3A_59 = tpu.memref_slice %arg4[%mul3A_45, %dma_wait3A_58] : memref<70400x128xf32, #tpu.memory_space<hbm>> -> memref<128x128xf32, #tpu.memory_space<hbm>>
          tpu.wait_dma2 semaphore(%run_scoped3A : memref<!tpu.dma_semaphore, #tpu.memory_space<semaphore_mem>>) src(%arg7 : memref<128x128xf32, #tpu.memory_space<vmem>>) dst(%dma_wait3A_59 : memref<128x128xf32, #tpu.memory_space<hbm>>)
          tpu.yield
        }) : () -> ()
        %add3A_46 = arith.constant 64 : i32
        %add3A_47 = arith.addi %add3A_24, %add3A_46 : i32
        %lt3A_48 = arith.constant 550 : i32
        %lt3A_49 = arith.cmpi slt, %add3A_47, %lt3A_48 : i32
        %convert_element_type3A_50 = arith.extui %lt3A_49 : i1 to i32
        %cond3A_51 = arith.constant 0 : i32
        %cond3A_52 = arith.cmpi ne, %convert_element_type3A_50, %cond3A_51 : i32
        scf.if %cond3A_52 {
          "tpu.region"() ({
            %run_scoped3A = tpu.sem_alloc : memref<!tpu.dma_semaphore, #tpu.memory_space<semaphore_mem>>
            %dma_start3A_55 = arith.constant 0 : i32
            %dma_start3A_56 = tpu.memref_slice %arg3[%add3A_47, %dma_start3A_55] : memref<550x128xi32, #tpu.memory_space<hbm>> -> memref<1x128xi32, #tpu.memory_space<hbm>>
            %dma_start3A_57 = tpu.memref_squeeze %dma_start3A_56 : memref<1x128xi32, #tpu.memory_space<hbm>> -> memref<128xi32, #tpu.memory_space<hbm>>
            %dma_start3A_58 = arith.constant 0 : i32
            %dma_start3A_59 = tpu.memref_slice %arg3[%add3A_47, %dma_start3A_58] : memref<550x128xi32, #tpu.memory_space<hbm>> -> memref<1x128xi32, #tpu.memory_space<hbm>>
            %dma_start3A_60 = tpu.memref_squeeze %dma_start3A_59 : memref<1x128xi32, #tpu.memory_space<hbm>> -> memref<128xi32, #tpu.memory_space<hbm>>
            tpu.enqueue_dma source(%dma_start3A_60 : memref<128xi32, #tpu.memory_space<hbm>>) target(%arg5 : memref<128xi32, #tpu.memory_space<vmem>>) target_semaphore(%run_scoped3A : memref<!tpu.dma_semaphore, #tpu.memory_space<semaphore_mem>>)
            %dma_wait3A_61 = arith.constant 0 : i32
            %dma_wait3A_62 = tpu.memref_slice %arg3[%add3A_47, %dma_wait3A_61] : memref<550x128xi32, #tpu.memory_space<hbm>> -> memref<1x128xi32, #tpu.memory_space<hbm>>
            %dma_wait3A_63 = tpu.memref_squeeze %dma_wait3A_62 : memref<1x128xi32, #tpu.memory_space<hbm>> -> memref<128xi32, #tpu.memory_space<hbm>>
            %dma_wait3A_64 = arith.constant 0 : i32
            %dma_wait3A_65 = tpu.memref_slice %arg3[%add3A_47, %dma_wait3A_64] : memref<550x128xi32, #tpu.memory_space<hbm>> -> memref<1x128xi32, #tpu.memory_space<hbm>>
            %dma_wait3A_66 = tpu.memref_squeeze %dma_wait3A_65 : memref<1x128xi32, #tpu.memory_space<hbm>> -> memref<128xi32, #tpu.memory_space<hbm>>
            tpu.wait_dma2 semaphore(%run_scoped3A : memref<!tpu.dma_semaphore, #tpu.memory_space<semaphore_mem>>) src(%dma_wait3A_66 : memref<128xi32, #tpu.memory_space<hbm>>) dst(%arg5 : memref<128xi32, #tpu.memory_space<vmem>>)
            tpu.yield
          }) : () -> ()
          %dma_start3A = arith.constant 0 : i32
          %dma_start3A_53 = arith.constant 0 : i32
          %dma_start3A_54 = tpu.memref_slice %arg2[%dma_start3A, %dma_start3A_53] : memref<10240x128xf32, #tpu.memory_space<hbm>> -> memref<10240x128xf32, #tpu.memory_space<hbm>>
          tpu.enqueue_indirect_dma source(%dma_start3A_54 : memref<10240x128xf32, #tpu.memory_space<hbm>>) target(%arg7 : memref<128x128xf32, #tpu.memory_space<vmem>>) offsets(%arg5 : memref<128xi32, #tpu.memory_space<vmem>>) semaphore(%arg9 : memref<!tpu.dma_semaphore, #tpu.memory_space<semaphore_mem>>)
        } else {
        }
      } else {
      }
      %mul3A_30 = arith.constant 2 : i32
      %mul3A_31 = arith.muli %scan3A_17, %mul3A_30 : i32
      %add3A_32 = arith.constant 1 : i32
      %add3A_33 = arith.addi %mul3A_31, %add3A_32 : i32
      %mul3A_34 = arith.constant 32 : i32
      %mul3A_35 = arith.muli %add3A_33, %mul3A_34 : i32
      %add3A_36 = arith.addi %add3A, %mul3A_35 : i32
      %lt3A_37 = arith.constant 550 : i32
      %lt3A_38 = arith.cmpi slt, %add3A_36, %lt3A_37 : i32
      %convert_element_type3A_39 = arith.extui %lt3A_38 : i1 to i32
      %cond3A_40 = arith.constant 0 : i32
      %cond3A_41 = arith.cmpi ne, %convert_element_type3A_39, %cond3A_40 : i32
      scf.if %cond3A_41 {
        %dma_wait3A = arith.constant 0 : i32
        %dma_wait3A_42 = arith.constant 0 : i32
        %dma_wait3A_43 = tpu.memref_slice %arg2[%dma_wait3A, %dma_wait3A_42] : memref<10240x128xf32, #tpu.memory_space<hbm>> -> memref<10240x128xf32, #tpu.memory_space<hbm>>
        tpu.wait_indirect_dma semaphore(%arg10 : memref<!tpu.dma_semaphore, #tpu.memory_space<semaphore_mem>>) src(%dma_wait3A_43 : memref<10240x128xf32, #tpu.memory_space<hbm>>) dst(%arg8 : memref<128x128xf32, #tpu.memory_space<vmem>>)
        %mul3A_44 = arith.constant 128 : i32
        %mul3A_45 = arith.muli %add3A_36, %mul3A_44 : i32
        "tpu.region"() ({
          %run_scoped3A = tpu.sem_alloc : memref<!tpu.dma_semaphore, #tpu.memory_space<semaphore_mem>>
          %dma_start3A = arith.constant 0 : i32
          %dma_start3A_53 = tpu.memref_slice %arg4[%mul3A_45, %dma_start3A] : memref<70400x128xf32, #tpu.memory_space<hbm>> -> memref<128x128xf32, #tpu.memory_space<hbm>>
          %dma_start3A_54 = arith.constant 0 : i32
          %dma_start3A_55 = tpu.memref_slice %arg4[%mul3A_45, %dma_start3A_54] : memref<70400x128xf32, #tpu.memory_space<hbm>> -> memref<128x128xf32, #tpu.memory_space<hbm>>
          tpu.enqueue_dma source(%arg8 : memref<128x128xf32, #tpu.memory_space<vmem>>) target(%dma_start3A_55 : memref<128x128xf32, #tpu.memory_space<hbm>>) target_semaphore(%run_scoped3A : memref<!tpu.dma_semaphore, #tpu.memory_space<semaphore_mem>>)
          %dma_wait3A_56 = arith.constant 0 : i32
          %dma_wait3A_57 = tpu.memref_slice %arg4[%mul3A_45, %dma_wait3A_56] : memref<70400x128xf32, #tpu.memory_space<hbm>> -> memref<128x128xf32, #tpu.memory_space<hbm>>
          %dma_wait3A_58 = arith.constant 0 : i32
          %dma_wait3A_59 = tpu.memref_slice %arg4[%mul3A_45, %dma_wait3A_58] : memref<70400x128xf32, #tpu.memory_space<hbm>> -> memref<128x128xf32, #tpu.memory_space<hbm>>
          tpu.wait_dma2 semaphore(%run_scoped3A : memref<!tpu.dma_semaphore, #tpu.memory_space<semaphore_mem>>) src(%arg8 : memref<128x128xf32, #tpu.memory_space<vmem>>) dst(%dma_wait3A_59 : memref<128x128xf32, #tpu.memory_space<hbm>>)
          tpu.yield
        }) : () -> ()
        %add3A_46 = arith.constant 64 : i32
        %add3A_47 = arith.addi %add3A_36, %add3A_46 : i32
        %lt3A_48 = arith.constant 550 : i32
        %lt3A_49 = arith.cmpi slt, %add3A_47, %lt3A_48 : i32
        %convert_element_type3A_50 = arith.extui %lt3A_49 : i1 to i32
        %cond3A_51 = arith.constant 0 : i32
        %cond3A_52 = arith.cmpi ne, %convert_element_type3A_50, %cond3A_51 : i32
        scf.if %cond3A_52 {
          "tpu.region"() ({
            %run_scoped3A = tpu.sem_alloc : memref<!tpu.dma_semaphore, #tpu.memory_space<semaphore_mem>>
            %dma_start3A_55 = arith.constant 0 : i32
            %dma_start3A_56 = tpu.memref_slice %arg3[%add3A_47, %dma_start3A_55] : memref<550x128xi32, #tpu.memory_space<hbm>> -> memref<1x128xi32, #tpu.memory_space<hbm>>
            %dma_start3A_57 = tpu.memref_squeeze %dma_start3A_56 : memref<1x128xi32, #tpu.memory_space<hbm>> -> memref<128xi32, #tpu.memory_space<hbm>>
            %dma_start3A_58 = arith.constant 0 : i32
            %dma_start3A_59 = tpu.memref_slice %arg3[%add3A_47, %dma_start3A_58] : memref<550x128xi32, #tpu.memory_space<hbm>> -> memref<1x128xi32, #tpu.memory_space<hbm>>
            %dma_start3A_60 = tpu.memref_squeeze %dma_start3A_59 : memref<1x128xi32, #tpu.memory_space<hbm>> -> memref<128xi32, #tpu.memory_space<hbm>>
            tpu.enqueue_dma source(%dma_start3A_60 : memref<128xi32, #tpu.memory_space<hbm>>) target(%arg6 : memref<128xi32, #tpu.memory_space<vmem>>) target_semaphore(%run_scoped3A : memref<!tpu.dma_semaphore, #tpu.memory_space<semaphore_mem>>)
            %dma_wait3A_61 = arith.constant 0 : i32
            %dma_wait3A_62 = tpu.memref_slice %arg3[%add3A_47, %dma_wait3A_61] : memref<550x128xi32, #tpu.memory_space<hbm>> -> memref<1x128xi32, #tpu.memory_space<hbm>>
            %dma_wait3A_63 = tpu.memref_squeeze %dma_wait3A_62 : memref<1x128xi32, #tpu.memory_space<hbm>> -> memref<128xi32, #tpu.memory_space<hbm>>
            %dma_wait3A_64 = arith.constant 0 : i32
            %dma_wait3A_65 = tpu.memref_slice %arg3[%add3A_47, %dma_wait3A_64] : memref<550x128xi32, #tpu.memory_space<hbm>> -> memref<1x128xi32, #tpu.memory_space<hbm>>
            %dma_wait3A_66 = tpu.memref_squeeze %dma_wait3A_65 : memref<1x128xi32, #tpu.memory_space<hbm>> -> memref<128xi32, #tpu.memory_space<hbm>>
            tpu.wait_dma2 semaphore(%run_scoped3A : memref<!tpu.dma_semaphore, #tpu.memory_space<semaphore_mem>>) src(%dma_wait3A_66 : memref<128xi32, #tpu.memory_space<hbm>>) dst(%arg6 : memref<128xi32, #tpu.memory_space<vmem>>)
            tpu.yield
          }) : () -> ()
          %dma_start3A = arith.constant 0 : i32
          %dma_start3A_53 = arith.constant 0 : i32
          %dma_start3A_54 = tpu.memref_slice %arg2[%dma_start3A, %dma_start3A_53] : memref<10240x128xf32, #tpu.memory_space<hbm>> -> memref<10240x128xf32, #tpu.memory_space<hbm>>
          tpu.enqueue_indirect_dma source(%dma_start3A_54 : memref<10240x128xf32, #tpu.memory_space<hbm>>) target(%arg8 : memref<128x128xf32, #tpu.memory_space<vmem>>) offsets(%arg6 : memref<128xi32, #tpu.memory_space<vmem>>) semaphore(%arg10 : memref<!tpu.dma_semaphore, #tpu.memory_space<semaphore_mem>>)
        } else {
        }
      } else {
      }
    }
    %scan3A_16 = arith.constant 9 : i32
    return
  }
}

#map = affine_map<(d0, d1) -> (0, 0)>
module attributes {stable_mosaic.version = 14 : i64} {
  func.func @k(%arg0: i32, %arg1: i32, %arg2: memref<10240x128xf32, #tpu.memory_space<hbm>>, %arg3: memref<500x128xi32, #tpu.memory_space<hbm>>, %arg4: memref<64000x128xf32, #tpu.memory_space<hbm>>, %arg5: memref<128xi32, #tpu.memory_space<vmem>>, %arg6: memref<128xi32, #tpu.memory_space<vmem>>, %arg7: memref<128x128xf32, #tpu.memory_space<vmem>>, %arg8: memref<128x128xf32, #tpu.memory_space<vmem>>, %arg9: memref<!tpu.dma_semaphore, #tpu.memory_space<semaphore_mem>>, %arg10: memref<!tpu.dma_semaphore, #tpu.memory_space<semaphore_mem>>) attributes {dimension_semantics = [#tpu.dimension_semantics<core_parallel>, #tpu.dimension_semantics<subcore_parallel>], iteration_bounds = array<i64: 2, 16>, scalar_prefetch = 0 : i64, scratch_operands = 6 : i64, tpu.core_type = #tpu.core_type<sc_vector_subcore>, window_params = [{transform_indices = #map}, {transform_indices = #map}, {transform_indices = #map}]} {
    %mul3A = arith.constant 16 : i32
    %mul3A_0 = arith.muli %arg0, %mul3A : i32
    %add3A = arith.addi %mul3A_0, %arg1 : i32
    %add3A_1 = arith.constant 0 : i32
    %add3A_2 = arith.addi %add3A, %add3A_1 : i32
    %lt3A = arith.constant 500 : i32
    %lt3A_3 = arith.cmpi slt, %add3A_2, %lt3A : i32
    %convert_element_type3A = arith.extui %lt3A_3 : i1 to i32
    %cond3A = arith.constant 0 : i32
    %cond3A_4 = arith.cmpi ne, %convert_element_type3A, %cond3A : i32
    scf.if %cond3A_4 {
      "tpu.region"() ({
        %run_scoped3A = tpu.sem_alloc : memref<!tpu.dma_semaphore, #tpu.memory_space<semaphore_mem>>
        %dma_start3A_19 = arith.constant 0 : i32
        %dma_start3A_20 = tpu.memref_slice %arg3[%add3A_2, %dma_start3A_19] : memref<500x128xi32, #tpu.memory_space<hbm>> -> memref<1x128xi32, #tpu.memory_space<hbm>>
        %dma_start3A_21 = tpu.memref_squeeze %dma_start3A_20 : memref<1x128xi32, #tpu.memory_space<hbm>> -> memref<128xi32, #tpu.memory_space<hbm>>
        %dma_start3A_22 = arith.constant 0 : i32
        %dma_start3A_23 = tpu.memref_slice %arg3[%add3A_2, %dma_start3A_22] : memref<500x128xi32, #tpu.memory_space<hbm>> -> memref<1x128xi32, #tpu.memory_space<hbm>>
        %dma_start3A_24 = tpu.memref_squeeze %dma_start3A_23 : memref<1x128xi32, #tpu.memory_space<hbm>> -> memref<128xi32, #tpu.memory_space<hbm>>
        tpu.enqueue_dma source(%dma_start3A_24 : memref<128xi32, #tpu.memory_space<hbm>>) target(%arg5 : memref<128xi32, #tpu.memory_space<vmem>>) target_semaphore(%run_scoped3A : memref<!tpu.dma_semaphore, #tpu.memory_space<semaphore_mem>>)
        %dma_wait3A = arith.constant 0 : i32
        %dma_wait3A_25 = tpu.memref_slice %arg3[%add3A_2, %dma_wait3A] : memref<500x128xi32, #tpu.memory_space<hbm>> -> memref<1x128xi32, #tpu.memory_space<hbm>>
        %dma_wait3A_26 = tpu.memref_squeeze %dma_wait3A_25 : memref<1x128xi32, #tpu.memory_space<hbm>> -> memref<128xi32, #tpu.memory_space<hbm>>
        %dma_wait3A_27 = arith.constant 0 : i32
        %dma_wait3A_28 = tpu.memref_slice %arg3[%add3A_2, %dma_wait3A_27] : memref<500x128xi32, #tpu.memory_space<hbm>> -> memref<1x128xi32, #tpu.memory_space<hbm>>
        %dma_wait3A_29 = tpu.memref_squeeze %dma_wait3A_28 : memref<1x128xi32, #tpu.memory_space<hbm>> -> memref<128xi32, #tpu.memory_space<hbm>>
        tpu.wait_dma2 semaphore(%run_scoped3A : memref<!tpu.dma_semaphore, #tpu.memory_space<semaphore_mem>>) src(%dma_wait3A_29 : memref<128xi32, #tpu.memory_space<hbm>>) dst(%arg5 : memref<128xi32, #tpu.memory_space<vmem>>)
        tpu.yield
      }) : () -> ()
      %dma_start3A = arith.constant 0 : i32
      %dma_start3A_17 = arith.constant 0 : i32
      %dma_start3A_18 = tpu.memref_slice %arg2[%dma_start3A, %dma_start3A_17] : memref<10240x128xf32, #tpu.memory_space<hbm>> -> memref<10240x128xf32, #tpu.memory_space<hbm>>
      tpu.enqueue_indirect_dma source(%dma_start3A_18 : memref<10240x128xf32, #tpu.memory_space<hbm>>) target(%arg7 : memref<128x128xf32, #tpu.memory_space<vmem>>) offsets(%arg5 : memref<128xi32, #tpu.memory_space<vmem>>) semaphore(%arg9 : memref<!tpu.dma_semaphore, #tpu.memory_space<semaphore_mem>>)
    } else {
    }
    %add3A_5 = arith.constant 32 : i32
    %add3A_6 = arith.addi %add3A, %add3A_5 : i32
    %lt3A_7 = arith.constant 500 : i32
    %lt3A_8 = arith.cmpi slt, %add3A_6, %lt3A_7 : i32
    %convert_element_type3A_9 = arith.extui %lt3A_8 : i1 to i32
    %cond3A_10 = arith.constant 0 : i32
    %cond3A_11 = arith.cmpi ne, %convert_element_type3A_9, %cond3A_10 : i32
    scf.if %cond3A_11 {
      "tpu.region"() ({
        %run_scoped3A = tpu.sem_alloc : memref<!tpu.dma_semaphore, #tpu.memory_space<semaphore_mem>>
        %dma_start3A_19 = arith.constant 0 : i32
        %dma_start3A_20 = tpu.memref_slice %arg3[%add3A_6, %dma_start3A_19] : memref<500x128xi32, #tpu.memory_space<hbm>> -> memref<1x128xi32, #tpu.memory_space<hbm>>
        %dma_start3A_21 = tpu.memref_squeeze %dma_start3A_20 : memref<1x128xi32, #tpu.memory_space<hbm>> -> memref<128xi32, #tpu.memory_space<hbm>>
        %dma_start3A_22 = arith.constant 0 : i32
        %dma_start3A_23 = tpu.memref_slice %arg3[%add3A_6, %dma_start3A_22] : memref<500x128xi32, #tpu.memory_space<hbm>> -> memref<1x128xi32, #tpu.memory_space<hbm>>
        %dma_start3A_24 = tpu.memref_squeeze %dma_start3A_23 : memref<1x128xi32, #tpu.memory_space<hbm>> -> memref<128xi32, #tpu.memory_space<hbm>>
        tpu.enqueue_dma source(%dma_start3A_24 : memref<128xi32, #tpu.memory_space<hbm>>) target(%arg6 : memref<128xi32, #tpu.memory_space<vmem>>) target_semaphore(%run_scoped3A : memref<!tpu.dma_semaphore, #tpu.memory_space<semaphore_mem>>)
        %dma_wait3A = arith.constant 0 : i32
        %dma_wait3A_25 = tpu.memref_slice %arg3[%add3A_6, %dma_wait3A] : memref<500x128xi32, #tpu.memory_space<hbm>> -> memref<1x128xi32, #tpu.memory_space<hbm>>
        %dma_wait3A_26 = tpu.memref_squeeze %dma_wait3A_25 : memref<1x128xi32, #tpu.memory_space<hbm>> -> memref<128xi32, #tpu.memory_space<hbm>>
        %dma_wait3A_27 = arith.constant 0 : i32
        %dma_wait3A_28 = tpu.memref_slice %arg3[%add3A_6, %dma_wait3A_27] : memref<500x128xi32, #tpu.memory_space<hbm>> -> memref<1x128xi32, #tpu.memory_space<hbm>>
        %dma_wait3A_29 = tpu.memref_squeeze %dma_wait3A_28 : memref<1x128xi32, #tpu.memory_space<hbm>> -> memref<128xi32, #tpu.memory_space<hbm>>
        tpu.wait_dma2 semaphore(%run_scoped3A : memref<!tpu.dma_semaphore, #tpu.memory_space<semaphore_mem>>) src(%dma_wait3A_29 : memref<128xi32, #tpu.memory_space<hbm>>) dst(%arg6 : memref<128xi32, #tpu.memory_space<vmem>>)
        tpu.yield
      }) : () -> ()
      %dma_start3A = arith.constant 0 : i32
      %dma_start3A_17 = arith.constant 0 : i32
      %dma_start3A_18 = tpu.memref_slice %arg2[%dma_start3A, %dma_start3A_17] : memref<10240x128xf32, #tpu.memory_space<hbm>> -> memref<10240x128xf32, #tpu.memory_space<hbm>>
      tpu.enqueue_indirect_dma source(%dma_start3A_18 : memref<10240x128xf32, #tpu.memory_space<hbm>>) target(%arg8 : memref<128x128xf32, #tpu.memory_space<vmem>>) offsets(%arg6 : memref<128xi32, #tpu.memory_space<vmem>>) semaphore(%arg10 : memref<!tpu.dma_semaphore, #tpu.memory_space<semaphore_mem>>)
    } else {
    }
    %scan3A = arith.constant 0 : i32
    %scan3A_12 = arith.constant 0 : i32
    %scan3A_13 = arith.constant 8 : i32
    %scan3A_14 = arith.addi %scan3A_12, %scan3A_13 : i32
    %scan3A_15 = arith.constant 1 : i32
    scf.for %scan3A_17 = %scan3A_12 to %scan3A_14 step %scan3A_15  : i32 {
      %mul3A_18 = arith.constant 2 : i32
      %mul3A_19 = arith.muli %scan3A_17, %mul3A_18 : i32
      %add3A_20 = arith.constant 0 : i32
      %add3A_21 = arith.addi %mul3A_19, %add3A_20 : i32
      %mul3A_22 = arith.constant 32 : i32
      %mul3A_23 = arith.muli %add3A_21, %mul3A_22 : i32
      %add3A_24 = arith.addi %add3A, %mul3A_23 : i32
      %lt3A_25 = arith.constant 500 : i32
      %lt3A_26 = arith.cmpi slt, %add3A_24, %lt3A_25 : i32
      %convert_element_type3A_27 = arith.extui %lt3A_26 : i1 to i32
      %cond3A_28 = arith.constant 0 : i32
      %cond3A_29 = arith.cmpi ne, %convert_element_type3A_27, %cond3A_28 : i32
      scf.if %cond3A_29 {
        %dma_wait3A = arith.constant 0 : i32
        %dma_wait3A_42 = arith.constant 0 : i32
        %dma_wait3A_43 = tpu.memref_slice %arg2[%dma_wait3A, %dma_wait3A_42] : memref<10240x128xf32, #tpu.memory_space<hbm>> -> memref<10240x128xf32, #tpu.memory_space<hbm>>
        tpu.wait_indirect_dma semaphore(%arg9 : memref<!tpu.dma_semaphore, #tpu.memory_space<semaphore_mem>>) src(%dma_wait3A_43 : memref<10240x128xf32, #tpu.memory_space<hbm>>) dst(%arg7 : memref<128x128xf32, #tpu.memory_space<vmem>>)
        %mul3A_44 = arith.constant 128 : i32
        %mul3A_45 = arith.muli %add3A_24, %mul3A_44 : i32
        "tpu.region"() ({
          %run_scoped3A = tpu.sem_alloc : memref<!tpu.dma_semaphore, #tpu.memory_space<semaphore_mem>>
          %dma_start3A = arith.constant 0 : i32
          %dma_start3A_53 = tpu.memref_slice %arg4[%mul3A_45, %dma_start3A] : memref<64000x128xf32, #tpu.memory_space<hbm>> -> memref<128x128xf32, #tpu.memory_space<hbm>>
          %dma_start3A_54 = arith.constant 0 : i32
          %dma_start3A_55 = tpu.memref_slice %arg4[%mul3A_45, %dma_start3A_54] : memref<64000x128xf32, #tpu.memory_space<hbm>> -> memref<128x128xf32, #tpu.memory_space<hbm>>
          tpu.enqueue_dma source(%arg7 : memref<128x128xf32, #tpu.memory_space<vmem>>) target(%dma_start3A_55 : memref<128x128xf32, #tpu.memory_space<hbm>>) target_semaphore(%run_scoped3A : memref<!tpu.dma_semaphore, #tpu.memory_space<semaphore_mem>>)
          %dma_wait3A_56 = arith.constant 0 : i32
          %dma_wait3A_57 = tpu.memref_slice %arg4[%mul3A_45, %dma_wait3A_56] : memref<64000x128xf32, #tpu.memory_space<hbm>> -> memref<128x128xf32, #tpu.memory_space<hbm>>
          %dma_wait3A_58 = arith.constant 0 : i32
          %dma_wait3A_59 = tpu.memref_slice %arg4[%mul3A_45, %dma_wait3A_58] : memref<64000x128xf32, #tpu.memory_space<hbm>> -> memref<128x128xf32, #tpu.memory_space<hbm>>
          tpu.wait_dma2 semaphore(%run_scoped3A : memref<!tpu.dma_semaphore, #tpu.memory_space<semaphore_mem>>) src(%arg7 : memref<128x128xf32, #tpu.memory_space<vmem>>) dst(%dma_wait3A_59 : memref<128x128xf32, #tpu.memory_space<hbm>>)
          tpu.yield
        }) : () -> ()
        %add3A_46 = arith.constant 64 : i32
        %add3A_47 = arith.addi %add3A_24, %add3A_46 : i32
        %lt3A_48 = arith.constant 500 : i32
        %lt3A_49 = arith.cmpi slt, %add3A_47, %lt3A_48 : i32
        %convert_element_type3A_50 = arith.extui %lt3A_49 : i1 to i32
        %cond3A_51 = arith.constant 0 : i32
        %cond3A_52 = arith.cmpi ne, %convert_element_type3A_50, %cond3A_51 : i32
        scf.if %cond3A_52 {
          "tpu.region"() ({
            %run_scoped3A = tpu.sem_alloc : memref<!tpu.dma_semaphore, #tpu.memory_space<semaphore_mem>>
            %dma_start3A_55 = arith.constant 0 : i32
            %dma_start3A_56 = tpu.memref_slice %arg3[%add3A_47, %dma_start3A_55] : memref<500x128xi32, #tpu.memory_space<hbm>> -> memref<1x128xi32, #tpu.memory_space<hbm>>
            %dma_start3A_57 = tpu.memref_squeeze %dma_start3A_56 : memref<1x128xi32, #tpu.memory_space<hbm>> -> memref<128xi32, #tpu.memory_space<hbm>>
            %dma_start3A_58 = arith.constant 0 : i32
            %dma_start3A_59 = tpu.memref_slice %arg3[%add3A_47, %dma_start3A_58] : memref<500x128xi32, #tpu.memory_space<hbm>> -> memref<1x128xi32, #tpu.memory_space<hbm>>
            %dma_start3A_60 = tpu.memref_squeeze %dma_start3A_59 : memref<1x128xi32, #tpu.memory_space<hbm>> -> memref<128xi32, #tpu.memory_space<hbm>>
            tpu.enqueue_dma source(%dma_start3A_60 : memref<128xi32, #tpu.memory_space<hbm>>) target(%arg5 : memref<128xi32, #tpu.memory_space<vmem>>) target_semaphore(%run_scoped3A : memref<!tpu.dma_semaphore, #tpu.memory_space<semaphore_mem>>)
            %dma_wait3A_61 = arith.constant 0 : i32
            %dma_wait3A_62 = tpu.memref_slice %arg3[%add3A_47, %dma_wait3A_61] : memref<500x128xi32, #tpu.memory_space<hbm>> -> memref<1x128xi32, #tpu.memory_space<hbm>>
            %dma_wait3A_63 = tpu.memref_squeeze %dma_wait3A_62 : memref<1x128xi32, #tpu.memory_space<hbm>> -> memref<128xi32, #tpu.memory_space<hbm>>
            %dma_wait3A_64 = arith.constant 0 : i32
            %dma_wait3A_65 = tpu.memref_slice %arg3[%add3A_47, %dma_wait3A_64] : memref<500x128xi32, #tpu.memory_space<hbm>> -> memref<1x128xi32, #tpu.memory_space<hbm>>
            %dma_wait3A_66 = tpu.memref_squeeze %dma_wait3A_65 : memref<1x128xi32, #tpu.memory_space<hbm>> -> memref<128xi32, #tpu.memory_space<hbm>>
            tpu.wait_dma2 semaphore(%run_scoped3A : memref<!tpu.dma_semaphore, #tpu.memory_space<semaphore_mem>>) src(%dma_wait3A_66 : memref<128xi32, #tpu.memory_space<hbm>>) dst(%arg5 : memref<128xi32, #tpu.memory_space<vmem>>)
            tpu.yield
          }) : () -> ()
          %dma_start3A = arith.constant 0 : i32
          %dma_start3A_53 = arith.constant 0 : i32
          %dma_start3A_54 = tpu.memref_slice %arg2[%dma_start3A, %dma_start3A_53] : memref<10240x128xf32, #tpu.memory_space<hbm>> -> memref<10240x128xf32, #tpu.memory_space<hbm>>
          tpu.enqueue_indirect_dma source(%dma_start3A_54 : memref<10240x128xf32, #tpu.memory_space<hbm>>) target(%arg7 : memref<128x128xf32, #tpu.memory_space<vmem>>) offsets(%arg5 : memref<128xi32, #tpu.memory_space<vmem>>) semaphore(%arg9 : memref<!tpu.dma_semaphore, #tpu.memory_space<semaphore_mem>>)
        } else {
        }
      } else {
      }
      %mul3A_30 = arith.constant 2 : i32
      %mul3A_31 = arith.muli %scan3A_17, %mul3A_30 : i32
      %add3A_32 = arith.constant 1 : i32
      %add3A_33 = arith.addi %mul3A_31, %add3A_32 : i32
      %mul3A_34 = arith.constant 32 : i32
      %mul3A_35 = arith.muli %add3A_33, %mul3A_34 : i32
      %add3A_36 = arith.addi %add3A, %mul3A_35 : i32
      %lt3A_37 = arith.constant 500 : i32
      %lt3A_38 = arith.cmpi slt, %add3A_36, %lt3A_37 : i32
      %convert_element_type3A_39 = arith.extui %lt3A_38 : i1 to i32
      %cond3A_40 = arith.constant 0 : i32
      %cond3A_41 = arith.cmpi ne, %convert_element_type3A_39, %cond3A_40 : i32
      scf.if %cond3A_41 {
        %dma_wait3A = arith.constant 0 : i32
        %dma_wait3A_42 = arith.constant 0 : i32
        %dma_wait3A_43 = tpu.memref_slice %arg2[%dma_wait3A, %dma_wait3A_42] : memref<10240x128xf32, #tpu.memory_space<hbm>> -> memref<10240x128xf32, #tpu.memory_space<hbm>>
        tpu.wait_indirect_dma semaphore(%arg10 : memref<!tpu.dma_semaphore, #tpu.memory_space<semaphore_mem>>) src(%dma_wait3A_43 : memref<10240x128xf32, #tpu.memory_space<hbm>>) dst(%arg8 : memref<128x128xf32, #tpu.memory_space<vmem>>)
        %mul3A_44 = arith.constant 128 : i32
        %mul3A_45 = arith.muli %add3A_36, %mul3A_44 : i32
        "tpu.region"() ({
          %run_scoped3A = tpu.sem_alloc : memref<!tpu.dma_semaphore, #tpu.memory_space<semaphore_mem>>
          %dma_start3A = arith.constant 0 : i32
          %dma_start3A_53 = tpu.memref_slice %arg4[%mul3A_45, %dma_start3A] : memref<64000x128xf32, #tpu.memory_space<hbm>> -> memref<128x128xf32, #tpu.memory_space<hbm>>
          %dma_start3A_54 = arith.constant 0 : i32
          %dma_start3A_55 = tpu.memref_slice %arg4[%mul3A_45, %dma_start3A_54] : memref<64000x128xf32, #tpu.memory_space<hbm>> -> memref<128x128xf32, #tpu.memory_space<hbm>>
          tpu.enqueue_dma source(%arg8 : memref<128x128xf32, #tpu.memory_space<vmem>>) target(%dma_start3A_55 : memref<128x128xf32, #tpu.memory_space<hbm>>) target_semaphore(%run_scoped3A : memref<!tpu.dma_semaphore, #tpu.memory_space<semaphore_mem>>)
          %dma_wait3A_56 = arith.constant 0 : i32
          %dma_wait3A_57 = tpu.memref_slice %arg4[%mul3A_45, %dma_wait3A_56] : memref<64000x128xf32, #tpu.memory_space<hbm>> -> memref<128x128xf32, #tpu.memory_space<hbm>>
          %dma_wait3A_58 = arith.constant 0 : i32
          %dma_wait3A_59 = tpu.memref_slice %arg4[%mul3A_45, %dma_wait3A_58] : memref<64000x128xf32, #tpu.memory_space<hbm>> -> memref<128x128xf32, #tpu.memory_space<hbm>>
          tpu.wait_dma2 semaphore(%run_scoped3A : memref<!tpu.dma_semaphore, #tpu.memory_space<semaphore_mem>>) src(%arg8 : memref<128x128xf32, #tpu.memory_space<vmem>>) dst(%dma_wait3A_59 : memref<128x128xf32, #tpu.memory_space<hbm>>)
          tpu.yield
        }) : () -> ()
        %add3A_46 = arith.constant 64 : i32
        %add3A_47 = arith.addi %add3A_36, %add3A_46 : i32
        %lt3A_48 = arith.constant 500 : i32
        %lt3A_49 = arith.cmpi slt, %add3A_47, %lt3A_48 : i32
        %convert_element_type3A_50 = arith.extui %lt3A_49 : i1 to i32
        %cond3A_51 = arith.constant 0 : i32
        %cond3A_52 = arith.cmpi ne, %convert_element_type3A_50, %cond3A_51 : i32
        scf.if %cond3A_52 {
          "tpu.region"() ({
            %run_scoped3A = tpu.sem_alloc : memref<!tpu.dma_semaphore, #tpu.memory_space<semaphore_mem>>
            %dma_start3A_55 = arith.constant 0 : i32
            %dma_start3A_56 = tpu.memref_slice %arg3[%add3A_47, %dma_start3A_55] : memref<500x128xi32, #tpu.memory_space<hbm>> -> memref<1x128xi32, #tpu.memory_space<hbm>>
            %dma_start3A_57 = tpu.memref_squeeze %dma_start3A_56 : memref<1x128xi32, #tpu.memory_space<hbm>> -> memref<128xi32, #tpu.memory_space<hbm>>
            %dma_start3A_58 = arith.constant 0 : i32
            %dma_start3A_59 = tpu.memref_slice %arg3[%add3A_47, %dma_start3A_58] : memref<500x128xi32, #tpu.memory_space<hbm>> -> memref<1x128xi32, #tpu.memory_space<hbm>>
            %dma_start3A_60 = tpu.memref_squeeze %dma_start3A_59 : memref<1x128xi32, #tpu.memory_space<hbm>> -> memref<128xi32, #tpu.memory_space<hbm>>
            tpu.enqueue_dma source(%dma_start3A_60 : memref<128xi32, #tpu.memory_space<hbm>>) target(%arg6 : memref<128xi32, #tpu.memory_space<vmem>>) target_semaphore(%run_scoped3A : memref<!tpu.dma_semaphore, #tpu.memory_space<semaphore_mem>>)
            %dma_wait3A_61 = arith.constant 0 : i32
            %dma_wait3A_62 = tpu.memref_slice %arg3[%add3A_47, %dma_wait3A_61] : memref<500x128xi32, #tpu.memory_space<hbm>> -> memref<1x128xi32, #tpu.memory_space<hbm>>
            %dma_wait3A_63 = tpu.memref_squeeze %dma_wait3A_62 : memref<1x128xi32, #tpu.memory_space<hbm>> -> memref<128xi32, #tpu.memory_space<hbm>>
            %dma_wait3A_64 = arith.constant 0 : i32
            %dma_wait3A_65 = tpu.memref_slice %arg3[%add3A_47, %dma_wait3A_64] : memref<500x128xi32, #tpu.memory_space<hbm>> -> memref<1x128xi32, #tpu.memory_space<hbm>>
            %dma_wait3A_66 = tpu.memref_squeeze %dma_wait3A_65 : memref<1x128xi32, #tpu.memory_space<hbm>> -> memref<128xi32, #tpu.memory_space<hbm>>
            tpu.wait_dma2 semaphore(%run_scoped3A : memref<!tpu.dma_semaphore, #tpu.memory_space<semaphore_mem>>) src(%dma_wait3A_66 : memref<128xi32, #tpu.memory_space<hbm>>) dst(%arg6 : memref<128xi32, #tpu.memory_space<vmem>>)
            tpu.yield
          }) : () -> ()
          %dma_start3A = arith.constant 0 : i32
          %dma_start3A_53 = arith.constant 0 : i32
          %dma_start3A_54 = tpu.memref_slice %arg2[%dma_start3A, %dma_start3A_53] : memref<10240x128xf32, #tpu.memory_space<hbm>> -> memref<10240x128xf32, #tpu.memory_space<hbm>>
          tpu.enqueue_indirect_dma source(%dma_start3A_54 : memref<10240x128xf32, #tpu.memory_space<hbm>>) target(%arg8 : memref<128x128xf32, #tpu.memory_space<vmem>>) offsets(%arg6 : memref<128xi32, #tpu.memory_space<vmem>>) semaphore(%arg10 : memref<!tpu.dma_semaphore, #tpu.memory_space<semaphore_mem>>)
        } else {
        }
      } else {
      }
    }
    %scan3A_16 = arith.constant 8 : i32
    return
  }
}

#map = affine_map<(d0, d1) -> (0, 0)>
#map1 = affine_map<(d0, d1) -> (0, 0, 0)>
module attributes {stable_mosaic.version = 14 : i64} {
  func.func @k(%arg0: i32, %arg1: i32, %arg2: memref<70400x128xf32, #tpu.memory_space<hbm>>, %arg3: memref<550x128xi32, #tpu.memory_space<hbm>>, %arg4: memref<10240x32xf32, #tpu.memory_space<hbm>>, %arg5: memref<2x10240x32xf32, #tpu.memory_space<hbm>>, %arg6: memref<128xi32, #tpu.memory_space<vmem>>, %arg7: memref<128xi32, #tpu.memory_space<vmem>>, %arg8: memref<128x32xf32, #tpu.memory_space<vmem>>, %arg9: memref<128x32xf32, #tpu.memory_space<vmem>>, %arg10: memref<10240x32xf32, #tpu.memory_space<vmem_shared>>, %arg11: memref<!tpu.dma_semaphore, #tpu.memory_space<semaphore_mem>>, %arg12: memref<!tpu.dma_semaphore, #tpu.memory_space<semaphore_mem>>) attributes {dimension_semantics = [#tpu.dimension_semantics<core_parallel>, #tpu.dimension_semantics<subcore_parallel>], iteration_bounds = array<i64: 2, 16>, scalar_prefetch = 0 : i64, scratch_operands = 7 : i64, tpu.core_type = #tpu.core_type<sc_vector_subcore>, window_params = [{transform_indices = #map}, {transform_indices = #map}, {transform_indices = #map}, {transform_indices = #map1}]} {
    %mul3A = arith.constant 640 : i32
    %mul3A_0 = arith.muli %arg1, %mul3A : i32
    %mul3A_1 = arith.constant 640 : i32
    %mul3A_2 = arith.muli %arg1, %mul3A_1 : i32
    "tpu.region"() ({
      %run_scoped3A = tpu.sem_alloc : memref<!tpu.dma_semaphore, #tpu.memory_space<semaphore_mem>>
      %dma_start3A = arith.constant 0 : i32
      %dma_start3A_35 = tpu.memref_slice %arg10[%mul3A_2, %dma_start3A] : memref<10240x32xf32, #tpu.memory_space<vmem_shared>> -> memref<640x32xf32, #tpu.memory_space<vmem_shared>>
      %dma_start3A_36 = arith.constant 0 : i32
      %dma_start3A_37 = tpu.memref_slice %arg4[%mul3A_0, %dma_start3A_36] : memref<10240x32xf32, #tpu.memory_space<hbm>> -> memref<640x32xf32, #tpu.memory_space<hbm>>
      tpu.enqueue_dma source(%dma_start3A_37 : memref<640x32xf32, #tpu.memory_space<hbm>>) target(%dma_start3A_35 : memref<640x32xf32, #tpu.memory_space<vmem_shared>>) target_semaphore(%run_scoped3A : memref<!tpu.dma_semaphore, #tpu.memory_space<semaphore_mem>>)
      %dma_wait3A = arith.constant 0 : i32
      %dma_wait3A_38 = tpu.memref_slice %arg10[%mul3A_2, %dma_wait3A] : memref<10240x32xf32, #tpu.memory_space<vmem_shared>> -> memref<640x32xf32, #tpu.memory_space<vmem_shared>>
      %dma_wait3A_39 = arith.constant 0 : i32
      %dma_wait3A_40 = tpu.memref_slice %arg4[%mul3A_0, %dma_wait3A_39] : memref<10240x32xf32, #tpu.memory_space<hbm>> -> memref<640x32xf32, #tpu.memory_space<hbm>>
      tpu.wait_dma2 semaphore(%run_scoped3A : memref<!tpu.dma_semaphore, #tpu.memory_space<semaphore_mem>>) src(%dma_wait3A_40 : memref<640x32xf32, #tpu.memory_space<hbm>>) dst(%dma_wait3A_38 : memref<640x32xf32, #tpu.memory_space<vmem_shared>>)
      tpu.yield
    }) : () -> ()
    %mul3A_3 = arith.constant 275 : i32
    %mul3A_4 = arith.muli %arg0, %mul3A_3 : i32
    %add3A = arith.addi %mul3A_4, %arg1 : i32
    %add3A_5 = arith.constant 0 : i32
    %add3A_6 = arith.addi %add3A, %add3A_5 : i32
    %add3A_7 = arith.constant 1 : i32
    %add3A_8 = arith.addi %arg0, %add3A_7 : i32
    %mul3A_9 = arith.constant 275 : i32
    %mul3A_10 = arith.muli %add3A_8, %mul3A_9 : i32
    %lt3A = arith.cmpi slt, %add3A_6, %mul3A_10 : i32
    %convert_element_type3A = arith.extui %lt3A : i1 to i32
    %cond3A = arith.constant 0 : i32
    %cond3A_11 = arith.cmpi ne, %convert_element_type3A, %cond3A : i32
    scf.if %cond3A_11 {
      "tpu.region"() ({
        %run_scoped3A = tpu.sem_alloc : memref<!tpu.dma_semaphore, #tpu.memory_space<semaphore_mem>>
        %dma_start3A_40 = arith.constant 0 : i32
        %dma_start3A_41 = tpu.memref_slice %arg3[%add3A_6, %dma_start3A_40] : memref<550x128xi32, #tpu.memory_space<hbm>> -> memref<1x128xi32, #tpu.memory_space<hbm>>
        %dma_start3A_42 = tpu.memref_squeeze %dma_start3A_41 : memref<1x128xi32, #tpu.memory_space<hbm>> -> memref<128xi32, #tpu.memory_space<hbm>>
        %dma_start3A_43 = arith.constant 0 : i32
        %dma_start3A_44 = tpu.memref_slice %arg3[%add3A_6, %dma_start3A_43] : memref<550x128xi32, #tpu.memory_space<hbm>> -> memref<1x128xi32, #tpu.memory_space<hbm>>
        %dma_start3A_45 = tpu.memref_squeeze %dma_start3A_44 : memref<1x128xi32, #tpu.memory_space<hbm>> -> memref<128xi32, #tpu.memory_space<hbm>>
        tpu.enqueue_dma source(%dma_start3A_45 : memref<128xi32, #tpu.memory_space<hbm>>) target(%arg6 : memref<128xi32, #tpu.memory_space<vmem>>) target_semaphore(%run_scoped3A : memref<!tpu.dma_semaphore, #tpu.memory_space<semaphore_mem>>)
        %dma_wait3A = arith.constant 0 : i32
        %dma_wait3A_46 = tpu.memref_slice %arg3[%add3A_6, %dma_wait3A] : memref<550x128xi32, #tpu.memory_space<hbm>> -> memref<1x128xi32, #tpu.memory_space<hbm>>
        %dma_wait3A_47 = tpu.memref_squeeze %dma_wait3A_46 : memref<1x128xi32, #tpu.memory_space<hbm>> -> memref<128xi32, #tpu.memory_space<hbm>>
        %dma_wait3A_48 = arith.constant 0 : i32
        %dma_wait3A_49 = tpu.memref_slice %arg3[%add3A_6, %dma_wait3A_48] : memref<550x128xi32, #tpu.memory_space<hbm>> -> memref<1x128xi32, #tpu.memory_space<hbm>>
        %dma_wait3A_50 = tpu.memref_squeeze %dma_wait3A_49 : memref<1x128xi32, #tpu.memory_space<hbm>> -> memref<128xi32, #tpu.memory_space<hbm>>
        tpu.wait_dma2 semaphore(%run_scoped3A : memref<!tpu.dma_semaphore, #tpu.memory_space<semaphore_mem>>) src(%dma_wait3A_50 : memref<128xi32, #tpu.memory_space<hbm>>) dst(%arg6 : memref<128xi32, #tpu.memory_space<vmem>>)
        tpu.yield
      }) : () -> ()
      %mul3A_35 = arith.constant 128 : i32
      %mul3A_36 = arith.muli %add3A_6, %mul3A_35 : i32
      %dma_start3A = arith.constant 0 : i32
      %dma_start3A_37 = tpu.memref_slice %arg2[%mul3A_36, %dma_start3A] : memref<70400x128xf32, #tpu.memory_space<hbm>> -> memref<128x32xf32, #tpu.memory_space<hbm>>
      %dma_start3A_38 = arith.constant 0 : i32
      %dma_start3A_39 = tpu.memref_slice %arg2[%mul3A_36, %dma_start3A_38] : memref<70400x128xf32, #tpu.memory_space<hbm>> -> memref<128x32xf32, #tpu.memory_space<hbm>>
      tpu.enqueue_dma source(%dma_start3A_39 : memref<128x32xf32, #tpu.memory_space<hbm>>) target(%arg8 : memref<128x32xf32, #tpu.memory_space<vmem>>) target_semaphore(%arg11 : memref<!tpu.dma_semaphore, #tpu.memory_space<semaphore_mem>>)
    } else {
    }
    %mul3A_12 = arith.constant 275 : i32
    %mul3A_13 = arith.muli %arg0, %mul3A_12 : i32
    %add3A_14 = arith.addi %mul3A_13, %arg1 : i32
    %add3A_15 = arith.constant 16 : i32
    %add3A_16 = arith.addi %add3A_14, %add3A_15 : i32
    %add3A_17 = arith.constant 1 : i32
    %add3A_18 = arith.addi %arg0, %add3A_17 : i32
    %mul3A_19 = arith.constant 275 : i32
    %mul3A_20 = arith.muli %add3A_18, %mul3A_19 : i32
    %lt3A_21 = arith.cmpi slt, %add3A_16, %mul3A_20 : i32
    %convert_element_type3A_22 = arith.extui %lt3A_21 : i1 to i32
    %cond3A_23 = arith.constant 0 : i32
    %cond3A_24 = arith.cmpi ne, %convert_element_type3A_22, %cond3A_23 : i32
    scf.if %cond3A_24 {
      "tpu.region"() ({
        %run_scoped3A = tpu.sem_alloc : memref<!tpu.dma_semaphore, #tpu.memory_space<semaphore_mem>>
        %dma_start3A_40 = arith.constant 0 : i32
        %dma_start3A_41 = tpu.memref_slice %arg3[%add3A_16, %dma_start3A_40] : memref<550x128xi32, #tpu.memory_space<hbm>> -> memref<1x128xi32, #tpu.memory_space<hbm>>
        %dma_start3A_42 = tpu.memref_squeeze %dma_start3A_41 : memref<1x128xi32, #tpu.memory_space<hbm>> -> memref<128xi32, #tpu.memory_space<hbm>>
        %dma_start3A_43 = arith.constant 0 : i32
        %dma_start3A_44 = tpu.memref_slice %arg3[%add3A_16, %dma_start3A_43] : memref<550x128xi32, #tpu.memory_space<hbm>> -> memref<1x128xi32, #tpu.memory_space<hbm>>
        %dma_start3A_45 = tpu.memref_squeeze %dma_start3A_44 : memref<1x128xi32, #tpu.memory_space<hbm>> -> memref<128xi32, #tpu.memory_space<hbm>>
        tpu.enqueue_dma source(%dma_start3A_45 : memref<128xi32, #tpu.memory_space<hbm>>) target(%arg7 : memref<128xi32, #tpu.memory_space<vmem>>) target_semaphore(%run_scoped3A : memref<!tpu.dma_semaphore, #tpu.memory_space<semaphore_mem>>)
        %dma_wait3A = arith.constant 0 : i32
        %dma_wait3A_46 = tpu.memref_slice %arg3[%add3A_16, %dma_wait3A] : memref<550x128xi32, #tpu.memory_space<hbm>> -> memref<1x128xi32, #tpu.memory_space<hbm>>
        %dma_wait3A_47 = tpu.memref_squeeze %dma_wait3A_46 : memref<1x128xi32, #tpu.memory_space<hbm>> -> memref<128xi32, #tpu.memory_space<hbm>>
        %dma_wait3A_48 = arith.constant 0 : i32
        %dma_wait3A_49 = tpu.memref_slice %arg3[%add3A_16, %dma_wait3A_48] : memref<550x128xi32, #tpu.memory_space<hbm>> -> memref<1x128xi32, #tpu.memory_space<hbm>>
        %dma_wait3A_50 = tpu.memref_squeeze %dma_wait3A_49 : memref<1x128xi32, #tpu.memory_space<hbm>> -> memref<128xi32, #tpu.memory_space<hbm>>
        tpu.wait_dma2 semaphore(%run_scoped3A : memref<!tpu.dma_semaphore, #tpu.memory_space<semaphore_mem>>) src(%dma_wait3A_50 : memref<128xi32, #tpu.memory_space<hbm>>) dst(%arg7 : memref<128xi32, #tpu.memory_space<vmem>>)
        tpu.yield
      }) : () -> ()
      %mul3A_35 = arith.constant 128 : i32
      %mul3A_36 = arith.muli %add3A_16, %mul3A_35 : i32
      %dma_start3A = arith.constant 0 : i32
      %dma_start3A_37 = tpu.memref_slice %arg2[%mul3A_36, %dma_start3A] : memref<70400x128xf32, #tpu.memory_space<hbm>> -> memref<128x32xf32, #tpu.memory_space<hbm>>
      %dma_start3A_38 = arith.constant 0 : i32
      %dma_start3A_39 = tpu.memref_slice %arg2[%mul3A_36, %dma_start3A_38] : memref<70400x128xf32, #tpu.memory_space<hbm>> -> memref<128x32xf32, #tpu.memory_space<hbm>>
      tpu.enqueue_dma source(%dma_start3A_39 : memref<128x32xf32, #tpu.memory_space<hbm>>) target(%arg9 : memref<128x32xf32, #tpu.memory_space<vmem>>) target_semaphore(%arg12 : memref<!tpu.dma_semaphore, #tpu.memory_space<semaphore_mem>>)
    } else {
    }
    %barrier3A = arith.constant 0 : index
    tpu.barrier barrier_id(%barrier3A)
    %scan3A = arith.constant 0 : i32
    %scan3A_25 = arith.constant 0 : i32
    %scan3A_26 = arith.constant 9 : i32
    %scan3A_27 = arith.addi %scan3A_25, %scan3A_26 : i32
    %scan3A_28 = arith.constant 1 : i32
    scf.for %scan3A_35 = %scan3A_25 to %scan3A_27 step %scan3A_28  : i32 {
      %mul3A_36 = arith.constant 275 : i32
      %mul3A_37 = arith.muli %arg0, %mul3A_36 : i32
      %add3A_38 = arith.addi %mul3A_37, %arg1 : i32
      %mul3A_39 = arith.constant 2 : i32
      %mul3A_40 = arith.muli %scan3A_35, %mul3A_39 : i32
      %add3A_41 = arith.constant 0 : i32
      %add3A_42 = arith.addi %mul3A_40, %add3A_41 : i32
      %mul3A_43 = arith.constant 16 : i32
      %mul3A_44 = arith.muli %add3A_42, %mul3A_43 : i32
      %add3A_45 = arith.addi %add3A_38, %mul3A_44 : i32
      %add3A_46 = arith.constant 1 : i32
      %add3A_47 = arith.addi %arg0, %add3A_46 : i32
      %mul3A_48 = arith.constant 275 : i32
      %mul3A_49 = arith.muli %add3A_47, %mul3A_48 : i32
      %lt3A_50 = arith.cmpi slt, %add3A_45, %mul3A_49 : i32
      %convert_element_type3A_51 = arith.extui %lt3A_50 : i1 to i32
      %cond3A_52 = arith.constant 0 : i32
      %cond3A_53 = arith.cmpi ne, %convert_element_type3A_51, %cond3A_52 : i32
      scf.if %cond3A_53 {
        %mul3A_72 = arith.constant 128 : i32
        %mul3A_73 = arith.muli %add3A_45, %mul3A_72 : i32
        %dma_wait3A = arith.constant 0 : i32
        %dma_wait3A_74 = tpu.memref_slice %arg2[%mul3A_73, %dma_wait3A] : memref<70400x128xf32, #tpu.memory_space<hbm>> -> memref<128x32xf32, #tpu.memory_space<hbm>>
        %dma_wait3A_75 = arith.constant 0 : i32
        %dma_wait3A_76 = tpu.memref_slice %arg2[%mul3A_73, %dma_wait3A_75] : memref<70400x128xf32, #tpu.memory_space<hbm>> -> memref<128x32xf32, #tpu.memory_space<hbm>>
        tpu.wait_dma2 semaphore(%arg11 : memref<!tpu.dma_semaphore, #tpu.memory_space<semaphore_mem>>) src(%dma_wait3A_76 : memref<128x32xf32, #tpu.memory_space<hbm>>) dst(%arg8 : memref<128x32xf32, #tpu.memory_space<vmem>>)
        "tpu.region"() ({
          %run_scoped3A = tpu.sem_alloc : memref<!tpu.dma_semaphore, #tpu.memory_space<semaphore_mem>>
          %dma_start3A = arith.constant 0 : i32
          %dma_start3A_87 = arith.constant 0 : i32
          %dma_start3A_88 = tpu.memref_slice %arg10[%dma_start3A, %dma_start3A_87] : memref<10240x32xf32, #tpu.memory_space<vmem_shared>> -> memref<10240x32xf32, #tpu.memory_space<vmem_shared>>
          tpu.enqueue_indirect_dma source(%arg8 : memref<128x32xf32, #tpu.memory_space<vmem>>) target(%dma_start3A_88 : memref<10240x32xf32, #tpu.memory_space<vmem_shared>>) offsets(%arg6 : memref<128xi32, #tpu.memory_space<vmem>>) semaphore(%run_scoped3A : memref<!tpu.dma_semaphore, #tpu.memory_space<semaphore_mem>>) {add = true}
          %dma_wait3A_89 = arith.constant 0 : i32
          %dma_wait3A_90 = arith.constant 0 : i32
          %dma_wait3A_91 = tpu.memref_slice %arg10[%dma_wait3A_89, %dma_wait3A_90] : memref<10240x32xf32, #tpu.memory_space<vmem_shared>> -> memref<10240x32xf32, #tpu.memory_space<vmem_shared>>
          tpu.wait_indirect_dma semaphore(%run_scoped3A : memref<!tpu.dma_semaphore, #tpu.memory_space<semaphore_mem>>) src(%arg8 : memref<128x32xf32, #tpu.memory_space<vmem>>) dst(%dma_wait3A_91 : memref<10240x32xf32, #tpu.memory_space<vmem_shared>>)
          tpu.yield
        }) : () -> ()
        %add3A_77 = arith.constant 32 : i32
        %add3A_78 = arith.addi %add3A_45, %add3A_77 : i32
        %add3A_79 = arith.constant 1 : i32
        %add3A_80 = arith.addi %arg0, %add3A_79 : i32
        %mul3A_81 = arith.constant 275 : i32
        %mul3A_82 = arith.muli %add3A_80, %mul3A_81 : i32
        %lt3A_83 = arith.cmpi slt, %add3A_78, %mul3A_82 : i32
        %convert_element_type3A_84 = arith.extui %lt3A_83 : i1 to i32
        %cond3A_85 = arith.constant 0 : i32
        %cond3A_86 = arith.cmpi ne, %convert_element_type3A_84, %cond3A_85 : i32
        scf.if %cond3A_86 {
          "tpu.region"() ({
            %run_scoped3A = tpu.sem_alloc : memref<!tpu.dma_semaphore, #tpu.memory_space<semaphore_mem>>
            %dma_start3A_92 = arith.constant 0 : i32
            %dma_start3A_93 = tpu.memref_slice %arg3[%add3A_78, %dma_start3A_92] : memref<550x128xi32, #tpu.memory_space<hbm>> -> memref<1x128xi32, #tpu.memory_space<hbm>>
            %dma_start3A_94 = tpu.memref_squeeze %dma_start3A_93 : memref<1x128xi32, #tpu.memory_space<hbm>> -> memref<128xi32, #tpu.memory_space<hbm>>
            %dma_start3A_95 = arith.constant 0 : i32
            %dma_start3A_96 = tpu.memref_slice %arg3[%add3A_78, %dma_start3A_95] : memref<550x128xi32, #tpu.memory_space<hbm>> -> memref<1x128xi32, #tpu.memory_space<hbm>>
            %dma_start3A_97 = tpu.memref_squeeze %dma_start3A_96 : memref<1x128xi32, #tpu.memory_space<hbm>> -> memref<128xi32, #tpu.memory_space<hbm>>
            tpu.enqueue_dma source(%dma_start3A_97 : memref<128xi32, #tpu.memory_space<hbm>>) target(%arg6 : memref<128xi32, #tpu.memory_space<vmem>>) target_semaphore(%run_scoped3A : memref<!tpu.dma_semaphore, #tpu.memory_space<semaphore_mem>>)
            %dma_wait3A_98 = arith.constant 0 : i32
            %dma_wait3A_99 = tpu.memref_slice %arg3[%add3A_78, %dma_wait3A_98] : memref<550x128xi32, #tpu.memory_space<hbm>> -> memref<1x128xi32, #tpu.memory_space<hbm>>
            %dma_wait3A_100 = tpu.memref_squeeze %dma_wait3A_99 : memref<1x128xi32, #tpu.memory_space<hbm>> -> memref<128xi32, #tpu.memory_space<hbm>>
            %dma_wait3A_101 = arith.constant 0 : i32
            %dma_wait3A_102 = tpu.memref_slice %arg3[%add3A_78, %dma_wait3A_101] : memref<550x128xi32, #tpu.memory_space<hbm>> -> memref<1x128xi32, #tpu.memory_space<hbm>>
            %dma_wait3A_103 = tpu.memref_squeeze %dma_wait3A_102 : memref<1x128xi32, #tpu.memory_space<hbm>> -> memref<128xi32, #tpu.memory_space<hbm>>
            tpu.wait_dma2 semaphore(%run_scoped3A : memref<!tpu.dma_semaphore, #tpu.memory_space<semaphore_mem>>) src(%dma_wait3A_103 : memref<128xi32, #tpu.memory_space<hbm>>) dst(%arg6 : memref<128xi32, #tpu.memory_space<vmem>>)
            tpu.yield
          }) : () -> ()
          %mul3A_87 = arith.constant 128 : i32
          %mul3A_88 = arith.muli %add3A_78, %mul3A_87 : i32
          %dma_start3A = arith.constant 0 : i32
          %dma_start3A_89 = tpu.memref_slice %arg2[%mul3A_88, %dma_start3A] : memref<70400x128xf32, #tpu.memory_space<hbm>> -> memref<128x32xf32, #tpu.memory_space<hbm>>
          %dma_start3A_90 = arith.constant 0 : i32
          %dma_start3A_91 = tpu.memref_slice %arg2[%mul3A_88, %dma_start3A_90] : memref<70400x128xf32, #tpu.memory_space<hbm>> -> memref<128x32xf32, #tpu.memory_space<hbm>>
          tpu.enqueue_dma source(%dma_start3A_91 : memref<128x32xf32, #tpu.memory_space<hbm>>) target(%arg8 : memref<128x32xf32, #tpu.memory_space<vmem>>) target_semaphore(%arg11 : memref<!tpu.dma_semaphore, #tpu.memory_space<semaphore_mem>>)
        } else {
        }
      } else {
      }
      %mul3A_54 = arith.constant 275 : i32
      %mul3A_55 = arith.muli %arg0, %mul3A_54 : i32
      %add3A_56 = arith.addi %mul3A_55, %arg1 : i32
      %mul3A_57 = arith.constant 2 : i32
      %mul3A_58 = arith.muli %scan3A_35, %mul3A_57 : i32
      %add3A_59 = arith.constant 1 : i32
      %add3A_60 = arith.addi %mul3A_58, %add3A_59 : i32
      %mul3A_61 = arith.constant 16 : i32
      %mul3A_62 = arith.muli %add3A_60, %mul3A_61 : i32
      %add3A_63 = arith.addi %add3A_56, %mul3A_62 : i32
      %add3A_64 = arith.constant 1 : i32
      %add3A_65 = arith.addi %arg0, %add3A_64 : i32
      %mul3A_66 = arith.constant 275 : i32
      %mul3A_67 = arith.muli %add3A_65, %mul3A_66 : i32
      %lt3A_68 = arith.cmpi slt, %add3A_63, %mul3A_67 : i32
      %convert_element_type3A_69 = arith.extui %lt3A_68 : i1 to i32
      %cond3A_70 = arith.constant 0 : i32
      %cond3A_71 = arith.cmpi ne, %convert_element_type3A_69, %cond3A_70 : i32
      scf.if %cond3A_71 {
        %mul3A_72 = arith.constant 128 : i32
        %mul3A_73 = arith.muli %add3A_63, %mul3A_72 : i32
        %dma_wait3A = arith.constant 0 : i32
        %dma_wait3A_74 = tpu.memref_slice %arg2[%mul3A_73, %dma_wait3A] : memref<70400x128xf32, #tpu.memory_space<hbm>> -> memref<128x32xf32, #tpu.memory_space<hbm>>
        %dma_wait3A_75 = arith.constant 0 : i32
        %dma_wait3A_76 = tpu.memref_slice %arg2[%mul3A_73, %dma_wait3A_75] : memref<70400x128xf32, #tpu.memory_space<hbm>> -> memref<128x32xf32, #tpu.memory_space<hbm>>
        tpu.wait_dma2 semaphore(%arg12 : memref<!tpu.dma_semaphore, #tpu.memory_space<semaphore_mem>>) src(%dma_wait3A_76 : memref<128x32xf32, #tpu.memory_space<hbm>>) dst(%arg9 : memref<128x32xf32, #tpu.memory_space<vmem>>)
        "tpu.region"() ({
          %run_scoped3A = tpu.sem_alloc : memref<!tpu.dma_semaphore, #tpu.memory_space<semaphore_mem>>
          %dma_start3A = arith.constant 0 : i32
          %dma_start3A_87 = arith.constant 0 : i32
          %dma_start3A_88 = tpu.memref_slice %arg10[%dma_start3A, %dma_start3A_87] : memref<10240x32xf32, #tpu.memory_space<vmem_shared>> -> memref<10240x32xf32, #tpu.memory_space<vmem_shared>>
          tpu.enqueue_indirect_dma source(%arg9 : memref<128x32xf32, #tpu.memory_space<vmem>>) target(%dma_start3A_88 : memref<10240x32xf32, #tpu.memory_space<vmem_shared>>) offsets(%arg7 : memref<128xi32, #tpu.memory_space<vmem>>) semaphore(%run_scoped3A : memref<!tpu.dma_semaphore, #tpu.memory_space<semaphore_mem>>) {add = true}
          %dma_wait3A_89 = arith.constant 0 : i32
          %dma_wait3A_90 = arith.constant 0 : i32
          %dma_wait3A_91 = tpu.memref_slice %arg10[%dma_wait3A_89, %dma_wait3A_90] : memref<10240x32xf32, #tpu.memory_space<vmem_shared>> -> memref<10240x32xf32, #tpu.memory_space<vmem_shared>>
          tpu.wait_indirect_dma semaphore(%run_scoped3A : memref<!tpu.dma_semaphore, #tpu.memory_space<semaphore_mem>>) src(%arg9 : memref<128x32xf32, #tpu.memory_space<vmem>>) dst(%dma_wait3A_91 : memref<10240x32xf32, #tpu.memory_space<vmem_shared>>)
          tpu.yield
        }) : () -> ()
        %add3A_77 = arith.constant 32 : i32
        %add3A_78 = arith.addi %add3A_63, %add3A_77 : i32
        %add3A_79 = arith.constant 1 : i32
        %add3A_80 = arith.addi %arg0, %add3A_79 : i32
        %mul3A_81 = arith.constant 275 : i32
        %mul3A_82 = arith.muli %add3A_80, %mul3A_81 : i32
        %lt3A_83 = arith.cmpi slt, %add3A_78, %mul3A_82 : i32
        %convert_element_type3A_84 = arith.extui %lt3A_83 : i1 to i32
        %cond3A_85 = arith.constant 0 : i32
        %cond3A_86 = arith.cmpi ne, %convert_element_type3A_84, %cond3A_85 : i32
        scf.if %cond3A_86 {
          "tpu.region"() ({
            %run_scoped3A = tpu.sem_alloc : memref<!tpu.dma_semaphore, #tpu.memory_space<semaphore_mem>>
            %dma_start3A_92 = arith.constant 0 : i32
            %dma_start3A_93 = tpu.memref_slice %arg3[%add3A_78, %dma_start3A_92] : memref<550x128xi32, #tpu.memory_space<hbm>> -> memref<1x128xi32, #tpu.memory_space<hbm>>
            %dma_start3A_94 = tpu.memref_squeeze %dma_start3A_93 : memref<1x128xi32, #tpu.memory_space<hbm>> -> memref<128xi32, #tpu.memory_space<hbm>>
            %dma_start3A_95 = arith.constant 0 : i32
            %dma_start3A_96 = tpu.memref_slice %arg3[%add3A_78, %dma_start3A_95] : memref<550x128xi32, #tpu.memory_space<hbm>> -> memref<1x128xi32, #tpu.memory_space<hbm>>
            %dma_start3A_97 = tpu.memref_squeeze %dma_start3A_96 : memref<1x128xi32, #tpu.memory_space<hbm>> -> memref<128xi32, #tpu.memory_space<hbm>>
            tpu.enqueue_dma source(%dma_start3A_97 : memref<128xi32, #tpu.memory_space<hbm>>) target(%arg7 : memref<128xi32, #tpu.memory_space<vmem>>) target_semaphore(%run_scoped3A : memref<!tpu.dma_semaphore, #tpu.memory_space<semaphore_mem>>)
            %dma_wait3A_98 = arith.constant 0 : i32
            %dma_wait3A_99 = tpu.memref_slice %arg3[%add3A_78, %dma_wait3A_98] : memref<550x128xi32, #tpu.memory_space<hbm>> -> memref<1x128xi32, #tpu.memory_space<hbm>>
            %dma_wait3A_100 = tpu.memref_squeeze %dma_wait3A_99 : memref<1x128xi32, #tpu.memory_space<hbm>> -> memref<128xi32, #tpu.memory_space<hbm>>
            %dma_wait3A_101 = arith.constant 0 : i32
            %dma_wait3A_102 = tpu.memref_slice %arg3[%add3A_78, %dma_wait3A_101] : memref<550x128xi32, #tpu.memory_space<hbm>> -> memref<1x128xi32, #tpu.memory_space<hbm>>
            %dma_wait3A_103 = tpu.memref_squeeze %dma_wait3A_102 : memref<1x128xi32, #tpu.memory_space<hbm>> -> memref<128xi32, #tpu.memory_space<hbm>>
            tpu.wait_dma2 semaphore(%run_scoped3A : memref<!tpu.dma_semaphore, #tpu.memory_space<semaphore_mem>>) src(%dma_wait3A_103 : memref<128xi32, #tpu.memory_space<hbm>>) dst(%arg7 : memref<128xi32, #tpu.memory_space<vmem>>)
            tpu.yield
          }) : () -> ()
          %mul3A_87 = arith.constant 128 : i32
          %mul3A_88 = arith.muli %add3A_78, %mul3A_87 : i32
          %dma_start3A = arith.constant 0 : i32
          %dma_start3A_89 = tpu.memref_slice %arg2[%mul3A_88, %dma_start3A] : memref<70400x128xf32, #tpu.memory_space<hbm>> -> memref<128x32xf32, #tpu.memory_space<hbm>>
          %dma_start3A_90 = arith.constant 0 : i32
          %dma_start3A_91 = tpu.memref_slice %arg2[%mul3A_88, %dma_start3A_90] : memref<70400x128xf32, #tpu.memory_space<hbm>> -> memref<128x32xf32, #tpu.memory_space<hbm>>
          tpu.enqueue_dma source(%dma_start3A_91 : memref<128x32xf32, #tpu.memory_space<hbm>>) target(%arg9 : memref<128x32xf32, #tpu.memory_space<vmem>>) target_semaphore(%arg12 : memref<!tpu.dma_semaphore, #tpu.memory_space<semaphore_mem>>)
        } else {
        }
      } else {
      }
    }
    %scan3A_29 = arith.constant 9 : i32
    %barrier3A_30 = arith.constant 0 : index
    tpu.barrier barrier_id(%barrier3A_30)
    %mul3A_31 = arith.constant 640 : i32
    %mul3A_32 = arith.muli %arg1, %mul3A_31 : i32
    %mul3A_33 = arith.constant 640 : i32
    %mul3A_34 = arith.muli %arg1, %mul3A_33 : i32
    "tpu.region"() ({
      %run_scoped3A = tpu.sem_alloc : memref<!tpu.dma_semaphore, #tpu.memory_space<semaphore_mem>>
      %dma_start3A = arith.constant 0 : i32
      %dma_start3A_35 = tpu.memref_slice %arg5[%arg0, %mul3A_34, %dma_start3A] : memref<2x10240x32xf32, #tpu.memory_space<hbm>> -> memref<1x640x32xf32, #tpu.memory_space<hbm>>
      %dma_start3A_36 = tpu.memref_squeeze %dma_start3A_35 : memref<1x640x32xf32, #tpu.memory_space<hbm>> -> memref<640x32xf32, #tpu.memory_space<hbm>>
      %dma_start3A_37 = arith.constant 0 : i32
      %dma_start3A_38 = tpu.memref_slice %arg10[%mul3A_32, %dma_start3A_37] : memref<10240x32xf32, #tpu.memory_space<vmem_shared>> -> memref<640x32xf32, #tpu.memory_space<vmem_shared>>
      tpu.enqueue_dma source(%dma_start3A_38 : memref<640x32xf32, #tpu.memory_space<vmem_shared>>) target(%dma_start3A_36 : memref<640x32xf32, #tpu.memory_space<hbm>>) target_semaphore(%run_scoped3A : memref<!tpu.dma_semaphore, #tpu.memory_space<semaphore_mem>>)
      %dma_wait3A = arith.constant 0 : i32
      %dma_wait3A_39 = tpu.memref_slice %arg5[%arg0, %mul3A_34, %dma_wait3A] : memref<2x10240x32xf32, #tpu.memory_space<hbm>> -> memref<1x640x32xf32, #tpu.memory_space<hbm>>
      %dma_wait3A_40 = tpu.memref_squeeze %dma_wait3A_39 : memref<1x640x32xf32, #tpu.memory_space<hbm>> -> memref<640x32xf32, #tpu.memory_space<hbm>>
      %dma_wait3A_41 = arith.constant 0 : i32
      %dma_wait3A_42 = tpu.memref_slice %arg10[%mul3A_32, %dma_wait3A_41] : memref<10240x32xf32, #tpu.memory_space<vmem_shared>> -> memref<640x32xf32, #tpu.memory_space<vmem_shared>>
      tpu.wait_dma2 semaphore(%run_scoped3A : memref<!tpu.dma_semaphore, #tpu.memory_space<semaphore_mem>>) src(%dma_wait3A_42 : memref<640x32xf32, #tpu.memory_space<vmem_shared>>) dst(%dma_wait3A_40 : memref<640x32xf32, #tpu.memory_space<hbm>>)
      tpu.yield
    }) : () -> ()
    return
  }
}

#map = affine_map<(d0, d1) -> (0, 0)>
module attributes {stable_mosaic.version = 14 : i64} {
  func.func @k(%arg0: i32, %arg1: i32, %arg2: memref<10240x128xf32, #tpu.memory_space<hbm>>, %arg3: memref<200x128xi32, #tpu.memory_space<hbm>>, %arg4: memref<25600x128xf32, #tpu.memory_space<hbm>>, %arg5: memref<128xi32, #tpu.memory_space<vmem>>, %arg6: memref<128xi32, #tpu.memory_space<vmem>>, %arg7: memref<128x128xf32, #tpu.memory_space<vmem>>, %arg8: memref<128x128xf32, #tpu.memory_space<vmem>>, %arg9: memref<!tpu.dma_semaphore, #tpu.memory_space<semaphore_mem>>, %arg10: memref<!tpu.dma_semaphore, #tpu.memory_space<semaphore_mem>>) attributes {dimension_semantics = [#tpu.dimension_semantics<core_parallel>, #tpu.dimension_semantics<subcore_parallel>], iteration_bounds = array<i64: 2, 16>, scalar_prefetch = 0 : i64, scratch_operands = 6 : i64, tpu.core_type = #tpu.core_type<sc_vector_subcore>, window_params = [{transform_indices = #map}, {transform_indices = #map}, {transform_indices = #map}]} {
    %mul3A = arith.constant 16 : i32
    %mul3A_0 = arith.muli %arg0, %mul3A : i32
    %add3A = arith.addi %mul3A_0, %arg1 : i32
    %add3A_1 = arith.constant 0 : i32
    %add3A_2 = arith.addi %add3A, %add3A_1 : i32
    %lt3A = arith.constant 200 : i32
    %lt3A_3 = arith.cmpi slt, %add3A_2, %lt3A : i32
    %convert_element_type3A = arith.extui %lt3A_3 : i1 to i32
    %cond3A = arith.constant 0 : i32
    %cond3A_4 = arith.cmpi ne, %convert_element_type3A, %cond3A : i32
    scf.if %cond3A_4 {
      "tpu.region"() ({
        %run_scoped3A = tpu.sem_alloc : memref<!tpu.dma_semaphore, #tpu.memory_space<semaphore_mem>>
        %dma_start3A_19 = arith.constant 0 : i32
        %dma_start3A_20 = tpu.memref_slice %arg3[%add3A_2, %dma_start3A_19] : memref<200x128xi32, #tpu.memory_space<hbm>> -> memref<1x128xi32, #tpu.memory_space<hbm>>
        %dma_start3A_21 = tpu.memref_squeeze %dma_start3A_20 : memref<1x128xi32, #tpu.memory_space<hbm>> -> memref<128xi32, #tpu.memory_space<hbm>>
        %dma_start3A_22 = arith.constant 0 : i32
        %dma_start3A_23 = tpu.memref_slice %arg3[%add3A_2, %dma_start3A_22] : memref<200x128xi32, #tpu.memory_space<hbm>> -> memref<1x128xi32, #tpu.memory_space<hbm>>
        %dma_start3A_24 = tpu.memref_squeeze %dma_start3A_23 : memref<1x128xi32, #tpu.memory_space<hbm>> -> memref<128xi32, #tpu.memory_space<hbm>>
        tpu.enqueue_dma source(%dma_start3A_24 : memref<128xi32, #tpu.memory_space<hbm>>) target(%arg5 : memref<128xi32, #tpu.memory_space<vmem>>) target_semaphore(%run_scoped3A : memref<!tpu.dma_semaphore, #tpu.memory_space<semaphore_mem>>)
        %dma_wait3A = arith.constant 0 : i32
        %dma_wait3A_25 = tpu.memref_slice %arg3[%add3A_2, %dma_wait3A] : memref<200x128xi32, #tpu.memory_space<hbm>> -> memref<1x128xi32, #tpu.memory_space<hbm>>
        %dma_wait3A_26 = tpu.memref_squeeze %dma_wait3A_25 : memref<1x128xi32, #tpu.memory_space<hbm>> -> memref<128xi32, #tpu.memory_space<hbm>>
        %dma_wait3A_27 = arith.constant 0 : i32
        %dma_wait3A_28 = tpu.memref_slice %arg3[%add3A_2, %dma_wait3A_27] : memref<200x128xi32, #tpu.memory_space<hbm>> -> memref<1x128xi32, #tpu.memory_space<hbm>>
        %dma_wait3A_29 = tpu.memref_squeeze %dma_wait3A_28 : memref<1x128xi32, #tpu.memory_space<hbm>> -> memref<128xi32, #tpu.memory_space<hbm>>
        tpu.wait_dma2 semaphore(%run_scoped3A : memref<!tpu.dma_semaphore, #tpu.memory_space<semaphore_mem>>) src(%dma_wait3A_29 : memref<128xi32, #tpu.memory_space<hbm>>) dst(%arg5 : memref<128xi32, #tpu.memory_space<vmem>>)
        tpu.yield
      }) : () -> ()
      %dma_start3A = arith.constant 0 : i32
      %dma_start3A_17 = arith.constant 0 : i32
      %dma_start3A_18 = tpu.memref_slice %arg2[%dma_start3A, %dma_start3A_17] : memref<10240x128xf32, #tpu.memory_space<hbm>> -> memref<10240x128xf32, #tpu.memory_space<hbm>>
      tpu.enqueue_indirect_dma source(%dma_start3A_18 : memref<10240x128xf32, #tpu.memory_space<hbm>>) target(%arg7 : memref<128x128xf32, #tpu.memory_space<vmem>>) offsets(%arg5 : memref<128xi32, #tpu.memory_space<vmem>>) semaphore(%arg9 : memref<!tpu.dma_semaphore, #tpu.memory_space<semaphore_mem>>)
    } else {
    }
    %add3A_5 = arith.constant 32 : i32
    %add3A_6 = arith.addi %add3A, %add3A_5 : i32
    %lt3A_7 = arith.constant 200 : i32
    %lt3A_8 = arith.cmpi slt, %add3A_6, %lt3A_7 : i32
    %convert_element_type3A_9 = arith.extui %lt3A_8 : i1 to i32
    %cond3A_10 = arith.constant 0 : i32
    %cond3A_11 = arith.cmpi ne, %convert_element_type3A_9, %cond3A_10 : i32
    scf.if %cond3A_11 {
      "tpu.region"() ({
        %run_scoped3A = tpu.sem_alloc : memref<!tpu.dma_semaphore, #tpu.memory_space<semaphore_mem>>
        %dma_start3A_19 = arith.constant 0 : i32
        %dma_start3A_20 = tpu.memref_slice %arg3[%add3A_6, %dma_start3A_19] : memref<200x128xi32, #tpu.memory_space<hbm>> -> memref<1x128xi32, #tpu.memory_space<hbm>>
        %dma_start3A_21 = tpu.memref_squeeze %dma_start3A_20 : memref<1x128xi32, #tpu.memory_space<hbm>> -> memref<128xi32, #tpu.memory_space<hbm>>
        %dma_start3A_22 = arith.constant 0 : i32
        %dma_start3A_23 = tpu.memref_slice %arg3[%add3A_6, %dma_start3A_22] : memref<200x128xi32, #tpu.memory_space<hbm>> -> memref<1x128xi32, #tpu.memory_space<hbm>>
        %dma_start3A_24 = tpu.memref_squeeze %dma_start3A_23 : memref<1x128xi32, #tpu.memory_space<hbm>> -> memref<128xi32, #tpu.memory_space<hbm>>
        tpu.enqueue_dma source(%dma_start3A_24 : memref<128xi32, #tpu.memory_space<hbm>>) target(%arg6 : memref<128xi32, #tpu.memory_space<vmem>>) target_semaphore(%run_scoped3A : memref<!tpu.dma_semaphore, #tpu.memory_space<semaphore_mem>>)
        %dma_wait3A = arith.constant 0 : i32
        %dma_wait3A_25 = tpu.memref_slice %arg3[%add3A_6, %dma_wait3A] : memref<200x128xi32, #tpu.memory_space<hbm>> -> memref<1x128xi32, #tpu.memory_space<hbm>>
        %dma_wait3A_26 = tpu.memref_squeeze %dma_wait3A_25 : memref<1x128xi32, #tpu.memory_space<hbm>> -> memref<128xi32, #tpu.memory_space<hbm>>
        %dma_wait3A_27 = arith.constant 0 : i32
        %dma_wait3A_28 = tpu.memref_slice %arg3[%add3A_6, %dma_wait3A_27] : memref<200x128xi32, #tpu.memory_space<hbm>> -> memref<1x128xi32, #tpu.memory_space<hbm>>
        %dma_wait3A_29 = tpu.memref_squeeze %dma_wait3A_28 : memref<1x128xi32, #tpu.memory_space<hbm>> -> memref<128xi32, #tpu.memory_space<hbm>>
        tpu.wait_dma2 semaphore(%run_scoped3A : memref<!tpu.dma_semaphore, #tpu.memory_space<semaphore_mem>>) src(%dma_wait3A_29 : memref<128xi32, #tpu.memory_space<hbm>>) dst(%arg6 : memref<128xi32, #tpu.memory_space<vmem>>)
        tpu.yield
      }) : () -> ()
      %dma_start3A = arith.constant 0 : i32
      %dma_start3A_17 = arith.constant 0 : i32
      %dma_start3A_18 = tpu.memref_slice %arg2[%dma_start3A, %dma_start3A_17] : memref<10240x128xf32, #tpu.memory_space<hbm>> -> memref<10240x128xf32, #tpu.memory_space<hbm>>
      tpu.enqueue_indirect_dma source(%dma_start3A_18 : memref<10240x128xf32, #tpu.memory_space<hbm>>) target(%arg8 : memref<128x128xf32, #tpu.memory_space<vmem>>) offsets(%arg6 : memref<128xi32, #tpu.memory_space<vmem>>) semaphore(%arg10 : memref<!tpu.dma_semaphore, #tpu.memory_space<semaphore_mem>>)
    } else {
    }
    %scan3A = arith.constant 0 : i32
    %scan3A_12 = arith.constant 0 : i32
    %scan3A_13 = arith.constant 4 : i32
    %scan3A_14 = arith.addi %scan3A_12, %scan3A_13 : i32
    %scan3A_15 = arith.constant 1 : i32
    scf.for %scan3A_17 = %scan3A_12 to %scan3A_14 step %scan3A_15  : i32 {
      %mul3A_18 = arith.constant 2 : i32
      %mul3A_19 = arith.muli %scan3A_17, %mul3A_18 : i32
      %add3A_20 = arith.constant 0 : i32
      %add3A_21 = arith.addi %mul3A_19, %add3A_20 : i32
      %mul3A_22 = arith.constant 32 : i32
      %mul3A_23 = arith.muli %add3A_21, %mul3A_22 : i32
      %add3A_24 = arith.addi %add3A, %mul3A_23 : i32
      %lt3A_25 = arith.constant 200 : i32
      %lt3A_26 = arith.cmpi slt, %add3A_24, %lt3A_25 : i32
      %convert_element_type3A_27 = arith.extui %lt3A_26 : i1 to i32
      %cond3A_28 = arith.constant 0 : i32
      %cond3A_29 = arith.cmpi ne, %convert_element_type3A_27, %cond3A_28 : i32
      scf.if %cond3A_29 {
        %dma_wait3A = arith.constant 0 : i32
        %dma_wait3A_42 = arith.constant 0 : i32
        %dma_wait3A_43 = tpu.memref_slice %arg2[%dma_wait3A, %dma_wait3A_42] : memref<10240x128xf32, #tpu.memory_space<hbm>> -> memref<10240x128xf32, #tpu.memory_space<hbm>>
        tpu.wait_indirect_dma semaphore(%arg9 : memref<!tpu.dma_semaphore, #tpu.memory_space<semaphore_mem>>) src(%dma_wait3A_43 : memref<10240x128xf32, #tpu.memory_space<hbm>>) dst(%arg7 : memref<128x128xf32, #tpu.memory_space<vmem>>)
        %mul3A_44 = arith.constant 128 : i32
        %mul3A_45 = arith.muli %add3A_24, %mul3A_44 : i32
        "tpu.region"() ({
          %run_scoped3A = tpu.sem_alloc : memref<!tpu.dma_semaphore, #tpu.memory_space<semaphore_mem>>
          %dma_start3A = arith.constant 0 : i32
          %dma_start3A_53 = tpu.memref_slice %arg4[%mul3A_45, %dma_start3A] : memref<25600x128xf32, #tpu.memory_space<hbm>> -> memref<128x128xf32, #tpu.memory_space<hbm>>
          %dma_start3A_54 = arith.constant 0 : i32
          %dma_start3A_55 = tpu.memref_slice %arg4[%mul3A_45, %dma_start3A_54] : memref<25600x128xf32, #tpu.memory_space<hbm>> -> memref<128x128xf32, #tpu.memory_space<hbm>>
          tpu.enqueue_dma source(%arg7 : memref<128x128xf32, #tpu.memory_space<vmem>>) target(%dma_start3A_55 : memref<128x128xf32, #tpu.memory_space<hbm>>) target_semaphore(%run_scoped3A : memref<!tpu.dma_semaphore, #tpu.memory_space<semaphore_mem>>)
          %dma_wait3A_56 = arith.constant 0 : i32
          %dma_wait3A_57 = tpu.memref_slice %arg4[%mul3A_45, %dma_wait3A_56] : memref<25600x128xf32, #tpu.memory_space<hbm>> -> memref<128x128xf32, #tpu.memory_space<hbm>>
          %dma_wait3A_58 = arith.constant 0 : i32
          %dma_wait3A_59 = tpu.memref_slice %arg4[%mul3A_45, %dma_wait3A_58] : memref<25600x128xf32, #tpu.memory_space<hbm>> -> memref<128x128xf32, #tpu.memory_space<hbm>>
          tpu.wait_dma2 semaphore(%run_scoped3A : memref<!tpu.dma_semaphore, #tpu.memory_space<semaphore_mem>>) src(%arg7 : memref<128x128xf32, #tpu.memory_space<vmem>>) dst(%dma_wait3A_59 : memref<128x128xf32, #tpu.memory_space<hbm>>)
          tpu.yield
        }) : () -> ()
        %add3A_46 = arith.constant 64 : i32
        %add3A_47 = arith.addi %add3A_24, %add3A_46 : i32
        %lt3A_48 = arith.constant 200 : i32
        %lt3A_49 = arith.cmpi slt, %add3A_47, %lt3A_48 : i32
        %convert_element_type3A_50 = arith.extui %lt3A_49 : i1 to i32
        %cond3A_51 = arith.constant 0 : i32
        %cond3A_52 = arith.cmpi ne, %convert_element_type3A_50, %cond3A_51 : i32
        scf.if %cond3A_52 {
          "tpu.region"() ({
            %run_scoped3A = tpu.sem_alloc : memref<!tpu.dma_semaphore, #tpu.memory_space<semaphore_mem>>
            %dma_start3A_55 = arith.constant 0 : i32
            %dma_start3A_56 = tpu.memref_slice %arg3[%add3A_47, %dma_start3A_55] : memref<200x128xi32, #tpu.memory_space<hbm>> -> memref<1x128xi32, #tpu.memory_space<hbm>>
            %dma_start3A_57 = tpu.memref_squeeze %dma_start3A_56 : memref<1x128xi32, #tpu.memory_space<hbm>> -> memref<128xi32, #tpu.memory_space<hbm>>
            %dma_start3A_58 = arith.constant 0 : i32
            %dma_start3A_59 = tpu.memref_slice %arg3[%add3A_47, %dma_start3A_58] : memref<200x128xi32, #tpu.memory_space<hbm>> -> memref<1x128xi32, #tpu.memory_space<hbm>>
            %dma_start3A_60 = tpu.memref_squeeze %dma_start3A_59 : memref<1x128xi32, #tpu.memory_space<hbm>> -> memref<128xi32, #tpu.memory_space<hbm>>
            tpu.enqueue_dma source(%dma_start3A_60 : memref<128xi32, #tpu.memory_space<hbm>>) target(%arg5 : memref<128xi32, #tpu.memory_space<vmem>>) target_semaphore(%run_scoped3A : memref<!tpu.dma_semaphore, #tpu.memory_space<semaphore_mem>>)
            %dma_wait3A_61 = arith.constant 0 : i32
            %dma_wait3A_62 = tpu.memref_slice %arg3[%add3A_47, %dma_wait3A_61] : memref<200x128xi32, #tpu.memory_space<hbm>> -> memref<1x128xi32, #tpu.memory_space<hbm>>
            %dma_wait3A_63 = tpu.memref_squeeze %dma_wait3A_62 : memref<1x128xi32, #tpu.memory_space<hbm>> -> memref<128xi32, #tpu.memory_space<hbm>>
            %dma_wait3A_64 = arith.constant 0 : i32
            %dma_wait3A_65 = tpu.memref_slice %arg3[%add3A_47, %dma_wait3A_64] : memref<200x128xi32, #tpu.memory_space<hbm>> -> memref<1x128xi32, #tpu.memory_space<hbm>>
            %dma_wait3A_66 = tpu.memref_squeeze %dma_wait3A_65 : memref<1x128xi32, #tpu.memory_space<hbm>> -> memref<128xi32, #tpu.memory_space<hbm>>
            tpu.wait_dma2 semaphore(%run_scoped3A : memref<!tpu.dma_semaphore, #tpu.memory_space<semaphore_mem>>) src(%dma_wait3A_66 : memref<128xi32, #tpu.memory_space<hbm>>) dst(%arg5 : memref<128xi32, #tpu.memory_space<vmem>>)
            tpu.yield
          }) : () -> ()
          %dma_start3A = arith.constant 0 : i32
          %dma_start3A_53 = arith.constant 0 : i32
          %dma_start3A_54 = tpu.memref_slice %arg2[%dma_start3A, %dma_start3A_53] : memref<10240x128xf32, #tpu.memory_space<hbm>> -> memref<10240x128xf32, #tpu.memory_space<hbm>>
          tpu.enqueue_indirect_dma source(%dma_start3A_54 : memref<10240x128xf32, #tpu.memory_space<hbm>>) target(%arg7 : memref<128x128xf32, #tpu.memory_space<vmem>>) offsets(%arg5 : memref<128xi32, #tpu.memory_space<vmem>>) semaphore(%arg9 : memref<!tpu.dma_semaphore, #tpu.memory_space<semaphore_mem>>)
        } else {
        }
      } else {
      }
      %mul3A_30 = arith.constant 2 : i32
      %mul3A_31 = arith.muli %scan3A_17, %mul3A_30 : i32
      %add3A_32 = arith.constant 1 : i32
      %add3A_33 = arith.addi %mul3A_31, %add3A_32 : i32
      %mul3A_34 = arith.constant 32 : i32
      %mul3A_35 = arith.muli %add3A_33, %mul3A_34 : i32
      %add3A_36 = arith.addi %add3A, %mul3A_35 : i32
      %lt3A_37 = arith.constant 200 : i32
      %lt3A_38 = arith.cmpi slt, %add3A_36, %lt3A_37 : i32
      %convert_element_type3A_39 = arith.extui %lt3A_38 : i1 to i32
      %cond3A_40 = arith.constant 0 : i32
      %cond3A_41 = arith.cmpi ne, %convert_element_type3A_39, %cond3A_40 : i32
      scf.if %cond3A_41 {
        %dma_wait3A = arith.constant 0 : i32
        %dma_wait3A_42 = arith.constant 0 : i32
        %dma_wait3A_43 = tpu.memref_slice %arg2[%dma_wait3A, %dma_wait3A_42] : memref<10240x128xf32, #tpu.memory_space<hbm>> -> memref<10240x128xf32, #tpu.memory_space<hbm>>
        tpu.wait_indirect_dma semaphore(%arg10 : memref<!tpu.dma_semaphore, #tpu.memory_space<semaphore_mem>>) src(%dma_wait3A_43 : memref<10240x128xf32, #tpu.memory_space<hbm>>) dst(%arg8 : memref<128x128xf32, #tpu.memory_space<vmem>>)
        %mul3A_44 = arith.constant 128 : i32
        %mul3A_45 = arith.muli %add3A_36, %mul3A_44 : i32
        "tpu.region"() ({
          %run_scoped3A = tpu.sem_alloc : memref<!tpu.dma_semaphore, #tpu.memory_space<semaphore_mem>>
          %dma_start3A = arith.constant 0 : i32
          %dma_start3A_53 = tpu.memref_slice %arg4[%mul3A_45, %dma_start3A] : memref<25600x128xf32, #tpu.memory_space<hbm>> -> memref<128x128xf32, #tpu.memory_space<hbm>>
          %dma_start3A_54 = arith.constant 0 : i32
          %dma_start3A_55 = tpu.memref_slice %arg4[%mul3A_45, %dma_start3A_54] : memref<25600x128xf32, #tpu.memory_space<hbm>> -> memref<128x128xf32, #tpu.memory_space<hbm>>
          tpu.enqueue_dma source(%arg8 : memref<128x128xf32, #tpu.memory_space<vmem>>) target(%dma_start3A_55 : memref<128x128xf32, #tpu.memory_space<hbm>>) target_semaphore(%run_scoped3A : memref<!tpu.dma_semaphore, #tpu.memory_space<semaphore_mem>>)
          %dma_wait3A_56 = arith.constant 0 : i32
          %dma_wait3A_57 = tpu.memref_slice %arg4[%mul3A_45, %dma_wait3A_56] : memref<25600x128xf32, #tpu.memory_space<hbm>> -> memref<128x128xf32, #tpu.memory_space<hbm>>
          %dma_wait3A_58 = arith.constant 0 : i32
          %dma_wait3A_59 = tpu.memref_slice %arg4[%mul3A_45, %dma_wait3A_58] : memref<25600x128xf32, #tpu.memory_space<hbm>> -> memref<128x128xf32, #tpu.memory_space<hbm>>
          tpu.wait_dma2 semaphore(%run_scoped3A : memref<!tpu.dma_semaphore, #tpu.memory_space<semaphore_mem>>) src(%arg8 : memref<128x128xf32, #tpu.memory_space<vmem>>) dst(%dma_wait3A_59 : memref<128x128xf32, #tpu.memory_space<hbm>>)
          tpu.yield
        }) : () -> ()
        %add3A_46 = arith.constant 64 : i32
        %add3A_47 = arith.addi %add3A_36, %add3A_46 : i32
        %lt3A_48 = arith.constant 200 : i32
        %lt3A_49 = arith.cmpi slt, %add3A_47, %lt3A_48 : i32
        %convert_element_type3A_50 = arith.extui %lt3A_49 : i1 to i32
        %cond3A_51 = arith.constant 0 : i32
        %cond3A_52 = arith.cmpi ne, %convert_element_type3A_50, %cond3A_51 : i32
        scf.if %cond3A_52 {
          "tpu.region"() ({
            %run_scoped3A = tpu.sem_alloc : memref<!tpu.dma_semaphore, #tpu.memory_space<semaphore_mem>>
            %dma_start3A_55 = arith.constant 0 : i32
            %dma_start3A_56 = tpu.memref_slice %arg3[%add3A_47, %dma_start3A_55] : memref<200x128xi32, #tpu.memory_space<hbm>> -> memref<1x128xi32, #tpu.memory_space<hbm>>
            %dma_start3A_57 = tpu.memref_squeeze %dma_start3A_56 : memref<1x128xi32, #tpu.memory_space<hbm>> -> memref<128xi32, #tpu.memory_space<hbm>>
            %dma_start3A_58 = arith.constant 0 : i32
            %dma_start3A_59 = tpu.memref_slice %arg3[%add3A_47, %dma_start3A_58] : memref<200x128xi32, #tpu.memory_space<hbm>> -> memref<1x128xi32, #tpu.memory_space<hbm>>
            %dma_start3A_60 = tpu.memref_squeeze %dma_start3A_59 : memref<1x128xi32, #tpu.memory_space<hbm>> -> memref<128xi32, #tpu.memory_space<hbm>>
            tpu.enqueue_dma source(%dma_start3A_60 : memref<128xi32, #tpu.memory_space<hbm>>) target(%arg6 : memref<128xi32, #tpu.memory_space<vmem>>) target_semaphore(%run_scoped3A : memref<!tpu.dma_semaphore, #tpu.memory_space<semaphore_mem>>)
            %dma_wait3A_61 = arith.constant 0 : i32
            %dma_wait3A_62 = tpu.memref_slice %arg3[%add3A_47, %dma_wait3A_61] : memref<200x128xi32, #tpu.memory_space<hbm>> -> memref<1x128xi32, #tpu.memory_space<hbm>>
            %dma_wait3A_63 = tpu.memref_squeeze %dma_wait3A_62 : memref<1x128xi32, #tpu.memory_space<hbm>> -> memref<128xi32, #tpu.memory_space<hbm>>
            %dma_wait3A_64 = arith.constant 0 : i32
            %dma_wait3A_65 = tpu.memref_slice %arg3[%add3A_47, %dma_wait3A_64] : memref<200x128xi32, #tpu.memory_space<hbm>> -> memref<1x128xi32, #tpu.memory_space<hbm>>
            %dma_wait3A_66 = tpu.memref_squeeze %dma_wait3A_65 : memref<1x128xi32, #tpu.memory_space<hbm>> -> memref<128xi32, #tpu.memory_space<hbm>>
            tpu.wait_dma2 semaphore(%run_scoped3A : memref<!tpu.dma_semaphore, #tpu.memory_space<semaphore_mem>>) src(%dma_wait3A_66 : memref<128xi32, #tpu.memory_space<hbm>>) dst(%arg6 : memref<128xi32, #tpu.memory_space<vmem>>)
            tpu.yield
          }) : () -> ()
          %dma_start3A = arith.constant 0 : i32
          %dma_start3A_53 = arith.constant 0 : i32
          %dma_start3A_54 = tpu.memref_slice %arg2[%dma_start3A, %dma_start3A_53] : memref<10240x128xf32, #tpu.memory_space<hbm>> -> memref<10240x128xf32, #tpu.memory_space<hbm>>
          tpu.enqueue_indirect_dma source(%dma_start3A_54 : memref<10240x128xf32, #tpu.memory_space<hbm>>) target(%arg8 : memref<128x128xf32, #tpu.memory_space<vmem>>) offsets(%arg6 : memref<128xi32, #tpu.memory_space<vmem>>) semaphore(%arg10 : memref<!tpu.dma_semaphore, #tpu.memory_space<semaphore_mem>>)
        } else {
        }
      } else {
      }
    }
    %scan3A_16 = arith.constant 4 : i32
    return
  }
}

#map = affine_map<(d0, d1) -> (0, 0)>
#map1 = affine_map<(d0, d1) -> (0, 0, 0)>
module attributes {stable_mosaic.version = 14 : i64} {
  func.func @k(%arg0: i32, %arg1: i32, %arg2: memref<64000x128xf32, #tpu.memory_space<hbm>>, %arg3: memref<500x128xi32, #tpu.memory_space<hbm>>, %arg4: memref<10240x32xf32, #tpu.memory_space<hbm>>, %arg5: memref<2x10240x32xf32, #tpu.memory_space<hbm>>, %arg6: memref<128xi32, #tpu.memory_space<vmem>>, %arg7: memref<128xi32, #tpu.memory_space<vmem>>, %arg8: memref<128x32xf32, #tpu.memory_space<vmem>>, %arg9: memref<128x32xf32, #tpu.memory_space<vmem>>, %arg10: memref<10240x32xf32, #tpu.memory_space<vmem_shared>>, %arg11: memref<!tpu.dma_semaphore, #tpu.memory_space<semaphore_mem>>, %arg12: memref<!tpu.dma_semaphore, #tpu.memory_space<semaphore_mem>>) attributes {dimension_semantics = [#tpu.dimension_semantics<core_parallel>, #tpu.dimension_semantics<subcore_parallel>], iteration_bounds = array<i64: 2, 16>, scalar_prefetch = 0 : i64, scratch_operands = 7 : i64, tpu.core_type = #tpu.core_type<sc_vector_subcore>, window_params = [{transform_indices = #map}, {transform_indices = #map}, {transform_indices = #map}, {transform_indices = #map1}]} {
    %mul3A = arith.constant 640 : i32
    %mul3A_0 = arith.muli %arg1, %mul3A : i32
    %mul3A_1 = arith.constant 640 : i32
    %mul3A_2 = arith.muli %arg1, %mul3A_1 : i32
    "tpu.region"() ({
      %run_scoped3A = tpu.sem_alloc : memref<!tpu.dma_semaphore, #tpu.memory_space<semaphore_mem>>
      %dma_start3A = arith.constant 0 : i32
      %dma_start3A_35 = tpu.memref_slice %arg10[%mul3A_2, %dma_start3A] : memref<10240x32xf32, #tpu.memory_space<vmem_shared>> -> memref<640x32xf32, #tpu.memory_space<vmem_shared>>
      %dma_start3A_36 = arith.constant 0 : i32
      %dma_start3A_37 = tpu.memref_slice %arg4[%mul3A_0, %dma_start3A_36] : memref<10240x32xf32, #tpu.memory_space<hbm>> -> memref<640x32xf32, #tpu.memory_space<hbm>>
      tpu.enqueue_dma source(%dma_start3A_37 : memref<640x32xf32, #tpu.memory_space<hbm>>) target(%dma_start3A_35 : memref<640x32xf32, #tpu.memory_space<vmem_shared>>) target_semaphore(%run_scoped3A : memref<!tpu.dma_semaphore, #tpu.memory_space<semaphore_mem>>)
      %dma_wait3A = arith.constant 0 : i32
      %dma_wait3A_38 = tpu.memref_slice %arg10[%mul3A_2, %dma_wait3A] : memref<10240x32xf32, #tpu.memory_space<vmem_shared>> -> memref<640x32xf32, #tpu.memory_space<vmem_shared>>
      %dma_wait3A_39 = arith.constant 0 : i32
      %dma_wait3A_40 = tpu.memref_slice %arg4[%mul3A_0, %dma_wait3A_39] : memref<10240x32xf32, #tpu.memory_space<hbm>> -> memref<640x32xf32, #tpu.memory_space<hbm>>
      tpu.wait_dma2 semaphore(%run_scoped3A : memref<!tpu.dma_semaphore, #tpu.memory_space<semaphore_mem>>) src(%dma_wait3A_40 : memref<640x32xf32, #tpu.memory_space<hbm>>) dst(%dma_wait3A_38 : memref<640x32xf32, #tpu.memory_space<vmem_shared>>)
      tpu.yield
    }) : () -> ()
    %mul3A_3 = arith.constant 250 : i32
    %mul3A_4 = arith.muli %arg0, %mul3A_3 : i32
    %add3A = arith.addi %mul3A_4, %arg1 : i32
    %add3A_5 = arith.constant 0 : i32
    %add3A_6 = arith.addi %add3A, %add3A_5 : i32
    %add3A_7 = arith.constant 1 : i32
    %add3A_8 = arith.addi %arg0, %add3A_7 : i32
    %mul3A_9 = arith.constant 250 : i32
    %mul3A_10 = arith.muli %add3A_8, %mul3A_9 : i32
    %lt3A = arith.cmpi slt, %add3A_6, %mul3A_10 : i32
    %convert_element_type3A = arith.extui %lt3A : i1 to i32
    %cond3A = arith.constant 0 : i32
    %cond3A_11 = arith.cmpi ne, %convert_element_type3A, %cond3A : i32
    scf.if %cond3A_11 {
      "tpu.region"() ({
        %run_scoped3A = tpu.sem_alloc : memref<!tpu.dma_semaphore, #tpu.memory_space<semaphore_mem>>
        %dma_start3A_40 = arith.constant 0 : i32
        %dma_start3A_41 = tpu.memref_slice %arg3[%add3A_6, %dma_start3A_40] : memref<500x128xi32, #tpu.memory_space<hbm>> -> memref<1x128xi32, #tpu.memory_space<hbm>>
        %dma_start3A_42 = tpu.memref_squeeze %dma_start3A_41 : memref<1x128xi32, #tpu.memory_space<hbm>> -> memref<128xi32, #tpu.memory_space<hbm>>
        %dma_start3A_43 = arith.constant 0 : i32
        %dma_start3A_44 = tpu.memref_slice %arg3[%add3A_6, %dma_start3A_43] : memref<500x128xi32, #tpu.memory_space<hbm>> -> memref<1x128xi32, #tpu.memory_space<hbm>>
        %dma_start3A_45 = tpu.memref_squeeze %dma_start3A_44 : memref<1x128xi32, #tpu.memory_space<hbm>> -> memref<128xi32, #tpu.memory_space<hbm>>
        tpu.enqueue_dma source(%dma_start3A_45 : memref<128xi32, #tpu.memory_space<hbm>>) target(%arg6 : memref<128xi32, #tpu.memory_space<vmem>>) target_semaphore(%run_scoped3A : memref<!tpu.dma_semaphore, #tpu.memory_space<semaphore_mem>>)
        %dma_wait3A = arith.constant 0 : i32
        %dma_wait3A_46 = tpu.memref_slice %arg3[%add3A_6, %dma_wait3A] : memref<500x128xi32, #tpu.memory_space<hbm>> -> memref<1x128xi32, #tpu.memory_space<hbm>>
        %dma_wait3A_47 = tpu.memref_squeeze %dma_wait3A_46 : memref<1x128xi32, #tpu.memory_space<hbm>> -> memref<128xi32, #tpu.memory_space<hbm>>
        %dma_wait3A_48 = arith.constant 0 : i32
        %dma_wait3A_49 = tpu.memref_slice %arg3[%add3A_6, %dma_wait3A_48] : memref<500x128xi32, #tpu.memory_space<hbm>> -> memref<1x128xi32, #tpu.memory_space<hbm>>
        %dma_wait3A_50 = tpu.memref_squeeze %dma_wait3A_49 : memref<1x128xi32, #tpu.memory_space<hbm>> -> memref<128xi32, #tpu.memory_space<hbm>>
        tpu.wait_dma2 semaphore(%run_scoped3A : memref<!tpu.dma_semaphore, #tpu.memory_space<semaphore_mem>>) src(%dma_wait3A_50 : memref<128xi32, #tpu.memory_space<hbm>>) dst(%arg6 : memref<128xi32, #tpu.memory_space<vmem>>)
        tpu.yield
      }) : () -> ()
      %mul3A_35 = arith.constant 128 : i32
      %mul3A_36 = arith.muli %add3A_6, %mul3A_35 : i32
      %dma_start3A = arith.constant 0 : i32
      %dma_start3A_37 = tpu.memref_slice %arg2[%mul3A_36, %dma_start3A] : memref<64000x128xf32, #tpu.memory_space<hbm>> -> memref<128x32xf32, #tpu.memory_space<hbm>>
      %dma_start3A_38 = arith.constant 0 : i32
      %dma_start3A_39 = tpu.memref_slice %arg2[%mul3A_36, %dma_start3A_38] : memref<64000x128xf32, #tpu.memory_space<hbm>> -> memref<128x32xf32, #tpu.memory_space<hbm>>
      tpu.enqueue_dma source(%dma_start3A_39 : memref<128x32xf32, #tpu.memory_space<hbm>>) target(%arg8 : memref<128x32xf32, #tpu.memory_space<vmem>>) target_semaphore(%arg11 : memref<!tpu.dma_semaphore, #tpu.memory_space<semaphore_mem>>)
    } else {
    }
    %mul3A_12 = arith.constant 250 : i32
    %mul3A_13 = arith.muli %arg0, %mul3A_12 : i32
    %add3A_14 = arith.addi %mul3A_13, %arg1 : i32
    %add3A_15 = arith.constant 16 : i32
    %add3A_16 = arith.addi %add3A_14, %add3A_15 : i32
    %add3A_17 = arith.constant 1 : i32
    %add3A_18 = arith.addi %arg0, %add3A_17 : i32
    %mul3A_19 = arith.constant 250 : i32
    %mul3A_20 = arith.muli %add3A_18, %mul3A_19 : i32
    %lt3A_21 = arith.cmpi slt, %add3A_16, %mul3A_20 : i32
    %convert_element_type3A_22 = arith.extui %lt3A_21 : i1 to i32
    %cond3A_23 = arith.constant 0 : i32
    %cond3A_24 = arith.cmpi ne, %convert_element_type3A_22, %cond3A_23 : i32
    scf.if %cond3A_24 {
      "tpu.region"() ({
        %run_scoped3A = tpu.sem_alloc : memref<!tpu.dma_semaphore, #tpu.memory_space<semaphore_mem>>
        %dma_start3A_40 = arith.constant 0 : i32
        %dma_start3A_41 = tpu.memref_slice %arg3[%add3A_16, %dma_start3A_40] : memref<500x128xi32, #tpu.memory_space<hbm>> -> memref<1x128xi32, #tpu.memory_space<hbm>>
        %dma_start3A_42 = tpu.memref_squeeze %dma_start3A_41 : memref<1x128xi32, #tpu.memory_space<hbm>> -> memref<128xi32, #tpu.memory_space<hbm>>
        %dma_start3A_43 = arith.constant 0 : i32
        %dma_start3A_44 = tpu.memref_slice %arg3[%add3A_16, %dma_start3A_43] : memref<500x128xi32, #tpu.memory_space<hbm>> -> memref<1x128xi32, #tpu.memory_space<hbm>>
        %dma_start3A_45 = tpu.memref_squeeze %dma_start3A_44 : memref<1x128xi32, #tpu.memory_space<hbm>> -> memref<128xi32, #tpu.memory_space<hbm>>
        tpu.enqueue_dma source(%dma_start3A_45 : memref<128xi32, #tpu.memory_space<hbm>>) target(%arg7 : memref<128xi32, #tpu.memory_space<vmem>>) target_semaphore(%run_scoped3A : memref<!tpu.dma_semaphore, #tpu.memory_space<semaphore_mem>>)
        %dma_wait3A = arith.constant 0 : i32
        %dma_wait3A_46 = tpu.memref_slice %arg3[%add3A_16, %dma_wait3A] : memref<500x128xi32, #tpu.memory_space<hbm>> -> memref<1x128xi32, #tpu.memory_space<hbm>>
        %dma_wait3A_47 = tpu.memref_squeeze %dma_wait3A_46 : memref<1x128xi32, #tpu.memory_space<hbm>> -> memref<128xi32, #tpu.memory_space<hbm>>
        %dma_wait3A_48 = arith.constant 0 : i32
        %dma_wait3A_49 = tpu.memref_slice %arg3[%add3A_16, %dma_wait3A_48] : memref<500x128xi32, #tpu.memory_space<hbm>> -> memref<1x128xi32, #tpu.memory_space<hbm>>
        %dma_wait3A_50 = tpu.memref_squeeze %dma_wait3A_49 : memref<1x128xi32, #tpu.memory_space<hbm>> -> memref<128xi32, #tpu.memory_space<hbm>>
        tpu.wait_dma2 semaphore(%run_scoped3A : memref<!tpu.dma_semaphore, #tpu.memory_space<semaphore_mem>>) src(%dma_wait3A_50 : memref<128xi32, #tpu.memory_space<hbm>>) dst(%arg7 : memref<128xi32, #tpu.memory_space<vmem>>)
        tpu.yield
      }) : () -> ()
      %mul3A_35 = arith.constant 128 : i32
      %mul3A_36 = arith.muli %add3A_16, %mul3A_35 : i32
      %dma_start3A = arith.constant 0 : i32
      %dma_start3A_37 = tpu.memref_slice %arg2[%mul3A_36, %dma_start3A] : memref<64000x128xf32, #tpu.memory_space<hbm>> -> memref<128x32xf32, #tpu.memory_space<hbm>>
      %dma_start3A_38 = arith.constant 0 : i32
      %dma_start3A_39 = tpu.memref_slice %arg2[%mul3A_36, %dma_start3A_38] : memref<64000x128xf32, #tpu.memory_space<hbm>> -> memref<128x32xf32, #tpu.memory_space<hbm>>
      tpu.enqueue_dma source(%dma_start3A_39 : memref<128x32xf32, #tpu.memory_space<hbm>>) target(%arg9 : memref<128x32xf32, #tpu.memory_space<vmem>>) target_semaphore(%arg12 : memref<!tpu.dma_semaphore, #tpu.memory_space<semaphore_mem>>)
    } else {
    }
    %barrier3A = arith.constant 0 : index
    tpu.barrier barrier_id(%barrier3A)
    %scan3A = arith.constant 0 : i32
    %scan3A_25 = arith.constant 0 : i32
    %scan3A_26 = arith.constant 8 : i32
    %scan3A_27 = arith.addi %scan3A_25, %scan3A_26 : i32
    %scan3A_28 = arith.constant 1 : i32
    scf.for %scan3A_35 = %scan3A_25 to %scan3A_27 step %scan3A_28  : i32 {
      %mul3A_36 = arith.constant 250 : i32
      %mul3A_37 = arith.muli %arg0, %mul3A_36 : i32
      %add3A_38 = arith.addi %mul3A_37, %arg1 : i32
      %mul3A_39 = arith.constant 2 : i32
      %mul3A_40 = arith.muli %scan3A_35, %mul3A_39 : i32
      %add3A_41 = arith.constant 0 : i32
      %add3A_42 = arith.addi %mul3A_40, %add3A_41 : i32
      %mul3A_43 = arith.constant 16 : i32
      %mul3A_44 = arith.muli %add3A_42, %mul3A_43 : i32
      %add3A_45 = arith.addi %add3A_38, %mul3A_44 : i32
      %add3A_46 = arith.constant 1 : i32
      %add3A_47 = arith.addi %arg0, %add3A_46 : i32
      %mul3A_48 = arith.constant 250 : i32
      %mul3A_49 = arith.muli %add3A_47, %mul3A_48 : i32
      %lt3A_50 = arith.cmpi slt, %add3A_45, %mul3A_49 : i32
      %convert_element_type3A_51 = arith.extui %lt3A_50 : i1 to i32
      %cond3A_52 = arith.constant 0 : i32
      %cond3A_53 = arith.cmpi ne, %convert_element_type3A_51, %cond3A_52 : i32
      scf.if %cond3A_53 {
        %mul3A_72 = arith.constant 128 : i32
        %mul3A_73 = arith.muli %add3A_45, %mul3A_72 : i32
        %dma_wait3A = arith.constant 0 : i32
        %dma_wait3A_74 = tpu.memref_slice %arg2[%mul3A_73, %dma_wait3A] : memref<64000x128xf32, #tpu.memory_space<hbm>> -> memref<128x32xf32, #tpu.memory_space<hbm>>
        %dma_wait3A_75 = arith.constant 0 : i32
        %dma_wait3A_76 = tpu.memref_slice %arg2[%mul3A_73, %dma_wait3A_75] : memref<64000x128xf32, #tpu.memory_space<hbm>> -> memref<128x32xf32, #tpu.memory_space<hbm>>
        tpu.wait_dma2 semaphore(%arg11 : memref<!tpu.dma_semaphore, #tpu.memory_space<semaphore_mem>>) src(%dma_wait3A_76 : memref<128x32xf32, #tpu.memory_space<hbm>>) dst(%arg8 : memref<128x32xf32, #tpu.memory_space<vmem>>)
        "tpu.region"() ({
          %run_scoped3A = tpu.sem_alloc : memref<!tpu.dma_semaphore, #tpu.memory_space<semaphore_mem>>
          %dma_start3A = arith.constant 0 : i32
          %dma_start3A_87 = arith.constant 0 : i32
          %dma_start3A_88 = tpu.memref_slice %arg10[%dma_start3A, %dma_start3A_87] : memref<10240x32xf32, #tpu.memory_space<vmem_shared>> -> memref<10240x32xf32, #tpu.memory_space<vmem_shared>>
          tpu.enqueue_indirect_dma source(%arg8 : memref<128x32xf32, #tpu.memory_space<vmem>>) target(%dma_start3A_88 : memref<10240x32xf32, #tpu.memory_space<vmem_shared>>) offsets(%arg6 : memref<128xi32, #tpu.memory_space<vmem>>) semaphore(%run_scoped3A : memref<!tpu.dma_semaphore, #tpu.memory_space<semaphore_mem>>) {add = true}
          %dma_wait3A_89 = arith.constant 0 : i32
          %dma_wait3A_90 = arith.constant 0 : i32
          %dma_wait3A_91 = tpu.memref_slice %arg10[%dma_wait3A_89, %dma_wait3A_90] : memref<10240x32xf32, #tpu.memory_space<vmem_shared>> -> memref<10240x32xf32, #tpu.memory_space<vmem_shared>>
          tpu.wait_indirect_dma semaphore(%run_scoped3A : memref<!tpu.dma_semaphore, #tpu.memory_space<semaphore_mem>>) src(%arg8 : memref<128x32xf32, #tpu.memory_space<vmem>>) dst(%dma_wait3A_91 : memref<10240x32xf32, #tpu.memory_space<vmem_shared>>)
          tpu.yield
        }) : () -> ()
        %add3A_77 = arith.constant 32 : i32
        %add3A_78 = arith.addi %add3A_45, %add3A_77 : i32
        %add3A_79 = arith.constant 1 : i32
        %add3A_80 = arith.addi %arg0, %add3A_79 : i32
        %mul3A_81 = arith.constant 250 : i32
        %mul3A_82 = arith.muli %add3A_80, %mul3A_81 : i32
        %lt3A_83 = arith.cmpi slt, %add3A_78, %mul3A_82 : i32
        %convert_element_type3A_84 = arith.extui %lt3A_83 : i1 to i32
        %cond3A_85 = arith.constant 0 : i32
        %cond3A_86 = arith.cmpi ne, %convert_element_type3A_84, %cond3A_85 : i32
        scf.if %cond3A_86 {
          "tpu.region"() ({
            %run_scoped3A = tpu.sem_alloc : memref<!tpu.dma_semaphore, #tpu.memory_space<semaphore_mem>>
            %dma_start3A_92 = arith.constant 0 : i32
            %dma_start3A_93 = tpu.memref_slice %arg3[%add3A_78, %dma_start3A_92] : memref<500x128xi32, #tpu.memory_space<hbm>> -> memref<1x128xi32, #tpu.memory_space<hbm>>
            %dma_start3A_94 = tpu.memref_squeeze %dma_start3A_93 : memref<1x128xi32, #tpu.memory_space<hbm>> -> memref<128xi32, #tpu.memory_space<hbm>>
            %dma_start3A_95 = arith.constant 0 : i32
            %dma_start3A_96 = tpu.memref_slice %arg3[%add3A_78, %dma_start3A_95] : memref<500x128xi32, #tpu.memory_space<hbm>> -> memref<1x128xi32, #tpu.memory_space<hbm>>
            %dma_start3A_97 = tpu.memref_squeeze %dma_start3A_96 : memref<1x128xi32, #tpu.memory_space<hbm>> -> memref<128xi32, #tpu.memory_space<hbm>>
            tpu.enqueue_dma source(%dma_start3A_97 : memref<128xi32, #tpu.memory_space<hbm>>) target(%arg6 : memref<128xi32, #tpu.memory_space<vmem>>) target_semaphore(%run_scoped3A : memref<!tpu.dma_semaphore, #tpu.memory_space<semaphore_mem>>)
            %dma_wait3A_98 = arith.constant 0 : i32
            %dma_wait3A_99 = tpu.memref_slice %arg3[%add3A_78, %dma_wait3A_98] : memref<500x128xi32, #tpu.memory_space<hbm>> -> memref<1x128xi32, #tpu.memory_space<hbm>>
            %dma_wait3A_100 = tpu.memref_squeeze %dma_wait3A_99 : memref<1x128xi32, #tpu.memory_space<hbm>> -> memref<128xi32, #tpu.memory_space<hbm>>
            %dma_wait3A_101 = arith.constant 0 : i32
            %dma_wait3A_102 = tpu.memref_slice %arg3[%add3A_78, %dma_wait3A_101] : memref<500x128xi32, #tpu.memory_space<hbm>> -> memref<1x128xi32, #tpu.memory_space<hbm>>
            %dma_wait3A_103 = tpu.memref_squeeze %dma_wait3A_102 : memref<1x128xi32, #tpu.memory_space<hbm>> -> memref<128xi32, #tpu.memory_space<hbm>>
            tpu.wait_dma2 semaphore(%run_scoped3A : memref<!tpu.dma_semaphore, #tpu.memory_space<semaphore_mem>>) src(%dma_wait3A_103 : memref<128xi32, #tpu.memory_space<hbm>>) dst(%arg6 : memref<128xi32, #tpu.memory_space<vmem>>)
            tpu.yield
          }) : () -> ()
          %mul3A_87 = arith.constant 128 : i32
          %mul3A_88 = arith.muli %add3A_78, %mul3A_87 : i32
          %dma_start3A = arith.constant 0 : i32
          %dma_start3A_89 = tpu.memref_slice %arg2[%mul3A_88, %dma_start3A] : memref<64000x128xf32, #tpu.memory_space<hbm>> -> memref<128x32xf32, #tpu.memory_space<hbm>>
          %dma_start3A_90 = arith.constant 0 : i32
          %dma_start3A_91 = tpu.memref_slice %arg2[%mul3A_88, %dma_start3A_90] : memref<64000x128xf32, #tpu.memory_space<hbm>> -> memref<128x32xf32, #tpu.memory_space<hbm>>
          tpu.enqueue_dma source(%dma_start3A_91 : memref<128x32xf32, #tpu.memory_space<hbm>>) target(%arg8 : memref<128x32xf32, #tpu.memory_space<vmem>>) target_semaphore(%arg11 : memref<!tpu.dma_semaphore, #tpu.memory_space<semaphore_mem>>)
        } else {
        }
      } else {
      }
      %mul3A_54 = arith.constant 250 : i32
      %mul3A_55 = arith.muli %arg0, %mul3A_54 : i32
      %add3A_56 = arith.addi %mul3A_55, %arg1 : i32
      %mul3A_57 = arith.constant 2 : i32
      %mul3A_58 = arith.muli %scan3A_35, %mul3A_57 : i32
      %add3A_59 = arith.constant 1 : i32
      %add3A_60 = arith.addi %mul3A_58, %add3A_59 : i32
      %mul3A_61 = arith.constant 16 : i32
      %mul3A_62 = arith.muli %add3A_60, %mul3A_61 : i32
      %add3A_63 = arith.addi %add3A_56, %mul3A_62 : i32
      %add3A_64 = arith.constant 1 : i32
      %add3A_65 = arith.addi %arg0, %add3A_64 : i32
      %mul3A_66 = arith.constant 250 : i32
      %mul3A_67 = arith.muli %add3A_65, %mul3A_66 : i32
      %lt3A_68 = arith.cmpi slt, %add3A_63, %mul3A_67 : i32
      %convert_element_type3A_69 = arith.extui %lt3A_68 : i1 to i32
      %cond3A_70 = arith.constant 0 : i32
      %cond3A_71 = arith.cmpi ne, %convert_element_type3A_69, %cond3A_70 : i32
      scf.if %cond3A_71 {
        %mul3A_72 = arith.constant 128 : i32
        %mul3A_73 = arith.muli %add3A_63, %mul3A_72 : i32
        %dma_wait3A = arith.constant 0 : i32
        %dma_wait3A_74 = tpu.memref_slice %arg2[%mul3A_73, %dma_wait3A] : memref<64000x128xf32, #tpu.memory_space<hbm>> -> memref<128x32xf32, #tpu.memory_space<hbm>>
        %dma_wait3A_75 = arith.constant 0 : i32
        %dma_wait3A_76 = tpu.memref_slice %arg2[%mul3A_73, %dma_wait3A_75] : memref<64000x128xf32, #tpu.memory_space<hbm>> -> memref<128x32xf32, #tpu.memory_space<hbm>>
        tpu.wait_dma2 semaphore(%arg12 : memref<!tpu.dma_semaphore, #tpu.memory_space<semaphore_mem>>) src(%dma_wait3A_76 : memref<128x32xf32, #tpu.memory_space<hbm>>) dst(%arg9 : memref<128x32xf32, #tpu.memory_space<vmem>>)
        "tpu.region"() ({
          %run_scoped3A = tpu.sem_alloc : memref<!tpu.dma_semaphore, #tpu.memory_space<semaphore_mem>>
          %dma_start3A = arith.constant 0 : i32
          %dma_start3A_87 = arith.constant 0 : i32
          %dma_start3A_88 = tpu.memref_slice %arg10[%dma_start3A, %dma_start3A_87] : memref<10240x32xf32, #tpu.memory_space<vmem_shared>> -> memref<10240x32xf32, #tpu.memory_space<vmem_shared>>
          tpu.enqueue_indirect_dma source(%arg9 : memref<128x32xf32, #tpu.memory_space<vmem>>) target(%dma_start3A_88 : memref<10240x32xf32, #tpu.memory_space<vmem_shared>>) offsets(%arg7 : memref<128xi32, #tpu.memory_space<vmem>>) semaphore(%run_scoped3A : memref<!tpu.dma_semaphore, #tpu.memory_space<semaphore_mem>>) {add = true}
          %dma_wait3A_89 = arith.constant 0 : i32
          %dma_wait3A_90 = arith.constant 0 : i32
          %dma_wait3A_91 = tpu.memref_slice %arg10[%dma_wait3A_89, %dma_wait3A_90] : memref<10240x32xf32, #tpu.memory_space<vmem_shared>> -> memref<10240x32xf32, #tpu.memory_space<vmem_shared>>
          tpu.wait_indirect_dma semaphore(%run_scoped3A : memref<!tpu.dma_semaphore, #tpu.memory_space<semaphore_mem>>) src(%arg9 : memref<128x32xf32, #tpu.memory_space<vmem>>) dst(%dma_wait3A_91 : memref<10240x32xf32, #tpu.memory_space<vmem_shared>>)
          tpu.yield
        }) : () -> ()
        %add3A_77 = arith.constant 32 : i32
        %add3A_78 = arith.addi %add3A_63, %add3A_77 : i32
        %add3A_79 = arith.constant 1 : i32
        %add3A_80 = arith.addi %arg0, %add3A_79 : i32
        %mul3A_81 = arith.constant 250 : i32
        %mul3A_82 = arith.muli %add3A_80, %mul3A_81 : i32
        %lt3A_83 = arith.cmpi slt, %add3A_78, %mul3A_82 : i32
        %convert_element_type3A_84 = arith.extui %lt3A_83 : i1 to i32
        %cond3A_85 = arith.constant 0 : i32
        %cond3A_86 = arith.cmpi ne, %convert_element_type3A_84, %cond3A_85 : i32
        scf.if %cond3A_86 {
          "tpu.region"() ({
            %run_scoped3A = tpu.sem_alloc : memref<!tpu.dma_semaphore, #tpu.memory_space<semaphore_mem>>
            %dma_start3A_92 = arith.constant 0 : i32
            %dma_start3A_93 = tpu.memref_slice %arg3[%add3A_78, %dma_start3A_92] : memref<500x128xi32, #tpu.memory_space<hbm>> -> memref<1x128xi32, #tpu.memory_space<hbm>>
            %dma_start3A_94 = tpu.memref_squeeze %dma_start3A_93 : memref<1x128xi32, #tpu.memory_space<hbm>> -> memref<128xi32, #tpu.memory_space<hbm>>
            %dma_start3A_95 = arith.constant 0 : i32
            %dma_start3A_96 = tpu.memref_slice %arg3[%add3A_78, %dma_start3A_95] : memref<500x128xi32, #tpu.memory_space<hbm>> -> memref<1x128xi32, #tpu.memory_space<hbm>>
            %dma_start3A_97 = tpu.memref_squeeze %dma_start3A_96 : memref<1x128xi32, #tpu.memory_space<hbm>> -> memref<128xi32, #tpu.memory_space<hbm>>
            tpu.enqueue_dma source(%dma_start3A_97 : memref<128xi32, #tpu.memory_space<hbm>>) target(%arg7 : memref<128xi32, #tpu.memory_space<vmem>>) target_semaphore(%run_scoped3A : memref<!tpu.dma_semaphore, #tpu.memory_space<semaphore_mem>>)
            %dma_wait3A_98 = arith.constant 0 : i32
            %dma_wait3A_99 = tpu.memref_slice %arg3[%add3A_78, %dma_wait3A_98] : memref<500x128xi32, #tpu.memory_space<hbm>> -> memref<1x128xi32, #tpu.memory_space<hbm>>
            %dma_wait3A_100 = tpu.memref_squeeze %dma_wait3A_99 : memref<1x128xi32, #tpu.memory_space<hbm>> -> memref<128xi32, #tpu.memory_space<hbm>>
            %dma_wait3A_101 = arith.constant 0 : i32
            %dma_wait3A_102 = tpu.memref_slice %arg3[%add3A_78, %dma_wait3A_101] : memref<500x128xi32, #tpu.memory_space<hbm>> -> memref<1x128xi32, #tpu.memory_space<hbm>>
            %dma_wait3A_103 = tpu.memref_squeeze %dma_wait3A_102 : memref<1x128xi32, #tpu.memory_space<hbm>> -> memref<128xi32, #tpu.memory_space<hbm>>
            tpu.wait_dma2 semaphore(%run_scoped3A : memref<!tpu.dma_semaphore, #tpu.memory_space<semaphore_mem>>) src(%dma_wait3A_103 : memref<128xi32, #tpu.memory_space<hbm>>) dst(%arg7 : memref<128xi32, #tpu.memory_space<vmem>>)
            tpu.yield
          }) : () -> ()
          %mul3A_87 = arith.constant 128 : i32
          %mul3A_88 = arith.muli %add3A_78, %mul3A_87 : i32
          %dma_start3A = arith.constant 0 : i32
          %dma_start3A_89 = tpu.memref_slice %arg2[%mul3A_88, %dma_start3A] : memref<64000x128xf32, #tpu.memory_space<hbm>> -> memref<128x32xf32, #tpu.memory_space<hbm>>
          %dma_start3A_90 = arith.constant 0 : i32
          %dma_start3A_91 = tpu.memref_slice %arg2[%mul3A_88, %dma_start3A_90] : memref<64000x128xf32, #tpu.memory_space<hbm>> -> memref<128x32xf32, #tpu.memory_space<hbm>>
          tpu.enqueue_dma source(%dma_start3A_91 : memref<128x32xf32, #tpu.memory_space<hbm>>) target(%arg9 : memref<128x32xf32, #tpu.memory_space<vmem>>) target_semaphore(%arg12 : memref<!tpu.dma_semaphore, #tpu.memory_space<semaphore_mem>>)
        } else {
        }
      } else {
      }
    }
    %scan3A_29 = arith.constant 8 : i32
    %barrier3A_30 = arith.constant 0 : index
    tpu.barrier barrier_id(%barrier3A_30)
    %mul3A_31 = arith.constant 640 : i32
    %mul3A_32 = arith.muli %arg1, %mul3A_31 : i32
    %mul3A_33 = arith.constant 640 : i32
    %mul3A_34 = arith.muli %arg1, %mul3A_33 : i32
    "tpu.region"() ({
      %run_scoped3A = tpu.sem_alloc : memref<!tpu.dma_semaphore, #tpu.memory_space<semaphore_mem>>
      %dma_start3A = arith.constant 0 : i32
      %dma_start3A_35 = tpu.memref_slice %arg5[%arg0, %mul3A_34, %dma_start3A] : memref<2x10240x32xf32, #tpu.memory_space<hbm>> -> memref<1x640x32xf32, #tpu.memory_space<hbm>>
      %dma_start3A_36 = tpu.memref_squeeze %dma_start3A_35 : memref<1x640x32xf32, #tpu.memory_space<hbm>> -> memref<640x32xf32, #tpu.memory_space<hbm>>
      %dma_start3A_37 = arith.constant 0 : i32
      %dma_start3A_38 = tpu.memref_slice %arg10[%mul3A_32, %dma_start3A_37] : memref<10240x32xf32, #tpu.memory_space<vmem_shared>> -> memref<640x32xf32, #tpu.memory_space<vmem_shared>>
      tpu.enqueue_dma source(%dma_start3A_38 : memref<640x32xf32, #tpu.memory_space<vmem_shared>>) target(%dma_start3A_36 : memref<640x32xf32, #tpu.memory_space<hbm>>) target_semaphore(%run_scoped3A : memref<!tpu.dma_semaphore, #tpu.memory_space<semaphore_mem>>)
      %dma_wait3A = arith.constant 0 : i32
      %dma_wait3A_39 = tpu.memref_slice %arg5[%arg0, %mul3A_34, %dma_wait3A] : memref<2x10240x32xf32, #tpu.memory_space<hbm>> -> memref<1x640x32xf32, #tpu.memory_space<hbm>>
      %dma_wait3A_40 = tpu.memref_squeeze %dma_wait3A_39 : memref<1x640x32xf32, #tpu.memory_space<hbm>> -> memref<640x32xf32, #tpu.memory_space<hbm>>
      %dma_wait3A_41 = arith.constant 0 : i32
      %dma_wait3A_42 = tpu.memref_slice %arg10[%mul3A_32, %dma_wait3A_41] : memref<10240x32xf32, #tpu.memory_space<vmem_shared>> -> memref<640x32xf32, #tpu.memory_space<vmem_shared>>
      tpu.wait_dma2 semaphore(%run_scoped3A : memref<!tpu.dma_semaphore, #tpu.memory_space<semaphore_mem>>) src(%dma_wait3A_42 : memref<640x32xf32, #tpu.memory_space<vmem_shared>>) dst(%dma_wait3A_40 : memref<640x32xf32, #tpu.memory_space<hbm>>)
      tpu.yield
    }) : () -> ()
    return
  }
}

#map = affine_map<(d0, d1) -> (0, 0)>
#map1 = affine_map<(d0, d1) -> (0, 0, 0)>
module attributes {stable_mosaic.version = 14 : i64} {
  func.func @k(%arg0: i32, %arg1: i32, %arg2: memref<25600x128xf32, #tpu.memory_space<hbm>>, %arg3: memref<200x128xi32, #tpu.memory_space<hbm>>, %arg4: memref<10240x32xf32, #tpu.memory_space<hbm>>, %arg5: memref<2x10240x32xf32, #tpu.memory_space<hbm>>, %arg6: memref<128xi32, #tpu.memory_space<vmem>>, %arg7: memref<128xi32, #tpu.memory_space<vmem>>, %arg8: memref<128x32xf32, #tpu.memory_space<vmem>>, %arg9: memref<128x32xf32, #tpu.memory_space<vmem>>, %arg10: memref<10240x32xf32, #tpu.memory_space<vmem_shared>>, %arg11: memref<!tpu.dma_semaphore, #tpu.memory_space<semaphore_mem>>, %arg12: memref<!tpu.dma_semaphore, #tpu.memory_space<semaphore_mem>>) attributes {dimension_semantics = [#tpu.dimension_semantics<core_parallel>, #tpu.dimension_semantics<subcore_parallel>], iteration_bounds = array<i64: 2, 16>, scalar_prefetch = 0 : i64, scratch_operands = 7 : i64, tpu.core_type = #tpu.core_type<sc_vector_subcore>, window_params = [{transform_indices = #map}, {transform_indices = #map}, {transform_indices = #map}, {transform_indices = #map1}]} {
    %mul3A = arith.constant 640 : i32
    %mul3A_0 = arith.muli %arg1, %mul3A : i32
    %mul3A_1 = arith.constant 640 : i32
    %mul3A_2 = arith.muli %arg1, %mul3A_1 : i32
    "tpu.region"() ({
      %run_scoped3A = tpu.sem_alloc : memref<!tpu.dma_semaphore, #tpu.memory_space<semaphore_mem>>
      %dma_start3A = arith.constant 0 : i32
      %dma_start3A_35 = tpu.memref_slice %arg10[%mul3A_2, %dma_start3A] : memref<10240x32xf32, #tpu.memory_space<vmem_shared>> -> memref<640x32xf32, #tpu.memory_space<vmem_shared>>
      %dma_start3A_36 = arith.constant 0 : i32
      %dma_start3A_37 = tpu.memref_slice %arg4[%mul3A_0, %dma_start3A_36] : memref<10240x32xf32, #tpu.memory_space<hbm>> -> memref<640x32xf32, #tpu.memory_space<hbm>>
      tpu.enqueue_dma source(%dma_start3A_37 : memref<640x32xf32, #tpu.memory_space<hbm>>) target(%dma_start3A_35 : memref<640x32xf32, #tpu.memory_space<vmem_shared>>) target_semaphore(%run_scoped3A : memref<!tpu.dma_semaphore, #tpu.memory_space<semaphore_mem>>)
      %dma_wait3A = arith.constant 0 : i32
      %dma_wait3A_38 = tpu.memref_slice %arg10[%mul3A_2, %dma_wait3A] : memref<10240x32xf32, #tpu.memory_space<vmem_shared>> -> memref<640x32xf32, #tpu.memory_space<vmem_shared>>
      %dma_wait3A_39 = arith.constant 0 : i32
      %dma_wait3A_40 = tpu.memref_slice %arg4[%mul3A_0, %dma_wait3A_39] : memref<10240x32xf32, #tpu.memory_space<hbm>> -> memref<640x32xf32, #tpu.memory_space<hbm>>
      tpu.wait_dma2 semaphore(%run_scoped3A : memref<!tpu.dma_semaphore, #tpu.memory_space<semaphore_mem>>) src(%dma_wait3A_40 : memref<640x32xf32, #tpu.memory_space<hbm>>) dst(%dma_wait3A_38 : memref<640x32xf32, #tpu.memory_space<vmem_shared>>)
      tpu.yield
    }) : () -> ()
    %mul3A_3 = arith.constant 100 : i32
    %mul3A_4 = arith.muli %arg0, %mul3A_3 : i32
    %add3A = arith.addi %mul3A_4, %arg1 : i32
    %add3A_5 = arith.constant 0 : i32
    %add3A_6 = arith.addi %add3A, %add3A_5 : i32
    %add3A_7 = arith.constant 1 : i32
    %add3A_8 = arith.addi %arg0, %add3A_7 : i32
    %mul3A_9 = arith.constant 100 : i32
    %mul3A_10 = arith.muli %add3A_8, %mul3A_9 : i32
    %lt3A = arith.cmpi slt, %add3A_6, %mul3A_10 : i32
    %convert_element_type3A = arith.extui %lt3A : i1 to i32
    %cond3A = arith.constant 0 : i32
    %cond3A_11 = arith.cmpi ne, %convert_element_type3A, %cond3A : i32
    scf.if %cond3A_11 {
      "tpu.region"() ({
        %run_scoped3A = tpu.sem_alloc : memref<!tpu.dma_semaphore, #tpu.memory_space<semaphore_mem>>
        %dma_start3A_40 = arith.constant 0 : i32
        %dma_start3A_41 = tpu.memref_slice %arg3[%add3A_6, %dma_start3A_40] : memref<200x128xi32, #tpu.memory_space<hbm>> -> memref<1x128xi32, #tpu.memory_space<hbm>>
        %dma_start3A_42 = tpu.memref_squeeze %dma_start3A_41 : memref<1x128xi32, #tpu.memory_space<hbm>> -> memref<128xi32, #tpu.memory_space<hbm>>
        %dma_start3A_43 = arith.constant 0 : i32
        %dma_start3A_44 = tpu.memref_slice %arg3[%add3A_6, %dma_start3A_43] : memref<200x128xi32, #tpu.memory_space<hbm>> -> memref<1x128xi32, #tpu.memory_space<hbm>>
        %dma_start3A_45 = tpu.memref_squeeze %dma_start3A_44 : memref<1x128xi32, #tpu.memory_space<hbm>> -> memref<128xi32, #tpu.memory_space<hbm>>
        tpu.enqueue_dma source(%dma_start3A_45 : memref<128xi32, #tpu.memory_space<hbm>>) target(%arg6 : memref<128xi32, #tpu.memory_space<vmem>>) target_semaphore(%run_scoped3A : memref<!tpu.dma_semaphore, #tpu.memory_space<semaphore_mem>>)
        %dma_wait3A = arith.constant 0 : i32
        %dma_wait3A_46 = tpu.memref_slice %arg3[%add3A_6, %dma_wait3A] : memref<200x128xi32, #tpu.memory_space<hbm>> -> memref<1x128xi32, #tpu.memory_space<hbm>>
        %dma_wait3A_47 = tpu.memref_squeeze %dma_wait3A_46 : memref<1x128xi32, #tpu.memory_space<hbm>> -> memref<128xi32, #tpu.memory_space<hbm>>
        %dma_wait3A_48 = arith.constant 0 : i32
        %dma_wait3A_49 = tpu.memref_slice %arg3[%add3A_6, %dma_wait3A_48] : memref<200x128xi32, #tpu.memory_space<hbm>> -> memref<1x128xi32, #tpu.memory_space<hbm>>
        %dma_wait3A_50 = tpu.memref_squeeze %dma_wait3A_49 : memref<1x128xi32, #tpu.memory_space<hbm>> -> memref<128xi32, #tpu.memory_space<hbm>>
        tpu.wait_dma2 semaphore(%run_scoped3A : memref<!tpu.dma_semaphore, #tpu.memory_space<semaphore_mem>>) src(%dma_wait3A_50 : memref<128xi32, #tpu.memory_space<hbm>>) dst(%arg6 : memref<128xi32, #tpu.memory_space<vmem>>)
        tpu.yield
      }) : () -> ()
      %mul3A_35 = arith.constant 128 : i32
      %mul3A_36 = arith.muli %add3A_6, %mul3A_35 : i32
      %dma_start3A = arith.constant 0 : i32
      %dma_start3A_37 = tpu.memref_slice %arg2[%mul3A_36, %dma_start3A] : memref<25600x128xf32, #tpu.memory_space<hbm>> -> memref<128x32xf32, #tpu.memory_space<hbm>>
      %dma_start3A_38 = arith.constant 0 : i32
      %dma_start3A_39 = tpu.memref_slice %arg2[%mul3A_36, %dma_start3A_38] : memref<25600x128xf32, #tpu.memory_space<hbm>> -> memref<128x32xf32, #tpu.memory_space<hbm>>
      tpu.enqueue_dma source(%dma_start3A_39 : memref<128x32xf32, #tpu.memory_space<hbm>>) target(%arg8 : memref<128x32xf32, #tpu.memory_space<vmem>>) target_semaphore(%arg11 : memref<!tpu.dma_semaphore, #tpu.memory_space<semaphore_mem>>)
    } else {
    }
    %mul3A_12 = arith.constant 100 : i32
    %mul3A_13 = arith.muli %arg0, %mul3A_12 : i32
    %add3A_14 = arith.addi %mul3A_13, %arg1 : i32
    %add3A_15 = arith.constant 16 : i32
    %add3A_16 = arith.addi %add3A_14, %add3A_15 : i32
    %add3A_17 = arith.constant 1 : i32
    %add3A_18 = arith.addi %arg0, %add3A_17 : i32
    %mul3A_19 = arith.constant 100 : i32
    %mul3A_20 = arith.muli %add3A_18, %mul3A_19 : i32
    %lt3A_21 = arith.cmpi slt, %add3A_16, %mul3A_20 : i32
    %convert_element_type3A_22 = arith.extui %lt3A_21 : i1 to i32
    %cond3A_23 = arith.constant 0 : i32
    %cond3A_24 = arith.cmpi ne, %convert_element_type3A_22, %cond3A_23 : i32
    scf.if %cond3A_24 {
      "tpu.region"() ({
        %run_scoped3A = tpu.sem_alloc : memref<!tpu.dma_semaphore, #tpu.memory_space<semaphore_mem>>
        %dma_start3A_40 = arith.constant 0 : i32
        %dma_start3A_41 = tpu.memref_slice %arg3[%add3A_16, %dma_start3A_40] : memref<200x128xi32, #tpu.memory_space<hbm>> -> memref<1x128xi32, #tpu.memory_space<hbm>>
        %dma_start3A_42 = tpu.memref_squeeze %dma_start3A_41 : memref<1x128xi32, #tpu.memory_space<hbm>> -> memref<128xi32, #tpu.memory_space<hbm>>
        %dma_start3A_43 = arith.constant 0 : i32
        %dma_start3A_44 = tpu.memref_slice %arg3[%add3A_16, %dma_start3A_43] : memref<200x128xi32, #tpu.memory_space<hbm>> -> memref<1x128xi32, #tpu.memory_space<hbm>>
        %dma_start3A_45 = tpu.memref_squeeze %dma_start3A_44 : memref<1x128xi32, #tpu.memory_space<hbm>> -> memref<128xi32, #tpu.memory_space<hbm>>
        tpu.enqueue_dma source(%dma_start3A_45 : memref<128xi32, #tpu.memory_space<hbm>>) target(%arg7 : memref<128xi32, #tpu.memory_space<vmem>>) target_semaphore(%run_scoped3A : memref<!tpu.dma_semaphore, #tpu.memory_space<semaphore_mem>>)
        %dma_wait3A = arith.constant 0 : i32
        %dma_wait3A_46 = tpu.memref_slice %arg3[%add3A_16, %dma_wait3A] : memref<200x128xi32, #tpu.memory_space<hbm>> -> memref<1x128xi32, #tpu.memory_space<hbm>>
        %dma_wait3A_47 = tpu.memref_squeeze %dma_wait3A_46 : memref<1x128xi32, #tpu.memory_space<hbm>> -> memref<128xi32, #tpu.memory_space<hbm>>
        %dma_wait3A_48 = arith.constant 0 : i32
        %dma_wait3A_49 = tpu.memref_slice %arg3[%add3A_16, %dma_wait3A_48] : memref<200x128xi32, #tpu.memory_space<hbm>> -> memref<1x128xi32, #tpu.memory_space<hbm>>
        %dma_wait3A_50 = tpu.memref_squeeze %dma_wait3A_49 : memref<1x128xi32, #tpu.memory_space<hbm>> -> memref<128xi32, #tpu.memory_space<hbm>>
        tpu.wait_dma2 semaphore(%run_scoped3A : memref<!tpu.dma_semaphore, #tpu.memory_space<semaphore_mem>>) src(%dma_wait3A_50 : memref<128xi32, #tpu.memory_space<hbm>>) dst(%arg7 : memref<128xi32, #tpu.memory_space<vmem>>)
        tpu.yield
      }) : () -> ()
      %mul3A_35 = arith.constant 128 : i32
      %mul3A_36 = arith.muli %add3A_16, %mul3A_35 : i32
      %dma_start3A = arith.constant 0 : i32
      %dma_start3A_37 = tpu.memref_slice %arg2[%mul3A_36, %dma_start3A] : memref<25600x128xf32, #tpu.memory_space<hbm>> -> memref<128x32xf32, #tpu.memory_space<hbm>>
      %dma_start3A_38 = arith.constant 0 : i32
      %dma_start3A_39 = tpu.memref_slice %arg2[%mul3A_36, %dma_start3A_38] : memref<25600x128xf32, #tpu.memory_space<hbm>> -> memref<128x32xf32, #tpu.memory_space<hbm>>
      tpu.enqueue_dma source(%dma_start3A_39 : memref<128x32xf32, #tpu.memory_space<hbm>>) target(%arg9 : memref<128x32xf32, #tpu.memory_space<vmem>>) target_semaphore(%arg12 : memref<!tpu.dma_semaphore, #tpu.memory_space<semaphore_mem>>)
    } else {
    }
    %barrier3A = arith.constant 0 : index
    tpu.barrier barrier_id(%barrier3A)
    %scan3A = arith.constant 0 : i32
    %scan3A_25 = arith.constant 0 : i32
    %scan3A_26 = arith.constant 4 : i32
    %scan3A_27 = arith.addi %scan3A_25, %scan3A_26 : i32
    %scan3A_28 = arith.constant 1 : i32
    scf.for %scan3A_35 = %scan3A_25 to %scan3A_27 step %scan3A_28  : i32 {
      %mul3A_36 = arith.constant 100 : i32
      %mul3A_37 = arith.muli %arg0, %mul3A_36 : i32
      %add3A_38 = arith.addi %mul3A_37, %arg1 : i32
      %mul3A_39 = arith.constant 2 : i32
      %mul3A_40 = arith.muli %scan3A_35, %mul3A_39 : i32
      %add3A_41 = arith.constant 0 : i32
      %add3A_42 = arith.addi %mul3A_40, %add3A_41 : i32
      %mul3A_43 = arith.constant 16 : i32
      %mul3A_44 = arith.muli %add3A_42, %mul3A_43 : i32
      %add3A_45 = arith.addi %add3A_38, %mul3A_44 : i32
      %add3A_46 = arith.constant 1 : i32
      %add3A_47 = arith.addi %arg0, %add3A_46 : i32
      %mul3A_48 = arith.constant 100 : i32
      %mul3A_49 = arith.muli %add3A_47, %mul3A_48 : i32
      %lt3A_50 = arith.cmpi slt, %add3A_45, %mul3A_49 : i32
      %convert_element_type3A_51 = arith.extui %lt3A_50 : i1 to i32
      %cond3A_52 = arith.constant 0 : i32
      %cond3A_53 = arith.cmpi ne, %convert_element_type3A_51, %cond3A_52 : i32
      scf.if %cond3A_53 {
        %mul3A_72 = arith.constant 128 : i32
        %mul3A_73 = arith.muli %add3A_45, %mul3A_72 : i32
        %dma_wait3A = arith.constant 0 : i32
        %dma_wait3A_74 = tpu.memref_slice %arg2[%mul3A_73, %dma_wait3A] : memref<25600x128xf32, #tpu.memory_space<hbm>> -> memref<128x32xf32, #tpu.memory_space<hbm>>
        %dma_wait3A_75 = arith.constant 0 : i32
        %dma_wait3A_76 = tpu.memref_slice %arg2[%mul3A_73, %dma_wait3A_75] : memref<25600x128xf32, #tpu.memory_space<hbm>> -> memref<128x32xf32, #tpu.memory_space<hbm>>
        tpu.wait_dma2 semaphore(%arg11 : memref<!tpu.dma_semaphore, #tpu.memory_space<semaphore_mem>>) src(%dma_wait3A_76 : memref<128x32xf32, #tpu.memory_space<hbm>>) dst(%arg8 : memref<128x32xf32, #tpu.memory_space<vmem>>)
        "tpu.region"() ({
          %run_scoped3A = tpu.sem_alloc : memref<!tpu.dma_semaphore, #tpu.memory_space<semaphore_mem>>
          %dma_start3A = arith.constant 0 : i32
          %dma_start3A_87 = arith.constant 0 : i32
          %dma_start3A_88 = tpu.memref_slice %arg10[%dma_start3A, %dma_start3A_87] : memref<10240x32xf32, #tpu.memory_space<vmem_shared>> -> memref<10240x32xf32, #tpu.memory_space<vmem_shared>>
          tpu.enqueue_indirect_dma source(%arg8 : memref<128x32xf32, #tpu.memory_space<vmem>>) target(%dma_start3A_88 : memref<10240x32xf32, #tpu.memory_space<vmem_shared>>) offsets(%arg6 : memref<128xi32, #tpu.memory_space<vmem>>) semaphore(%run_scoped3A : memref<!tpu.dma_semaphore, #tpu.memory_space<semaphore_mem>>) {add = true}
          %dma_wait3A_89 = arith.constant 0 : i32
          %dma_wait3A_90 = arith.constant 0 : i32
          %dma_wait3A_91 = tpu.memref_slice %arg10[%dma_wait3A_89, %dma_wait3A_90] : memref<10240x32xf32, #tpu.memory_space<vmem_shared>> -> memref<10240x32xf32, #tpu.memory_space<vmem_shared>>
          tpu.wait_indirect_dma semaphore(%run_scoped3A : memref<!tpu.dma_semaphore, #tpu.memory_space<semaphore_mem>>) src(%arg8 : memref<128x32xf32, #tpu.memory_space<vmem>>) dst(%dma_wait3A_91 : memref<10240x32xf32, #tpu.memory_space<vmem_shared>>)
          tpu.yield
        }) : () -> ()
        %add3A_77 = arith.constant 32 : i32
        %add3A_78 = arith.addi %add3A_45, %add3A_77 : i32
        %add3A_79 = arith.constant 1 : i32
        %add3A_80 = arith.addi %arg0, %add3A_79 : i32
        %mul3A_81 = arith.constant 100 : i32
        %mul3A_82 = arith.muli %add3A_80, %mul3A_81 : i32
        %lt3A_83 = arith.cmpi slt, %add3A_78, %mul3A_82 : i32
        %convert_element_type3A_84 = arith.extui %lt3A_83 : i1 to i32
        %cond3A_85 = arith.constant 0 : i32
        %cond3A_86 = arith.cmpi ne, %convert_element_type3A_84, %cond3A_85 : i32
        scf.if %cond3A_86 {
          "tpu.region"() ({
            %run_scoped3A = tpu.sem_alloc : memref<!tpu.dma_semaphore, #tpu.memory_space<semaphore_mem>>
            %dma_start3A_92 = arith.constant 0 : i32
            %dma_start3A_93 = tpu.memref_slice %arg3[%add3A_78, %dma_start3A_92] : memref<200x128xi32, #tpu.memory_space<hbm>> -> memref<1x128xi32, #tpu.memory_space<hbm>>
            %dma_start3A_94 = tpu.memref_squeeze %dma_start3A_93 : memref<1x128xi32, #tpu.memory_space<hbm>> -> memref<128xi32, #tpu.memory_space<hbm>>
            %dma_start3A_95 = arith.constant 0 : i32
            %dma_start3A_96 = tpu.memref_slice %arg3[%add3A_78, %dma_start3A_95] : memref<200x128xi32, #tpu.memory_space<hbm>> -> memref<1x128xi32, #tpu.memory_space<hbm>>
            %dma_start3A_97 = tpu.memref_squeeze %dma_start3A_96 : memref<1x128xi32, #tpu.memory_space<hbm>> -> memref<128xi32, #tpu.memory_space<hbm>>
            tpu.enqueue_dma source(%dma_start3A_97 : memref<128xi32, #tpu.memory_space<hbm>>) target(%arg6 : memref<128xi32, #tpu.memory_space<vmem>>) target_semaphore(%run_scoped3A : memref<!tpu.dma_semaphore, #tpu.memory_space<semaphore_mem>>)
            %dma_wait3A_98 = arith.constant 0 : i32
            %dma_wait3A_99 = tpu.memref_slice %arg3[%add3A_78, %dma_wait3A_98] : memref<200x128xi32, #tpu.memory_space<hbm>> -> memref<1x128xi32, #tpu.memory_space<hbm>>
            %dma_wait3A_100 = tpu.memref_squeeze %dma_wait3A_99 : memref<1x128xi32, #tpu.memory_space<hbm>> -> memref<128xi32, #tpu.memory_space<hbm>>
            %dma_wait3A_101 = arith.constant 0 : i32
            %dma_wait3A_102 = tpu.memref_slice %arg3[%add3A_78, %dma_wait3A_101] : memref<200x128xi32, #tpu.memory_space<hbm>> -> memref<1x128xi32, #tpu.memory_space<hbm>>
            %dma_wait3A_103 = tpu.memref_squeeze %dma_wait3A_102 : memref<1x128xi32, #tpu.memory_space<hbm>> -> memref<128xi32, #tpu.memory_space<hbm>>
            tpu.wait_dma2 semaphore(%run_scoped3A : memref<!tpu.dma_semaphore, #tpu.memory_space<semaphore_mem>>) src(%dma_wait3A_103 : memref<128xi32, #tpu.memory_space<hbm>>) dst(%arg6 : memref<128xi32, #tpu.memory_space<vmem>>)
            tpu.yield
          }) : () -> ()
          %mul3A_87 = arith.constant 128 : i32
          %mul3A_88 = arith.muli %add3A_78, %mul3A_87 : i32
          %dma_start3A = arith.constant 0 : i32
          %dma_start3A_89 = tpu.memref_slice %arg2[%mul3A_88, %dma_start3A] : memref<25600x128xf32, #tpu.memory_space<hbm>> -> memref<128x32xf32, #tpu.memory_space<hbm>>
          %dma_start3A_90 = arith.constant 0 : i32
          %dma_start3A_91 = tpu.memref_slice %arg2[%mul3A_88, %dma_start3A_90] : memref<25600x128xf32, #tpu.memory_space<hbm>> -> memref<128x32xf32, #tpu.memory_space<hbm>>
          tpu.enqueue_dma source(%dma_start3A_91 : memref<128x32xf32, #tpu.memory_space<hbm>>) target(%arg8 : memref<128x32xf32, #tpu.memory_space<vmem>>) target_semaphore(%arg11 : memref<!tpu.dma_semaphore, #tpu.memory_space<semaphore_mem>>)
        } else {
        }
      } else {
      }
      %mul3A_54 = arith.constant 100 : i32
      %mul3A_55 = arith.muli %arg0, %mul3A_54 : i32
      %add3A_56 = arith.addi %mul3A_55, %arg1 : i32
      %mul3A_57 = arith.constant 2 : i32
      %mul3A_58 = arith.muli %scan3A_35, %mul3A_57 : i32
      %add3A_59 = arith.constant 1 : i32
      %add3A_60 = arith.addi %mul3A_58, %add3A_59 : i32
      %mul3A_61 = arith.constant 16 : i32
      %mul3A_62 = arith.muli %add3A_60, %mul3A_61 : i32
      %add3A_63 = arith.addi %add3A_56, %mul3A_62 : i32
      %add3A_64 = arith.constant 1 : i32
      %add3A_65 = arith.addi %arg0, %add3A_64 : i32
      %mul3A_66 = arith.constant 100 : i32
      %mul3A_67 = arith.muli %add3A_65, %mul3A_66 : i32
      %lt3A_68 = arith.cmpi slt, %add3A_63, %mul3A_67 : i32
      %convert_element_type3A_69 = arith.extui %lt3A_68 : i1 to i32
      %cond3A_70 = arith.constant 0 : i32
      %cond3A_71 = arith.cmpi ne, %convert_element_type3A_69, %cond3A_70 : i32
      scf.if %cond3A_71 {
        %mul3A_72 = arith.constant 128 : i32
        %mul3A_73 = arith.muli %add3A_63, %mul3A_72 : i32
        %dma_wait3A = arith.constant 0 : i32
        %dma_wait3A_74 = tpu.memref_slice %arg2[%mul3A_73, %dma_wait3A] : memref<25600x128xf32, #tpu.memory_space<hbm>> -> memref<128x32xf32, #tpu.memory_space<hbm>>
        %dma_wait3A_75 = arith.constant 0 : i32
        %dma_wait3A_76 = tpu.memref_slice %arg2[%mul3A_73, %dma_wait3A_75] : memref<25600x128xf32, #tpu.memory_space<hbm>> -> memref<128x32xf32, #tpu.memory_space<hbm>>
        tpu.wait_dma2 semaphore(%arg12 : memref<!tpu.dma_semaphore, #tpu.memory_space<semaphore_mem>>) src(%dma_wait3A_76 : memref<128x32xf32, #tpu.memory_space<hbm>>) dst(%arg9 : memref<128x32xf32, #tpu.memory_space<vmem>>)
        "tpu.region"() ({
          %run_scoped3A = tpu.sem_alloc : memref<!tpu.dma_semaphore, #tpu.memory_space<semaphore_mem>>
          %dma_start3A = arith.constant 0 : i32
          %dma_start3A_87 = arith.constant 0 : i32
          %dma_start3A_88 = tpu.memref_slice %arg10[%dma_start3A, %dma_start3A_87] : memref<10240x32xf32, #tpu.memory_space<vmem_shared>> -> memref<10240x32xf32, #tpu.memory_space<vmem_shared>>
          tpu.enqueue_indirect_dma source(%arg9 : memref<128x32xf32, #tpu.memory_space<vmem>>) target(%dma_start3A_88 : memref<10240x32xf32, #tpu.memory_space<vmem_shared>>) offsets(%arg7 : memref<128xi32, #tpu.memory_space<vmem>>) semaphore(%run_scoped3A : memref<!tpu.dma_semaphore, #tpu.memory_space<semaphore_mem>>) {add = true}
          %dma_wait3A_89 = arith.constant 0 : i32
          %dma_wait3A_90 = arith.constant 0 : i32
          %dma_wait3A_91 = tpu.memref_slice %arg10[%dma_wait3A_89, %dma_wait3A_90] : memref<10240x32xf32, #tpu.memory_space<vmem_shared>> -> memref<10240x32xf32, #tpu.memory_space<vmem_shared>>
          tpu.wait_indirect_dma semaphore(%run_scoped3A : memref<!tpu.dma_semaphore, #tpu.memory_space<semaphore_mem>>) src(%arg9 : memref<128x32xf32, #tpu.memory_space<vmem>>) dst(%dma_wait3A_91 : memref<10240x32xf32, #tpu.memory_space<vmem_shared>>)
          tpu.yield
        }) : () -> ()
        %add3A_77 = arith.constant 32 : i32
        %add3A_78 = arith.addi %add3A_63, %add3A_77 : i32
        %add3A_79 = arith.constant 1 : i32
        %add3A_80 = arith.addi %arg0, %add3A_79 : i32
        %mul3A_81 = arith.constant 100 : i32
        %mul3A_82 = arith.muli %add3A_80, %mul3A_81 : i32
        %lt3A_83 = arith.cmpi slt, %add3A_78, %mul3A_82 : i32
        %convert_element_type3A_84 = arith.extui %lt3A_83 : i1 to i32
        %cond3A_85 = arith.constant 0 : i32
        %cond3A_86 = arith.cmpi ne, %convert_element_type3A_84, %cond3A_85 : i32
        scf.if %cond3A_86 {
          "tpu.region"() ({
            %run_scoped3A = tpu.sem_alloc : memref<!tpu.dma_semaphore, #tpu.memory_space<semaphore_mem>>
            %dma_start3A_92 = arith.constant 0 : i32
            %dma_start3A_93 = tpu.memref_slice %arg3[%add3A_78, %dma_start3A_92] : memref<200x128xi32, #tpu.memory_space<hbm>> -> memref<1x128xi32, #tpu.memory_space<hbm>>
            %dma_start3A_94 = tpu.memref_squeeze %dma_start3A_93 : memref<1x128xi32, #tpu.memory_space<hbm>> -> memref<128xi32, #tpu.memory_space<hbm>>
            %dma_start3A_95 = arith.constant 0 : i32
            %dma_start3A_96 = tpu.memref_slice %arg3[%add3A_78, %dma_start3A_95] : memref<200x128xi32, #tpu.memory_space<hbm>> -> memref<1x128xi32, #tpu.memory_space<hbm>>
            %dma_start3A_97 = tpu.memref_squeeze %dma_start3A_96 : memref<1x128xi32, #tpu.memory_space<hbm>> -> memref<128xi32, #tpu.memory_space<hbm>>
            tpu.enqueue_dma source(%dma_start3A_97 : memref<128xi32, #tpu.memory_space<hbm>>) target(%arg7 : memref<128xi32, #tpu.memory_space<vmem>>) target_semaphore(%run_scoped3A : memref<!tpu.dma_semaphore, #tpu.memory_space<semaphore_mem>>)
            %dma_wait3A_98 = arith.constant 0 : i32
            %dma_wait3A_99 = tpu.memref_slice %arg3[%add3A_78, %dma_wait3A_98] : memref<200x128xi32, #tpu.memory_space<hbm>> -> memref<1x128xi32, #tpu.memory_space<hbm>>
            %dma_wait3A_100 = tpu.memref_squeeze %dma_wait3A_99 : memref<1x128xi32, #tpu.memory_space<hbm>> -> memref<128xi32, #tpu.memory_space<hbm>>
            %dma_wait3A_101 = arith.constant 0 : i32
            %dma_wait3A_102 = tpu.memref_slice %arg3[%add3A_78, %dma_wait3A_101] : memref<200x128xi32, #tpu.memory_space<hbm>> -> memref<1x128xi32, #tpu.memory_space<hbm>>
            %dma_wait3A_103 = tpu.memref_squeeze %dma_wait3A_102 : memref<1x128xi32, #tpu.memory_space<hbm>> -> memref<128xi32, #tpu.memory_space<hbm>>
            tpu.wait_dma2 semaphore(%run_scoped3A : memref<!tpu.dma_semaphore, #tpu.memory_space<semaphore_mem>>) src(%dma_wait3A_103 : memref<128xi32, #tpu.memory_space<hbm>>) dst(%arg7 : memref<128xi32, #tpu.memory_space<vmem>>)
            tpu.yield
          }) : () -> ()
          %mul3A_87 = arith.constant 128 : i32
          %mul3A_88 = arith.muli %add3A_78, %mul3A_87 : i32
          %dma_start3A = arith.constant 0 : i32
          %dma_start3A_89 = tpu.memref_slice %arg2[%mul3A_88, %dma_start3A] : memref<25600x128xf32, #tpu.memory_space<hbm>> -> memref<128x32xf32, #tpu.memory_space<hbm>>
          %dma_start3A_90 = arith.constant 0 : i32
          %dma_start3A_91 = tpu.memref_slice %arg2[%mul3A_88, %dma_start3A_90] : memref<25600x128xf32, #tpu.memory_space<hbm>> -> memref<128x32xf32, #tpu.memory_space<hbm>>
          tpu.enqueue_dma source(%dma_start3A_91 : memref<128x32xf32, #tpu.memory_space<hbm>>) target(%arg9 : memref<128x32xf32, #tpu.memory_space<vmem>>) target_semaphore(%arg12 : memref<!tpu.dma_semaphore, #tpu.memory_space<semaphore_mem>>)
        } else {
        }
      } else {
      }
    }
    %scan3A_29 = arith.constant 4 : i32
    %barrier3A_30 = arith.constant 0 : index
    tpu.barrier barrier_id(%barrier3A_30)
    %mul3A_31 = arith.constant 640 : i32
    %mul3A_32 = arith.muli %arg1, %mul3A_31 : i32
    %mul3A_33 = arith.constant 640 : i32
    %mul3A_34 = arith.muli %arg1, %mul3A_33 : i32
    "tpu.region"() ({
      %run_scoped3A = tpu.sem_alloc : memref<!tpu.dma_semaphore, #tpu.memory_space<semaphore_mem>>
      %dma_start3A = arith.constant 0 : i32
      %dma_start3A_35 = tpu.memref_slice %arg5[%arg0, %mul3A_34, %dma_start3A] : memref<2x10240x32xf32, #tpu.memory_space<hbm>> -> memref<1x640x32xf32, #tpu.memory_space<hbm>>
      %dma_start3A_36 = tpu.memref_squeeze %dma_start3A_35 : memref<1x640x32xf32, #tpu.memory_space<hbm>> -> memref<640x32xf32, #tpu.memory_space<hbm>>
      %dma_start3A_37 = arith.constant 0 : i32
      %dma_start3A_38 = tpu.memref_slice %arg10[%mul3A_32, %dma_start3A_37] : memref<10240x32xf32, #tpu.memory_space<vmem_shared>> -> memref<640x32xf32, #tpu.memory_space<vmem_shared>>
      tpu.enqueue_dma source(%dma_start3A_38 : memref<640x32xf32, #tpu.memory_space<vmem_shared>>) target(%dma_start3A_36 : memref<640x32xf32, #tpu.memory_space<hbm>>) target_semaphore(%run_scoped3A : memref<!tpu.dma_semaphore, #tpu.memory_space<semaphore_mem>>)
      %dma_wait3A = arith.constant 0 : i32
      %dma_wait3A_39 = tpu.memref_slice %arg5[%arg0, %mul3A_34, %dma_wait3A] : memref<2x10240x32xf32, #tpu.memory_space<hbm>> -> memref<1x640x32xf32, #tpu.memory_space<hbm>>
      %dma_wait3A_40 = tpu.memref_squeeze %dma_wait3A_39 : memref<1x640x32xf32, #tpu.memory_space<hbm>> -> memref<640x32xf32, #tpu.memory_space<hbm>>
      %dma_wait3A_41 = arith.constant 0 : i32
      %dma_wait3A_42 = tpu.memref_slice %arg10[%mul3A_32, %dma_wait3A_41] : memref<10240x32xf32, #tpu.memory_space<vmem_shared>> -> memref<640x32xf32, #tpu.memory_space<vmem_shared>>
      tpu.wait_dma2 semaphore(%run_scoped3A : memref<!tpu.dma_semaphore, #tpu.memory_space<semaphore_mem>>) src(%dma_wait3A_42 : memref<640x32xf32, #tpu.memory_space<vmem_shared>>) dst(%dma_wait3A_40 : memref<640x32xf32, #tpu.memory_space<hbm>>)
      tpu.yield
    }) : () -> ()
    return
  }
}

module attributes {stable_mosaic.version = 14 : i64} {
  func.func @_emb_body(%arg0: i32, %arg1: memref<2560x1xi32, #tpu.memory_space<vmem>>, %arg2: memref<256x128xf32, #tpu.memory_space<vmem>>, %arg3: memref<2560x128xf32, #tpu.memory_space<vmem>>) attributes {dimension_semantics = [#tpu.dimension_semantics<arbitrary>], iteration_bounds = array<i64: 4>, scalar_prefetch = 0 : i64, scratch_operands = 0 : i64, tpu.core_type = #tpu.core_type<tc>, window_params = [{transform_indices = @transform_0, window_bounds = array<i64: 2560, 1>}, {pipeline_mode = #tpu.pipeline_mode<synchronous>, transform_indices = @transform_1, window_bounds = array<i64: 256, 128>}, {transform_indices = @transform_2, window_bounds = array<i64: 2560, 128>}]} {
    %get3A = arith.constant 0 : index
    %get3A_0 = arith.constant 0 : index
    %get3A_1 = vector.load %arg1[%get3A, %get3A_0] : memref<2560x1xi32, #tpu.memory_space<vmem>>, vector<2560x1xi32>
    %iota3A = tpu.iota {dimensions = array<i32: 1>} : vector<2560x256xi32>
    %eq3A = vector.broadcast %get3A_1 : vector<2560x1xi32> to vector<2560x256xi32>
    %eq3A_2 = arith.cmpi eq, %eq3A, %iota3A : vector<2560x256xi32>
    %convert_element_type3A = arith.extui %eq3A_2 : vector<2560x256xi1> to vector<2560x256xi32>
    %convert_element_type3A_3 = arith.sitofp %convert_element_type3A : vector<2560x256xi32> to vector<2560x256xf32>
    %get3A_4 = arith.constant 0 : index
    %get3A_5 = arith.constant 0 : index
    %get3A_6 = vector.load %arg2[%get3A_4, %get3A_5] : memref<256x128xf32, #tpu.memory_space<vmem>>, vector<256x128xf32>
    %dot_general3A = arith.constant dense<0.000000e+00> : vector<2560x128xf32>
    %dot_general3A_7 = tpu.matmul %convert_element_type3A_3, %get3A_6, %dot_general3A {dimension_numbers = #tpu.dot_dimension_numbers<[1], [0], [0], [1], [0, 0, 1, 1], [], []>, transpose_lhs_hint = false} : vector<2560x256xf32>, vector<256x128xf32>, vector<2560x128xf32> -> vector<2560x128xf32>
    %swap3A = arith.constant 0 : index
    %swap3A_8 = arith.constant 0 : index
    %swap3A_9 = vector.load %arg3[%swap3A, %swap3A_8] : memref<2560x128xf32, #tpu.memory_space<vmem>>, vector<2560x128xf32>
    tpu.vector_store %arg3[%swap3A, %swap3A_8], %dot_general3A_7 {strides = array<i32>} : memref<2560x128xf32, #tpu.memory_space<vmem>>, vector<2560x128xf32>,
    return
  }
  func.func @transform_0(%arg0: i32) -> (i32, i32) {
    %c0_i32 = arith.constant 0 : i32
    %c0_i32_0 = arith.constant 0 : i32
    return %arg0, %c0_i32 : i32, i32
  }
  func.func @transform_1(%arg0: i32) -> (i32, i32) {
    %c0_i32 = arith.constant 0 : i32
    %c0_i32_0 = arith.constant 0 : i32
    %c0_i32_1 = arith.constant 0 : i32
    return %c0_i32, %c0_i32_0 : i32, i32
  }
  func.func @transform_2(%arg0: i32) -> (i32, i32) {
    %c0_i32 = arith.constant 0 : i32
    %c0_i32_0 = arith.constant 0 : i32
    return %arg0, %c0_i32 : i32, i32
  }
}

module attributes {stable_mosaic.version = 14 : i64} {
  func.func @_edge_body(%arg0: i32, %arg1: memref<16x1280xf32, #tpu.memory_space<vmem>>, %arg2: memref<1280x128xf32, #tpu.memory_space<vmem>>, %arg3: memref<32x16xf32, #tpu.memory_space<vmem>>, %arg4: memref<32x8xf32, #tpu.memory_space<vmem>>, %arg5: memref<32x1024xf32, #tpu.memory_space<vmem>>, %arg6: memref<32x32xf32, #tpu.memory_space<vmem>>, %arg7: memref<1280x128xf32, #tpu.memory_space<vmem>>) attributes {dimension_semantics = [#tpu.dimension_semantics<arbitrary>], iteration_bounds = array<i64: 55>, scalar_prefetch = 0 : i64, scratch_operands = 0 : i64, tpu.core_type = #tpu.core_type<tc>, window_params = [{transform_indices = @transform_0, window_bounds = array<i64: 16, 1280>}, {transform_indices = @transform_1, window_bounds = array<i64: 1280, 128>}, {pipeline_mode = #tpu.pipeline_mode<synchronous>, transform_indices = @transform_2, window_bounds = array<i64: 32, 16>}, {pipeline_mode = #tpu.pipeline_mode<synchronous>, transform_indices = @transform_3, window_bounds = array<i64: 32, 8>}, {pipeline_mode = #tpu.pipeline_mode<synchronous>, transform_indices = @transform_4, window_bounds = array<i64: 32, 1024>}, {pipeline_mode = #tpu.pipeline_mode<synchronous>, transform_indices = @transform_5, window_bounds = array<i64: 32, 32>}, {transform_indices = @transform_6, window_bounds = array<i64: 1280, 128>}]} {
    %get3A = arith.constant 0 : index
    %get3A_0 = arith.constant 0 : index
    %get3A_1 = vector.load %arg1[%get3A, %get3A_0] : memref<16x1280xf32, #tpu.memory_space<vmem>>, vector<16x1280xf32>
    %get3A_2 = arith.constant 0 : index
    %get3A_3 = arith.constant 0 : index
    %get3A_4 = vector.load %arg2[%get3A_2, %get3A_3] : memref<1280x128xf32, #tpu.memory_space<vmem>>, vector<1280x32xf32>
    %transpose3A = tpu.transpose %get3A_4, [1, 0] : vector<1280x32xf32> -> vector<32x1280xf32>
    %get3A_5 = arith.constant 0 : index
    %get3A_6 = arith.constant 0 : index
    %get3A_7 = vector.load %arg3[%get3A_5, %get3A_6] : memref<32x16xf32, #tpu.memory_space<vmem>>, vector<32x16xf32>
    %dot_general3A = arith.constant dense<0.000000e+00> : vector<32x1280xf32>
    %dot_general3A_8 = tpu.matmul %get3A_7, %get3A_1, %dot_general3A {dimension_numbers = #tpu.dot_dimension_numbers<[1], [0], [0], [1], [0, 0, 1, 1], [], []>, transpose_lhs_hint = false} : vector<32x16xf32>, vector<16x1280xf32>, vector<32x1280xf32> -> vector<32x1280xf32>
    %get3A_9 = arith.constant 0 : index
    %get3A_10 = arith.constant 0 : index
    %get3A_11 = vector.load %arg4[%get3A_9, %get3A_10] : memref<32x8xf32, #tpu.memory_space<vmem>>, vector<32x1xf32>
    %add3A = vector.broadcast %get3A_11 : vector<32x1xf32> to vector<32x1280xf32>
    %add3A_12 = arith.addf %dot_general3A_8, %add3A : vector<32x1280xf32>
    %max3A = arith.constant 0.000000e+00 : f32
    %max3A_13 = vector.broadcast %max3A : f32 to vector<32x1280xf32>
    %max3A_14 = arith.maximumf %add3A_12, %max3A_13 : vector<32x1280xf32>
    %slice3A = vector.extract_strided_slice %transpose3A {offsets = [0, 0], sizes = [1, 1280], strides = [1, 1]} : vector<32x1280xf32> to vector<1x1280xf32>
    %mul3A = vector.broadcast %slice3A : vector<1x1280xf32> to vector<32x1280xf32>
    %mul3A_15 = arith.mulf %mul3A, %max3A_14 : vector<32x1280xf32>
    %slice3A_16 = vector.extract_strided_slice %transpose3A {offsets = [1, 0], sizes = [1, 1280], strides = [1, 1]} : vector<32x1280xf32> to vector<1x1280xf32>
    %mul3A_17 = vector.broadcast %slice3A_16 : vector<1x1280xf32> to vector<32x1280xf32>
    %mul3A_18 = arith.mulf %mul3A_17, %max3A_14 : vector<32x1280xf32>
    %slice3A_19 = vector.extract_strided_slice %transpose3A {offsets = [2, 0], sizes = [1, 1280], strides = [1, 1]} : vector<32x1280xf32> to vector<1x1280xf32>
    %mul3A_20 = vector.broadcast %slice3A_19 : vector<1x1280xf32> to vector<32x1280xf32>
    %mul3A_21 = arith.mulf %mul3A_20, %max3A_14 : vector<32x1280xf32>
    %slice3A_22 = vector.extract_strided_slice %transpose3A {offsets = [3, 0], sizes = [1, 1280], strides = [1, 1]} : vector<32x1280xf32> to vector<1x1280xf32>
    %mul3A_23 = vector.broadcast %slice3A_22 : vector<1x1280xf32> to vector<32x1280xf32>
    %mul3A_24 = arith.mulf %mul3A_23, %max3A_14 : vector<32x1280xf32>
    %slice3A_25 = vector.extract_strided_slice %transpose3A {offsets = [4, 0], sizes = [1, 1280], strides = [1, 1]} : vector<32x1280xf32> to vector<1x1280xf32>
    %mul3A_26 = vector.broadcast %slice3A_25 : vector<1x1280xf32> to vector<32x1280xf32>
    %mul3A_27 = arith.mulf %mul3A_26, %max3A_14 : vector<32x1280xf32>
    %slice3A_28 = vector.extract_strided_slice %transpose3A {offsets = [5, 0], sizes = [1, 1280], strides = [1, 1]} : vector<32x1280xf32> to vector<1x1280xf32>
    %mul3A_29 = vector.broadcast %slice3A_28 : vector<1x1280xf32> to vector<32x1280xf32>
    %mul3A_30 = arith.mulf %mul3A_29, %max3A_14 : vector<32x1280xf32>
    %slice3A_31 = vector.extract_strided_slice %transpose3A {offsets = [6, 0], sizes = [1, 1280], strides = [1, 1]} : vector<32x1280xf32> to vector<1x1280xf32>
    %mul3A_32 = vector.broadcast %slice3A_31 : vector<1x1280xf32> to vector<32x1280xf32>
    %mul3A_33 = arith.mulf %mul3A_32, %max3A_14 : vector<32x1280xf32>
    %slice3A_34 = vector.extract_strided_slice %transpose3A {offsets = [7, 0], sizes = [1, 1280], strides = [1, 1]} : vector<32x1280xf32> to vector<1x1280xf32>
    %mul3A_35 = vector.broadcast %slice3A_34 : vector<1x1280xf32> to vector<32x1280xf32>
    %mul3A_36 = arith.mulf %mul3A_35, %max3A_14 : vector<32x1280xf32>
    %slice3A_37 = vector.extract_strided_slice %transpose3A {offsets = [8, 0], sizes = [1, 1280], strides = [1, 1]} : vector<32x1280xf32> to vector<1x1280xf32>
    %mul3A_38 = vector.broadcast %slice3A_37 : vector<1x1280xf32> to vector<32x1280xf32>
    %mul3A_39 = arith.mulf %mul3A_38, %max3A_14 : vector<32x1280xf32>
    %slice3A_40 = vector.extract_strided_slice %transpose3A {offsets = [9, 0], sizes = [1, 1280], strides = [1, 1]} : vector<32x1280xf32> to vector<1x1280xf32>
    %mul3A_41 = vector.broadcast %slice3A_40 : vector<1x1280xf32> to vector<32x1280xf32>
    %mul3A_42 = arith.mulf %mul3A_41, %max3A_14 : vector<32x1280xf32>
    %slice3A_43 = vector.extract_strided_slice %transpose3A {offsets = [10, 0], sizes = [1, 1280], strides = [1, 1]} : vector<32x1280xf32> to vector<1x1280xf32>
    %mul3A_44 = vector.broadcast %slice3A_43 : vector<1x1280xf32> to vector<32x1280xf32>
    %mul3A_45 = arith.mulf %mul3A_44, %max3A_14 : vector<32x1280xf32>
    %slice3A_46 = vector.extract_strided_slice %transpose3A {offsets = [11, 0], sizes = [1, 1280], strides = [1, 1]} : vector<32x1280xf32> to vector<1x1280xf32>
    %mul3A_47 = vector.broadcast %slice3A_46 : vector<1x1280xf32> to vector<32x1280xf32>
    %mul3A_48 = arith.mulf %mul3A_47, %max3A_14 : vector<32x1280xf32>
    %slice3A_49 = vector.extract_strided_slice %transpose3A {offsets = [12, 0], sizes = [1, 1280], strides = [1, 1]} : vector<32x1280xf32> to vector<1x1280xf32>
    %mul3A_50 = vector.broadcast %slice3A_49 : vector<1x1280xf32> to vector<32x1280xf32>
    %mul3A_51 = arith.mulf %mul3A_50, %max3A_14 : vector<32x1280xf32>
    %slice3A_52 = vector.extract_strided_slice %transpose3A {offsets = [13, 0], sizes = [1, 1280], strides = [1, 1]} : vector<32x1280xf32> to vector<1x1280xf32>
    %mul3A_53 = vector.broadcast %slice3A_52 : vector<1x1280xf32> to vector<32x1280xf32>
    %mul3A_54 = arith.mulf %mul3A_53, %max3A_14 : vector<32x1280xf32>
    %slice3A_55 = vector.extract_strided_slice %transpose3A {offsets = [14, 0], sizes = [1, 1280], strides = [1, 1]} : vector<32x1280xf32> to vector<1x1280xf32>
    %mul3A_56 = vector.broadcast %slice3A_55 : vector<1x1280xf32> to vector<32x1280xf32>
    %mul3A_57 = arith.mulf %mul3A_56, %max3A_14 : vector<32x1280xf32>
    %slice3A_58 = vector.extract_strided_slice %transpose3A {offsets = [15, 0], sizes = [1, 1280], strides = [1, 1]} : vector<32x1280xf32> to vector<1x1280xf32>
    %mul3A_59 = vector.broadcast %slice3A_58 : vector<1x1280xf32> to vector<32x1280xf32>
    %mul3A_60 = arith.mulf %mul3A_59, %max3A_14 : vector<32x1280xf32>
    %slice3A_61 = vector.extract_strided_slice %transpose3A {offsets = [16, 0], sizes = [1, 1280], strides = [1, 1]} : vector<32x1280xf32> to vector<1x1280xf32>
    %mul3A_62 = vector.broadcast %slice3A_61 : vector<1x1280xf32> to vector<32x1280xf32>
    %mul3A_63 = arith.mulf %mul3A_62, %max3A_14 : vector<32x1280xf32>
    %slice3A_64 = vector.extract_strided_slice %transpose3A {offsets = [17, 0], sizes = [1, 1280], strides = [1, 1]} : vector<32x1280xf32> to vector<1x1280xf32>
    %mul3A_65 = vector.broadcast %slice3A_64 : vector<1x1280xf32> to vector<32x1280xf32>
    %mul3A_66 = arith.mulf %mul3A_65, %max3A_14 : vector<32x1280xf32>
    %slice3A_67 = vector.extract_strided_slice %transpose3A {offsets = [18, 0], sizes = [1, 1280], strides = [1, 1]} : vector<32x1280xf32> to vector<1x1280xf32>
    %mul3A_68 = vector.broadcast %slice3A_67 : vector<1x1280xf32> to vector<32x1280xf32>
    %mul3A_69 = arith.mulf %mul3A_68, %max3A_14 : vector<32x1280xf32>
    %slice3A_70 = vector.extract_strided_slice %transpose3A {offsets = [19, 0], sizes = [1, 1280], strides = [1, 1]} : vector<32x1280xf32> to vector<1x1280xf32>
    %mul3A_71 = vector.broadcast %slice3A_70 : vector<1x1280xf32> to vector<32x1280xf32>
    %mul3A_72 = arith.mulf %mul3A_71, %max3A_14 : vector<32x1280xf32>
    %slice3A_73 = vector.extract_strided_slice %transpose3A {offsets = [20, 0], sizes = [1, 1280], strides = [1, 1]} : vector<32x1280xf32> to vector<1x1280xf32>
    %mul3A_74 = vector.broadcast %slice3A_73 : vector<1x1280xf32> to vector<32x1280xf32>
    %mul3A_75 = arith.mulf %mul3A_74, %max3A_14 : vector<32x1280xf32>
    %slice3A_76 = vector.extract_strided_slice %transpose3A {offsets = [21, 0], sizes = [1, 1280], strides = [1, 1]} : vector<32x1280xf32> to vector<1x1280xf32>
    %mul3A_77 = vector.broadcast %slice3A_76 : vector<1x1280xf32> to vector<32x1280xf32>
    %mul3A_78 = arith.mulf %mul3A_77, %max3A_14 : vector<32x1280xf32>
    %slice3A_79 = vector.extract_strided_slice %transpose3A {offsets = [22, 0], sizes = [1, 1280], strides = [1, 1]} : vector<32x1280xf32> to vector<1x1280xf32>
    %mul3A_80 = vector.broadcast %slice3A_79 : vector<1x1280xf32> to vector<32x1280xf32>
    %mul3A_81 = arith.mulf %mul3A_80, %max3A_14 : vector<32x1280xf32>
    %slice3A_82 = vector.extract_strided_slice %transpose3A {offsets = [23, 0], sizes = [1, 1280], strides = [1, 1]} : vector<32x1280xf32> to vector<1x1280xf32>
    %mul3A_83 = vector.broadcast %slice3A_82 : vector<1x1280xf32> to vector<32x1280xf32>
    %mul3A_84 = arith.mulf %mul3A_83, %max3A_14 : vector<32x1280xf32>
    %slice3A_85 = vector.extract_strided_slice %transpose3A {offsets = [24, 0], sizes = [1, 1280], strides = [1, 1]} : vector<32x1280xf32> to vector<1x1280xf32>
    %mul3A_86 = vector.broadcast %slice3A_85 : vector<1x1280xf32> to vector<32x1280xf32>
    %mul3A_87 = arith.mulf %mul3A_86, %max3A_14 : vector<32x1280xf32>
    %slice3A_88 = vector.extract_strided_slice %transpose3A {offsets = [25, 0], sizes = [1, 1280], strides = [1, 1]} : vector<32x1280xf32> to vector<1x1280xf32>
    %mul3A_89 = vector.broadcast %slice3A_88 : vector<1x1280xf32> to vector<32x1280xf32>
    %mul3A_90 = arith.mulf %mul3A_89, %max3A_14 : vector<32x1280xf32>
    %slice3A_91 = vector.extract_strided_slice %transpose3A {offsets = [26, 0], sizes = [1, 1280], strides = [1, 1]} : vector<32x1280xf32> to vector<1x1280xf32>
    %mul3A_92 = vector.broadcast %slice3A_91 : vector<1x1280xf32> to vector<32x1280xf32>
    %mul3A_93 = arith.mulf %mul3A_92, %max3A_14 : vector<32x1280xf32>
    %slice3A_94 = vector.extract_strided_slice %transpose3A {offsets = [27, 0], sizes = [1, 1280], strides = [1, 1]} : vector<32x1280xf32> to vector<1x1280xf32>
    %mul3A_95 = vector.broadcast %slice3A_94 : vector<1x1280xf32> to vector<32x1280xf32>
    %mul3A_96 = arith.mulf %mul3A_95, %max3A_14 : vector<32x1280xf32>
    %slice3A_97 = vector.extract_strided_slice %transpose3A {offsets = [28, 0], sizes = [1, 1280], strides = [1, 1]} : vector<32x1280xf32> to vector<1x1280xf32>
    %mul3A_98 = vector.broadcast %slice3A_97 : vector<1x1280xf32> to vector<32x1280xf32>
    %mul3A_99 = arith.mulf %mul3A_98, %max3A_14 : vector<32x1280xf32>
    %slice3A_100 = vector.extract_strided_slice %transpose3A {offsets = [29, 0], sizes = [1, 1280], strides = [1, 1]} : vector<32x1280xf32> to vector<1x1280xf32>
    %mul3A_101 = vector.broadcast %slice3A_100 : vector<1x1280xf32> to vector<32x1280xf32>
    %mul3A_102 = arith.mulf %mul3A_101, %max3A_14 : vector<32x1280xf32>
    %slice3A_103 = vector.extract_strided_slice %transpose3A {offsets = [30, 0], sizes = [1, 1280], strides = [1, 1]} : vector<32x1280xf32> to vector<1x1280xf32>
    %mul3A_104 = vector.broadcast %slice3A_103 : vector<1x1280xf32> to vector<32x1280xf32>
    %mul3A_105 = arith.mulf %mul3A_104, %max3A_14 : vector<32x1280xf32>
    %slice3A_106 = vector.extract_strided_slice %transpose3A {offsets = [31, 0], sizes = [1, 1280], strides = [1, 1]} : vector<32x1280xf32> to vector<1x1280xf32>
    %mul3A_107 = vector.broadcast %slice3A_106 : vector<1x1280xf32> to vector<32x1280xf32>
    %mul3A_108 = arith.mulf %mul3A_107, %max3A_14 : vector<32x1280xf32>
    %concatenate3A = tpu.concatenate %mul3A_15, %mul3A_18, %mul3A_21, %mul3A_24, %mul3A_27, %mul3A_30, %mul3A_33, %mul3A_36, %mul3A_39, %mul3A_42, %mul3A_45, %mul3A_48, %mul3A_51, %mul3A_54, %mul3A_57, %mul3A_60, %mul3A_63, %mul3A_66, %mul3A_69, %mul3A_72, %mul3A_75, %mul3A_78, %mul3A_81, %mul3A_84, %mul3A_87, %mul3A_90, %mul3A_93, %mul3A_96, %mul3A_99, %mul3A_102, %mul3A_105, %mul3A_108 in 0 : vector<32x1280xf32>, vector<32x1280xf32>, vector<32x1280xf32>, vector<32x1280xf32>, vector<32x1280xf32>, vector<32x1280xf32>, vector<32x1280xf32>, vector<32x1280xf32>, vector<32x1280xf32>, vector<32x1280xf32>, vector<32x1280xf32>, vector<32x1280xf32>, vector<32x1280xf32>, vector<32x1280xf32>, vector<32x1280xf32>, vector<32x1280xf32>, vector<32x1280xf32>, vector<32x1280xf32>, vector<32x1280xf32>, vector<32x1280xf32>, vector<32x1280xf32>, vector<32x1280xf32>, vector<32x1280xf32>, vector<32x1280xf32>, vector<32x1280xf32>, vector<32x1280xf32>, vector<32x1280xf32>, vector<32x1280xf32>, vector<32x1280xf32>, vector<32x1280xf32>, vector<32x1280xf32>, vector<32x1280xf32> -> vector<1024x1280xf32>
    %get3A_109 = arith.constant 0 : index
    %get3A_110 = arith.constant 0 : index
    %get3A_111 = vector.load %arg5[%get3A_109, %get3A_110] : memref<32x1024xf32, #tpu.memory_space<vmem>>, vector<32x1024xf32>
    %dot_general3A_112 = arith.constant dense<0.000000e+00> : vector<32x1280xf32>
    %dot_general3A_113 = tpu.matmul %get3A_111, %concatenate3A, %dot_general3A_112 {dimension_numbers = #tpu.dot_dimension_numbers<[1], [0], [0], [1], [0, 0, 1, 1], [], []>, transpose_lhs_hint = false} : vector<32x1024xf32>, vector<1024x1280xf32>, vector<32x1280xf32> -> vector<32x1280xf32>
    %get3A_114 = arith.constant 0 : index
    %get3A_115 = arith.constant 0 : index
    %get3A_116 = vector.load %arg6[%get3A_114, %get3A_115] : memref<32x32xf32, #tpu.memory_space<vmem>>, vector<32x32xf32>
    %dot_general3A_117 = arith.constant dense<0.000000e+00> : vector<32x1280xf32>
    %dot_general3A_118 = tpu.matmul %get3A_116, %transpose3A, %dot_general3A_117 {dimension_numbers = #tpu.dot_dimension_numbers<[1], [0], [0], [1], [0, 0, 1, 1], [], []>, transpose_lhs_hint = false} : vector<32x32xf32>, vector<32x1280xf32>, vector<32x1280xf32> -> vector<32x1280xf32>
    %add3A_119 = arith.addf %dot_general3A_113, %dot_general3A_118 : vector<32x1280xf32>
    %transpose3A_120 = tpu.transpose %add3A_119, [1, 0] : vector<32x1280xf32> -> vector<1280x32xf32>
    %broadcast_in_dim3A = arith.constant 0.000000e+00 : f32
    %broadcast_in_dim3A_121 = vector.broadcast %broadcast_in_dim3A : f32 to vector<1280x96xf32>
    %concatenate3A_122 = tpu.concatenate %transpose3A_120, %broadcast_in_dim3A_121 in 1 : vector<1280x32xf32>, vector<1280x96xf32> -> vector<1280x128xf32>
    %swap3A = arith.constant 0 : index
    %swap3A_123 = arith.constant 0 : index
    %swap3A_124 = vector.load %arg7[%swap3A, %swap3A_123] : memref<1280x128xf32, #tpu.memory_space<vmem>>, vector<1280x128xf32>
    tpu.vector_store %arg7[%swap3A, %swap3A_123], %concatenate3A_122 {strides = array<i32>} : memref<1280x128xf32, #tpu.memory_space<vmem>>, vector<1280x128xf32>,
    return
  }
  func.func @transform_0(%arg0: i32) -> (i32, i32) {
    %c0_i32 = arith.constant 0 : i32
    %c0_i32_0 = arith.constant 0 : i32
    return %c0_i32, %arg0 : i32, i32
  }
  func.func @transform_1(%arg0: i32) -> (i32, i32) {
    %c0_i32 = arith.constant 0 : i32
    %c0_i32_0 = arith.constant 0 : i32
    return %arg0, %c0_i32 : i32, i32
  }
  func.func @transform_2(%arg0: i32) -> (i32, i32) {
    %c0_i32 = arith.constant 0 : i32
    %c0_i32_0 = arith.constant 0 : i32
    %c0_i32_1 = arith.constant 0 : i32
    return %c0_i32, %c0_i32_0 : i32, i32
  }
  func.func @transform_3(%arg0: i32) -> (i32, i32) {
    %c0_i32 = arith.constant 0 : i32
    %c0_i32_0 = arith.constant 0 : i32
    %c0_i32_1 = arith.constant 0 : i32
    return %c0_i32, %c0_i32_0 : i32, i32
  }
  func.func @transform_4(%arg0: i32) -> (i32, i32) {
    %c0_i32 = arith.constant 0 : i32
    %c0_i32_0 = arith.constant 0 : i32
    %c0_i32_1 = arith.constant 0 : i32
    return %c0_i32, %c0_i32_0 : i32, i32
  }
  func.func @transform_5(%arg0: i32) -> (i32, i32) {
    %c0_i32 = arith.constant 0 : i32
    %c0_i32_0 = arith.constant 0 : i32
    %c0_i32_1 = arith.constant 0 : i32
    return %c0_i32, %c0_i32_0 : i32, i32
  }
  func.func @transform_6(%arg0: i32) -> (i32, i32) {
    %c0_i32 = arith.constant 0 : i32
    %c0_i32_0 = arith.constant 0 : i32
    return %arg0, %c0_i32 : i32, i32
  }
}

module attributes {stable_mosaic.version = 14 : i64} {
  func.func @_edge_body(%arg0: i32, %arg1: memref<16x1280xf32, #tpu.memory_space<vmem>>, %arg2: memref<1280x128xf32, #tpu.memory_space<vmem>>, %arg3: memref<32x16xf32, #tpu.memory_space<vmem>>, %arg4: memref<32x8xf32, #tpu.memory_space<vmem>>, %arg5: memref<32x1024xf32, #tpu.memory_space<vmem>>, %arg6: memref<32x32xf32, #tpu.memory_space<vmem>>, %arg7: memref<1280x128xf32, #tpu.memory_space<vmem>>) attributes {dimension_semantics = [#tpu.dimension_semantics<arbitrary>], iteration_bounds = array<i64: 50>, scalar_prefetch = 0 : i64, scratch_operands = 0 : i64, tpu.core_type = #tpu.core_type<tc>, window_params = [{transform_indices = @transform_0, window_bounds = array<i64: 16, 1280>}, {transform_indices = @transform_1, window_bounds = array<i64: 1280, 128>}, {pipeline_mode = #tpu.pipeline_mode<synchronous>, transform_indices = @transform_2, window_bounds = array<i64: 32, 16>}, {pipeline_mode = #tpu.pipeline_mode<synchronous>, transform_indices = @transform_3, window_bounds = array<i64: 32, 8>}, {pipeline_mode = #tpu.pipeline_mode<synchronous>, transform_indices = @transform_4, window_bounds = array<i64: 32, 1024>}, {pipeline_mode = #tpu.pipeline_mode<synchronous>, transform_indices = @transform_5, window_bounds = array<i64: 32, 32>}, {transform_indices = @transform_6, window_bounds = array<i64: 1280, 128>}]} {
    %get3A = arith.constant 0 : index
    %get3A_0 = arith.constant 0 : index
    %get3A_1 = vector.load %arg1[%get3A, %get3A_0] : memref<16x1280xf32, #tpu.memory_space<vmem>>, vector<16x1280xf32>
    %get3A_2 = arith.constant 0 : index
    %get3A_3 = arith.constant 0 : index
    %get3A_4 = vector.load %arg2[%get3A_2, %get3A_3] : memref<1280x128xf32, #tpu.memory_space<vmem>>, vector<1280x32xf32>
    %transpose3A = tpu.transpose %get3A_4, [1, 0] : vector<1280x32xf32> -> vector<32x1280xf32>
    %get3A_5 = arith.constant 0 : index
    %get3A_6 = arith.constant 0 : index
    %get3A_7 = vector.load %arg3[%get3A_5, %get3A_6] : memref<32x16xf32, #tpu.memory_space<vmem>>, vector<32x16xf32>
    %dot_general3A = arith.constant dense<0.000000e+00> : vector<32x1280xf32>
    %dot_general3A_8 = tpu.matmul %get3A_7, %get3A_1, %dot_general3A {dimension_numbers = #tpu.dot_dimension_numbers<[1], [0], [0], [1], [0, 0, 1, 1], [], []>, transpose_lhs_hint = false} : vector<32x16xf32>, vector<16x1280xf32>, vector<32x1280xf32> -> vector<32x1280xf32>
    %get3A_9 = arith.constant 0 : index
    %get3A_10 = arith.constant 0 : index
    %get3A_11 = vector.load %arg4[%get3A_9, %get3A_10] : memref<32x8xf32, #tpu.memory_space<vmem>>, vector<32x1xf32>
    %add3A = vector.broadcast %get3A_11 : vector<32x1xf32> to vector<32x1280xf32>
    %add3A_12 = arith.addf %dot_general3A_8, %add3A : vector<32x1280xf32>
    %max3A = arith.constant 0.000000e+00 : f32
    %max3A_13 = vector.broadcast %max3A : f32 to vector<32x1280xf32>
    %max3A_14 = arith.maximumf %add3A_12, %max3A_13 : vector<32x1280xf32>
    %slice3A = vector.extract_strided_slice %transpose3A {offsets = [0, 0], sizes = [1, 1280], strides = [1, 1]} : vector<32x1280xf32> to vector<1x1280xf32>
    %mul3A = vector.broadcast %slice3A : vector<1x1280xf32> to vector<32x1280xf32>
    %mul3A_15 = arith.mulf %mul3A, %max3A_14 : vector<32x1280xf32>
    %slice3A_16 = vector.extract_strided_slice %transpose3A {offsets = [1, 0], sizes = [1, 1280], strides = [1, 1]} : vector<32x1280xf32> to vector<1x1280xf32>
    %mul3A_17 = vector.broadcast %slice3A_16 : vector<1x1280xf32> to vector<32x1280xf32>
    %mul3A_18 = arith.mulf %mul3A_17, %max3A_14 : vector<32x1280xf32>
    %slice3A_19 = vector.extract_strided_slice %transpose3A {offsets = [2, 0], sizes = [1, 1280], strides = [1, 1]} : vector<32x1280xf32> to vector<1x1280xf32>
    %mul3A_20 = vector.broadcast %slice3A_19 : vector<1x1280xf32> to vector<32x1280xf32>
    %mul3A_21 = arith.mulf %mul3A_20, %max3A_14 : vector<32x1280xf32>
    %slice3A_22 = vector.extract_strided_slice %transpose3A {offsets = [3, 0], sizes = [1, 1280], strides = [1, 1]} : vector<32x1280xf32> to vector<1x1280xf32>
    %mul3A_23 = vector.broadcast %slice3A_22 : vector<1x1280xf32> to vector<32x1280xf32>
    %mul3A_24 = arith.mulf %mul3A_23, %max3A_14 : vector<32x1280xf32>
    %slice3A_25 = vector.extract_strided_slice %transpose3A {offsets = [4, 0], sizes = [1, 1280], strides = [1, 1]} : vector<32x1280xf32> to vector<1x1280xf32>
    %mul3A_26 = vector.broadcast %slice3A_25 : vector<1x1280xf32> to vector<32x1280xf32>
    %mul3A_27 = arith.mulf %mul3A_26, %max3A_14 : vector<32x1280xf32>
    %slice3A_28 = vector.extract_strided_slice %transpose3A {offsets = [5, 0], sizes = [1, 1280], strides = [1, 1]} : vector<32x1280xf32> to vector<1x1280xf32>
    %mul3A_29 = vector.broadcast %slice3A_28 : vector<1x1280xf32> to vector<32x1280xf32>
    %mul3A_30 = arith.mulf %mul3A_29, %max3A_14 : vector<32x1280xf32>
    %slice3A_31 = vector.extract_strided_slice %transpose3A {offsets = [6, 0], sizes = [1, 1280], strides = [1, 1]} : vector<32x1280xf32> to vector<1x1280xf32>
    %mul3A_32 = vector.broadcast %slice3A_31 : vector<1x1280xf32> to vector<32x1280xf32>
    %mul3A_33 = arith.mulf %mul3A_32, %max3A_14 : vector<32x1280xf32>
    %slice3A_34 = vector.extract_strided_slice %transpose3A {offsets = [7, 0], sizes = [1, 1280], strides = [1, 1]} : vector<32x1280xf32> to vector<1x1280xf32>
    %mul3A_35 = vector.broadcast %slice3A_34 : vector<1x1280xf32> to vector<32x1280xf32>
    %mul3A_36 = arith.mulf %mul3A_35, %max3A_14 : vector<32x1280xf32>
    %slice3A_37 = vector.extract_strided_slice %transpose3A {offsets = [8, 0], sizes = [1, 1280], strides = [1, 1]} : vector<32x1280xf32> to vector<1x1280xf32>
    %mul3A_38 = vector.broadcast %slice3A_37 : vector<1x1280xf32> to vector<32x1280xf32>
    %mul3A_39 = arith.mulf %mul3A_38, %max3A_14 : vector<32x1280xf32>
    %slice3A_40 = vector.extract_strided_slice %transpose3A {offsets = [9, 0], sizes = [1, 1280], strides = [1, 1]} : vector<32x1280xf32> to vector<1x1280xf32>
    %mul3A_41 = vector.broadcast %slice3A_40 : vector<1x1280xf32> to vector<32x1280xf32>
    %mul3A_42 = arith.mulf %mul3A_41, %max3A_14 : vector<32x1280xf32>
    %slice3A_43 = vector.extract_strided_slice %transpose3A {offsets = [10, 0], sizes = [1, 1280], strides = [1, 1]} : vector<32x1280xf32> to vector<1x1280xf32>
    %mul3A_44 = vector.broadcast %slice3A_43 : vector<1x1280xf32> to vector<32x1280xf32>
    %mul3A_45 = arith.mulf %mul3A_44, %max3A_14 : vector<32x1280xf32>
    %slice3A_46 = vector.extract_strided_slice %transpose3A {offsets = [11, 0], sizes = [1, 1280], strides = [1, 1]} : vector<32x1280xf32> to vector<1x1280xf32>
    %mul3A_47 = vector.broadcast %slice3A_46 : vector<1x1280xf32> to vector<32x1280xf32>
    %mul3A_48 = arith.mulf %mul3A_47, %max3A_14 : vector<32x1280xf32>
    %slice3A_49 = vector.extract_strided_slice %transpose3A {offsets = [12, 0], sizes = [1, 1280], strides = [1, 1]} : vector<32x1280xf32> to vector<1x1280xf32>
    %mul3A_50 = vector.broadcast %slice3A_49 : vector<1x1280xf32> to vector<32x1280xf32>
    %mul3A_51 = arith.mulf %mul3A_50, %max3A_14 : vector<32x1280xf32>
    %slice3A_52 = vector.extract_strided_slice %transpose3A {offsets = [13, 0], sizes = [1, 1280], strides = [1, 1]} : vector<32x1280xf32> to vector<1x1280xf32>
    %mul3A_53 = vector.broadcast %slice3A_52 : vector<1x1280xf32> to vector<32x1280xf32>
    %mul3A_54 = arith.mulf %mul3A_53, %max3A_14 : vector<32x1280xf32>
    %slice3A_55 = vector.extract_strided_slice %transpose3A {offsets = [14, 0], sizes = [1, 1280], strides = [1, 1]} : vector<32x1280xf32> to vector<1x1280xf32>
    %mul3A_56 = vector.broadcast %slice3A_55 : vector<1x1280xf32> to vector<32x1280xf32>
    %mul3A_57 = arith.mulf %mul3A_56, %max3A_14 : vector<32x1280xf32>
    %slice3A_58 = vector.extract_strided_slice %transpose3A {offsets = [15, 0], sizes = [1, 1280], strides = [1, 1]} : vector<32x1280xf32> to vector<1x1280xf32>
    %mul3A_59 = vector.broadcast %slice3A_58 : vector<1x1280xf32> to vector<32x1280xf32>
    %mul3A_60 = arith.mulf %mul3A_59, %max3A_14 : vector<32x1280xf32>
    %slice3A_61 = vector.extract_strided_slice %transpose3A {offsets = [16, 0], sizes = [1, 1280], strides = [1, 1]} : vector<32x1280xf32> to vector<1x1280xf32>
    %mul3A_62 = vector.broadcast %slice3A_61 : vector<1x1280xf32> to vector<32x1280xf32>
    %mul3A_63 = arith.mulf %mul3A_62, %max3A_14 : vector<32x1280xf32>
    %slice3A_64 = vector.extract_strided_slice %transpose3A {offsets = [17, 0], sizes = [1, 1280], strides = [1, 1]} : vector<32x1280xf32> to vector<1x1280xf32>
    %mul3A_65 = vector.broadcast %slice3A_64 : vector<1x1280xf32> to vector<32x1280xf32>
    %mul3A_66 = arith.mulf %mul3A_65, %max3A_14 : vector<32x1280xf32>
    %slice3A_67 = vector.extract_strided_slice %transpose3A {offsets = [18, 0], sizes = [1, 1280], strides = [1, 1]} : vector<32x1280xf32> to vector<1x1280xf32>
    %mul3A_68 = vector.broadcast %slice3A_67 : vector<1x1280xf32> to vector<32x1280xf32>
    %mul3A_69 = arith.mulf %mul3A_68, %max3A_14 : vector<32x1280xf32>
    %slice3A_70 = vector.extract_strided_slice %transpose3A {offsets = [19, 0], sizes = [1, 1280], strides = [1, 1]} : vector<32x1280xf32> to vector<1x1280xf32>
    %mul3A_71 = vector.broadcast %slice3A_70 : vector<1x1280xf32> to vector<32x1280xf32>
    %mul3A_72 = arith.mulf %mul3A_71, %max3A_14 : vector<32x1280xf32>
    %slice3A_73 = vector.extract_strided_slice %transpose3A {offsets = [20, 0], sizes = [1, 1280], strides = [1, 1]} : vector<32x1280xf32> to vector<1x1280xf32>
    %mul3A_74 = vector.broadcast %slice3A_73 : vector<1x1280xf32> to vector<32x1280xf32>
    %mul3A_75 = arith.mulf %mul3A_74, %max3A_14 : vector<32x1280xf32>
    %slice3A_76 = vector.extract_strided_slice %transpose3A {offsets = [21, 0], sizes = [1, 1280], strides = [1, 1]} : vector<32x1280xf32> to vector<1x1280xf32>
    %mul3A_77 = vector.broadcast %slice3A_76 : vector<1x1280xf32> to vector<32x1280xf32>
    %mul3A_78 = arith.mulf %mul3A_77, %max3A_14 : vector<32x1280xf32>
    %slice3A_79 = vector.extract_strided_slice %transpose3A {offsets = [22, 0], sizes = [1, 1280], strides = [1, 1]} : vector<32x1280xf32> to vector<1x1280xf32>
    %mul3A_80 = vector.broadcast %slice3A_79 : vector<1x1280xf32> to vector<32x1280xf32>
    %mul3A_81 = arith.mulf %mul3A_80, %max3A_14 : vector<32x1280xf32>
    %slice3A_82 = vector.extract_strided_slice %transpose3A {offsets = [23, 0], sizes = [1, 1280], strides = [1, 1]} : vector<32x1280xf32> to vector<1x1280xf32>
    %mul3A_83 = vector.broadcast %slice3A_82 : vector<1x1280xf32> to vector<32x1280xf32>
    %mul3A_84 = arith.mulf %mul3A_83, %max3A_14 : vector<32x1280xf32>
    %slice3A_85 = vector.extract_strided_slice %transpose3A {offsets = [24, 0], sizes = [1, 1280], strides = [1, 1]} : vector<32x1280xf32> to vector<1x1280xf32>
    %mul3A_86 = vector.broadcast %slice3A_85 : vector<1x1280xf32> to vector<32x1280xf32>
    %mul3A_87 = arith.mulf %mul3A_86, %max3A_14 : vector<32x1280xf32>
    %slice3A_88 = vector.extract_strided_slice %transpose3A {offsets = [25, 0], sizes = [1, 1280], strides = [1, 1]} : vector<32x1280xf32> to vector<1x1280xf32>
    %mul3A_89 = vector.broadcast %slice3A_88 : vector<1x1280xf32> to vector<32x1280xf32>
    %mul3A_90 = arith.mulf %mul3A_89, %max3A_14 : vector<32x1280xf32>
    %slice3A_91 = vector.extract_strided_slice %transpose3A {offsets = [26, 0], sizes = [1, 1280], strides = [1, 1]} : vector<32x1280xf32> to vector<1x1280xf32>
    %mul3A_92 = vector.broadcast %slice3A_91 : vector<1x1280xf32> to vector<32x1280xf32>
    %mul3A_93 = arith.mulf %mul3A_92, %max3A_14 : vector<32x1280xf32>
    %slice3A_94 = vector.extract_strided_slice %transpose3A {offsets = [27, 0], sizes = [1, 1280], strides = [1, 1]} : vector<32x1280xf32> to vector<1x1280xf32>
    %mul3A_95 = vector.broadcast %slice3A_94 : vector<1x1280xf32> to vector<32x1280xf32>
    %mul3A_96 = arith.mulf %mul3A_95, %max3A_14 : vector<32x1280xf32>
    %slice3A_97 = vector.extract_strided_slice %transpose3A {offsets = [28, 0], sizes = [1, 1280], strides = [1, 1]} : vector<32x1280xf32> to vector<1x1280xf32>
    %mul3A_98 = vector.broadcast %slice3A_97 : vector<1x1280xf32> to vector<32x1280xf32>
    %mul3A_99 = arith.mulf %mul3A_98, %max3A_14 : vector<32x1280xf32>
    %slice3A_100 = vector.extract_strided_slice %transpose3A {offsets = [29, 0], sizes = [1, 1280], strides = [1, 1]} : vector<32x1280xf32> to vector<1x1280xf32>
    %mul3A_101 = vector.broadcast %slice3A_100 : vector<1x1280xf32> to vector<32x1280xf32>
    %mul3A_102 = arith.mulf %mul3A_101, %max3A_14 : vector<32x1280xf32>
    %slice3A_103 = vector.extract_strided_slice %transpose3A {offsets = [30, 0], sizes = [1, 1280], strides = [1, 1]} : vector<32x1280xf32> to vector<1x1280xf32>
    %mul3A_104 = vector.broadcast %slice3A_103 : vector<1x1280xf32> to vector<32x1280xf32>
    %mul3A_105 = arith.mulf %mul3A_104, %max3A_14 : vector<32x1280xf32>
    %slice3A_106 = vector.extract_strided_slice %transpose3A {offsets = [31, 0], sizes = [1, 1280], strides = [1, 1]} : vector<32x1280xf32> to vector<1x1280xf32>
    %mul3A_107 = vector.broadcast %slice3A_106 : vector<1x1280xf32> to vector<32x1280xf32>
    %mul3A_108 = arith.mulf %mul3A_107, %max3A_14 : vector<32x1280xf32>
    %concatenate3A = tpu.concatenate %mul3A_15, %mul3A_18, %mul3A_21, %mul3A_24, %mul3A_27, %mul3A_30, %mul3A_33, %mul3A_36, %mul3A_39, %mul3A_42, %mul3A_45, %mul3A_48, %mul3A_51, %mul3A_54, %mul3A_57, %mul3A_60, %mul3A_63, %mul3A_66, %mul3A_69, %mul3A_72, %mul3A_75, %mul3A_78, %mul3A_81, %mul3A_84, %mul3A_87, %mul3A_90, %mul3A_93, %mul3A_96, %mul3A_99, %mul3A_102, %mul3A_105, %mul3A_108 in 0 : vector<32x1280xf32>, vector<32x1280xf32>, vector<32x1280xf32>, vector<32x1280xf32>, vector<32x1280xf32>, vector<32x1280xf32>, vector<32x1280xf32>, vector<32x1280xf32>, vector<32x1280xf32>, vector<32x1280xf32>, vector<32x1280xf32>, vector<32x1280xf32>, vector<32x1280xf32>, vector<32x1280xf32>, vector<32x1280xf32>, vector<32x1280xf32>, vector<32x1280xf32>, vector<32x1280xf32>, vector<32x1280xf32>, vector<32x1280xf32>, vector<32x1280xf32>, vector<32x1280xf32>, vector<32x1280xf32>, vector<32x1280xf32>, vector<32x1280xf32>, vector<32x1280xf32>, vector<32x1280xf32>, vector<32x1280xf32>, vector<32x1280xf32>, vector<32x1280xf32>, vector<32x1280xf32>, vector<32x1280xf32> -> vector<1024x1280xf32>
    %get3A_109 = arith.constant 0 : index
    %get3A_110 = arith.constant 0 : index
    %get3A_111 = vector.load %arg5[%get3A_109, %get3A_110] : memref<32x1024xf32, #tpu.memory_space<vmem>>, vector<32x1024xf32>
    %dot_general3A_112 = arith.constant dense<0.000000e+00> : vector<32x1280xf32>
    %dot_general3A_113 = tpu.matmul %get3A_111, %concatenate3A, %dot_general3A_112 {dimension_numbers = #tpu.dot_dimension_numbers<[1], [0], [0], [1], [0, 0, 1, 1], [], []>, transpose_lhs_hint = false} : vector<32x1024xf32>, vector<1024x1280xf32>, vector<32x1280xf32> -> vector<32x1280xf32>
    %get3A_114 = arith.constant 0 : index
    %get3A_115 = arith.constant 0 : index
    %get3A_116 = vector.load %arg6[%get3A_114, %get3A_115] : memref<32x32xf32, #tpu.memory_space<vmem>>, vector<32x32xf32>
    %dot_general3A_117 = arith.constant dense<0.000000e+00> : vector<32x1280xf32>
    %dot_general3A_118 = tpu.matmul %get3A_116, %transpose3A, %dot_general3A_117 {dimension_numbers = #tpu.dot_dimension_numbers<[1], [0], [0], [1], [0, 0, 1, 1], [], []>, transpose_lhs_hint = false} : vector<32x32xf32>, vector<32x1280xf32>, vector<32x1280xf32> -> vector<32x1280xf32>
    %add3A_119 = arith.addf %dot_general3A_113, %dot_general3A_118 : vector<32x1280xf32>
    %transpose3A_120 = tpu.transpose %add3A_119, [1, 0] : vector<32x1280xf32> -> vector<1280x32xf32>
    %broadcast_in_dim3A = arith.constant 0.000000e+00 : f32
    %broadcast_in_dim3A_121 = vector.broadcast %broadcast_in_dim3A : f32 to vector<1280x96xf32>
    %concatenate3A_122 = tpu.concatenate %transpose3A_120, %broadcast_in_dim3A_121 in 1 : vector<1280x32xf32>, vector<1280x96xf32> -> vector<1280x128xf32>
    %swap3A = arith.constant 0 : index
    %swap3A_123 = arith.constant 0 : index
    %swap3A_124 = vector.load %arg7[%swap3A, %swap3A_123] : memref<1280x128xf32, #tpu.memory_space<vmem>>, vector<1280x128xf32>
    tpu.vector_store %arg7[%swap3A, %swap3A_123], %concatenate3A_122 {strides = array<i32>} : memref<1280x128xf32, #tpu.memory_space<vmem>>, vector<1280x128xf32>,
    return
  }
  func.func @transform_0(%arg0: i32) -> (i32, i32) {
    %c0_i32 = arith.constant 0 : i32
    %c0_i32_0 = arith.constant 0 : i32
    return %c0_i32, %arg0 : i32, i32
  }
  func.func @transform_1(%arg0: i32) -> (i32, i32) {
    %c0_i32 = arith.constant 0 : i32
    %c0_i32_0 = arith.constant 0 : i32
    return %arg0, %c0_i32 : i32, i32
  }
  func.func @transform_2(%arg0: i32) -> (i32, i32) {
    %c0_i32 = arith.constant 0 : i32
    %c0_i32_0 = arith.constant 0 : i32
    %c0_i32_1 = arith.constant 0 : i32
    return %c0_i32, %c0_i32_0 : i32, i32
  }
  func.func @transform_3(%arg0: i32) -> (i32, i32) {
    %c0_i32 = arith.constant 0 : i32
    %c0_i32_0 = arith.constant 0 : i32
    %c0_i32_1 = arith.constant 0 : i32
    return %c0_i32, %c0_i32_0 : i32, i32
  }
  func.func @transform_4(%arg0: i32) -> (i32, i32) {
    %c0_i32 = arith.constant 0 : i32
    %c0_i32_0 = arith.constant 0 : i32
    %c0_i32_1 = arith.constant 0 : i32
    return %c0_i32, %c0_i32_0 : i32, i32
  }
  func.func @transform_5(%arg0: i32) -> (i32, i32) {
    %c0_i32 = arith.constant 0 : i32
    %c0_i32_0 = arith.constant 0 : i32
    %c0_i32_1 = arith.constant 0 : i32
    return %c0_i32, %c0_i32_0 : i32, i32
  }
  func.func @transform_6(%arg0: i32) -> (i32, i32) {
    %c0_i32 = arith.constant 0 : i32
    %c0_i32_0 = arith.constant 0 : i32
    return %arg0, %c0_i32 : i32, i32
  }
}

module attributes {stable_mosaic.version = 14 : i64} {
  func.func @_edge_body(%arg0: i32, %arg1: memref<16x1280xf32, #tpu.memory_space<vmem>>, %arg2: memref<1280x128xf32, #tpu.memory_space<vmem>>, %arg3: memref<32x16xf32, #tpu.memory_space<vmem>>, %arg4: memref<32x8xf32, #tpu.memory_space<vmem>>, %arg5: memref<32x1024xf32, #tpu.memory_space<vmem>>, %arg6: memref<32x32xf32, #tpu.memory_space<vmem>>, %arg7: memref<1280x128xf32, #tpu.memory_space<vmem>>) attributes {dimension_semantics = [#tpu.dimension_semantics<arbitrary>], iteration_bounds = array<i64: 20>, scalar_prefetch = 0 : i64, scratch_operands = 0 : i64, tpu.core_type = #tpu.core_type<tc>, window_params = [{transform_indices = @transform_0, window_bounds = array<i64: 16, 1280>}, {transform_indices = @transform_1, window_bounds = array<i64: 1280, 128>}, {pipeline_mode = #tpu.pipeline_mode<synchronous>, transform_indices = @transform_2, window_bounds = array<i64: 32, 16>}, {pipeline_mode = #tpu.pipeline_mode<synchronous>, transform_indices = @transform_3, window_bounds = array<i64: 32, 8>}, {pipeline_mode = #tpu.pipeline_mode<synchronous>, transform_indices = @transform_4, window_bounds = array<i64: 32, 1024>}, {pipeline_mode = #tpu.pipeline_mode<synchronous>, transform_indices = @transform_5, window_bounds = array<i64: 32, 32>}, {transform_indices = @transform_6, window_bounds = array<i64: 1280, 128>}]} {
    %get3A = arith.constant 0 : index
    %get3A_0 = arith.constant 0 : index
    %get3A_1 = vector.load %arg1[%get3A, %get3A_0] : memref<16x1280xf32, #tpu.memory_space<vmem>>, vector<16x1280xf32>
    %get3A_2 = arith.constant 0 : index
    %get3A_3 = arith.constant 0 : index
    %get3A_4 = vector.load %arg2[%get3A_2, %get3A_3] : memref<1280x128xf32, #tpu.memory_space<vmem>>, vector<1280x32xf32>
    %transpose3A = tpu.transpose %get3A_4, [1, 0] : vector<1280x32xf32> -> vector<32x1280xf32>
    %get3A_5 = arith.constant 0 : index
    %get3A_6 = arith.constant 0 : index
    %get3A_7 = vector.load %arg3[%get3A_5, %get3A_6] : memref<32x16xf32, #tpu.memory_space<vmem>>, vector<32x16xf32>
    %dot_general3A = arith.constant dense<0.000000e+00> : vector<32x1280xf32>
    %dot_general3A_8 = tpu.matmul %get3A_7, %get3A_1, %dot_general3A {dimension_numbers = #tpu.dot_dimension_numbers<[1], [0], [0], [1], [0, 0, 1, 1], [], []>, transpose_lhs_hint = false} : vector<32x16xf32>, vector<16x1280xf32>, vector<32x1280xf32> -> vector<32x1280xf32>
    %get3A_9 = arith.constant 0 : index
    %get3A_10 = arith.constant 0 : index
    %get3A_11 = vector.load %arg4[%get3A_9, %get3A_10] : memref<32x8xf32, #tpu.memory_space<vmem>>, vector<32x1xf32>
    %add3A = vector.broadcast %get3A_11 : vector<32x1xf32> to vector<32x1280xf32>
    %add3A_12 = arith.addf %dot_general3A_8, %add3A : vector<32x1280xf32>
    %max3A = arith.constant 0.000000e+00 : f32
    %max3A_13 = vector.broadcast %max3A : f32 to vector<32x1280xf32>
    %max3A_14 = arith.maximumf %add3A_12, %max3A_13 : vector<32x1280xf32>
    %slice3A = vector.extract_strided_slice %transpose3A {offsets = [0, 0], sizes = [1, 1280], strides = [1, 1]} : vector<32x1280xf32> to vector<1x1280xf32>
    %mul3A = vector.broadcast %slice3A : vector<1x1280xf32> to vector<32x1280xf32>
    %mul3A_15 = arith.mulf %mul3A, %max3A_14 : vector<32x1280xf32>
    %slice3A_16 = vector.extract_strided_slice %transpose3A {offsets = [1, 0], sizes = [1, 1280], strides = [1, 1]} : vector<32x1280xf32> to vector<1x1280xf32>
    %mul3A_17 = vector.broadcast %slice3A_16 : vector<1x1280xf32> to vector<32x1280xf32>
    %mul3A_18 = arith.mulf %mul3A_17, %max3A_14 : vector<32x1280xf32>
    %slice3A_19 = vector.extract_strided_slice %transpose3A {offsets = [2, 0], sizes = [1, 1280], strides = [1, 1]} : vector<32x1280xf32> to vector<1x1280xf32>
    %mul3A_20 = vector.broadcast %slice3A_19 : vector<1x1280xf32> to vector<32x1280xf32>
    %mul3A_21 = arith.mulf %mul3A_20, %max3A_14 : vector<32x1280xf32>
    %slice3A_22 = vector.extract_strided_slice %transpose3A {offsets = [3, 0], sizes = [1, 1280], strides = [1, 1]} : vector<32x1280xf32> to vector<1x1280xf32>
    %mul3A_23 = vector.broadcast %slice3A_22 : vector<1x1280xf32> to vector<32x1280xf32>
    %mul3A_24 = arith.mulf %mul3A_23, %max3A_14 : vector<32x1280xf32>
    %slice3A_25 = vector.extract_strided_slice %transpose3A {offsets = [4, 0], sizes = [1, 1280], strides = [1, 1]} : vector<32x1280xf32> to vector<1x1280xf32>
    %mul3A_26 = vector.broadcast %slice3A_25 : vector<1x1280xf32> to vector<32x1280xf32>
    %mul3A_27 = arith.mulf %mul3A_26, %max3A_14 : vector<32x1280xf32>
    %slice3A_28 = vector.extract_strided_slice %transpose3A {offsets = [5, 0], sizes = [1, 1280], strides = [1, 1]} : vector<32x1280xf32> to vector<1x1280xf32>
    %mul3A_29 = vector.broadcast %slice3A_28 : vector<1x1280xf32> to vector<32x1280xf32>
    %mul3A_30 = arith.mulf %mul3A_29, %max3A_14 : vector<32x1280xf32>
    %slice3A_31 = vector.extract_strided_slice %transpose3A {offsets = [6, 0], sizes = [1, 1280], strides = [1, 1]} : vector<32x1280xf32> to vector<1x1280xf32>
    %mul3A_32 = vector.broadcast %slice3A_31 : vector<1x1280xf32> to vector<32x1280xf32>
    %mul3A_33 = arith.mulf %mul3A_32, %max3A_14 : vector<32x1280xf32>
    %slice3A_34 = vector.extract_strided_slice %transpose3A {offsets = [7, 0], sizes = [1, 1280], strides = [1, 1]} : vector<32x1280xf32> to vector<1x1280xf32>
    %mul3A_35 = vector.broadcast %slice3A_34 : vector<1x1280xf32> to vector<32x1280xf32>
    %mul3A_36 = arith.mulf %mul3A_35, %max3A_14 : vector<32x1280xf32>
    %slice3A_37 = vector.extract_strided_slice %transpose3A {offsets = [8, 0], sizes = [1, 1280], strides = [1, 1]} : vector<32x1280xf32> to vector<1x1280xf32>
    %mul3A_38 = vector.broadcast %slice3A_37 : vector<1x1280xf32> to vector<32x1280xf32>
    %mul3A_39 = arith.mulf %mul3A_38, %max3A_14 : vector<32x1280xf32>
    %slice3A_40 = vector.extract_strided_slice %transpose3A {offsets = [9, 0], sizes = [1, 1280], strides = [1, 1]} : vector<32x1280xf32> to vector<1x1280xf32>
    %mul3A_41 = vector.broadcast %slice3A_40 : vector<1x1280xf32> to vector<32x1280xf32>
    %mul3A_42 = arith.mulf %mul3A_41, %max3A_14 : vector<32x1280xf32>
    %slice3A_43 = vector.extract_strided_slice %transpose3A {offsets = [10, 0], sizes = [1, 1280], strides = [1, 1]} : vector<32x1280xf32> to vector<1x1280xf32>
    %mul3A_44 = vector.broadcast %slice3A_43 : vector<1x1280xf32> to vector<32x1280xf32>
    %mul3A_45 = arith.mulf %mul3A_44, %max3A_14 : vector<32x1280xf32>
    %slice3A_46 = vector.extract_strided_slice %transpose3A {offsets = [11, 0], sizes = [1, 1280], strides = [1, 1]} : vector<32x1280xf32> to vector<1x1280xf32>
    %mul3A_47 = vector.broadcast %slice3A_46 : vector<1x1280xf32> to vector<32x1280xf32>
    %mul3A_48 = arith.mulf %mul3A_47, %max3A_14 : vector<32x1280xf32>
    %slice3A_49 = vector.extract_strided_slice %transpose3A {offsets = [12, 0], sizes = [1, 1280], strides = [1, 1]} : vector<32x1280xf32> to vector<1x1280xf32>
    %mul3A_50 = vector.broadcast %slice3A_49 : vector<1x1280xf32> to vector<32x1280xf32>
    %mul3A_51 = arith.mulf %mul3A_50, %max3A_14 : vector<32x1280xf32>
    %slice3A_52 = vector.extract_strided_slice %transpose3A {offsets = [13, 0], sizes = [1, 1280], strides = [1, 1]} : vector<32x1280xf32> to vector<1x1280xf32>
    %mul3A_53 = vector.broadcast %slice3A_52 : vector<1x1280xf32> to vector<32x1280xf32>
    %mul3A_54 = arith.mulf %mul3A_53, %max3A_14 : vector<32x1280xf32>
    %slice3A_55 = vector.extract_strided_slice %transpose3A {offsets = [14, 0], sizes = [1, 1280], strides = [1, 1]} : vector<32x1280xf32> to vector<1x1280xf32>
    %mul3A_56 = vector.broadcast %slice3A_55 : vector<1x1280xf32> to vector<32x1280xf32>
    %mul3A_57 = arith.mulf %mul3A_56, %max3A_14 : vector<32x1280xf32>
    %slice3A_58 = vector.extract_strided_slice %transpose3A {offsets = [15, 0], sizes = [1, 1280], strides = [1, 1]} : vector<32x1280xf32> to vector<1x1280xf32>
    %mul3A_59 = vector.broadcast %slice3A_58 : vector<1x1280xf32> to vector<32x1280xf32>
    %mul3A_60 = arith.mulf %mul3A_59, %max3A_14 : vector<32x1280xf32>
    %slice3A_61 = vector.extract_strided_slice %transpose3A {offsets = [16, 0], sizes = [1, 1280], strides = [1, 1]} : vector<32x1280xf32> to vector<1x1280xf32>
    %mul3A_62 = vector.broadcast %slice3A_61 : vector<1x1280xf32> to vector<32x1280xf32>
    %mul3A_63 = arith.mulf %mul3A_62, %max3A_14 : vector<32x1280xf32>
    %slice3A_64 = vector.extract_strided_slice %transpose3A {offsets = [17, 0], sizes = [1, 1280], strides = [1, 1]} : vector<32x1280xf32> to vector<1x1280xf32>
    %mul3A_65 = vector.broadcast %slice3A_64 : vector<1x1280xf32> to vector<32x1280xf32>
    %mul3A_66 = arith.mulf %mul3A_65, %max3A_14 : vector<32x1280xf32>
    %slice3A_67 = vector.extract_strided_slice %transpose3A {offsets = [18, 0], sizes = [1, 1280], strides = [1, 1]} : vector<32x1280xf32> to vector<1x1280xf32>
    %mul3A_68 = vector.broadcast %slice3A_67 : vector<1x1280xf32> to vector<32x1280xf32>
    %mul3A_69 = arith.mulf %mul3A_68, %max3A_14 : vector<32x1280xf32>
    %slice3A_70 = vector.extract_strided_slice %transpose3A {offsets = [19, 0], sizes = [1, 1280], strides = [1, 1]} : vector<32x1280xf32> to vector<1x1280xf32>
    %mul3A_71 = vector.broadcast %slice3A_70 : vector<1x1280xf32> to vector<32x1280xf32>
    %mul3A_72 = arith.mulf %mul3A_71, %max3A_14 : vector<32x1280xf32>
    %slice3A_73 = vector.extract_strided_slice %transpose3A {offsets = [20, 0], sizes = [1, 1280], strides = [1, 1]} : vector<32x1280xf32> to vector<1x1280xf32>
    %mul3A_74 = vector.broadcast %slice3A_73 : vector<1x1280xf32> to vector<32x1280xf32>
    %mul3A_75 = arith.mulf %mul3A_74, %max3A_14 : vector<32x1280xf32>
    %slice3A_76 = vector.extract_strided_slice %transpose3A {offsets = [21, 0], sizes = [1, 1280], strides = [1, 1]} : vector<32x1280xf32> to vector<1x1280xf32>
    %mul3A_77 = vector.broadcast %slice3A_76 : vector<1x1280xf32> to vector<32x1280xf32>
    %mul3A_78 = arith.mulf %mul3A_77, %max3A_14 : vector<32x1280xf32>
    %slice3A_79 = vector.extract_strided_slice %transpose3A {offsets = [22, 0], sizes = [1, 1280], strides = [1, 1]} : vector<32x1280xf32> to vector<1x1280xf32>
    %mul3A_80 = vector.broadcast %slice3A_79 : vector<1x1280xf32> to vector<32x1280xf32>
    %mul3A_81 = arith.mulf %mul3A_80, %max3A_14 : vector<32x1280xf32>
    %slice3A_82 = vector.extract_strided_slice %transpose3A {offsets = [23, 0], sizes = [1, 1280], strides = [1, 1]} : vector<32x1280xf32> to vector<1x1280xf32>
    %mul3A_83 = vector.broadcast %slice3A_82 : vector<1x1280xf32> to vector<32x1280xf32>
    %mul3A_84 = arith.mulf %mul3A_83, %max3A_14 : vector<32x1280xf32>
    %slice3A_85 = vector.extract_strided_slice %transpose3A {offsets = [24, 0], sizes = [1, 1280], strides = [1, 1]} : vector<32x1280xf32> to vector<1x1280xf32>
    %mul3A_86 = vector.broadcast %slice3A_85 : vector<1x1280xf32> to vector<32x1280xf32>
    %mul3A_87 = arith.mulf %mul3A_86, %max3A_14 : vector<32x1280xf32>
    %slice3A_88 = vector.extract_strided_slice %transpose3A {offsets = [25, 0], sizes = [1, 1280], strides = [1, 1]} : vector<32x1280xf32> to vector<1x1280xf32>
    %mul3A_89 = vector.broadcast %slice3A_88 : vector<1x1280xf32> to vector<32x1280xf32>
    %mul3A_90 = arith.mulf %mul3A_89, %max3A_14 : vector<32x1280xf32>
    %slice3A_91 = vector.extract_strided_slice %transpose3A {offsets = [26, 0], sizes = [1, 1280], strides = [1, 1]} : vector<32x1280xf32> to vector<1x1280xf32>
    %mul3A_92 = vector.broadcast %slice3A_91 : vector<1x1280xf32> to vector<32x1280xf32>
    %mul3A_93 = arith.mulf %mul3A_92, %max3A_14 : vector<32x1280xf32>
    %slice3A_94 = vector.extract_strided_slice %transpose3A {offsets = [27, 0], sizes = [1, 1280], strides = [1, 1]} : vector<32x1280xf32> to vector<1x1280xf32>
    %mul3A_95 = vector.broadcast %slice3A_94 : vector<1x1280xf32> to vector<32x1280xf32>
    %mul3A_96 = arith.mulf %mul3A_95, %max3A_14 : vector<32x1280xf32>
    %slice3A_97 = vector.extract_strided_slice %transpose3A {offsets = [28, 0], sizes = [1, 1280], strides = [1, 1]} : vector<32x1280xf32> to vector<1x1280xf32>
    %mul3A_98 = vector.broadcast %slice3A_97 : vector<1x1280xf32> to vector<32x1280xf32>
    %mul3A_99 = arith.mulf %mul3A_98, %max3A_14 : vector<32x1280xf32>
    %slice3A_100 = vector.extract_strided_slice %transpose3A {offsets = [29, 0], sizes = [1, 1280], strides = [1, 1]} : vector<32x1280xf32> to vector<1x1280xf32>
    %mul3A_101 = vector.broadcast %slice3A_100 : vector<1x1280xf32> to vector<32x1280xf32>
    %mul3A_102 = arith.mulf %mul3A_101, %max3A_14 : vector<32x1280xf32>
    %slice3A_103 = vector.extract_strided_slice %transpose3A {offsets = [30, 0], sizes = [1, 1280], strides = [1, 1]} : vector<32x1280xf32> to vector<1x1280xf32>
    %mul3A_104 = vector.broadcast %slice3A_103 : vector<1x1280xf32> to vector<32x1280xf32>
    %mul3A_105 = arith.mulf %mul3A_104, %max3A_14 : vector<32x1280xf32>
    %slice3A_106 = vector.extract_strided_slice %transpose3A {offsets = [31, 0], sizes = [1, 1280], strides = [1, 1]} : vector<32x1280xf32> to vector<1x1280xf32>
    %mul3A_107 = vector.broadcast %slice3A_106 : vector<1x1280xf32> to vector<32x1280xf32>
    %mul3A_108 = arith.mulf %mul3A_107, %max3A_14 : vector<32x1280xf32>
    %concatenate3A = tpu.concatenate %mul3A_15, %mul3A_18, %mul3A_21, %mul3A_24, %mul3A_27, %mul3A_30, %mul3A_33, %mul3A_36, %mul3A_39, %mul3A_42, %mul3A_45, %mul3A_48, %mul3A_51, %mul3A_54, %mul3A_57, %mul3A_60, %mul3A_63, %mul3A_66, %mul3A_69, %mul3A_72, %mul3A_75, %mul3A_78, %mul3A_81, %mul3A_84, %mul3A_87, %mul3A_90, %mul3A_93, %mul3A_96, %mul3A_99, %mul3A_102, %mul3A_105, %mul3A_108 in 0 : vector<32x1280xf32>, vector<32x1280xf32>, vector<32x1280xf32>, vector<32x1280xf32>, vector<32x1280xf32>, vector<32x1280xf32>, vector<32x1280xf32>, vector<32x1280xf32>, vector<32x1280xf32>, vector<32x1280xf32>, vector<32x1280xf32>, vector<32x1280xf32>, vector<32x1280xf32>, vector<32x1280xf32>, vector<32x1280xf32>, vector<32x1280xf32>, vector<32x1280xf32>, vector<32x1280xf32>, vector<32x1280xf32>, vector<32x1280xf32>, vector<32x1280xf32>, vector<32x1280xf32>, vector<32x1280xf32>, vector<32x1280xf32>, vector<32x1280xf32>, vector<32x1280xf32>, vector<32x1280xf32>, vector<32x1280xf32>, vector<32x1280xf32>, vector<32x1280xf32>, vector<32x1280xf32>, vector<32x1280xf32> -> vector<1024x1280xf32>
    %get3A_109 = arith.constant 0 : index
    %get3A_110 = arith.constant 0 : index
    %get3A_111 = vector.load %arg5[%get3A_109, %get3A_110] : memref<32x1024xf32, #tpu.memory_space<vmem>>, vector<32x1024xf32>
    %dot_general3A_112 = arith.constant dense<0.000000e+00> : vector<32x1280xf32>
    %dot_general3A_113 = tpu.matmul %get3A_111, %concatenate3A, %dot_general3A_112 {dimension_numbers = #tpu.dot_dimension_numbers<[1], [0], [0], [1], [0, 0, 1, 1], [], []>, transpose_lhs_hint = false} : vector<32x1024xf32>, vector<1024x1280xf32>, vector<32x1280xf32> -> vector<32x1280xf32>
    %get3A_114 = arith.constant 0 : index
    %get3A_115 = arith.constant 0 : index
    %get3A_116 = vector.load %arg6[%get3A_114, %get3A_115] : memref<32x32xf32, #tpu.memory_space<vmem>>, vector<32x32xf32>
    %dot_general3A_117 = arith.constant dense<0.000000e+00> : vector<32x1280xf32>
    %dot_general3A_118 = tpu.matmul %get3A_116, %transpose3A, %dot_general3A_117 {dimension_numbers = #tpu.dot_dimension_numbers<[1], [0], [0], [1], [0, 0, 1, 1], [], []>, transpose_lhs_hint = false} : vector<32x32xf32>, vector<32x1280xf32>, vector<32x1280xf32> -> vector<32x1280xf32>
    %add3A_119 = arith.addf %dot_general3A_113, %dot_general3A_118 : vector<32x1280xf32>
    %transpose3A_120 = tpu.transpose %add3A_119, [1, 0] : vector<32x1280xf32> -> vector<1280x32xf32>
    %broadcast_in_dim3A = arith.constant 0.000000e+00 : f32
    %broadcast_in_dim3A_121 = vector.broadcast %broadcast_in_dim3A : f32 to vector<1280x96xf32>
    %concatenate3A_122 = tpu.concatenate %transpose3A_120, %broadcast_in_dim3A_121 in 1 : vector<1280x32xf32>, vector<1280x96xf32> -> vector<1280x128xf32>
    %swap3A = arith.constant 0 : index
    %swap3A_123 = arith.constant 0 : index
    %swap3A_124 = vector.load %arg7[%swap3A, %swap3A_123] : memref<1280x128xf32, #tpu.memory_space<vmem>>, vector<1280x128xf32>
    tpu.vector_store %arg7[%swap3A, %swap3A_123], %concatenate3A_122 {strides = array<i32>} : memref<1280x128xf32, #tpu.memory_space<vmem>>, vector<1280x128xf32>,
    return
  }
  func.func @transform_0(%arg0: i32) -> (i32, i32) {
    %c0_i32 = arith.constant 0 : i32
    %c0_i32_0 = arith.constant 0 : i32
    return %c0_i32, %arg0 : i32, i32
  }
  func.func @transform_1(%arg0: i32) -> (i32, i32) {
    %c0_i32 = arith.constant 0 : i32
    %c0_i32_0 = arith.constant 0 : i32
    return %arg0, %c0_i32 : i32, i32
  }
  func.func @transform_2(%arg0: i32) -> (i32, i32) {
    %c0_i32 = arith.constant 0 : i32
    %c0_i32_0 = arith.constant 0 : i32
    %c0_i32_1 = arith.constant 0 : i32
    return %c0_i32, %c0_i32_0 : i32, i32
  }
  func.func @transform_3(%arg0: i32) -> (i32, i32) {
    %c0_i32 = arith.constant 0 : i32
    %c0_i32_0 = arith.constant 0 : i32
    %c0_i32_1 = arith.constant 0 : i32
    return %c0_i32, %c0_i32_0 : i32, i32
  }
  func.func @transform_4(%arg0: i32) -> (i32, i32) {
    %c0_i32 = arith.constant 0 : i32
    %c0_i32_0 = arith.constant 0 : i32
    %c0_i32_1 = arith.constant 0 : i32
    return %c0_i32, %c0_i32_0 : i32, i32
  }
  func.func @transform_5(%arg0: i32) -> (i32, i32) {
    %c0_i32 = arith.constant 0 : i32
    %c0_i32_0 = arith.constant 0 : i32
    %c0_i32_1 = arith.constant 0 : i32
    return %c0_i32, %c0_i32_0 : i32, i32
  }
  func.func @transform_6(%arg0: i32) -> (i32, i32) {
    %c0_i32 = arith.constant 0 : i32
    %c0_i32_0 = arith.constant 0 : i32
    return %arg0, %c0_i32 : i32, i32
  }
}

module attributes {stable_mosaic.version = 14 : i64} {
  func.func @_gru_body(%arg0: i32, %arg1: memref<2x2560x32xf32, #tpu.memory_space<vmem>>, %arg2: memref<2x2560x32xf32, #tpu.memory_space<vmem>>, %arg3: memref<2x2560x32xf32, #tpu.memory_space<vmem>>, %arg4: memref<2560x128xf32, #tpu.memory_space<vmem>>, %arg5: memref<32x96xf32, #tpu.memory_space<vmem>>, %arg6: memref<32x96xf32, #tpu.memory_space<vmem>>, %arg7: memref<8x96xf32, #tpu.memory_space<vmem>>, %arg8: memref<2560x32xf32, #tpu.memory_space<vmem>>) attributes {dimension_semantics = [#tpu.dimension_semantics<arbitrary>], iteration_bounds = array<i64: 4>, scalar_prefetch = 0 : i64, scratch_operands = 0 : i64, tpu.core_type = #tpu.core_type<tc>, window_params = [{transform_indices = @transform_0, window_bounds = array<i64: 2, 2560, 32>}, {transform_indices = @transform_1, window_bounds = array<i64: 2, 2560, 32>}, {transform_indices = @transform_2, window_bounds = array<i64: 2, 2560, 32>}, {transform_indices = @transform_3, window_bounds = array<i64: 2560, 128>}, {pipeline_mode = #tpu.pipeline_mode<synchronous>, transform_indices = @transform_4, window_bounds = array<i64: 32, 96>}, {pipeline_mode = #tpu.pipeline_mode<synchronous>, transform_indices = @transform_5, window_bounds = array<i64: 32, 96>}, {pipeline_mode = #tpu.pipeline_mode<synchronous>, transform_indices = @transform_6, window_bounds = array<i64: 8, 96>}, {transform_indices = @transform_7, window_bounds = array<i64: 2560, 32>}]} {
    %get3A = arith.constant 0 : index
    %get3A_0 = arith.constant 0 : index
    %get3A_1 = arith.constant 0 : index
    %get3A_2 = vector.load %arg1[%get3A, %get3A_0, %get3A_1] : memref<2x2560x32xf32, #tpu.memory_space<vmem>>, vector<1x2560x32xf32>
    %get3A_3 = vector.shape_cast %get3A_2 : vector<1x2560x32xf32> to vector<2560x32xf32>
    %get3A_4 = arith.constant 1 : index
    %get3A_5 = arith.constant 0 : index
    %get3A_6 = arith.constant 0 : index
    %get3A_7 = vector.load %arg1[%get3A_4, %get3A_5, %get3A_6] : memref<2x2560x32xf32, #tpu.memory_space<vmem>>, vector<1x2560x32xf32>
    %get3A_8 = vector.shape_cast %get3A_7 : vector<1x2560x32xf32> to vector<2560x32xf32>
    %add3A = arith.addf %get3A_3, %get3A_8 : vector<2560x32xf32>
    %get3A_9 = arith.constant 0 : index
    %get3A_10 = arith.constant 0 : index
    %get3A_11 = arith.constant 0 : index
    %get3A_12 = vector.load %arg2[%get3A_9, %get3A_10, %get3A_11] : memref<2x2560x32xf32, #tpu.memory_space<vmem>>, vector<1x2560x32xf32>
    %get3A_13 = vector.shape_cast %get3A_12 : vector<1x2560x32xf32> to vector<2560x32xf32>
    %add3A_14 = arith.addf %add3A, %get3A_13 : vector<2560x32xf32>
    %get3A_15 = arith.constant 1 : index
    %get3A_16 = arith.constant 0 : index
    %get3A_17 = arith.constant 0 : index
    %get3A_18 = vector.load %arg2[%get3A_15, %get3A_16, %get3A_17] : memref<2x2560x32xf32, #tpu.memory_space<vmem>>, vector<1x2560x32xf32>
    %get3A_19 = vector.shape_cast %get3A_18 : vector<1x2560x32xf32> to vector<2560x32xf32>
    %add3A_20 = arith.addf %add3A_14, %get3A_19 : vector<2560x32xf32>
    %get3A_21 = arith.constant 0 : index
    %get3A_22 = arith.constant 0 : index
    %get3A_23 = arith.constant 0 : index
    %get3A_24 = vector.load %arg3[%get3A_21, %get3A_22, %get3A_23] : memref<2x2560x32xf32, #tpu.memory_space<vmem>>, vector<1x2560x32xf32>
    %get3A_25 = vector.shape_cast %get3A_24 : vector<1x2560x32xf32> to vector<2560x32xf32>
    %add3A_26 = arith.addf %add3A_20, %get3A_25 : vector<2560x32xf32>
    %get3A_27 = arith.constant 1 : index
    %get3A_28 = arith.constant 0 : index
    %get3A_29 = arith.constant 0 : index
    %get3A_30 = vector.load %arg3[%get3A_27, %get3A_28, %get3A_29] : memref<2x2560x32xf32, #tpu.memory_space<vmem>>, vector<1x2560x32xf32>
    %get3A_31 = vector.shape_cast %get3A_30 : vector<1x2560x32xf32> to vector<2560x32xf32>
    %add3A_32 = arith.addf %add3A_26, %get3A_31 : vector<2560x32xf32>
    %max3A = arith.constant 0.000000e+00 : f32
    %max3A_33 = vector.broadcast %max3A : f32 to vector<2560x32xf32>
    %max3A_34 = arith.maximumf %add3A_32, %max3A_33 : vector<2560x32xf32>
    %get3A_35 = arith.constant 0 : index
    %get3A_36 = arith.constant 0 : index
    %get3A_37 = vector.load %arg4[%get3A_35, %get3A_36] : memref<2560x128xf32, #tpu.memory_space<vmem>>, vector<2560x32xf32>
    %get3A_38 = arith.constant 0 : index
    %get3A_39 = arith.constant 0 : index
    %get3A_40 = vector.load %arg5[%get3A_38, %get3A_39] : memref<32x96xf32, #tpu.memory_space<vmem>>, vector<32x96xf32>
    %dot_general3A = arith.constant dense<0.000000e+00> : vector<2560x96xf32>
    %dot_general3A_41 = tpu.matmul %max3A_34, %get3A_40, %dot_general3A {dimension_numbers = #tpu.dot_dimension_numbers<[1], [0], [0], [1], [0, 0, 1, 1], [], []>, transpose_lhs_hint = false} : vector<2560x32xf32>, vector<32x96xf32>, vector<2560x96xf32> -> vector<2560x96xf32>
    %get3A_42 = arith.constant 0 : index
    %get3A_43 = arith.constant 0 : index
    %get3A_44 = vector.load %arg7[%get3A_42, %get3A_43] : memref<8x96xf32, #tpu.memory_space<vmem>>, vector<1x96xf32>
    %add3A_45 = vector.broadcast %get3A_44 : vector<1x96xf32> to vector<2560x96xf32>
    %add3A_46 = arith.addf %dot_general3A_41, %add3A_45 : vector<2560x96xf32>
    %get3A_47 = arith.constant 0 : index
    %get3A_48 = arith.constant 0 : index
    %get3A_49 = vector.load %arg6[%get3A_47, %get3A_48] : memref<32x96xf32, #tpu.memory_space<vmem>>, vector<32x96xf32>
    %dot_general3A_50 = arith.constant dense<0.000000e+00> : vector<2560x96xf32>
    %dot_general3A_51 = tpu.matmul %get3A_37, %get3A_49, %dot_general3A_50 {dimension_numbers = #tpu.dot_dimension_numbers<[1], [0], [0], [1], [0, 0, 1, 1], [], []>, transpose_lhs_hint = false} : vector<2560x32xf32>, vector<32x96xf32>, vector<2560x96xf32> -> vector<2560x96xf32>
    %get3A_52 = arith.constant 1 : index
    %get3A_53 = arith.constant 0 : index
    %get3A_54 = vector.load %arg7[%get3A_52, %get3A_53] : memref<8x96xf32, #tpu.memory_space<vmem>>, vector<1x96xf32>
    %add3A_55 = vector.broadcast %get3A_54 : vector<1x96xf32> to vector<2560x96xf32>
    %add3A_56 = arith.addf %dot_general3A_51, %add3A_55 : vector<2560x96xf32>
    %slice3A = vector.extract_strided_slice %add3A_46 {offsets = [0, 0], sizes = [2560, 32], strides = [1, 1]} : vector<2560x96xf32> to vector<2560x32xf32>
    %slice3A_57 = vector.extract_strided_slice %add3A_56 {offsets = [0, 0], sizes = [2560, 32], strides = [1, 1]} : vector<2560x96xf32> to vector<2560x32xf32>
    %add3A_58 = arith.addf %slice3A, %slice3A_57 : vector<2560x32xf32>
    %logistic3A = arith.negf %add3A_58 : vector<2560x32xf32>
    %logistic3A_59 = math.exp %logistic3A : vector<2560x32xf32>
    %logistic3A_60 = arith.constant 1.000000e+00 : f32
    %logistic3A_61 = vector.broadcast %logistic3A_60 : f32 to vector<2560x32xf32>
    %logistic3A_62 = arith.addf %logistic3A_61, %logistic3A_59 : vector<2560x32xf32>
    %logistic3A_63 = arith.divf %logistic3A_61, %logistic3A_62 : vector<2560x32xf32>
    %slice3A_64 = vector.extract_strided_slice %add3A_46 {offsets = [0, 32], sizes = [2560, 32], strides = [1, 1]} : vector<2560x96xf32> to vector<2560x32xf32>
    %slice3A_65 = vector.extract_strided_slice %add3A_56 {offsets = [0, 32], sizes = [2560, 32], strides = [1, 1]} : vector<2560x96xf32> to vector<2560x32xf32>
    %add3A_66 = arith.addf %slice3A_64, %slice3A_65 : vector<2560x32xf32>
    %logistic3A_67 = arith.negf %add3A_66 : vector<2560x32xf32>
    %logistic3A_68 = math.exp %logistic3A_67 : vector<2560x32xf32>
    %logistic3A_69 = arith.constant 1.000000e+00 : f32
    %logistic3A_70 = vector.broadcast %logistic3A_69 : f32 to vector<2560x32xf32>
    %logistic3A_71 = arith.addf %logistic3A_70, %logistic3A_68 : vector<2560x32xf32>
    %logistic3A_72 = arith.divf %logistic3A_70, %logistic3A_71 : vector<2560x32xf32>
    %slice3A_73 = vector.extract_strided_slice %add3A_46 {offsets = [0, 64], sizes = [2560, 32], strides = [1, 1]} : vector<2560x96xf32> to vector<2560x32xf32>
    %slice3A_74 = vector.extract_strided_slice %add3A_56 {offsets = [0, 64], sizes = [2560, 32], strides = [1, 1]} : vector<2560x96xf32> to vector<2560x32xf32>
    %mul3A = arith.mulf %logistic3A_63, %slice3A_74 : vector<2560x32xf32>
    %add3A_75 = arith.addf %slice3A_73, %mul3A : vector<2560x32xf32>
    %tanh3A = math.tanh %add3A_75 : vector<2560x32xf32>
    %sub3A = arith.constant 1.000000e+00 : f32
    %sub3A_76 = vector.broadcast %sub3A : f32 to vector<2560x32xf32>
    %sub3A_77 = arith.subf %sub3A_76, %logistic3A_72 : vector<2560x32xf32>
    %mul3A_78 = arith.mulf %sub3A_77, %tanh3A : vector<2560x32xf32>
    %mul3A_79 = arith.mulf %logistic3A_72, %get3A_37 : vector<2560x32xf32>
    %add3A_80 = arith.addf %mul3A_78, %mul3A_79 : vector<2560x32xf32>
    %swap3A = arith.constant 0 : index
    %swap3A_81 = arith.constant 0 : index
    %swap3A_82 = vector.load %arg8[%swap3A, %swap3A_81] : memref<2560x32xf32, #tpu.memory_space<vmem>>, vector<2560x32xf32>
    tpu.vector_store %arg8[%swap3A, %swap3A_81], %add3A_80 {strides = array<i32>} : memref<2560x32xf32, #tpu.memory_space<vmem>>, vector<2560x32xf32>,
    return
  }
  func.func @transform_0(%arg0: i32) -> (i32, i32, i32) {
    %c0_i32 = arith.constant 0 : i32
    %c0_i32_0 = arith.constant 0 : i32
    %c0_i32_1 = arith.constant 0 : i32
    return %c0_i32, %arg0, %c0_i32_0 : i32, i32, i32
  }
  func.func @transform_1(%arg0: i32) -> (i32, i32, i32) {
    %c0_i32 = arith.constant 0 : i32
    %c0_i32_0 = arith.constant 0 : i32
    %c0_i32_1 = arith.constant 0 : i32
    return %c0_i32, %arg0, %c0_i32_0 : i32, i32, i32
  }
  func.func @transform_2(%arg0: i32) -> (i32, i32, i32) {
    %c0_i32 = arith.constant 0 : i32
    %c0_i32_0 = arith.constant 0 : i32
    %c0_i32_1 = arith.constant 0 : i32
    return %c0_i32, %arg0, %c0_i32_0 : i32, i32, i32
  }
  func.func @transform_3(%arg0: i32) -> (i32, i32) {
    %c0_i32 = arith.constant 0 : i32
    %c0_i32_0 = arith.constant 0 : i32
    return %arg0, %c0_i32 : i32, i32
  }
  func.func @transform_4(%arg0: i32) -> (i32, i32) {
    %c0_i32 = arith.constant 0 : i32
    %c0_i32_0 = arith.constant 0 : i32
    %c0_i32_1 = arith.constant 0 : i32
    return %c0_i32, %c0_i32_0 : i32, i32
  }
  func.func @transform_5(%arg0: i32) -> (i32, i32) {
    %c0_i32 = arith.constant 0 : i32
    %c0_i32_0 = arith.constant 0 : i32
    %c0_i32_1 = arith.constant 0 : i32
    return %c0_i32, %c0_i32_0 : i32, i32
  }
  func.func @transform_6(%arg0: i32) -> (i32, i32) {
    %c0_i32 = arith.constant 0 : i32
    %c0_i32_0 = arith.constant 0 : i32
    %c0_i32_1 = arith.constant 0 : i32
    return %c0_i32, %c0_i32_0 : i32, i32
  }
  func.func @transform_7(%arg0: i32) -> (i32, i32) {
    %c0_i32 = arith.constant 0 : i32
    %c0_i32_0 = arith.constant 0 : i32
    return %arg0, %c0_i32 : i32, i32
  }
}

module attributes {stable_mosaic.version = 14 : i64} {
  func.func @_s2s_body(%arg0: memref<10240x32xf32, #tpu.memory_space<vmem>>, %arg1: memref<32x10240xf32, #tpu.memory_space<vmem>>, %arg2: memref<8x10240xi32, #tpu.memory_space<vmem>>, %arg3: memref<64x128xf32, #tpu.memory_space<vmem>>, %arg4: memref<32x128xf32, #tpu.memory_space<vmem>>, %arg5: memref<8x128xf32, #tpu.memory_space<vmem>>, %arg6: memref<128x64xf32, #tpu.memory_space<vmem>>) attributes {dimension_semantics = [], scalar_prefetch = 0 : i64, scratch_operands = 0 : i64, tpu.core_type = #tpu.core_type<tc>} {
    %get3A = arith.constant 0 : index
    %get3A_0 = arith.constant 0 : index
    %get3A_1 = vector.load %arg0[%get3A, %get3A_0] : memref<10240x32xf32, #tpu.memory_space<vmem>>, vector<10240x32xf32>
    %get3A_2 = arith.constant 0 : index
    %get3A_3 = arith.constant 0 : index
    %get3A_4 = vector.load %arg1[%get3A_2, %get3A_3] : memref<32x10240xf32, #tpu.memory_space<vmem>>, vector<32x10240xf32>
    %get3A_5 = arith.constant 0 : index
    %get3A_6 = arith.constant 0 : index
    %get3A_7 = vector.load %arg2[%get3A_5, %get3A_6] : memref<8x10240xi32, #tpu.memory_space<vmem>>, vector<1x10240xi32>
    %iota3A = tpu.iota {dimensions = array<i32: 0>} : vector<128x10240xi32>
    %eq3A = vector.broadcast %get3A_7 : vector<1x10240xi32> to vector<128x10240xi32>
    %eq3A_8 = arith.cmpi eq, %eq3A, %iota3A : vector<128x10240xi32>
    %convert_element_type3A = arith.extui %eq3A_8 : vector<128x10240xi1> to vector<128x10240xi32>
    %convert_element_type3A_9 = arith.sitofp %convert_element_type3A : vector<128x10240xi32> to vector<128x10240xf32>
    %broadcast_in_dim3A = arith.constant 0.000000e+00 : f32
    %broadcast_in_dim3A_10 = vector.broadcast %broadcast_in_dim3A : f32 to vector<128x32xf32>
    %broadcast_in_dim3A_11 = arith.constant 0.000000e+00 : f32
    %broadcast_in_dim3A_12 = vector.broadcast %broadcast_in_dim3A_11 : f32 to vector<128x32xf32>
    %broadcast_in_dim3A_13 = arith.constant 0.000000e+00 : f32
    %broadcast_in_dim3A_14 = vector.broadcast %broadcast_in_dim3A_13 : f32 to vector<128x64xf32>
    %get3A_15 = arith.constant 0 : index
    %get3A_16 = arith.constant 0 : index
    %get3A_17 = vector.load %arg3[%get3A_15, %get3A_16] : memref<64x128xf32, #tpu.memory_space<vmem>>, vector<64x128xf32>
    %dot_general3A = arith.constant dense<0.000000e+00> : vector<128x128xf32>
    %dot_general3A_18 = tpu.matmul %broadcast_in_dim3A_14, %get3A_17, %dot_general3A {dimension_numbers = #tpu.dot_dimension_numbers<[1], [0], [0], [1], [0, 0, 1, 1], [], []>, transpose_lhs_hint = false} : vector<128x64xf32>, vector<64x128xf32>, vector<128x128xf32> -> vector<128x128xf32>
    %get3A_19 = arith.constant 0 : index
    %get3A_20 = arith.constant 0 : index
    %get3A_21 = vector.load %arg4[%get3A_19, %get3A_20] : memref<32x128xf32, #tpu.memory_space<vmem>>, vector<32x128xf32>
    %dot_general3A_22 = arith.constant dense<0.000000e+00> : vector<128x128xf32>
    %dot_general3A_23 = tpu.matmul %broadcast_in_dim3A_10, %get3A_21, %dot_general3A_22 {dimension_numbers = #tpu.dot_dimension_numbers<[1], [0], [0], [1], [0, 0, 1, 1], [], []>, transpose_lhs_hint = false} : vector<128x32xf32>, vector<32x128xf32>, vector<128x128xf32> -> vector<128x128xf32>
    %add3A = arith.addf %dot_general3A_18, %dot_general3A_23 : vector<128x128xf32>
    %get3A_24 = arith.constant 0 : index
    %get3A_25 = arith.constant 0 : index
    %get3A_26 = vector.load %arg5[%get3A_24, %get3A_25] : memref<8x128xf32, #tpu.memory_space<vmem>>, vector<1x128xf32>
    %add3A_27 = vector.broadcast %get3A_26 : vector<1x128xf32> to vector<128x128xf32>
    %add3A_28 = arith.addf %add3A, %add3A_27 : vector<128x128xf32>
    %slice3A = vector.extract_strided_slice %add3A_28 {offsets = [0, 0], sizes = [128, 32], strides = [1, 1]} : vector<128x128xf32> to vector<128x32xf32>
    %logistic3A = arith.negf %slice3A : vector<128x32xf32>
    %logistic3A_29 = math.exp %logistic3A : vector<128x32xf32>
    %logistic3A_30 = arith.constant 1.000000e+00 : f32
    %logistic3A_31 = vector.broadcast %logistic3A_30 : f32 to vector<128x32xf32>
    %logistic3A_32 = arith.addf %logistic3A_31, %logistic3A_29 : vector<128x32xf32>
    %logistic3A_33 = arith.divf %logistic3A_31, %logistic3A_32 : vector<128x32xf32>
    %slice3A_34 = vector.extract_strided_slice %add3A_28 {offsets = [0, 32], sizes = [128, 32], strides = [1, 1]} : vector<128x128xf32> to vector<128x32xf32>
    %logistic3A_35 = arith.negf %slice3A_34 : vector<128x32xf32>
    %logistic3A_36 = math.exp %logistic3A_35 : vector<128x32xf32>
    %logistic3A_37 = arith.constant 1.000000e+00 : f32
    %logistic3A_38 = vector.broadcast %logistic3A_37 : f32 to vector<128x32xf32>
    %logistic3A_39 = arith.addf %logistic3A_38, %logistic3A_36 : vector<128x32xf32>
    %logistic3A_40 = arith.divf %logistic3A_38, %logistic3A_39 : vector<128x32xf32>
    %slice3A_41 = vector.extract_strided_slice %add3A_28 {offsets = [0, 64], sizes = [128, 32], strides = [1, 1]} : vector<128x128xf32> to vector<128x32xf32>
    %tanh3A = math.tanh %slice3A_41 : vector<128x32xf32>
    %slice3A_42 = vector.extract_strided_slice %add3A_28 {offsets = [0, 96], sizes = [128, 32], strides = [1, 1]} : vector<128x128xf32> to vector<128x32xf32>
    %logistic3A_43 = arith.negf %slice3A_42 : vector<128x32xf32>
    %logistic3A_44 = math.exp %logistic3A_43 : vector<128x32xf32>
    %logistic3A_45 = arith.constant 1.000000e+00 : f32
    %logistic3A_46 = vector.broadcast %logistic3A_45 : f32 to vector<128x32xf32>
    %logistic3A_47 = arith.addf %logistic3A_46, %logistic3A_44 : vector<128x32xf32>
    %logistic3A_48 = arith.divf %logistic3A_46, %logistic3A_47 : vector<128x32xf32>
    %mul3A = arith.mulf %logistic3A_40, %broadcast_in_dim3A_12 : vector<128x32xf32>
    %mul3A_49 = arith.mulf %logistic3A_33, %tanh3A : vector<128x32xf32>
    %add3A_50 = arith.addf %mul3A, %mul3A_49 : vector<128x32xf32>
    %tanh3A_51 = math.tanh %add3A_50 : vector<128x32xf32>
    %mul3A_52 = arith.mulf %logistic3A_48, %tanh3A_51 : vector<128x32xf32>
    %dot_general3A_53 = arith.constant dense<0.000000e+00> : vector<128x10240xf32>
    %dot_general3A_54 = tpu.matmul %mul3A_52, %get3A_4, %dot_general3A_53 {dimension_numbers = #tpu.dot_dimension_numbers<[1], [0], [0], [1], [0, 0, 1, 1], [], []>, transpose_lhs_hint = false} : vector<128x32xf32>, vector<32x10240xf32>, vector<128x10240xf32> -> vector<128x10240xf32>
    %mul3A_55 = arith.mulf %convert_element_type3A_9, %dot_general3A_54 : vector<128x10240xf32>
    %reduce_sum3A = arith.constant dense<0.000000e+00> : vector<10240xf32>
    %reduce_sum3A_56 = vector.multi_reduction <add>, %mul3A_55, %reduce_sum3A [0] : vector<128x10240xf32> to vector<10240xf32>
    %broadcast_in_dim3A_57 = vector.shape_cast %reduce_sum3A_56 : vector<10240xf32> to vector<1x10240xf32>
    %jit3A = arith.constant -1.000000e+30 : f32
    %broadcast_in_dim3A_58 = vector.shape_cast %broadcast_in_dim3A_57 : vector<1x10240xf32> to vector<1x10240xf32>
    %broadcast_in_dim3A_59 = vector.broadcast %broadcast_in_dim3A_58 : vector<1x10240xf32> to vector<128x10240xf32>
    %broadcast_in_dim3A_60 = vector.broadcast %jit3A : f32 to vector<128x10240xf32>
    %select_n3A = arith.select %eq3A_8, %broadcast_in_dim3A_59, %broadcast_in_dim3A_60 : vector<128x10240xi1>, vector<128x10240xf32>
    %reduce_max3A = arith.constant dense<0xFF800000> : vector<128xf32>
    %reduce_max3A_61 = vector.multi_reduction <maximumf>, %select_n3A, %reduce_max3A [1] : vector<128x10240xf32> to vector<128xf32>
    %broadcast_in_dim3A_62 = vector.shape_cast %reduce_max3A_61 : vector<128xf32> to vector<128x1xf32>
    %jit3A_63 = arith.constant 0.000000e+00 : f32
    %broadcast_in_dim3A_64 = vector.shape_cast %broadcast_in_dim3A_62 : vector<128x1xf32> to vector<128x1xf32>
    %broadcast_in_dim3A_65 = vector.broadcast %broadcast_in_dim3A_64 : vector<128x1xf32> to vector<128x10240xf32>
    %broadcast_in_dim3A_66 = vector.broadcast %jit3A_63 : f32 to vector<128x10240xf32>
    %select_n3A_67 = arith.select %eq3A_8, %broadcast_in_dim3A_65, %broadcast_in_dim3A_66 : vector<128x10240xi1>, vector<128x10240xf32>
    %reduce_sum3A_68 = arith.constant dense<0.000000e+00> : vector<10240xf32>
    %reduce_sum3A_69 = vector.multi_reduction <add>, %select_n3A_67, %reduce_sum3A_68 [0] : vector<128x10240xf32> to vector<10240xf32>
    %broadcast_in_dim3A_70 = vector.shape_cast %reduce_sum3A_69 : vector<10240xf32> to vector<1x10240xf32>
    %sub3A = arith.subf %broadcast_in_dim3A_57, %broadcast_in_dim3A_70 : vector<1x10240xf32>
    %exp3A = math.exp %sub3A : vector<1x10240xf32>
    %mul3A_71 = vector.broadcast %exp3A : vector<1x10240xf32> to vector<128x10240xf32>
    %mul3A_72 = arith.mulf %convert_element_type3A_9, %mul3A_71 : vector<128x10240xf32>
    %reduce_sum3A_73 = arith.constant dense<0.000000e+00> : vector<128xf32>
    %reduce_sum3A_74 = vector.multi_reduction <add>, %mul3A_72, %reduce_sum3A_73 [1] : vector<128x10240xf32> to vector<128xf32>
    %broadcast_in_dim3A_75 = vector.shape_cast %reduce_sum3A_74 : vector<128xf32> to vector<128x1xf32>
    %jit3A_76 = arith.constant 0.000000e+00 : f32
    %broadcast_in_dim3A_77 = vector.shape_cast %broadcast_in_dim3A_75 : vector<128x1xf32> to vector<128x1xf32>
    %broadcast_in_dim3A_78 = vector.broadcast %broadcast_in_dim3A_77 : vector<128x1xf32> to vector<128x10240xf32>
    %broadcast_in_dim3A_79 = vector.broadcast %jit3A_76 : f32 to vector<128x10240xf32>
    %select_n3A_80 = arith.select %eq3A_8, %broadcast_in_dim3A_78, %broadcast_in_dim3A_79 : vector<128x10240xi1>, vector<128x10240xf32>
    %reduce_sum3A_81 = arith.constant dense<0.000000e+00> : vector<10240xf32>
    %reduce_sum3A_82 = vector.multi_reduction <add>, %select_n3A_80, %reduce_sum3A_81 [0] : vector<128x10240xf32> to vector<10240xf32>
    %broadcast_in_dim3A_83 = vector.shape_cast %reduce_sum3A_82 : vector<10240xf32> to vector<1x10240xf32>
    %add3A_84 = arith.constant 1.000000e-10 : f32
    %add3A_85 = vector.broadcast %add3A_84 : f32 to vector<1x10240xf32>
    %add3A_86 = arith.addf %broadcast_in_dim3A_83, %add3A_85 : vector<1x10240xf32>
    %div3A = arith.divf %exp3A, %add3A_86 : vector<1x10240xf32>
    %mul3A_87 = vector.broadcast %div3A : vector<1x10240xf32> to vector<128x10240xf32>
    %mul3A_88 = arith.mulf %convert_element_type3A_9, %mul3A_87 : vector<128x10240xf32>
    %dot_general3A_89 = arith.constant dense<0.000000e+00> : vector<128x32xf32>
    %dot_general3A_90 = tpu.matmul %mul3A_88, %get3A_1, %dot_general3A_89 {dimension_numbers = #tpu.dot_dimension_numbers<[1], [0], [0], [1], [0, 0, 1, 1], [], []>, transpose_lhs_hint = false} : vector<128x10240xf32>, vector<10240x32xf32>, vector<128x32xf32> -> vector<128x32xf32>
    %concatenate3A = tpu.concatenate %mul3A_52, %dot_general3A_90 in 1 : vector<128x32xf32>, vector<128x32xf32> -> vector<128x64xf32>
    %get3A_91 = arith.constant 0 : index
    %get3A_92 = arith.constant 0 : index
    %get3A_93 = vector.load %arg3[%get3A_91, %get3A_92] : memref<64x128xf32, #tpu.memory_space<vmem>>, vector<64x128xf32>
    %dot_general3A_94 = arith.constant dense<0.000000e+00> : vector<128x128xf32>
    %dot_general3A_95 = tpu.matmul %concatenate3A, %get3A_93, %dot_general3A_94 {dimension_numbers = #tpu.dot_dimension_numbers<[1], [0], [0], [1], [0, 0, 1, 1], [], []>, transpose_lhs_hint = false} : vector<128x64xf32>, vector<64x128xf32>, vector<128x128xf32> -> vector<128x128xf32>
    %get3A_96 = arith.constant 0 : index
    %get3A_97 = arith.constant 0 : index
    %get3A_98 = vector.load %arg4[%get3A_96, %get3A_97] : memref<32x128xf32, #tpu.memory_space<vmem>>, vector<32x128xf32>
    %dot_general3A_99 = arith.constant dense<0.000000e+00> : vector<128x128xf32>
    %dot_general3A_100 = tpu.matmul %mul3A_52, %get3A_98, %dot_general3A_99 {dimension_numbers = #tpu.dot_dimension_numbers<[1], [0], [0], [1], [0, 0, 1, 1], [], []>, transpose_lhs_hint = false} : vector<128x32xf32>, vector<32x128xf32>, vector<128x128xf32> -> vector<128x128xf32>
    %add3A_101 = arith.addf %dot_general3A_95, %dot_general3A_100 : vector<128x128xf32>
    %get3A_102 = arith.constant 0 : index
    %get3A_103 = arith.constant 0 : index
    %get3A_104 = vector.load %arg5[%get3A_102, %get3A_103] : memref<8x128xf32, #tpu.memory_space<vmem>>, vector<1x128xf32>
    %add3A_105 = vector.broadcast %get3A_104 : vector<1x128xf32> to vector<128x128xf32>
    %add3A_106 = arith.addf %add3A_101, %add3A_105 : vector<128x128xf32>
    %slice3A_107 = vector.extract_strided_slice %add3A_106 {offsets = [0, 0], sizes = [128, 32], strides = [1, 1]} : vector<128x128xf32> to vector<128x32xf32>
    %logistic3A_108 = arith.negf %slice3A_107 : vector<128x32xf32>
    %logistic3A_109 = math.exp %logistic3A_108 : vector<128x32xf32>
    %logistic3A_110 = arith.constant 1.000000e+00 : f32
    %logistic3A_111 = vector.broadcast %logistic3A_110 : f32 to vector<128x32xf32>
    %logistic3A_112 = arith.addf %logistic3A_111, %logistic3A_109 : vector<128x32xf32>
    %logistic3A_113 = arith.divf %logistic3A_111, %logistic3A_112 : vector<128x32xf32>
    %slice3A_114 = vector.extract_strided_slice %add3A_106 {offsets = [0, 32], sizes = [128, 32], strides = [1, 1]} : vector<128x128xf32> to vector<128x32xf32>
    %logistic3A_115 = arith.negf %slice3A_114 : vector<128x32xf32>
    %logistic3A_116 = math.exp %logistic3A_115 : vector<128x32xf32>
    %logistic3A_117 = arith.constant 1.000000e+00 : f32
    %logistic3A_118 = vector.broadcast %logistic3A_117 : f32 to vector<128x32xf32>
    %logistic3A_119 = arith.addf %logistic3A_118, %logistic3A_116 : vector<128x32xf32>
    %logistic3A_120 = arith.divf %logistic3A_118, %logistic3A_119 : vector<128x32xf32>
    %slice3A_121 = vector.extract_strided_slice %add3A_106 {offsets = [0, 64], sizes = [128, 32], strides = [1, 1]} : vector<128x128xf32> to vector<128x32xf32>
    %tanh3A_122 = math.tanh %slice3A_121 : vector<128x32xf32>
    %slice3A_123 = vector.extract_strided_slice %add3A_106 {offsets = [0, 96], sizes = [128, 32], strides = [1, 1]} : vector<128x128xf32> to vector<128x32xf32>
    %logistic3A_124 = arith.negf %slice3A_123 : vector<128x32xf32>
    %logistic3A_125 = math.exp %logistic3A_124 : vector<128x32xf32>
    %logistic3A_126 = arith.constant 1.000000e+00 : f32
    %logistic3A_127 = vector.broadcast %logistic3A_126 : f32 to vector<128x32xf32>
    %logistic3A_128 = arith.addf %logistic3A_127, %logistic3A_125 : vector<128x32xf32>
    %logistic3A_129 = arith.divf %logistic3A_127, %logistic3A_128 : vector<128x32xf32>
    %mul3A_130 = arith.mulf %logistic3A_120, %add3A_50 : vector<128x32xf32>
    %mul3A_131 = arith.mulf %logistic3A_113, %tanh3A_122 : vector<128x32xf32>
    %add3A_132 = arith.addf %mul3A_130, %mul3A_131 : vector<128x32xf32>
    %tanh3A_133 = math.tanh %add3A_132 : vector<128x32xf32>
    %mul3A_134 = arith.mulf %logistic3A_129, %tanh3A_133 : vector<128x32xf32>
    %dot_general3A_135 = arith.constant dense<0.000000e+00> : vector<128x10240xf32>
    %dot_general3A_136 = tpu.matmul %mul3A_134, %get3A_4, %dot_general3A_135 {dimension_numbers = #tpu.dot_dimension_numbers<[1], [0], [0], [1], [0, 0, 1, 1], [], []>, transpose_lhs_hint = false} : vector<128x32xf32>, vector<32x10240xf32>, vector<128x10240xf32> -> vector<128x10240xf32>
    %mul3A_137 = arith.mulf %convert_element_type3A_9, %dot_general3A_136 : vector<128x10240xf32>
    %reduce_sum3A_138 = arith.constant dense<0.000000e+00> : vector<10240xf32>
    %reduce_sum3A_139 = vector.multi_reduction <add>, %mul3A_137, %reduce_sum3A_138 [0] : vector<128x10240xf32> to vector<10240xf32>
    %broadcast_in_dim3A_140 = vector.shape_cast %reduce_sum3A_139 : vector<10240xf32> to vector<1x10240xf32>
    %jit3A_141 = arith.constant -1.000000e+30 : f32
    %broadcast_in_dim3A_142 = vector.shape_cast %broadcast_in_dim3A_140 : vector<1x10240xf32> to vector<1x10240xf32>
    %broadcast_in_dim3A_143 = vector.broadcast %broadcast_in_dim3A_142 : vector<1x10240xf32> to vector<128x10240xf32>
    %broadcast_in_dim3A_144 = vector.broadcast %jit3A_141 : f32 to vector<128x10240xf32>
    %select_n3A_145 = arith.select %eq3A_8, %broadcast_in_dim3A_143, %broadcast_in_dim3A_144 : vector<128x10240xi1>, vector<128x10240xf32>
    %reduce_max3A_146 = arith.constant dense<0xFF800000> : vector<128xf32>
    %reduce_max3A_147 = vector.multi_reduction <maximumf>, %select_n3A_145, %reduce_max3A_146 [1] : vector<128x10240xf32> to vector<128xf32>
    %broadcast_in_dim3A_148 = vector.shape_cast %reduce_max3A_147 : vector<128xf32> to vector<128x1xf32>
    %jit3A_149 = arith.constant 0.000000e+00 : f32
    %broadcast_in_dim3A_150 = vector.shape_cast %broadcast_in_dim3A_148 : vector<128x1xf32> to vector<128x1xf32>
    %broadcast_in_dim3A_151 = vector.broadcast %broadcast_in_dim3A_150 : vector<128x1xf32> to vector<128x10240xf32>
    %broadcast_in_dim3A_152 = vector.broadcast %jit3A_149 : f32 to vector<128x10240xf32>
    %select_n3A_153 = arith.select %eq3A_8, %broadcast_in_dim3A_151, %broadcast_in_dim3A_152 : vector<128x10240xi1>, vector<128x10240xf32>
    %reduce_sum3A_154 = arith.constant dense<0.000000e+00> : vector<10240xf32>
    %reduce_sum3A_155 = vector.multi_reduction <add>, %select_n3A_153, %reduce_sum3A_154 [0] : vector<128x10240xf32> to vector<10240xf32>
    %broadcast_in_dim3A_156 = vector.shape_cast %reduce_sum3A_155 : vector<10240xf32> to vector<1x10240xf32>
    %sub3A_157 = arith.subf %broadcast_in_dim3A_140, %broadcast_in_dim3A_156 : vector<1x10240xf32>
    %exp3A_158 = math.exp %sub3A_157 : vector<1x10240xf32>
    %mul3A_159 = vector.broadcast %exp3A_158 : vector<1x10240xf32> to vector<128x10240xf32>
    %mul3A_160 = arith.mulf %convert_element_type3A_9, %mul3A_159 : vector<128x10240xf32>
    %reduce_sum3A_161 = arith.constant dense<0.000000e+00> : vector<128xf32>
    %reduce_sum3A_162 = vector.multi_reduction <add>, %mul3A_160, %reduce_sum3A_161 [1] : vector<128x10240xf32> to vector<128xf32>
    %broadcast_in_dim3A_163 = vector.shape_cast %reduce_sum3A_162 : vector<128xf32> to vector<128x1xf32>
    %jit3A_164 = arith.constant 0.000000e+00 : f32
    %broadcast_in_dim3A_165 = vector.shape_cast %broadcast_in_dim3A_163 : vector<128x1xf32> to vector<128x1xf32>
    %broadcast_in_dim3A_166 = vector.broadcast %broadcast_in_dim3A_165 : vector<128x1xf32> to vector<128x10240xf32>
    %broadcast_in_dim3A_167 = vector.broadcast %jit3A_164 : f32 to vector<128x10240xf32>
    %select_n3A_168 = arith.select %eq3A_8, %broadcast_in_dim3A_166, %broadcast_in_dim3A_167 : vector<128x10240xi1>, vector<128x10240xf32>
    %reduce_sum3A_169 = arith.constant dense<0.000000e+00> : vector<10240xf32>
    %reduce_sum3A_170 = vector.multi_reduction <add>, %select_n3A_168, %reduce_sum3A_169 [0] : vector<128x10240xf32> to vector<10240xf32>
    %broadcast_in_dim3A_171 = vector.shape_cast %reduce_sum3A_170 : vector<10240xf32> to vector<1x10240xf32>
    %add3A_172 = arith.constant 1.000000e-10 : f32
    %add3A_173 = vector.broadcast %add3A_172 : f32 to vector<1x10240xf32>
    %add3A_174 = arith.addf %broadcast_in_dim3A_171, %add3A_173 : vector<1x10240xf32>
    %div3A_175 = arith.divf %exp3A_158, %add3A_174 : vector<1x10240xf32>
    %mul3A_176 = vector.broadcast %div3A_175 : vector<1x10240xf32> to vector<128x10240xf32>
    %mul3A_177 = arith.mulf %convert_element_type3A_9, %mul3A_176 : vector<128x10240xf32>
    %dot_general3A_178 = arith.constant dense<0.000000e+00> : vector<128x32xf32>
    %dot_general3A_179 = tpu.matmul %mul3A_177, %get3A_1, %dot_general3A_178 {dimension_numbers = #tpu.dot_dimension_numbers<[1], [0], [0], [1], [0, 0, 1, 1], [], []>, transpose_lhs_hint = false} : vector<128x10240xf32>, vector<10240x32xf32>, vector<128x32xf32> -> vector<128x32xf32>
    %concatenate3A_180 = tpu.concatenate %mul3A_134, %dot_general3A_179 in 1 : vector<128x32xf32>, vector<128x32xf32> -> vector<128x64xf32>
    %get3A_181 = arith.constant 0 : index
    %get3A_182 = arith.constant 0 : index
    %get3A_183 = vector.load %arg3[%get3A_181, %get3A_182] : memref<64x128xf32, #tpu.memory_space<vmem>>, vector<64x128xf32>
    %dot_general3A_184 = arith.constant dense<0.000000e+00> : vector<128x128xf32>
    %dot_general3A_185 = tpu.matmul %concatenate3A_180, %get3A_183, %dot_general3A_184 {dimension_numbers = #tpu.dot_dimension_numbers<[1], [0], [0], [1], [0, 0, 1, 1], [], []>, transpose_lhs_hint = false} : vector<128x64xf32>, vector<64x128xf32>, vector<128x128xf32> -> vector<128x128xf32>
    %get3A_186 = arith.constant 0 : index
    %get3A_187 = arith.constant 0 : index
    %get3A_188 = vector.load %arg4[%get3A_186, %get3A_187] : memref<32x128xf32, #tpu.memory_space<vmem>>, vector<32x128xf32>
    %dot_general3A_189 = arith.constant dense<0.000000e+00> : vector<128x128xf32>
    %dot_general3A_190 = tpu.matmul %mul3A_134, %get3A_188, %dot_general3A_189 {dimension_numbers = #tpu.dot_dimension_numbers<[1], [0], [0], [1], [0, 0, 1, 1], [], []>, transpose_lhs_hint = false} : vector<128x32xf32>, vector<32x128xf32>, vector<128x128xf32> -> vector<128x128xf32>
    %add3A_191 = arith.addf %dot_general3A_185, %dot_general3A_190 : vector<128x128xf32>
    %get3A_192 = arith.constant 0 : index
    %get3A_193 = arith.constant 0 : index
    %get3A_194 = vector.load %arg5[%get3A_192, %get3A_193] : memref<8x128xf32, #tpu.memory_space<vmem>>, vector<1x128xf32>
    %add3A_195 = vector.broadcast %get3A_194 : vector<1x128xf32> to vector<128x128xf32>
    %add3A_196 = arith.addf %add3A_191, %add3A_195 : vector<128x128xf32>
    %slice3A_197 = vector.extract_strided_slice %add3A_196 {offsets = [0, 0], sizes = [128, 32], strides = [1, 1]} : vector<128x128xf32> to vector<128x32xf32>
    %logistic3A_198 = arith.negf %slice3A_197 : vector<128x32xf32>
    %logistic3A_199 = math.exp %logistic3A_198 : vector<128x32xf32>
    %logistic3A_200 = arith.constant 1.000000e+00 : f32
    %logistic3A_201 = vector.broadcast %logistic3A_200 : f32 to vector<128x32xf32>
    %logistic3A_202 = arith.addf %logistic3A_201, %logistic3A_199 : vector<128x32xf32>
    %logistic3A_203 = arith.divf %logistic3A_201, %logistic3A_202 : vector<128x32xf32>
    %slice3A_204 = vector.extract_strided_slice %add3A_196 {offsets = [0, 32], sizes = [128, 32], strides = [1, 1]} : vector<128x128xf32> to vector<128x32xf32>
    %logistic3A_205 = arith.negf %slice3A_204 : vector<128x32xf32>
    %logistic3A_206 = math.exp %logistic3A_205 : vector<128x32xf32>
    %logistic3A_207 = arith.constant 1.000000e+00 : f32
    %logistic3A_208 = vector.broadcast %logistic3A_207 : f32 to vector<128x32xf32>
    %logistic3A_209 = arith.addf %logistic3A_208, %logistic3A_206 : vector<128x32xf32>
    %logistic3A_210 = arith.divf %logistic3A_208, %logistic3A_209 : vector<128x32xf32>
    %slice3A_211 = vector.extract_strided_slice %add3A_196 {offsets = [0, 64], sizes = [128, 32], strides = [1, 1]} : vector<128x128xf32> to vector<128x32xf32>
    %tanh3A_212 = math.tanh %slice3A_211 : vector<128x32xf32>
    %slice3A_213 = vector.extract_strided_slice %add3A_196 {offsets = [0, 96], sizes = [128, 32], strides = [1, 1]} : vector<128x128xf32> to vector<128x32xf32>
    %logistic3A_214 = arith.negf %slice3A_213 : vector<128x32xf32>
    %logistic3A_215 = math.exp %logistic3A_214 : vector<128x32xf32>
    %logistic3A_216 = arith.constant 1.000000e+00 : f32
    %logistic3A_217 = vector.broadcast %logistic3A_216 : f32 to vector<128x32xf32>
    %logistic3A_218 = arith.addf %logistic3A_217, %logistic3A_215 : vector<128x32xf32>
    %logistic3A_219 = arith.divf %logistic3A_217, %logistic3A_218 : vector<128x32xf32>
    %mul3A_220 = arith.mulf %logistic3A_210, %add3A_132 : vector<128x32xf32>
    %mul3A_221 = arith.mulf %logistic3A_203, %tanh3A_212 : vector<128x32xf32>
    %add3A_222 = arith.addf %mul3A_220, %mul3A_221 : vector<128x32xf32>
    %tanh3A_223 = math.tanh %add3A_222 : vector<128x32xf32>
    %mul3A_224 = arith.mulf %logistic3A_219, %tanh3A_223 : vector<128x32xf32>
    %dot_general3A_225 = arith.constant dense<0.000000e+00> : vector<128x10240xf32>
    %dot_general3A_226 = tpu.matmul %mul3A_224, %get3A_4, %dot_general3A_225 {dimension_numbers = #tpu.dot_dimension_numbers<[1], [0], [0], [1], [0, 0, 1, 1], [], []>, transpose_lhs_hint = false} : vector<128x32xf32>, vector<32x10240xf32>, vector<128x10240xf32> -> vector<128x10240xf32>
    %mul3A_227 = arith.mulf %convert_element_type3A_9, %dot_general3A_226 : vector<128x10240xf32>
    %reduce_sum3A_228 = arith.constant dense<0.000000e+00> : vector<10240xf32>
    %reduce_sum3A_229 = vector.multi_reduction <add>, %mul3A_227, %reduce_sum3A_228 [0] : vector<128x10240xf32> to vector<10240xf32>
    %broadcast_in_dim3A_230 = vector.shape_cast %reduce_sum3A_229 : vector<10240xf32> to vector<1x10240xf32>
    %jit3A_231 = arith.constant -1.000000e+30 : f32
    %broadcast_in_dim3A_232 = vector.shape_cast %broadcast_in_dim3A_230 : vector<1x10240xf32> to vector<1x10240xf32>
    %broadcast_in_dim3A_233 = vector.broadcast %broadcast_in_dim3A_232 : vector<1x10240xf32> to vector<128x10240xf32>
    %broadcast_in_dim3A_234 = vector.broadcast %jit3A_231 : f32 to vector<128x10240xf32>
    %select_n3A_235 = arith.select %eq3A_8, %broadcast_in_dim3A_233, %broadcast_in_dim3A_234 : vector<128x10240xi1>, vector<128x10240xf32>
    %reduce_max3A_236 = arith.constant dense<0xFF800000> : vector<128xf32>
    %reduce_max3A_237 = vector.multi_reduction <maximumf>, %select_n3A_235, %reduce_max3A_236 [1] : vector<128x10240xf32> to vector<128xf32>
    %broadcast_in_dim3A_238 = vector.shape_cast %reduce_max3A_237 : vector<128xf32> to vector<128x1xf32>
    %jit3A_239 = arith.constant 0.000000e+00 : f32
    %broadcast_in_dim3A_240 = vector.shape_cast %broadcast_in_dim3A_238 : vector<128x1xf32> to vector<128x1xf32>
    %broadcast_in_dim3A_241 = vector.broadcast %broadcast_in_dim3A_240 : vector<128x1xf32> to vector<128x10240xf32>
    %broadcast_in_dim3A_242 = vector.broadcast %jit3A_239 : f32 to vector<128x10240xf32>
    %select_n3A_243 = arith.select %eq3A_8, %broadcast_in_dim3A_241, %broadcast_in_dim3A_242 : vector<128x10240xi1>, vector<128x10240xf32>
    %reduce_sum3A_244 = arith.constant dense<0.000000e+00> : vector<10240xf32>
    %reduce_sum3A_245 = vector.multi_reduction <add>, %select_n3A_243, %reduce_sum3A_244 [0] : vector<128x10240xf32> to vector<10240xf32>
    %broadcast_in_dim3A_246 = vector.shape_cast %reduce_sum3A_245 : vector<10240xf32> to vector<1x10240xf32>
    %sub3A_247 = arith.subf %broadcast_in_dim3A_230, %broadcast_in_dim3A_246 : vector<1x10240xf32>
    %exp3A_248 = math.exp %sub3A_247 : vector<1x10240xf32>
    %mul3A_249 = vector.broadcast %exp3A_248 : vector<1x10240xf32> to vector<128x10240xf32>
    %mul3A_250 = arith.mulf %convert_element_type3A_9, %mul3A_249 : vector<128x10240xf32>
    %reduce_sum3A_251 = arith.constant dense<0.000000e+00> : vector<128xf32>
    %reduce_sum3A_252 = vector.multi_reduction <add>, %mul3A_250, %reduce_sum3A_251 [1] : vector<128x10240xf32> to vector<128xf32>
    %broadcast_in_dim3A_253 = vector.shape_cast %reduce_sum3A_252 : vector<128xf32> to vector<128x1xf32>
    %jit3A_254 = arith.constant 0.000000e+00 : f32
    %broadcast_in_dim3A_255 = vector.shape_cast %broadcast_in_dim3A_253 : vector<128x1xf32> to vector<128x1xf32>
    %broadcast_in_dim3A_256 = vector.broadcast %broadcast_in_dim3A_255 : vector<128x1xf32> to vector<128x10240xf32>
    %broadcast_in_dim3A_257 = vector.broadcast %jit3A_254 : f32 to vector<128x10240xf32>
    %select_n3A_258 = arith.select %eq3A_8, %broadcast_in_dim3A_256, %broadcast_in_dim3A_257 : vector<128x10240xi1>, vector<128x10240xf32>
    %reduce_sum3A_259 = arith.constant dense<0.000000e+00> : vector<10240xf32>
    %reduce_sum3A_260 = vector.multi_reduction <add>, %select_n3A_258, %reduce_sum3A_259 [0] : vector<128x10240xf32> to vector<10240xf32>
    %broadcast_in_dim3A_261 = vector.shape_cast %reduce_sum3A_260 : vector<10240xf32> to vector<1x10240xf32>
    %add3A_262 = arith.constant 1.000000e-10 : f32
    %add3A_263 = vector.broadcast %add3A_262 : f32 to vector<1x10240xf32>
    %add3A_264 = arith.addf %broadcast_in_dim3A_261, %add3A_263 : vector<1x10240xf32>
    %div3A_265 = arith.divf %exp3A_248, %add3A_264 : vector<1x10240xf32>
    %mul3A_266 = vector.broadcast %div3A_265 : vector<1x10240xf32> to vector<128x10240xf32>
    %mul3A_267 = arith.mulf %convert_element_type3A_9, %mul3A_266 : vector<128x10240xf32>
    %dot_general3A_268 = arith.constant dense<0.000000e+00> : vector<128x32xf32>
    %dot_general3A_269 = tpu.matmul %mul3A_267, %get3A_1, %dot_general3A_268 {dimension_numbers = #tpu.dot_dimension_numbers<[1], [0], [0], [1], [0, 0, 1, 1], [], []>, transpose_lhs_hint = false} : vector<128x10240xf32>, vector<10240x32xf32>, vector<128x32xf32> -> vector<128x32xf32>
    %concatenate3A_270 = tpu.concatenate %mul3A_224, %dot_general3A_269 in 1 : vector<128x32xf32>, vector<128x32xf32> -> vector<128x64xf32>
    %swap3A = arith.constant 0 : index
    %swap3A_271 = arith.constant 0 : index
    %swap3A_272 = vector.load %arg6[%swap3A, %swap3A_271] : memref<128x64xf32, #tpu.memory_space<vmem>>, vector<128x64xf32>
    tpu.vector_store %arg6[%swap3A, %swap3A_271], %concatenate3A_270 {strides = array<i32>} : memref<128x64xf32, #tpu.memory_space<vmem>>, vector<128x64xf32>,
    return
  }
}

</mosaic_0001>

<sc_bundles>
// kernel: kernel.14.cloned.1.call-start
scs
__scs_entry_jumppad:
0x0: {  	(pc) =	sbr.rel $0x88, $3  }
0x1: {  	(tag) =	ssettag $0x0;
	lr =	simm.s32 $0x1  }
0x2: {  	[smem:$0x3F90] =	sst lr;
	_ =	strace $0xD0000000  }
0x3: {  	_ = 	snop  }
0x4: {  	_ = 	snop  }
0x5: {  	_ = 	snop  }
0x6: {  	_ = 	snop  }
0x7: {  	_ = 	snop  }
__scs_overlays_trampoline_lowered:
0x8: {  	[smem:$0x3F9F] =	sst s0  }
0x9: {  	[smem:$0x3FA0] =	sst s1  }
0xa: {  	[smem:$0x3FA1] =	sst s2  }
0xb: {  	[smem:$0x3FA2] =	sst s3  }
0xc: {  	[smem:$0x3FA3] =	sst s4  }
0xd: {  	[smem:$0x3FA4] =	sst s5  }
0xe: {  	[smem:$0x3FA5] =	sst s6  }
0xf: {  	[smem:$0x3FA6] =	sst s7  }
0x10: {  	[smem:$0x3FA7] =	sst s8  }
0x11: {  	[smem:$0x3FA8] =	sst s9;
	s0 =	simm.s32 @!p0 $0x0  }
0x12: {  	s1 =	sld [smem:$0x3F8E];
	s0 =	simm.s32 @p0 $0x1  }
0x13: {  	[smem:$0x3FA9] =	sst s0;
	s0 =	simm.s32 @!p1 $0x0  }
0x14: {  	s2 =	sld [smem:$0x3F8D];
	s0 =	simm.s32 @p1 $0x1  }
0x15: {  	[smem:$0x3FAA] =	sst s0;
	s0 =	simm.s32 @!p2 $0x0  }
0x16: {  	s3 =	sld [smem:$0x3FDB];
	s0 =	simm.s32 @p2 $0x1  }
0x17: {  	s4 =	simm.s32 $0x1BF5;
	[smem:$0x3FAC] =	sst s0  }
0x18: {  	s0 =	sld [smem:$0x3F8F];
	_ =	swait.ge [sflag:s4], $0x0  }
0x19: {  	s7 =	sld [smem:$0x3F90]  }
0x1a: {  	s8 =	sadd.s32 $0xFFFFE003, lr  }
0x1b: {  	s9 =	sadd.s32 $0xFFFFFEF7, lr;
	s5 =	simm.s32 $0xFFFFFFFF;
	p2 =	slt.u32 s8, $0xFFFFF086  }
0x1c: {  	p1 =	slt.u32 s9, $0xF7A;
	s5 =	simm.s32 @!p2 $0x0  }
0x1d: {  	s5 =	simm.s32 @p1 $0x1;
	p0 =	seq.s32 s7, s2  }
0x1e: {  	s7 =	smul.u32 @!p0 $0xF7A, s2;
	p2 =	seq.s32 @!p0 s5, $0x0  }
0x1f: {  	s9 =	smul.u32 $0xF7A, s1;
	s8 =	simm.s32 @!p0 $0x1BF5;
	p2 =	por !p2, p0  }
0x20: {  	[sflag:s8] =	ssyncset.s32 @!p0 $0xFFFFF086;
	s6 =	sadd.s32 @!p0 s3, s7;
	s7 =	simm.s32 @!p0 $0x108  }
0x21: {  	s3 =	sadd.s32 s3, s9;
	s6 =	sadd.s32 @!p0 $0x88, s6;
	s7 =	simm.s32 @p2 $0x1082  }
0x22: {  	[simem:s7], [sflag:s8] =	dma.local @!p0 [hbm:s6], $0xF7A  }
0x23: {  	s9 =	sor.u32 $0xD0000000, s2;
	s6 =	simm.s32 $0x108;
	_ =	swait.ge @!p0 [sflag:s8], $0x0  }
0x24: {  	s3 =	sadd.s32 $0x88, s3;
	s6 =	simm.s32 @!p1 $0x1082;
	[sflag:s4] =	ssyncset.s32 $0xFFFFF086  }
0x25: {  	[simem:s6], [sflag:s4] =	dma.local [hbm:s3], $0xF7A  }
0x26: {  	[smem:$0x3F90] =	sst s1;
	(tag) =	ssettag s2;
	_ =	strace s9  }
0x27: {  	s1 =	sld [smem:$0x3FA0]  }
0x28: {  	s2 =	sld [smem:$0x3FA1]  }
0x29: {  	s4 =	sld [smem:$0x3FA3]  }
0x2a: {  	p0 =	seq.s32 s5, $0x0;
	s5 =	sld [smem:$0x3FA4]  }
0x2b: {  	s6 =	sld [smem:$0x3FA5]  }
0x2c: {  	s7 =	sld [smem:$0x3FA6]  }
0x2d: {  	s3 =	simm.s32 $0x108;
	s8 =	sld [smem:$0x3FA7]  }
0x2e: {  	s3 =	simm.s32 @!p0 $0x1082;
	s9 =	sld [smem:$0x3FA8]  }
0x2f: {  	lr =	sadd.s32 s0, s3;
	s0 =	sld [smem:$0x3F9F]  }
0x30: {  	s3 =	sld [smem:$0x3FA2]  }
0x31: {  	[smem:$0x3FAB] =	sst s10  }
0x32: {  	s10 =	sld [smem:$0x3FA9];
	_ =	sdelay $0x3  }
0x33: {  	p0 =	seq.s32 s10, $0x1;
	s10 =	sld [smem:$0x3FAB];
	_ =	sdelay $0x3  }
0x34: {  	[smem:$0x3FAB] =	sst s10  }
0x35: {  	s10 =	sld [smem:$0x3FAA];
	_ =	sdelay $0x3  }
0x36: {  	p1 =	seq.s32 s10, $0x1;
	s10 =	sld [smem:$0x3FAB];
	_ =	sdelay $0x3  }
0x37: {  	[smem:$0x3FAB] =	sst s10  }
0x38: {  	s10 =	sld [smem:$0x3FAC]  }
0x39: {  	_ = 	snop;
	(pc) =	sbr.ind lr, $3  }
0x3a: {  	_ = 	snop  }
0x3b: {  	_ = 	snop  }
0x3c: {  	p2 =	seq.s32 s10, $0x1;
	s10 =	sld [smem:$0x3FAB]  }
0x3d: {  	_ =	shalt  }
0x3e: {  	_ =	shalt  }
0x3f: {  	_ =	shalt  }
0x40: {  	_ =	shalt  }
0x41: {  	_ =	shalt  }
0x42: {  	_ =	shalt  }
0x43: {  	_ =	shalt  }
0x44: {  	_ =	shalt  }
0x45: {  	_ =	shalt  }
0x46: {  	_ =	shalt  }
0x47: {  	_ =	shalt  }
0x48: {  	_ =	shalt  }
0x49: {  	_ =	shalt  }
0x4a: {  	_ =	shalt  }
0x4b: {  	_ =	shalt  }
0x4c: {  	_ =	shalt  }
0x4d: {  	_ =	shalt  }
0x4e: {  	_ =	shalt  }
0x4f: {  	_ =	shalt  }
0x50: {  	_ =	shalt  }
0x51: {  	_ =	shalt  }
0x52: {  	_ =	shalt  }
0x53: {  	_ =	shalt  }
0x54: {  	_ =	shalt  }
0x55: {  	_ =	shalt  }
0x56: {  	_ =	shalt  }
0x57: {  	_ =	shalt  }
0x58: {  	_ =	shalt  }
0x59: {  	_ =	shalt  }
0x5a: {  	_ =	shalt  }
0x5b: {  	_ =	shalt  }
0x5c: {  	_ =	shalt  }
0x5d: {  	_ =	shalt  }
0x5e: {  	_ =	shalt  }
0x5f: {  	_ =	shalt  }
0x60: {  	_ =	shalt  }
0x61: {  	_ =	shalt  }
0x62: {  	_ =	shalt  }
0x63: {  	_ =	shalt  }
0x64: {  	_ =	shalt  }
0x65: {  	_ =	shalt  }
0x66: {  	_ =	shalt  }
0x67: {  	_ =	shalt  }
0x68: {  	_ =	shalt  }
0x69: {  	_ =	shalt  }
0x6a: {  	_ =	shalt  }
0x6b: {  	_ =	shalt  }
0x6c: {  	_ =	shalt  }
0x6d: {  	_ =	shalt  }
0x6e: {  	_ =	shalt  }
0x6f: {  	_ =	shalt  }
0x70: {  	_ =	shalt  }
0x71: {  	_ =	shalt  }
0x72: {  	_ =	shalt  }
0x73: {  	_ =	shalt  }
0x74: {  	_ =	shalt  }
0x75: {  	_ =	shalt  }
0x76: {  	_ =	shalt  }
0x77: {  	_ =	shalt  }
0x78: {  	_ =	shalt  }
0x79: {  	_ =	shalt  }
0x7a: {  	_ =	shalt  }
0x7b: {  	_ =	shalt  }
0x7c: {  	_ =	shalt  }
0x7d: {  	_ =	shalt  }
0x7e: {  	_ =	shalt  }
0x7f: {  	_ =	shalt  }
0x80: {  	_ =	shalt  }
0x81: {  	_ =	shalt  }
0x82: {  	_ =	shalt  }
0x83: {  	_ =	shalt  }
0x84: {  	_ =	shalt  }
0x85: {  	_ =	shalt  }
0x86: {  	_ =	shalt  }
0x87: {  	_ =	shalt  }
.Lfunc_end0:
.L_simem_size_0:
called_computation_lowered:
.L_overlay_start_0:
0x88: {  	s2 =	sld [smem:$0x3FD9]  }
0x89: {  	s3 =	sld [smem:$0x3FFE];
	_ =	sdelay $0x1  }
0x8a: {  	s1 =	srdreg.scid  }
0x8b: {  	s0 =	sand.u32 $0x1, s1  }
0x8c: {  	s17 =	sshll.u32 s0, $0xA;
	s2 =	sadd.s32 s3, s2  }
0x8d: {  	s2 =	sadd.s32 s2, s17  }
0x8e: {  	[smem:$0x3FB7] =	sst s2  }
0x8f: {  	_ = 	snop  }
0x90: {  	(tm) =	ssettm $0x1  }
0x91: {  	s18 =	sld [smem:$0x3FFB];
	_ =	sdelay $0x3  }
0x92: {  	_ =	strace s18  }
0x93: {  	s2 =	sld [smem:$0x3FFC];
	_ =	sdelay $0x3  }
0x94: {  	_ =	strace s2  }
0x95: {  	s2 =	sld [smem:$0x3FFD];
	_ =	sdelay $0x3  }
0x96: {  	_ =	strace s2  }
0x97: {  	_ =	strace $0x8FFFFFFF  }
0x98: {  	s19 =	sld [smem:$0x3FDB];
	_ =	sdelay $0x1  }
0x99: {  	s20 =	simm.s32 $_scs_section_size  }
0x9a: {  	s4 =	simm.s32 $_size__tile_overlayer_lowered;
	s5 =	simm.s32 $_tile_overlayer_lowered  }
0x9b: {  	s6 =	simm.s32 $0x1BFF;
	s21 =	sshll.u32 s5, $0x1;
	s3 =	sadd.s32 s20, s19  }
0x9c: {  	s22 =	simm.s32 $0x0;
	s4 =	sshll.u32 s4, $0x1;
	s5 =	sadd.s32 s21, s3  }
0x9d: {  	[timem:s22], [sflag:s6] =	dma.local [hbm:s5], s4  }
0x9e: {  	_ =	swait.ge [sflag:s6], s4  }
0x9f: {  	s4 =	ssub.s32 $0x0, s4;
	[sflag:s6] =	ssyncset.done $0x0  }
0xa0: {  	[sflag:s6] =	ssyncadd.s32 s4;
	_ =	sdelay $0x1  }
0xa1: {  	s23 =	simm.s32 $0x1B8B  }
0xa2: {  	_ =	swait.ge [sflag:s23], $0x1  }
0xa3: {  	[sflag:s23] =	ssyncset.done $0x0  }
0xa4: {  	[sflag:s23] =	ssyncadd.s32 $0xFFFFFFFF  }
0xa5: {  	s4 =	sld [smem:$0x0]  }
0xa6: {  	s5 =	sand.u32 $0xFFFFFFFE, s1  }
0xa7: {  	p0 =	sne.s32 s1, s5  }
0xa8: {  	s5 =	sshll.u32 @p0 s5, $0xE  }
0xa9: {  	s5 =	sadd.s32 @p0 $0x11B8D, s5;
	s6 =	sshll.u32 @p0 s4, $0x11  }
0xaa: {  	s5 =	sor.u32 @p0 s6, s5  }
0xab: {  	[sflag:s5] =	ssyncadd.remote.s32 @p0 $0x1;
	_ =	sdelay $0x1  }
0xac: {  	s5 =	simm.s32 @p0 $0x1B8D  }
0xad: {  	_ =	swait.eq @p0 [sflag:s5], $0x1  }
0xae: {  	[sflag:s5] =	ssyncadd.s32 @p0 $0xFFFFFFFF  }
0xaf: {  	s6 =	sshll.u32 @!p0 s1, $0xE  }
0xb0: {  	s6 =	sor.u32 @!p0 $0x4000, s6;
	s5 =	simm.s32 @!p0 $0x1B8D  }
0xb1: {  	s4 =	sshll.u32 @!p0 s4, $0x11;
	s6 =	sadd.s32 @!p0 $0x11B8D, s6;
	_ =	swait.eq @!p0 [sflag:s5], $0x1  }
0xb2: {  	s4 =	sor.u32 @!p0 s4, s6;
	[sflag:s5] =	ssyncadd.s32 @!p0 $0xFFFFFFFF  }
0xb3: {  	s25 =	simm.s32 $0x1B8E;
	s24 =	sld [smem:$0x3FFE];
	[sflag:s4] =	ssyncadd.remote.s32 @!p0 $0x1  }
0xb4: {  	s26 =	simm.s32 $execute0_lowered;
	[smem:$0x3FD2] =	sst s25  }
0xb5: {  	s5 =	sshll.u32 s26, $0x1;
	_ =	strace $0x8000004C;
	[dreg:$0x1] =	wrdreg $0xFFFFFFFF  }
0xb6: {  	s28 =	simm.s32 $_size_execute0_lowered;
	s3 =	sadd.s32 s3, s5;
	[dreg:$0x0] =	wrdreg $0x0  }
0xb7: {  	s5 =	sshll.u32 s28, $0x1;
	[dreg:$0x2] =	wrdreg s3  }
0xb8: {  	[dreg:$0x3] =	wrdreg s5  }
0xb9: {  	[dreg:$0x4] =	wrdreg $0xC0  }
0xba: {  	_ =	task [dreg:s22], $0x5FFFF  }
0xbb: {  	[dreg:$0x1] =	wrdreg $0xFFFFFFFF  }
0xbc: {  	[dreg:$0x0] =	wrdreg $0x60  }
0xbd: {  	[dreg:$0x2] =	wrdreg s24  }
0xbe: {  	[dreg:$0x3] =	wrdreg $0x9  }
0xbf: {  	_ =	task.clear_ibuf [dreg:s22], $0x4FFFF;
	_ =	strace $0x9000004C  }
0xc0: {  	s29 =	simm.s32 $0x9;
	_ =	strace $0x8000004E  }
0xc1: {  	_ =	swait.ge [sflag:s29], $0x1  }
0xc2: {  	[sflag:s29] =	ssyncadd.s32 $0xFFFFFFFF  }
0xc3: {  	_ =	strace $0x9000004E  }
0xc4: {  	_ =	sfence  }
0xc5: {  	s30 =	sld [smem:$0x0];
	_ =	sdelay $0x2  }
0xc6: {  	s31 =	sshll.u32 s1, $0xD;
	s1 =	sshrl.u32 s1, $0x2  }
0xc7: {  	s4 =	sand.u32 $0x4000, s31;
	s1 =	sadd.s32 s1, s30  }
0xc8: {  	s0 =	sor.u32 s4, s0;
	s1 =	sshll.u32 s1, $0x11  }
0xc9: {  	s0 =	sor.u32 s1, s0  }
0xca: {  	s0 =	sadd.s32 $0x8F2B, s0  }
0xcb: {  	[sflag:s0] =	ssyncadd.remote.s32 $0x1  }
0xcc: {  	_ =	sfence.sel $0xFFFF  }
0xcd: {  	[dreg:$0x0] =	wrdreg $0xFFFFFFFF;
	(pc) =	sbr.abs _section_cstart, $3  }
0xce: {  	[dreg:$0x1] =	wrdreg $0xFFFFFFFF  }
0xcf: {  	_ =	task.clear_ibuf [dreg:s22], $0x2FFFF;
	_ =	strace $0x9FFFFFFF  }
0xd0: {  	(tm) =	ssettm $0x7FFFFFFF  }
0xd1: {  	_ =	shalt  }
tec
execute0_lowered:
.L_overlay_start_1:
0x0: {  	(tag) =	ssettag $0x1  }
0x1: {  	s0 =	srdreg.scid  }
0x2: {  	s1 =	sand.u32 $0x1, s0  }
0x3: {  	s26 =	stileid.u32;
	s2 =	sshll.u32 s1, $0x4  }
0x4: {  	s26 =	sor.u32 s26, s2  }
0x5: {  	s11 =	rddreg [dreg:$0x0];
	s12 =	sshll.u32 s26, $0x4  }
0x6: {  	s2 =	simm.s32 $0x0;
	s7 =	sadd.s32 s12, s11  }
0x7: {  	[smem:$0x7FF] =	sst s2;
	s3 =	sadd.s32 $0x23B600, s7  }
0x8: {  	_ =	strace $0x8000004D;
	[dreg:$0x2] =	wrdreg s3  }
0x9: {  	s3 =	simm.s32 $0x3;
	s4 =	rddreg [dreg:$0x2]  }
0xa: {  	[tilespmem:s2], [sflag:$0x3] =	stream.linear.gather [hbm4b:s4+s2], $0x80, $0x38;
	[tilespmem:$0x8100] =	vst v63  }
0xb: {  	_ =	swait.ge [sflag:s3], $0x80  }
0xc: {  	s5 =	simm.s32 $0x80;
	[sflag:s3] =	ssyncset.done $0x0  }
0xd: {  	s6 =	simm.s32 $0x100;
	s4 =	sadd.s32 $0x4600, s11;
	[sflag:s3] =	ssyncadd.s32 $0xFFFFFF80  }
0xe: {  	[tilespmem:s6], [sflag:$0x1] =	stream.indirect.gather [hbm4b:s4+s5], $0x80, s2, s5, $0xb8;
	[tilespmem:$0x8100] =	vst v63  }
0xf: {  	s7 =	sadd.s32 $0x23B800, s7  }
0x10: {  	[tilespmem:s5], [sflag:$0x3] =	stream.linear.gather [hbm4b:s7+s2], $0x80, $0x38;
	[tilespmem:$0x8100] =	vst v63  }
0x11: {  	_ =	swait.ge [sflag:s3], $0x80  }
0x12: {  	[sflag:s3] =	ssyncset.done $0x0  }
0x13: {  	s8 =	simm.s32 $0x4100;
	s9 =	simm.s32 $0x1;
	[sflag:s3] =	ssyncadd.s32 $0xFFFFFF80  }
0x14: {  	[tilespmem:s8], [sflag:$0x2] =	stream.indirect.gather [hbm4b:s4+s5], $0x80, s5, s5, $0xb8;
	[tilespmem:$0x8100] =	vst v63  }
0x15: {  	_ =	swait.ge [sflag:s9], $0x4000  }
0x16: {  	s28 =	sadd.s32 $0x23D200, s11;
	s10 =	sshll.u32 s26, $0xB;
	[sflag:s9] =	ssyncset.done $0x0  }
0x17: {  	s10 =	sadd.s32 s28, s10;
	[sflag:s9] =	ssyncadd.s32 $0xFFFFC000  }
0x18: {  	[hbm4b:s10+s2] =	stream.linear.scatter [tilespmem:s6], [sflag:$0x3], $0x4000, $0x38;
	[tilespmem:$0x8100] =	vst v63  }
0x19: {  	_ =	swait.ge [sflag:s3], $0x4000  }
0x1a: {  	s20 =	sadd.s32 $0x23BA00, s11;
	[sflag:s3] =	ssyncset.done $0x0  }
0x1b: {  	s11 =	sadd.s32 s12, s20;
	[sflag:s3] =	ssyncadd.s32 $0xFFFFC000  }
0x1c: {  	[tilespmem:s2], [sflag:$0x3] =	stream.linear.gather [hbm4b:s11+s2], $0x80, $0x38;
	[tilespmem:$0x8100] =	vst v63  }
0x1d: {  	_ =	swait.ge [sflag:s3], $0x80  }
0x1e: {  	[sflag:s3] =	ssyncset.done $0x0  }
0x1f: {  	s12 =	simm.s32 $0x2;
	[sflag:s3] =	ssyncadd.s32 $0xFFFFFF80  }
0x20: {  	[tilespmem:s6], [sflag:$0x1] =	stream.indirect.gather [hbm4b:s4+s5], $0x80, s2, s5, $0xb8;
	[tilespmem:$0x8100] =	vst v63  }
0x21: {  	s14 =	sor.u32 $0x20, s26;
	_ =	swait.ge [sflag:s12], $0x4000  }
0x22: {  	s13 =	sshll.u32 s14, $0xB;
	[sflag:s12] =	ssyncset.done $0x0  }
0x23: {  	s13 =	sadd.s32 s28, s13;
	[sflag:s12] =	ssyncadd.s32 $0xFFFFC000  }
0x24: {  	[hbm4b:s13+s2] =	stream.linear.scatter [tilespmem:s8], [sflag:$0x3], $0x4000, $0x38;
	[tilespmem:$0x8100] =	vst v63  }
0x25: {  	_ =	swait.ge [sflag:s3], $0x4000  }
0x26: {  	s14 =	sshll.u32 s14, $0x4;
	[sflag:s3] =	ssyncset.done $0x0  }
0x27: {  	s14 =	sadd.s32 s14, s20;
	[sflag:s3] =	ssyncadd.s32 $0xFFFFC000  }
0x28: {  	[tilespmem:s5], [sflag:$0x3] =	stream.linear.gather [hbm4b:s14+s2], $0x80, $0x38;
	[tilespmem:$0x8100] =	vst v63  }
0x29: {  	_ =	swait.ge [sflag:s3], $0x80  }
0x2a: {  	[sflag:s3] =	ssyncset.done $0x0  }
0x2b: {  	[sflag:s3] =	ssyncadd.s32 $0xFFFFFF80  }
0x2c: {  	[tilespmem:s8], [sflag:$0x2] =	stream.indirect.gather [hbm4b:s4+s5], $0x80, s5, s5, $0xb8;
	[tilespmem:$0x8100] =	vst v63  }
0x2d: {  	s16 =	sor.u32 $0x40, s26;
	_ =	swait.ge [sflag:s9], $0x4000  }
0x2e: {  	s15 =	sshll.u32 s16, $0xB;
	[sflag:s9] =	ssyncset.done $0x0  }
0x2f: {  	s15 =	sadd.s32 s28, s15;
	[sflag:s9] =	ssyncadd.s32 $0xFFFFC000  }
0x30: {  	[hbm4b:s15+s2] =	stream.linear.scatter [tilespmem:s6], [sflag:$0x3], $0x4000, $0x38;
	[tilespmem:$0x8100] =	vst v63  }
0x31: {  	_ =	swait.ge [sflag:s3], $0x4000  }
0x32: {  	s16 =	sshll.u32 s16, $0x4;
	[sflag:s3] =	ssyncset.done $0x0  }
0x33: {  	s16 =	sadd.s32 s16, s20;
	[sflag:s3] =	ssyncadd.s32 $0xFFFFC000  }
0x34: {  	[tilespmem:s2], [sflag:$0x3] =	stream.linear.gather [hbm4b:s16+s2], $0x80, $0x38;
	[tilespmem:$0x8100] =	vst v63  }
0x35: {  	_ =	swait.ge [sflag:s3], $0x80  }
0x36: {  	[sflag:s3] =	ssyncset.done $0x0  }
0x37: {  	[sflag:s3] =	ssyncadd.s32 $0xFFFFFF80  }
0x38: {  	[tilespmem:s6], [sflag:$0x1] =	stream.indirect.gather [hbm4b:s4+s5], $0x80, s2, s5, $0xb8;
	[tilespmem:$0x8100] =	vst v63  }
0x39: {  	s18 =	sor.u32 $0x60, s26;
	_ =	swait.ge [sflag:s12], $0x4000  }
0x3a: {  	s17 =	sshll.u32 s18, $0xB;
	[sflag:s12] =	ssyncset.done $0x0  }
0x3b: {  	s17 =	sadd.s32 s28, s17;
	[sflag:s12] =	ssyncadd.s32 $0xFFFFC000  }
0x3c: {  	[hbm4b:s17+s2] =	stream.linear.scatter [tilespmem:s8], [sflag:$0x3], $0x4000, $0x38;
	[tilespmem:$0x8100] =	vst v63  }
0x3d: {  	_ =	swait.ge [sflag:s3], $0x4000  }
0x3e: {  	s18 =	sshll.u32 s18, $0x4;
	[sflag:s3] =	ssyncset.done $0x0  }
0x3f: {  	s18 =	sadd.s32 s18, s20;
	[sflag:s3] =	ssyncadd.s32 $0xFFFFC000  }
0x40: {  	[tilespmem:s5], [sflag:$0x3] =	stream.linear.gather [hbm4b:s18+s2], $0x80, $0x38;
	[tilespmem:$0x8100] =	vst v63  }
0x41: {  	_ =	swait.ge [sflag:s3], $0x80  }
0x42: {  	[sflag:s3] =	ssyncset.done $0x0  }
0x43: {  	[sflag:s3] =	ssyncadd.s32 $0xFFFFFF80  }
0x44: {  	[tilespmem:s8], [sflag:$0x2] =	stream.indirect.gather [hbm4b:s4+s5], $0x80, s5, s5, $0xb8;
	[tilespmem:$0x8100] =	vst v63  }
0x45: {  	s21 =	sor.u32 $0x80, s26;
	_ =	swait.ge [sflag:s9], $0x4000  }
0x46: {  	s19 =	sshll.u32 s21, $0xB;
	[sflag:s9] =	ssyncset.done $0x0  }
0x47: {  	s19 =	sadd.s32 s28, s19;
	[sflag:s9] =	ssyncadd.s32 $0xFFFFC000  }
0x48: {  	[hbm4b:s19+s2] =	stream.linear.scatter [tilespmem:s6], [sflag:$0x3], $0x4000, $0x38;
	[tilespmem:$0x8100] =	vst v63  }
0x49: {  	p0 =	sgt.u32 s21, $0x87;
	_ =	swait.ge [sflag:s3], $0x4000  }
0x4a: {  	s22 =	sshll.u32 s21, $0x4;
	s21 =	simm.s32 @!p0 $0x0;
	[sflag:s3] =	ssyncset.done $0x0  }
0x4b: {  	s20 =	sadd.s32 s22, s20;
	s22 =	simm.s32 @!p0 $0x3;
	[sflag:s3] =	ssyncadd.s32 $0xFFFFC000  }
0x4c: {  	[tilespmem:s21], [sflag:$0x3] =	stream.linear.gather @!p0 [hbm4b:s20+s21], $0x80, $0x38;
	[tilespmem:$0x8100] =	vst v63  }
0x4d: {  	_ =	swait.ge @!p0 [sflag:s22], $0x80  }
0x4e: {  	s1 =	ssub.s32 $0x2, s1;
	[sflag:s22] =	ssyncset.done @!p0 $0x0  }
0x4f: {  	s23 =	simm.s32 @!p0 $0x80;
	s24 =	simm.s32 @!p0 $0x100;
	[sflag:s22] =	ssyncadd.s32 @!p0 $0xFFFFFF80  }
0x50: {  	[tilespmem:s24], [sflag:$0x1] =	stream.indirect.gather @!p0 [hbm4b:s4+s23], $0x80, s21, s23, $0xb8;
	[tilespmem:$0x8100] =	vst v63  }
0x51: {  	s0 =	sshrl.u32 s1, $0x1;
	_ =	swait.ge [sflag:s12], $0x4000  }
0x52: {  	s29 =	sor.u32 $0xC0, s26;
	s1 =	ssub.s32 s1, s0;
	[sflag:s12] =	ssyncset.done $0x0  }
0x53: {  	p1 =	sgt.u32 s29, $0xC7;
	s25 =	sadd.s32 $0x50000, s10;
	[sflag:s12] =	ssyncadd.s32 $0xFFFFC000  }
0x54: {  	[hbm4b:s25+s2] =	stream.linear.scatter [tilespmem:s8], [sflag:$0x3], $0x4000, $0x38;
	[tilespmem:$0x8100] =	vst v63  }
0x55: {  	s1 =	smax.u32 s1, $0x1;
	s29 =	sshll.u32 s29, $0xB;
	_ =	swait.ge [sflag:s3], $0x4000  }
0x56: {  	s28 =	sadd.s32 s28, s29;
	s29 =	sadd.s32 $0xFFFFFFFF, s1;
	[sflag:s3] =	ssyncset.done $0x0  }
0x57: {  	s26 =	simm.s32 @!p1 $0x1;
	p2 =	sne.s32 s29, $0x0;
	[sflag:s3] =	ssyncadd.s32 $0xFFFFC000  }
.Ltmp0:
0x58: {  	_ =	swait.ge @!p1 [sflag:s26], $0x4000;
	(pc) =	sbr.rel @!p2 .LBB2_2-.Ltmp0, $4  }
0x59: {  	s31 =	simm.s32 @!p1 $0x0;
	[sflag:s26] =	ssyncset.done @!p1 $0x0  }
0x5a: {  	s1 =	simm.s32 @!p1 $0x100;
	s30 =	simm.s32 @!p1 $0x3;
	[sflag:s26] =	ssyncadd.s32 @!p1 $0xFFFFC000  }
0x5b: {  	[hbm4b:s28+s31] =	stream.linear.scatter @!p1 [tilespmem:s1], [sflag:$0x3], $0x4000, $0x38;
	[tilespmem:$0x8100] =	vst v63  }
0x5c: {  	_ =	swait.ge @!p1 [sflag:s30], $0x4000  }
.LBB2_1:
0x5d: {  	[sflag:s30] =	ssyncset.done @!p1 $0x0  }
0x5e: {  	s0 =	rddreg [dreg:$0x2];
	[sflag:s30] =	ssyncadd.s32 @!p1 $0xFFFFC000  }
0x5f: {  	[tilespmem:s2], [sflag:$0x3] =	stream.linear.gather [hbm4b:s0+s2], $0x80, $0x38;
	[tilespmem:$0x8100] =	vst v63  }
0x60: {  	_ =	swait.ge [sflag:s3], $0x80  }
0x61: {  	[sflag:s3] =	ssyncset.done $0x0  }
0x62: {  	[sflag:s3] =	ssyncadd.s32 $0xFFFFFF80  }
0x63: {  	[tilespmem:s6], [sflag:$0x1] =	stream.indirect.gather [hbm4b:s4+s5], $0x80, s2, s5, $0xb8;
	[tilespmem:$0x8100] =	vst v63  }
0x64: {  	_ = 	snop  }
0x65: {  	[tilespmem:s5], [sflag:$0x3] =	stream.linear.gather [hbm4b:s7+s2], $0x80, $0x38;
	[tilespmem:$0x8100] =	vst v63  }
0x66: {  	_ =	swait.ge [sflag:s3], $0x80  }
0x67: {  	[sflag:s3] =	ssyncset.done $0x0  }
0x68: {  	[sflag:s3] =	ssyncadd.s32 $0xFFFFFF80  }
0x69: {  	[tilespmem:s8], [sflag:$0x2] =	stream.indirect.gather [hbm4b:s4+s5], $0x80, s5, s5, $0xb8;
	[tilespmem:$0x8100] =	vst v63  }
0x6a: {  	_ =	swait.ge [sflag:s9], $0x4000  }
0x6b: {  	[sflag:s9] =	ssyncset.done $0x0  }
0x6c: {  	[sflag:s9] =	ssyncadd.s32 $0xFFFFC000  }
0x6d: {  	[hbm4b:s10+s2] =	stream.linear.scatter [tilespmem:s6], [sflag:$0x3], $0x4000, $0x38;
	[tilespmem:$0x8100] =	vst v63  }
0x6e: {  	_ =	swait.ge [sflag:s3], $0x4000  }
0x6f: {  	[sflag:s3] =	ssyncset.done $0x0  }
0x70: {  	[sflag:s3] =	ssyncadd.s32 $0xFFFFC000  }
0x71: {  	[tilespmem:s2], [sflag:$0x3] =	stream.linear.gather [hbm4b:s11+s2], $0x80, $0x38;
	[tilespmem:$0x8100] =	vst v63  }
0x72: {  	_ =	swait.ge [sflag:s3], $0x80  }
0x73: {  	[sflag:s3] =	ssyncset.done $0x0  }
0x74: {  	[sflag:s3] =	ssyncadd.s32 $0xFFFFFF80  }
0x75: {  	[tilespmem:s6], [sflag:$0x1] =	stream.indirect.gather [hbm4b:s4+s5], $0x80, s2, s5, $0xb8;
	[tilespmem:$0x8100] =	vst v63  }
0x76: {  	_ =	swait.ge [sflag:s12], $0x4000  }
0x77: {  	[sflag:s12] =	ssyncset.done $0x0  }
0x78: {  	[sflag:s12] =	ssyncadd.s32 $0xFFFFC000  }
0x79: {  	[hbm4b:s13+s2] =	stream.linear.scatter [tilespmem:s8], [sflag:$0x3], $0x4000, $0x38;
	[tilespmem:$0x8100] =	vst v63  }
0x7a: {  	_ =	swait.ge [sflag:s3], $0x4000  }
0x7b: {  	[sflag:s3] =	ssyncset.done $0x0  }
0x7c: {  	[sflag:s3] =	ssyncadd.s32 $0xFFFFC000  }
0x7d: {  	[tilespmem:s5], [sflag:$0x3] =	stream.linear.gather [hbm4b:s14+s2], $0x80, $0x38;
	[tilespmem:$0x8100] =	vst v63  }
0x7e: {  	_ =	swait.ge [sflag:s3], $0x80  }
0x7f: {  	[sflag:s3] =	ssyncset.done $0x0  }
0x80: {  	[sflag:s3] =	ssyncadd.s32 $0xFFFFFF80  }
0x81: {  	[tilespmem:s8], [sflag:$0x2] =	stream.indirect.gather [hbm4b:s4+s5], $0x80, s5, s5, $0xb8;
	[tilespmem:$0x8100] =	vst v63  }
0x82: {  	_ =	swait.ge [sflag:s9], $0x4000  }
0x83: {  	[sflag:s9] =	ssyncset.done $0x0  }
0x84: {  	[sflag:s9] =	ssyncadd.s32 $0xFFFFC000  }
0x85: {  	[hbm4b:s15+s2] =	stream.linear.scatter [tilespmem:s6], [sflag:$0x3], $0x4000, $0x38;
	[tilespmem:$0x8100] =	vst v63  }
0x86: {  	_ =	swait.ge [sflag:s3], $0x4000  }
0x87: {  	[sflag:s3] =	ssyncset.done $0x0  }
0x88: {  	[sflag:s3] =	ssyncadd.s32 $0xFFFFC000  }
0x89: {  	[tilespmem:s2], [sflag:$0x3] =	stream.linear.gather [hbm4b:s16+s2], $0x80, $0x38;
	[tilespmem:$0x8100] =	vst v63  }
0x8a: {  	_ =	swait.ge [sflag:s3], $0x80  }
0x8b: {  	[sflag:s3] =	ssyncset.done $0x0  }
0x8c: {  	[sflag:s3] =	ssyncadd.s32 $0xFFFFFF80  }
0x8d: {  	[tilespmem:s6], [sflag:$0x1] =	stream.indirect.gather [hbm4b:s4+s5], $0x80, s2, s5, $0xb8;
	[tilespmem:$0x8100] =	vst v63  }
0x8e: {  	_ =	swait.ge [sflag:s12], $0x4000  }
0x8f: {  	[sflag:s12] =	ssyncset.done $0x0  }
0x90: {  	[sflag:s12] =	ssyncadd.s32 $0xFFFFC000  }
0x91: {  	[hbm4b:s17+s2] =	stream.linear.scatter [tilespmem:s8], [sflag:$0x3], $0x4000, $0x38;
	[tilespmem:$0x8100] =	vst v63  }
0x92: {  	_ =	swait.ge [sflag:s3], $0x4000  }
0x93: {  	[sflag:s3] =	ssyncset.done $0x0  }
0x94: {  	[sflag:s3] =	ssyncadd.s32 $0xFFFFC000  }
0x95: {  	[tilespmem:s5], [sflag:$0x3] =	stream.linear.gather [hbm4b:s18+s2], $0x80, $0x38;
	[tilespmem:$0x8100] =	vst v63  }
0x96: {  	_ =	swait.ge [sflag:s3], $0x80  }
0x97: {  	[sflag:s3] =	ssyncset.done $0x0  }
0x98: {  	[sflag:s3] =	ssyncadd.s32 $0xFFFFFF80  }
0x99: {  	[tilespmem:s8], [sflag:$0x2] =	stream.indirect.gather [hbm4b:s4+s5], $0x80, s5, s5, $0xb8;
	[tilespmem:$0x8100] =	vst v63  }
0x9a: {  	_ =	swait.ge [sflag:s9], $0x4000  }
0x9b: {  	[sflag:s9] =	ssyncset.done $0x0  }
0x9c: {  	[sflag:s9] =	ssyncadd.s32 $0xFFFFC000  }
0x9d: {  	[hbm4b:s19+s2] =	stream.linear.scatter [tilespmem:s6], [sflag:$0x3], $0x4000, $0x38;
	[tilespmem:$0x8100] =	vst v63  }
0x9e: {  	_ =	swait.ge [sflag:s3], $0x4000  }
0x9f: {  	[sflag:s3] =	ssyncset.done $0x0  }
0xa0: {  	[sflag:s3] =	ssyncadd.s32 $0xFFFFC000  }
0xa1: {  	[tilespmem:s21], [sflag:$0x3] =	stream.linear.gather @!p0 [hbm4b:s20+s21], $0x80, $0x38;
	[tilespmem:$0x8100] =	vst v63  }
0xa2: {  	_ =	swait.ge @!p0 [sflag:s22], $0x80  }
0xa3: {  	[sflag:s22] =	ssyncset.done @!p0 $0x0  }
0xa4: {  	[sflag:s22] =	ssyncadd.s32 @!p0 $0xFFFFFF80  }
0xa5: {  	[tilespmem:s24], [sflag:$0x1] =	stream.indirect.gather @!p0 [hbm4b:s4+s23], $0x80, s21, s23, $0xb8;
	[tilespmem:$0x8100] =	vst v63  }
0xa6: {  	_ =	swait.ge [sflag:s12], $0x4000  }
0xa7: {  	[sflag:s12] =	ssyncset.done $0x0  }
0xa8: {  	[sflag:s12] =	ssyncadd.s32 $0xFFFFC000  }
0xa9: {  	[hbm4b:s25+s2] =	stream.linear.scatter [tilespmem:s8], [sflag:$0x3], $0x4000, $0x38;
	[tilespmem:$0x8100] =	vst v63  }
0xaa: {  	_ =	swait.ge [sflag:s3], $0x4000  }
0xab: {  	s29 =	sadd.s32 $0xFFFFFFFF, s29;
	[sflag:s3] =	ssyncset.done $0x0  }
0xac: {  	p2 =	sne.s32 s29, $0x0;
	[sflag:s3] =	ssyncadd.s32 $0xFFFFC000  }
.Ltmp1:
0xad: {  	_ =	swait.ge @!p1 [sflag:s26], $0x4000;
	(pc) =	sbr.rel @p2 .LBB2_1-.Ltmp1, $4  }
0xae: {  	[sflag:s26] =	ssyncset.done @!p1 $0x0  }
0xaf: {  	[sflag:s26] =	ssyncadd.s32 @!p1 $0xFFFFC000  }
0xb0: {  	[hbm4b:s28+s31] =	stream.linear.scatter @!p1 [tilespmem:s1], [sflag:$0x3], $0x4000, $0x38;
	[tilespmem:$0x8100] =	vst v63  }
0xb1: {  	_ =	swait.ge @!p1 [sflag:s30], $0x4000  }
.LBB2_2:
0xb2: {  	[sflag:s30] =	ssyncset.done @!p1 $0x0  }
0xb3: {  	[sflag:s30] =	ssyncadd.s32 @!p1 $0xFFFFC000  }
0xb4: {  	_ =	sfence.sel $0x180000  }
0xb5: {  	[bflag:$0x0] =	sbarrier.arrive $0xFFFF  }
0xb6: {  	_ =	strace $0x9000004D  }
0xb7: {  	s0 =	stileid.u32;
	[bflag:$0x2] =	sbarrier.arrive $0xFFFF  }
0xb8: {  	p0 =	sne.s32 s0, $0x0;
	s0 =	rddreg [dreg:$0x1]  }
0xb9: {  	s0 =	sadd.s32 @!p0 $0x100000, s0  }
0xba: {  	[sflag:s0] =	ssyncadd.tile.s32 @!p0 $0x1;
	_ =	shalt  }
.Lfunc_end2:
_tile_overlayer_lowered:
.L_overlay_start_2:
0xbb: {  	(tag) =	ssettag $0x2  }
0xbc: {  	s0 =	rddreg [dreg:$0x0];
	s2 =	stileid.u32  }
0xbd: {  	s1 =	rddreg [dreg:$0x1];
	p0 =	sne.s32 s2, $0x0  }
0xbe: {  	s3 =	rddreg [dreg:$0x2];
	[bflag:$0x3] =	sbarrier.arrive $0xFFFF;
	s2 =	simm.s32 @!p0 $0x1C03  }
0xbf: {  	[timem:s3], [sflag:s2] =	dma.local @!p0 [hbm:s0], s1  }
0xc0: {  	s0 =	simm.s32 @!p0 $0x3  }
0xc1: {  	_ =	swait.ge @!p0 [sflag:s0], s1  }
0xc2: {  	s1 =	ssub.s32 @!p0 $0x0, s1;
	[sflag:s0] =	ssyncset.done @!p0 $0x0  }
0xc3: {  	[sflag:s0] =	ssyncadd.s32 @!p0 s1  }
0xc4: {  	[bflag:$0x3] =	sbarrier.arrive $0xFFFF  }
0xc5: {  	_ =	shalt  }

// kernel: kernel.17.cloned.1.call-start
scs
__scs_entry_jumppad:
0x0: {  	(pc) =	sbr.rel $0x88, $3  }
0x1: {  	(tag) =	ssettag $0x0;
	lr =	simm.s32 $0x1  }
0x2: {  	[smem:$0x3F90] =	sst lr;
	_ =	strace $0xD0000000  }
0x3: {  	_ = 	snop  }
0x4: {  	_ = 	snop  }
0x5: {  	_ = 	snop  }
0x6: {  	_ = 	snop  }
0x7: {  	_ = 	snop  }
__scs_overlays_trampoline_lowered:
0x8: {  	[smem:$0x3F9F] =	sst s0  }
0x9: {  	[smem:$0x3FA0] =	sst s1  }
0xa: {  	[smem:$0x3FA1] =	sst s2  }
0xb: {  	[smem:$0x3FA2] =	sst s3  }
0xc: {  	[smem:$0x3FA3] =	sst s4  }
0xd: {  	[smem:$0x3FA4] =	sst s5  }
0xe: {  	[smem:$0x3FA5] =	sst s6  }
0xf: {  	[smem:$0x3FA6] =	sst s7  }
0x10: {  	[smem:$0x3FA7] =	sst s8  }
0x11: {  	[smem:$0x3FA8] =	sst s9;
	s0 =	simm.s32 @!p0 $0x0  }
0x12: {  	s1 =	sld [smem:$0x3F8E];
	s0 =	simm.s32 @p0 $0x1  }
0x13: {  	[smem:$0x3FA9] =	sst s0;
	s0 =	simm.s32 @!p1 $0x0  }
0x14: {  	s2 =	sld [smem:$0x3F8D];
	s0 =	simm.s32 @p1 $0x1  }
0x15: {  	[smem:$0x3FAA] =	sst s0;
	s0 =	simm.s32 @!p2 $0x0  }
0x16: {  	s3 =	sld [smem:$0x3FDB];
	s0 =	simm.s32 @p2 $0x1  }
0x17: {  	s4 =	simm.s32 $0x1BF5;
	[smem:$0x3FAC] =	sst s0  }
0x18: {  	s0 =	sld [smem:$0x3F8F];
	_ =	swait.ge [sflag:s4], $0x0  }
0x19: {  	s7 =	sld [smem:$0x3F90]  }
0x1a: {  	s8 =	sadd.s32 $0xFFFFE003, lr  }
0x1b: {  	s9 =	sadd.s32 $0xFFFFFEF7, lr;
	s5 =	simm.s32 $0xFFFFFFFF;
	p2 =	slt.u32 s8, $0xFFFFF086  }
0x1c: {  	p1 =	slt.u32 s9, $0xF7A;
	s5 =	simm.s32 @!p2 $0x0  }
0x1d: {  	s5 =	simm.s32 @p1 $0x1;
	p0 =	seq.s32 s7, s2  }
0x1e: {  	s7 =	smul.u32 @!p0 $0xF7A, s2;
	p2 =	seq.s32 @!p0 s5, $0x0  }
0x1f: {  	s9 =	smul.u32 $0xF7A, s1;
	s8 =	simm.s32 @!p0 $0x1BF5;
	p2 =	por !p2, p0  }
0x20: {  	[sflag:s8] =	ssyncset.s32 @!p0 $0xFFFFF086;
	s6 =	sadd.s32 @!p0 s3, s7;
	s7 =	simm.s32 @!p0 $0x108  }
0x21: {  	s3 =	sadd.s32 s3, s9;
	s6 =	sadd.s32 @!p0 $0x88, s6;
	s7 =	simm.s32 @p2 $0x1082  }
0x22: {  	[simem:s7], [sflag:s8] =	dma.local @!p0 [hbm:s6], $0xF7A  }
0x23: {  	s9 =	sor.u32 $0xD0000000, s2;
	s6 =	simm.s32 $0x108;
	_ =	swait.ge @!p0 [sflag:s8], $0x0  }
0x24: {  	s3 =	sadd.s32 $0x88, s3;
	s6 =	simm.s32 @!p1 $0x1082;
	[sflag:s4] =	ssyncset.s32 $0xFFFFF086  }
0x25: {  	[simem:s6], [sflag:s4] =	dma.local [hbm:s3], $0xF7A  }
0x26: {  	[smem:$0x3F90] =	sst s1;
	(tag) =	ssettag s2;
	_ =	strace s9  }
0x27: {  	s1 =	sld [smem:$0x3FA0]  }
0x28: {  	s2 =	sld [smem:$0x3FA1]  }
0x29: {  	s4 =	sld [smem:$0x3FA3]  }
0x2a: {  	p0 =	seq.s32 s5, $0x0;
	s5 =	sld [smem:$0x3FA4]  }
0x2b: {  	s6 =	sld [smem:$0x3FA5]  }
0x2c: {  	s7 =	sld [smem:$0x3FA6]  }
0x2d: {  	s3 =	simm.s32 $0x108;
	s8 =	sld [smem:$0x3FA7]  }
0x2e: {  	s3 =	simm.s32 @!p0 $0x1082;
	s9 =	sld [smem:$0x3FA8]  }
0x2f: {  	lr =	sadd.s32 s0, s3;
	s0 =	sld [smem:$0x3F9F]  }
0x30: {  	s3 =	sld [smem:$0x3FA2]  }
0x31: {  	[smem:$0x3FAB] =	sst s10  }
0x32: {  	s10 =	sld [smem:$0x3FA9];
	_ =	sdelay $0x3  }
0x33: {  	p0 =	seq.s32 s10, $0x1;
	s10 =	sld [smem:$0x3FAB];
	_ =	sdelay $0x3  }
0x34: {  	[smem:$0x3FAB] =	sst s10  }
0x35: {  	s10 =	sld [smem:$0x3FAA];
	_ =	sdelay $0x3  }
0x36: {  	p1 =	seq.s32 s10, $0x1;
	s10 =	sld [smem:$0x3FAB];
	_ =	sdelay $0x3  }
0x37: {  	[smem:$0x3FAB] =	sst s10  }
0x38: {  	s10 =	sld [smem:$0x3FAC]  }
0x39: {  	_ = 	snop;
	(pc) =	sbr.ind lr, $3  }
0x3a: {  	_ = 	snop  }
0x3b: {  	_ = 	snop  }
0x3c: {  	p2 =	seq.s32 s10, $0x1;
	s10 =	sld [smem:$0x3FAB]  }
0x3d: {  	_ =	shalt  }
0x3e: {  	_ =	shalt  }
0x3f: {  	_ =	shalt  }
0x40: {  	_ =	shalt  }
0x41: {  	_ =	shalt  }
0x42: {  	_ =	shalt  }
0x43: {  	_ =	shalt  }
0x44: {  	_ =	shalt  }
0x45: {  	_ =	shalt  }
0x46: {  	_ =	shalt  }
0x47: {  	_ =	shalt  }
0x48: {  	_ =	shalt  }
0x49: {  	_ =	shalt  }
0x4a: {  	_ =	shalt  }
0x4b: {  	_ =	shalt  }
0x4c: {  	_ =	shalt  }
0x4d: {  	_ =	shalt  }
0x4e: {  	_ =	shalt  }
0x4f: {  	_ =	shalt  }
0x50: {  	_ =	shalt  }
0x51: {  	_ =	shalt  }
0x52: {  	_ =	shalt  }
0x53: {  	_ =	shalt  }
0x54: {  	_ =	shalt  }
0x55: {  	_ =	shalt  }
0x56: {  	_ =	shalt  }
0x57: {  	_ =	shalt  }
0x58: {  	_ =	shalt  }
0x59: {  	_ =	shalt  }
0x5a: {  	_ =	shalt  }
0x5b: {  	_ =	shalt  }
0x5c: {  	_ =	shalt  }
0x5d: {  	_ =	shalt  }
0x5e: {  	_ =	shalt  }
0x5f: {  	_ =	shalt  }
0x60: {  	_ =	shalt  }
0x61: {  	_ =	shalt  }
0x62: {  	_ =	shalt  }
0x63: {  	_ =	shalt  }
0x64: {  	_ =	shalt  }
0x65: {  	_ =	shalt  }
0x66: {  	_ =	shalt  }
0x67: {  	_ =	shalt  }
0x68: {  	_ =	shalt  }
0x69: {  	_ =	shalt  }
0x6a: {  	_ =	shalt  }
0x6b: {  	_ =	shalt  }
0x6c: {  	_ =	shalt  }
0x6d: {  	_ =	shalt  }
0x6e: {  	_ =	shalt  }
0x6f: {  	_ =	shalt  }
0x70: {  	_ =	shalt  }
0x71: {  	_ =	shalt  }
0x72: {  	_ =	shalt  }
0x73: {  	_ =	shalt  }
0x74: {  	_ =	shalt  }
0x75: {  	_ =	shalt  }
0x76: {  	_ =	shalt  }
0x77: {  	_ =	shalt  }
0x78: {  	_ =	shalt  }
0x79: {  	_ =	shalt  }
0x7a: {  	_ =	shalt  }
0x7b: {  	_ =	shalt  }
0x7c: {  	_ =	shalt  }
0x7d: {  	_ =	shalt  }
0x7e: {  	_ =	shalt  }
0x7f: {  	_ =	shalt  }
0x80: {  	_ =	shalt  }
0x81: {  	_ =	shalt  }
0x82: {  	_ =	shalt  }
0x83: {  	_ =	shalt  }
0x84: {  	_ =	shalt  }
0x85: {  	_ =	shalt  }
0x86: {  	_ =	shalt  }
0x87: {  	_ =	shalt  }
.Lfunc_end0:
.L_simem_size_0:
called_computation.1_lowered:
.L_overlay_start_0:
0x88: {  	s2 =	sld [smem:$0x3FD9]  }
0x89: {  	s3 =	sld [smem:$0x3FFE];
	_ =	sdelay $0x1  }
0x8a: {  	s1 =	srdreg.scid  }
0x8b: {  	s0 =	sand.u32 $0x1, s1  }
0x8c: {  	s17 =	sshll.u32 s0, $0xA;
	s2 =	sadd.s32 s3, s2  }
0x8d: {  	s2 =	sadd.s32 s2, s17  }
0x8e: {  	[smem:$0x3FB7] =	sst s2  }
0x8f: {  	_ = 	snop  }
0x90: {  	(tm) =	ssettm $0x1  }
0x91: {  	s18 =	sld [smem:$0x3FFB];
	_ =	sdelay $0x3  }
0x92: {  	_ =	strace s18  }
0x93: {  	s2 =	sld [smem:$0x3FFC];
	_ =	sdelay $0x3  }
0x94: {  	_ =	strace s2  }
0x95: {  	s2 =	sld [smem:$0x3FFD];
	_ =	sdelay $0x3  }
0x96: {  	_ =	strace s2  }
0x97: {  	_ =	strace $0x8FFFFFFF  }
0x98: {  	s19 =	sld [smem:$0x3FDB];
	_ =	sdelay $0x1  }
0x99: {  	s20 =	simm.s32 $_scs_section_size  }
0x9a: {  	s4 =	simm.s32 $_size__tile_overlayer_lowered;
	s5 =	simm.s32 $_tile_overlayer_lowered  }
0x9b: {  	s6 =	simm.s32 $0x1BFF;
	s21 =	sshll.u32 s5, $0x1;
	s3 =	sadd.s32 s20, s19  }
0x9c: {  	s22 =	simm.s32 $0x0;
	s4 =	sshll.u32 s4, $0x1;
	s5 =	sadd.s32 s21, s3  }
0x9d: {  	[timem:s22], [sflag:s6] =	dma.local [hbm:s5], s4  }
0x9e: {  	_ =	swait.ge [sflag:s6], s4  }
0x9f: {  	s4 =	ssub.s32 $0x0, s4;
	[sflag:s6] =	ssyncset.done $0x0  }
0xa0: {  	[sflag:s6] =	ssyncadd.s32 s4;
	_ =	sdelay $0x1  }
0xa1: {  	s23 =	simm.s32 $0x1B8B  }
0xa2: {  	_ =	swait.ge [sflag:s23], $0x1  }
0xa3: {  	[sflag:s23] =	ssyncset.done $0x0  }
0xa4: {  	[sflag:s23] =	ssyncadd.s32 $0xFFFFFFFF  }
0xa5: {  	s4 =	sld [smem:$0x0]  }
0xa6: {  	s5 =	sand.u32 $0xFFFFFFFE, s1  }
0xa7: {  	p0 =	sne.s32 s1, s5  }
0xa8: {  	s5 =	sshll.u32 @p0 s5, $0xE  }
0xa9: {  	s5 =	sadd.s32 @p0 $0x11B8D, s5;
	s6 =	sshll.u32 @p0 s4, $0x11  }
0xaa: {  	s5 =	sor.u32 @p0 s6, s5  }
0xab: {  	[sflag:s5] =	ssyncadd.remote.s32 @p0 $0x1;
	_ =	sdelay $0x1  }
0xac: {  	s5 =	simm.s32 @p0 $0x1B8D  }
0xad: {  	_ =	swait.eq @p0 [sflag:s5], $0x1  }
0xae: {  	[sflag:s5] =	ssyncadd.s32 @p0 $0xFFFFFFFF  }
0xaf: {  	s6 =	sshll.u32 @!p0 s1, $0xE  }
0xb0: {  	s6 =	sor.u32 @!p0 $0x4000, s6;
	s5 =	simm.s32 @!p0 $0x1B8D  }
0xb1: {  	s4 =	sshll.u32 @!p0 s4, $0x11;
	s6 =	sadd.s32 @!p0 $0x11B8D, s6;
	_ =	swait.eq @!p0 [sflag:s5], $0x1  }
0xb2: {  	s4 =	sor.u32 @!p0 s4, s6;
	[sflag:s5] =	ssyncadd.s32 @!p0 $0xFFFFFFFF  }
0xb3: {  	s25 =	simm.s32 $0x1B8E;
	s24 =	sld [smem:$0x3FFE];
	[sflag:s4] =	ssyncadd.remote.s32 @!p0 $0x1  }
0xb4: {  	s26 =	simm.s32 $execute0_lowered;
	[smem:$0x3FD2] =	sst s25  }
0xb5: {  	s5 =	sshll.u32 s26, $0x1;
	_ =	strace $0x80000055;
	[dreg:$0x1] =	wrdreg $0xFFFFFFFF  }
0xb6: {  	s28 =	simm.s32 $_size_execute0_lowered;
	s3 =	sadd.s32 s3, s5;
	[dreg:$0x0] =	wrdreg $0x0  }
0xb7: {  	s5 =	sshll.u32 s28, $0x1;
	[dreg:$0x2] =	wrdreg s3  }
0xb8: {  	[dreg:$0x3] =	wrdreg s5  }
0xb9: {  	[dreg:$0x4] =	wrdreg $0xC0  }
0xba: {  	_ =	task [dreg:s22], $0x5FFFF  }
0xbb: {  	[dreg:$0x1] =	wrdreg $0xFFFFFFFF  }
0xbc: {  	[dreg:$0x0] =	wrdreg $0x60  }
0xbd: {  	[dreg:$0x2] =	wrdreg s24  }
0xbe: {  	[dreg:$0x3] =	wrdreg $0x21000  }
0xbf: {  	[dreg:$0x4] =	wrdreg $0x9  }
0xc0: {  	_ =	task.clear_ibuf [dreg:s22], $0x5FFFF;
	_ =	strace $0x90000055  }
0xc1: {  	s29 =	simm.s32 $0x9;
	_ =	strace $0x80000057  }
0xc2: {  	_ =	swait.ge [sflag:s29], $0x1  }
0xc3: {  	[sflag:s29] =	ssyncadd.s32 $0xFFFFFFFF  }
0xc4: {  	_ =	strace $0x90000057  }
0xc5: {  	_ =	sfence  }
0xc6: {  	s30 =	sld [smem:$0x0];
	_ =	sdelay $0x2  }
0xc7: {  	s31 =	sshll.u32 s1, $0xD;
	s1 =	sshrl.u32 s1, $0x2  }
0xc8: {  	s4 =	sand.u32 $0x4000, s31;
	s1 =	sadd.s32 s1, s30  }
0xc9: {  	s0 =	sor.u32 s4, s0;
	s1 =	sshll.u32 s1, $0x11  }
0xca: {  	s0 =	sor.u32 s1, s0  }
0xcb: {  	s0 =	sadd.s32 $0x8F2B, s0  }
0xcc: {  	[sflag:s0] =	ssyncadd.remote.s32 $0x1  }
0xcd: {  	_ =	sfence.sel $0xFFFF  }
0xce: {  	[dreg:$0x0] =	wrdreg $0xFFFFFFFF;
	(pc) =	sbr.abs _section_cstart, $3  }
0xcf: {  	[dreg:$0x1] =	wrdreg $0xFFFFFFFF  }
0xd0: {  	_ =	task.clear_ibuf [dreg:s22], $0x2FFFF;
	_ =	strace $0x9FFFFFFF  }
0xd1: {  	(tm) =	ssettm $0x7FFFFFFF  }
tec
execute0_lowered:
.L_overlay_start_1:
0x0: {  	(tag) =	ssettag $0x1  }
0x1: {  	s0 =	rddreg [dreg:$0x0]  }
0x2: {  	s2 =	rddreg [dreg:$0x1]  }
0x3: {  	s3 =	simm.s32 $0x0;
	s8 =	stileid.u32;
	s1 =	srdreg.scid  }
0x4: {  	s19 =	simm.s32 $0x3;
	s22 =	simm.s32 $0x100;
	s23 =	simm.s32 $0x0  }
0x5: {  	[smem:$0x7FF] =	sst s3;
	s26 =	smul.u32 $0x5000, s8;
	s1 =	sand.u32 $0x1, s1  }
0x6: {  	s11 =	sadd.s32 $0x23D200, s0;
	s10 =	sadd.s32 $0x23C400, s0;
	s28 =	sshll.u32 s8, $0x6  }
0x7: {  	_ =	strace $0x80000056;
	s4 =	smul.u32 $0x50000, s1;
	s6 =	ssub.s32 $0x2, s1  }
0x8: {  	s1 =	smul.u32 $0x64, s1;
	s5 =	sshrl.u32 s26, $0x3;
	s7 =	sshrl.u32 s6, $0x1  }
0x9: {  	s3 =	sadd.s32 s26, s2;
	s5 =	sadd.s32 s5, s0;
	s4 =	sadd.s32 s26, s4  }
0xa: {  	s13 =	ssub.s32 s6, s7;
	s6 =	sor.u32 $0x1C03, s28;
	s4 =	sshrl.u32 s4, $0x3  }
0xb: {  	s0 =	sadd.s32 s4, s0;
	s4 =	sadd.s32 $0x2C600, s5;
	s5 =	sadd.s32 s8, s1  }
0xc: {  	s7 =	sadd.s32 $0x64, s1;
	s13 =	smax.u32 s13, $0x1;
	s29 =	sshll.u32 s5, $0x4  }
0xd: {  	s30 =	sshll.u32 s5, $0xB;
	s18 =	sadd.s32 $0x10, s5;
	s8 =	sadd.s32 s10, s29  }
0xe: {  	s9 =	sadd.s32 s11, s30;
	s31 =	sshll.u32 s18, $0x4;
	s12 =	sshll.u32 s18, $0xB  }
0xf: {  	p0 =	sge.u32 s18, s7;
	s18 =	sshrl.u32 s3, $0x3;
	s10 =	sadd.s32 s10, s31  }
0x10: {  	s11 =	sadd.s32 s11, s12;
	s12 =	sadd.s32 $0x5E600, s0;
	s14 =	sadd.s32 $0x300, s8  }
0x11: {  	s15 =	sadd.s32 $0x18000, s9;
	s16 =	sadd.s32 $0x200, s8;
	s17 =	sadd.s32 $0x10000, s9  }
.LBB2_1:
0x12: {  	[spmem:s18], [sflag:s6] =	dma.local [hbm:s4], $0xA00  }
0x13: {  	_ =	swait.ge [sflag:s19], $0xA00  }
0x14: {  	[sflag:s19] =	ssyncset.done $0x0  }
0x15: {  	s0 =	simm.s32 $0x0;
	[sflag:s19] =	ssyncadd.s32 $0xFFFFF600  }
0x16: {  	[tilespmem:s0], [sflag:$0x3] =	stream.linear.gather [hbm4b:s8+s0], $0x80, $0x38;
	[tilespmem:$0x7100] =	vst v63  }
0x17: {  	_ =	swait.ge [sflag:s19], $0x80  }
0x18: {  	[sflag:s19] =	ssyncset.done $0x0  }
0x19: {  	s20 =	simm.s32 $0x20;
	s1 =	simm.s32 $0x80;
	[sflag:s19] =	ssyncadd.s32 $0xFFFFFF80  }
0x1a: {  	[tilespmem:s22], [sflag:$0x1] =	stream.strided.gather [hbm4b:s9+s20], $0x1000, s1, s20, $0x38;
	[tilespmem:$0x7100] =	vst v63  }
0x1b: {  	s0 =	simm.s32 @!p0 $0x0;
	s1 =	simm.s32 @!p0 $0x80  }
0x1c: {  	[tilespmem:s1], [sflag:$0x3] =	stream.linear.gather @!p0 [hbm4b:s10+s0], $0x80, $0x38;
	[tilespmem:$0x7100] =	vst v63  }
0x1d: {  	s0 =	simm.s32 @!p0 $0x3  }
0x1e: {  	_ =	swait.ge @!p0 [sflag:s0], $0x80  }
0x1f: {  	s3 =	simm.s32 @!p0 $0x1100;
	s21 =	sadd.s32 $0x0, s5;
	[sflag:s0] =	ssyncset.done @!p0 $0x0  }
0x20: {  	p1 =	sge.u32 s21, s7;
	[sflag:s0] =	ssyncadd.s32 @!p0 $0xFFFFFF80;
	s0 =	simm.s32 @!p0 $0x20  }
0x21: {  	[tilespmem:s3], [sflag:$0x2] =	stream.strided.gather @!p0 [hbm4b:s11+s0], $0x1000, s1, s0, $0x38;
	[tilespmem:$0x7100] =	vst v63  }
0x22: {  	s1 =	simm.s32 @!p1 $0x1;
	[bflag:$0x0] =	sbarrier.arrive $0xFFFF  }
0x23: {  	s24 =	simm.s32 @!p1 $0x3;
	s25 =	simm.s32 @!p1 $0x100;
	_ =	swait.ge @!p1 [sflag:s1], $0x1000  }
0x24: {  	s26 =	simm.s32 @!p1 $0x0;
	s3 =	sadd.s32 @!p1 $0x0, s5;
	[sflag:s1] =	ssyncset.done @!p1 $0x0  }
0x25: {  	s3 =	sadd.s32 @!p1 $0x20, s3;
	[sflag:s1] =	ssyncadd.s32 @!p1 $0xFFFFF000;
	s1 =	simm.s32 @!p1 $0x80  }
0x26: {  	[spmem:s2] =	stream.indirect.scatter.add.f32 @!p1 [tilespmem:s25], [sflag:$0x3], $0x20, s26, s1, $0xb8;
	[tilespmem:$0x7100] =	vst v63  }
0x27: {  	p2 =	sge.u32 @!p1 s3, s7;
	_ =	swait.ge @!p1 [sflag:s24], $0x1000  }
0x28: {  	p2 =	por p2, p1;
	[sflag:s24] =	ssyncset.done @!p1 $0x0  }
0x29: {  	s3 =	simm.s32 @!p2 $0x3;
	s1 =	simm.s32 @!p2 $0x0;
	[sflag:s24] =	ssyncadd.s32 @!p1 $0xFFFFF000  }
0x2a: {  	[tilespmem:s1], [sflag:$0x3] =	stream.linear.gather @!p2 [hbm4b:s16+s1], $0x80, $0x38;
	[tilespmem:$0x7100] =	vst v63  }
0x2b: {  	s0 =	sadd.s32 $0x10, s21;
	s24 =	simm.s32 @!p2 $0x100;
	_ =	swait.ge @!p2 [sflag:s3], $0x80  }
0x2c: {  	p1 =	sge.u32 s0, s7;
	s0 =	simm.s32 @!p2 $0x20;
	[sflag:s3] =	ssyncset.done @!p2 $0x0  }
0x2d: {  	s1 =	simm.s32 @!p2 $0x80;
	[sflag:s3] =	ssyncadd.s32 @!p2 $0xFFFFFF80;
	s3 =	simm.s32 @!p1 $0x2  }
0x2e: {  	[tilespmem:s24], [sflag:$0x1] =	stream.strided.gather @!p2 [hbm4b:s17+s0], $0x1000, s1, s0, $0x38;
	[tilespmem:$0x7100] =	vst v63  }
0x2f: {  	s0 =	sadd.s32 @!p1 $0x0, s5;
	_ =	swait.ge @!p1 [sflag:s3], $0x1000  }
0x30: {  	s1 =	simm.s32 @!p1 $0x3;
	s24 =	simm.s32 @!p1 $0x1100;
	[sflag:s3] =	ssyncset.done @!p1 $0x0  }
0x31: {  	s0 =	sadd.s32 @!p1 $0x30, s0;
	[sflag:s3] =	ssyncadd.s32 @!p1 $0xFFFFF000;
	s3 =	simm.s32 @!p1 $0x80  }
0x32: {  	[spmem:s2] =	stream.indirect.scatter.add.f32 @!p1 [tilespmem:s24], [sflag:$0x3], $0x20, s3, s3, $0xb8;
	[tilespmem:$0x7100] =	vst v63  }
0x33: {  	s28 =	sadd.s32 $0x200, s14;
	p2 =	sge.u32 @!p1 s0, s7;
	_ =	swait.ge @!p1 [sflag:s1], $0x1000  }
0x34: {  	s29 =	sadd.s32 $0x10000, s15;
	p2 =	por p2, p1;
	[sflag:s1] =	ssyncset.done @!p1 $0x0  }
0x35: {  	s0 =	simm.s32 @!p2 $0x0;
	s31 =	simm.s32 @!p2 $0x80;
	[sflag:s1] =	ssyncadd.s32 @!p1 $0xFFFFF000  }
0x36: {  	[tilespmem:s31], [sflag:$0x3] =	stream.linear.gather @!p2 [hbm4b:s14+s0], $0x80, $0x38;
	[tilespmem:$0x7100] =	vst v63  }
0x37: {  	s30 =	smov.u32 s15;
	s25 =	sadd.s32 $0x200, s16;
	s0 =	simm.s32 @!p2 $0x3  }
0x38: {  	s26 =	sadd.s32 $0x10000, s17;
	s24 =	simm.s32 $0x20;
	_ =	swait.ge @!p2 [sflag:s0], $0x80  }
0x39: {  	s3 =	simm.s32 @!p2 $0x1100;
	s1 =	simm.s32 @!p2 $0x20;
	[sflag:s0] =	ssyncset.done @!p2 $0x0  }
.LBB2_2:
0x3a: {  	s20 =	sadd.s32 s24, s5  }
0x3b: {  	[sflag:s0] =	ssyncadd.s32 @!p2 $0xFFFFFF80;
	s0 =	smov.u32 s24;
	s24 =	sadd.s32 $0x20, s24  }
0x3c: {  	[tilespmem:s3], [sflag:$0x2] =	stream.strided.gather @!p2 [hbm4b:s30+s1], $0x1000, s31, s1, $0x38;
	[tilespmem:$0x7100] =	vst v63  }
0x3d: {  	p2 =	sge.u32 s20, s7;
	s1 =	sadd.s32 $0x10, s20;
	p1 =	sne.s32 s24, $0x80  }
0x3e: {  	s30 =	smov.u32 s29;
	s3 =	simm.s32 @!p2 $0x1;
	s20 =	sadd.s32 @!p2 s0, s5  }
0x3f: {  	s31 =	simm.s32 @!p2 $0x3;
	s20 =	sadd.s32 @!p2 $0x20, s20;
	_ =	swait.ge @!p2 [sflag:s3], $0x1000  }
0x40: {  	s21 =	simm.s32 @!p2 $0x100;
	p3 =	sge.u32 @!p2 s20, s7;
	[sflag:s3] =	ssyncset.done @!p2 $0x0  }
0x41: {  	s20 =	simm.s32 @!p2 $0x0;
	[sflag:s3] =	ssyncadd.s32 @!p2 $0xFFFFF000;
	s3 =	simm.s32 @!p2 $0x80  }
0x42: {  	[spmem:s2] =	stream.indirect.scatter.add.f32 @!p2 [tilespmem:s21], [sflag:$0x3], $0x20, s20, s3, $0xb8;
	[tilespmem:$0x7100] =	vst v63  }
0x43: {  	_ =	swait.ge @!p2 [sflag:s31], $0x1000  }
0x44: {  	p4 =	por p3, p2;
	[sflag:s31] =	ssyncset.done @!p2 $0x0  }
0x45: {  	s3 =	simm.s32 @!p4 $0x0;
	s20 =	simm.s32 @!p4 $0x3;
	[sflag:s31] =	ssyncadd.s32 @!p2 $0xFFFFF000  }
0x46: {  	[tilespmem:s3], [sflag:$0x3] =	stream.linear.gather @!p4 [hbm4b:s25+s3], $0x80, $0x38;
	[tilespmem:$0x7100] =	vst v63  }
0x47: {  	p3 =	sge.u32 s1, s7;
	s3 =	simm.s32 @!p4 $0x80;
	_ =	swait.ge @!p4 [sflag:s20], $0x80  }
0x48: {  	s1 =	simm.s32 @!p4 $0x20;
	s21 =	simm.s32 @!p4 $0x100;
	[sflag:s20] =	ssyncset.done @!p4 $0x0  }
0x49: {  	s0 =	sadd.s32 @!p3 s0, s5;
	[sflag:s20] =	ssyncadd.s32 @!p4 $0xFFFFFF80;
	s20 =	simm.s32 @!p3 $0x2  }
0x4a: {  	[tilespmem:s21], [sflag:$0x1] =	stream.strided.gather @!p4 [hbm4b:s26+s1], $0x1000, s3, s1, $0x38;
	[tilespmem:$0x7100] =	vst v63  }
0x4b: {  	s0 =	sadd.s32 @!p3 $0x30, s0;
	_ =	swait.ge @!p3 [sflag:s20], $0x1000  }
0x4c: {  	p2 =	sge.u32 @!p3 s0, s7;
	s1 =	simm.s32 @!p3 $0x3;
	[sflag:s20] =	ssyncset.done @!p3 $0x0  }
0x4d: {  	s3 =	simm.s32 @!p3 $0x80;
	[sflag:s20] =	ssyncadd.s32 @!p3 $0xFFFFF000;
	s20 =	simm.s32 @!p3 $0x1100  }
0x4e: {  	[spmem:s2] =	stream.indirect.scatter.add.f32 @!p3 [tilespmem:s20], [sflag:$0x3], $0x20, s3, s3, $0xb8;
	[tilespmem:$0x7100] =	vst v63  }
0x4f: {  	p2 =	por p2, p3;
	_ =	swait.ge @!p3 [sflag:s1], $0x1000  }
0x50: {  	s0 =	simm.s32 @!p2 $0x0;
	[sflag:s1] =	ssyncset.done @!p3 $0x0  }
.Ltmp0:
0x51: {  	s31 =	simm.s32 @!p2 $0x80;
	[sflag:s1] =	ssyncadd.s32 @!p3 $0xFFFFF000;
	(pc) =	sbr.rel @p1 .LBB2_2-.Ltmp0, $4  }
0x52: {  	[tilespmem:s31], [sflag:$0x3] =	stream.linear.gather @!p2 [hbm4b:s28+s0], $0x80, $0x38;
	[tilespmem:$0x7100] =	vst v63  }
0x53: {  	s25 =	sadd.s32 $0x200, s25;
	s26 =	sadd.s32 $0x10000, s26;
	s0 =	simm.s32 @!p2 $0x3  }
0x54: {  	s29 =	sadd.s32 $0x10000, s29;
	s28 =	sadd.s32 $0x200, s28;
	_ =	swait.ge @!p2 [sflag:s0], $0x80  }
0x55: {  	s3 =	simm.s32 @!p2 $0x1100;
	s1 =	simm.s32 @!p2 $0x20;
	[sflag:s0] =	ssyncset.done @!p2 $0x0  }
0x56: {  	[sflag:s0] =	ssyncadd.s32 @!p2 $0xFFFFFF80;
	s23 =	sadd.s32 $0x1, s23  }
0x57: {  	[tilespmem:s3], [sflag:$0x2] =	stream.strided.gather @!p2 [hbm4b:s30+s1], $0x1000, s31, s1, $0x38;
	[tilespmem:$0x7100] =	vst v63  }
0x58: {  	p1 =	sne.s32 s23, s13  }
.Ltmp1:
0x59: {  	[bflag:$0x0] =	sbarrier.arrive $0xFFFF;
	(pc) =	sbr.rel @p1 .LBB2_1-.Ltmp1, $4  }
0x5a: {  	[hbm:s12], [sflag:s6] =	dma.local [spmem:s18], $0xA00  }
0x5b: {  	_ =	swait.ge [sflag:s19], $0xA00  }
0x5c: {  	[sflag:s19] =	ssyncset.done $0x0  }
0x5d: {  	[sflag:s19] =	ssyncadd.s32 $0xFFFFF600  }
0x5e: {  	_ =	sfence.sel $0x180000  }
0x5f: {  	[bflag:$0x0] =	sbarrier.arrive $0xFFFF  }
0x60: {  	_ =	strace $0x90000056  }
0x61: {  	s0 =	stileid.u32;
	[bflag:$0x2] =	sbarrier.arrive $0xFFFF  }
0x62: {  	p0 =	sne.s32 s0, $0x0;
	s0 =	rddreg [dreg:$0x2]  }
0x63: {  	s0 =	sadd.s32 @!p0 $0x100000, s0  }
0x64: {  	[sflag:s0] =	ssyncadd.tile.s32 @!p0 $0x1;
	_ =	shalt  }
.Lfunc_end2:
_tile_overlayer_lowered:
.L_overlay_start_2:
0x65: {  	(tag) =	ssettag $0x2  }
0x66: {  	s0 =	rddreg [dreg:$0x0];
	s2 =	stileid.u32  }
0x67: {  	s1 =	rddreg [dreg:$0x1];
	p0 =	sne.s32 s2, $0x0  }
0x68: {  	s3 =	rddreg [dreg:$0x2];
	[bflag:$0x3] =	sbarrier.arrive $0xFFFF;
	s2 =	simm.s32 @!p0 $0x1C03  }
0x69: {  	[timem:s3], [sflag:s2] =	dma.local @!p0 [hbm:s0], s1  }
0x6a: {  	s0 =	simm.s32 @!p0 $0x3  }
0x6b: {  	_ =	swait.ge @!p0 [sflag:s0], s1  }
0x6c: {  	s1 =	ssub.s32 @!p0 $0x0, s1;
	[sflag:s0] =	ssyncset.done @!p0 $0x0  }
0x6d: {  	[sflag:s0] =	ssyncadd.s32 @!p0 s1  }
0x6e: {  	[bflag:$0x3] =	sbarrier.arrive $0xFFFF  }
0x6f: {  	_ =	shalt  }

// kernel: kernel.20.cloned.1.call-start
scs
__scs_entry_jumppad:
0x0: {  	(pc) =	sbr.rel $0x88, $3  }
0x1: {  	(tag) =	ssettag $0x0;
	lr =	simm.s32 $0x1  }
0x2: {  	[smem:$0x3F90] =	sst lr;
	_ =	strace $0xD0000000  }
0x3: {  	_ = 	snop  }
0x4: {  	_ = 	snop  }
0x5: {  	_ = 	snop  }
0x6: {  	_ = 	snop  }
0x7: {  	_ = 	snop  }
__scs_overlays_trampoline_lowered:
0x8: {  	[smem:$0x3F9F] =	sst s0  }
0x9: {  	[smem:$0x3FA0] =	sst s1  }
0xa: {  	[smem:$0x3FA1] =	sst s2  }
0xb: {  	[smem:$0x3FA2] =	sst s3  }
0xc: {  	[smem:$0x3FA3] =	sst s4  }
0xd: {  	[smem:$0x3FA4] =	sst s5  }
0xe: {  	[smem:$0x3FA5] =	sst s6  }
0xf: {  	[smem:$0x3FA6] =	sst s7  }
0x10: {  	[smem:$0x3FA7] =	sst s8  }
0x11: {  	[smem:$0x3FA8] =	sst s9;
	s0 =	simm.s32 @!p0 $0x0  }
0x12: {  	s1 =	sld [smem:$0x3F8E];
	s0 =	simm.s32 @p0 $0x1  }
0x13: {  	[smem:$0x3FA9] =	sst s0;
	s0 =	simm.s32 @!p1 $0x0  }
0x14: {  	s2 =	sld [smem:$0x3F8D];
	s0 =	simm.s32 @p1 $0x1  }
0x15: {  	[smem:$0x3FAA] =	sst s0;
	s0 =	simm.s32 @!p2 $0x0  }
0x16: {  	s3 =	sld [smem:$0x3FDB];
	s0 =	simm.s32 @p2 $0x1  }
0x17: {  	s4 =	simm.s32 $0x1BF5;
	[smem:$0x3FAC] =	sst s0  }
0x18: {  	s0 =	sld [smem:$0x3F8F];
	_ =	swait.ge [sflag:s4], $0x0  }
0x19: {  	s7 =	sld [smem:$0x3F90]  }
0x1a: {  	s8 =	sadd.s32 $0xFFFFE003, lr  }
0x1b: {  	s9 =	sadd.s32 $0xFFFFFEF7, lr;
	s5 =	simm.s32 $0xFFFFFFFF;
	p2 =	slt.u32 s8, $0xFFFFF086  }
0x1c: {  	p1 =	slt.u32 s9, $0xF7A;
	s5 =	simm.s32 @!p2 $0x0  }
0x1d: {  	s5 =	simm.s32 @p1 $0x1;
	p0 =	seq.s32 s7, s2  }
0x1e: {  	s7 =	smul.u32 @!p0 $0xF7A, s2;
	p2 =	seq.s32 @!p0 s5, $0x0  }
0x1f: {  	s9 =	smul.u32 $0xF7A, s1;
	s8 =	simm.s32 @!p0 $0x1BF5;
	p2 =	por !p2, p0  }
0x20: {  	[sflag:s8] =	ssyncset.s32 @!p0 $0xFFFFF086;
	s6 =	sadd.s32 @!p0 s3, s7;
	s7 =	simm.s32 @!p0 $0x108  }
0x21: {  	s3 =	sadd.s32 s3, s9;
	s6 =	sadd.s32 @!p0 $0x88, s6;
	s7 =	simm.s32 @p2 $0x1082  }
0x22: {  	[simem:s7], [sflag:s8] =	dma.local @!p0 [hbm:s6], $0xF7A  }
0x23: {  	s9 =	sor.u32 $0xD0000000, s2;
	s6 =	simm.s32 $0x108;
	_ =	swait.ge @!p0 [sflag:s8], $0x0  }
0x24: {  	s3 =	sadd.s32 $0x88, s3;
	s6 =	simm.s32 @!p1 $0x1082;
	[sflag:s4] =	ssyncset.s32 $0xFFFFF086  }
0x25: {  	[simem:s6], [sflag:s4] =	dma.local [hbm:s3], $0xF7A  }
0x26: {  	[smem:$0x3F90] =	sst s1;
	(tag) =	ssettag s2;
	_ =	strace s9  }
0x27: {  	s1 =	sld [smem:$0x3FA0]  }
0x28: {  	s2 =	sld [smem:$0x3FA1]  }
0x29: {  	s4 =	sld [smem:$0x3FA3]  }
0x2a: {  	p0 =	seq.s32 s5, $0x0;
	s5 =	sld [smem:$0x3FA4]  }
0x2b: {  	s6 =	sld [smem:$0x3FA5]  }
0x2c: {  	s7 =	sld [smem:$0x3FA6]  }
0x2d: {  	s3 =	simm.s32 $0x108;
	s8 =	sld [smem:$0x3FA7]  }
0x2e: {  	s3 =	simm.s32 @!p0 $0x1082;
	s9 =	sld [smem:$0x3FA8]  }
0x2f: {  	lr =	sadd.s32 s0, s3;
	s0 =	sld [smem:$0x3F9F]  }
0x30: {  	s3 =	sld [smem:$0x3FA2]  }
0x31: {  	[smem:$0x3FAB] =	sst s10  }
0x32: {  	s10 =	sld [smem:$0x3FA9];
	_ =	sdelay $0x3  }
0x33: {  	p0 =	seq.s32 s10, $0x1;
	s10 =	sld [smem:$0x3FAB];
	_ =	sdelay $0x3  }
0x34: {  	[smem:$0x3FAB] =	sst s10  }
0x35: {  	s10 =	sld [smem:$0x3FAA];
	_ =	sdelay $0x3  }
0x36: {  	p1 =	seq.s32 s10, $0x1;
	s10 =	sld [smem:$0x3FAB];
	_ =	sdelay $0x3  }
0x37: {  	[smem:$0x3FAB] =	sst s10  }
0x38: {  	s10 =	sld [smem:$0x3FAC]  }
0x39: {  	_ = 	snop;
	(pc) =	sbr.ind lr, $3  }
0x3a: {  	_ = 	snop  }
0x3b: {  	_ = 	snop  }
0x3c: {  	p2 =	seq.s32 s10, $0x1;
	s10 =	sld [smem:$0x3FAB]  }
0x3d: {  	_ =	shalt  }
0x3e: {  	_ =	shalt  }
0x3f: {  	_ =	shalt  }
0x40: {  	_ =	shalt  }
0x41: {  	_ =	shalt  }
0x42: {  	_ =	shalt  }
0x43: {  	_ =	shalt  }
0x44: {  	_ =	shalt  }
0x45: {  	_ =	shalt  }
0x46: {  	_ =	shalt  }
0x47: {  	_ =	shalt  }
0x48: {  	_ =	shalt  }
0x49: {  	_ =	shalt  }
0x4a: {  	_ =	shalt  }
0x4b: {  	_ =	shalt  }
0x4c: {  	_ =	shalt  }
0x4d: {  	_ =	shalt  }
0x4e: {  	_ =	shalt  }
0x4f: {  	_ =	shalt  }
0x50: {  	_ =	shalt  }
0x51: {  	_ =	shalt  }
0x52: {  	_ =	shalt  }
0x53: {  	_ =	shalt  }
0x54: {  	_ =	shalt  }
0x55: {  	_ =	shalt  }
0x56: {  	_ =	shalt  }
0x57: {  	_ =	shalt  }
0x58: {  	_ =	shalt  }
0x59: {  	_ =	shalt  }
0x5a: {  	_ =	shalt  }
0x5b: {  	_ =	shalt  }
0x5c: {  	_ =	shalt  }
0x5d: {  	_ =	shalt  }
0x5e: {  	_ =	shalt  }
0x5f: {  	_ =	shalt  }
0x60: {  	_ =	shalt  }
0x61: {  	_ =	shalt  }
0x62: {  	_ =	shalt  }
0x63: {  	_ =	shalt  }
0x64: {  	_ =	shalt  }
0x65: {  	_ =	shalt  }
0x66: {  	_ =	shalt  }
0x67: {  	_ =	shalt  }
0x68: {  	_ =	shalt  }
0x69: {  	_ =	shalt  }
0x6a: {  	_ =	shalt  }
0x6b: {  	_ =	shalt  }
0x6c: {  	_ =	shalt  }
0x6d: {  	_ =	shalt  }
0x6e: {  	_ =	shalt  }
0x6f: {  	_ =	shalt  }
0x70: {  	_ =	shalt  }
0x71: {  	_ =	shalt  }
0x72: {  	_ =	shalt  }
0x73: {  	_ =	shalt  }
0x74: {  	_ =	shalt  }
0x75: {  	_ =	shalt  }
0x76: {  	_ =	shalt  }
0x77: {  	_ =	shalt  }
0x78: {  	_ =	shalt  }
0x79: {  	_ =	shalt  }
0x7a: {  	_ =	shalt  }
0x7b: {  	_ =	shalt  }
0x7c: {  	_ =	shalt  }
0x7d: {  	_ =	shalt  }
0x7e: {  	_ =	shalt  }
0x7f: {  	_ =	shalt  }
0x80: {  	_ =	shalt  }
0x81: {  	_ =	shalt  }
0x82: {  	_ =	shalt  }
0x83: {  	_ =	shalt  }
0x84: {  	_ =	shalt  }
0x85: {  	_ =	shalt  }
0x86: {  	_ =	shalt  }
0x87: {  	_ =	shalt  }
.Lfunc_end0:
.L_simem_size_0:
called_computation.2_lowered:
.L_overlay_start_0:
0x88: {  	s2 =	sld [smem:$0x3FD9]  }
0x89: {  	s3 =	sld [smem:$0x3FFE];
	_ =	sdelay $0x1  }
0x8a: {  	s1 =	srdreg.scid  }
0x8b: {  	s0 =	sand.u32 $0x1, s1  }
0x8c: {  	s17 =	sshll.u32 s0, $0xA;
	s2 =	sadd.s32 s3, s2  }
0x8d: {  	s2 =	sadd.s32 s2, s17  }
0x8e: {  	[smem:$0x3FB7] =	sst s2  }
0x8f: {  	_ = 	snop  }
0x90: {  	(tm) =	ssettm $0x1  }
0x91: {  	s18 =	sld [smem:$0x3FFB];
	_ =	sdelay $0x3  }
0x92: {  	_ =	strace s18  }
0x93: {  	s2 =	sld [smem:$0x3FFC];
	_ =	sdelay $0x3  }
0x94: {  	_ =	strace s2  }
0x95: {  	s2 =	sld [smem:$0x3FFD];
	_ =	sdelay $0x3  }
0x96: {  	_ =	strace s2  }
0x97: {  	_ =	strace $0x8FFFFFFF  }
0x98: {  	s19 =	sld [smem:$0x3FDB];
	_ =	sdelay $0x1  }
0x99: {  	s20 =	simm.s32 $_scs_section_size  }
0x9a: {  	s4 =	simm.s32 $_size__tile_overlayer_lowered;
	s5 =	simm.s32 $_tile_overlayer_lowered  }
0x9b: {  	s6 =	simm.s32 $0x1BFF;
	s21 =	sshll.u32 s5, $0x1;
	s3 =	sadd.s32 s20, s19  }
0x9c: {  	s22 =	simm.s32 $0x0;
	s4 =	sshll.u32 s4, $0x1;
	s5 =	sadd.s32 s21, s3  }
0x9d: {  	[timem:s22], [sflag:s6] =	dma.local [hbm:s5], s4  }
0x9e: {  	_ =	swait.ge [sflag:s6], s4  }
0x9f: {  	s4 =	ssub.s32 $0x0, s4;
	[sflag:s6] =	ssyncset.done $0x0  }
0xa0: {  	[sflag:s6] =	ssyncadd.s32 s4;
	_ =	sdelay $0x1  }
0xa1: {  	s23 =	simm.s32 $0x1B8B  }
0xa2: {  	_ =	swait.ge [sflag:s23], $0x1  }
0xa3: {  	[sflag:s23] =	ssyncset.done $0x0  }
0xa4: {  	[sflag:s23] =	ssyncadd.s32 $0xFFFFFFFF  }
0xa5: {  	s4 =	sld [smem:$0x0]  }
0xa6: {  	s5 =	sand.u32 $0xFFFFFFFE, s1  }
0xa7: {  	p0 =	sne.s32 s1, s5  }
0xa8: {  	s5 =	sshll.u32 @p0 s5, $0xE  }
0xa9: {  	s5 =	sadd.s32 @p0 $0x11B8D, s5;
	s6 =	sshll.u32 @p0 s4, $0x11  }
0xaa: {  	s5 =	sor.u32 @p0 s6, s5  }
0xab: {  	[sflag:s5] =	ssyncadd.remote.s32 @p0 $0x1;
	_ =	sdelay $0x1  }
0xac: {  	s5 =	simm.s32 @p0 $0x1B8D  }
0xad: {  	_ =	swait.eq @p0 [sflag:s5], $0x1  }
0xae: {  	[sflag:s5] =	ssyncadd.s32 @p0 $0xFFFFFFFF  }
0xaf: {  	s6 =	sshll.u32 @!p0 s1, $0xE  }
0xb0: {  	s6 =	sor.u32 @!p0 $0x4000, s6;
	s5 =	simm.s32 @!p0 $0x1B8D  }
0xb1: {  	s4 =	sshll.u32 @!p0 s4, $0x11;
	s6 =	sadd.s32 @!p0 $0x11B8D, s6;
	_ =	swait.eq @!p0 [sflag:s5], $0x1  }
0xb2: {  	s4 =	sor.u32 @!p0 s4, s6;
	[sflag:s5] =	ssyncadd.s32 @!p0 $0xFFFFFFFF  }
0xb3: {  	s25 =	simm.s32 $0x1B8E;
	s24 =	sld [smem:$0x3FFE];
	[sflag:s4] =	ssyncadd.remote.s32 @!p0 $0x1  }
0xb4: {  	s26 =	simm.s32 $execute0_lowered;
	[smem:$0x3FD2] =	sst s25  }
0xb5: {  	s5 =	sshll.u32 s26, $0x1;
	_ =	strace $0x80000049;
	[dreg:$0x1] =	wrdreg $0xFFFFFFFF  }
0xb6: {  	s28 =	simm.s32 $_size_execute0_lowered;
	s3 =	sadd.s32 s3, s5;
	[dreg:$0x0] =	wrdreg $0x0  }
0xb7: {  	s5 =	sshll.u32 s28, $0x1;
	[dreg:$0x2] =	wrdreg s3  }
0xb8: {  	[dreg:$0x3] =	wrdreg s5  }
0xb9: {  	[dreg:$0x4] =	wrdreg $0xC0  }
0xba: {  	_ =	task [dreg:s22], $0x5FFFF  }
0xbb: {  	[dreg:$0x1] =	wrdreg $0xFFFFFFFF  }
0xbc: {  	[dreg:$0x0] =	wrdreg $0x60  }
0xbd: {  	[dreg:$0x2] =	wrdreg s24  }
0xbe: {  	[dreg:$0x3] =	wrdreg $0xB  }
0xbf: {  	_ =	task.clear_ibuf [dreg:s22], $0x4FFFF;
	_ =	strace $0x90000049  }
0xc0: {  	s29 =	simm.s32 $0xB;
	_ =	strace $0x8000004B  }
0xc1: {  	_ =	swait.ge [sflag:s29], $0x1  }
0xc2: {  	[sflag:s29] =	ssyncadd.s32 $0xFFFFFFFF  }
0xc3: {  	_ =	strace $0x9000004B  }
0xc4: {  	_ =	sfence  }
0xc5: {  	s30 =	sld [smem:$0x0];
	_ =	sdelay $0x2  }
0xc6: {  	s31 =	sshll.u32 s1, $0xD;
	s1 =	sshrl.u32 s1, $0x2  }
0xc7: {  	s4 =	sand.u32 $0x4000, s31;
	s1 =	sadd.s32 s1, s30  }
0xc8: {  	s0 =	sor.u32 s4, s0;
	s1 =	sshll.u32 s1, $0x11  }
0xc9: {  	s0 =	sor.u32 s1, s0  }
0xca: {  	s0 =	sadd.s32 $0x8F2B, s0  }
0xcb: {  	[sflag:s0] =	ssyncadd.remote.s32 $0x1  }
0xcc: {  	_ =	sfence.sel $0xFFFF  }
0xcd: {  	[dreg:$0x0] =	wrdreg $0xFFFFFFFF;
	(pc) =	sbr.abs _section_cstart, $3  }
0xce: {  	[dreg:$0x1] =	wrdreg $0xFFFFFFFF  }
0xcf: {  	_ =	task.clear_ibuf [dreg:s22], $0x2FFFF;
	_ =	strace $0x9FFFFFFF  }
0xd0: {  	(tm) =	ssettm $0x7FFFFFFF  }
0xd1: {  	_ =	shalt  }
tec
execute0_lowered:
.L_overlay_start_1:
0x0: {  	(tag) =	ssettag $0x1  }
0x1: {  	s4 =	rddreg [dreg:$0x0];
	s1 =	srdreg.scid  }
0x2: {  	s0 =	rddreg [dreg:$0x1];
	s2 =	simm.s32 $0x0;
	s16 =	simm.s32 $0x1  }
0x3: {  	s17 =	simm.s32 $0x2;
	s8 =	sand.u32 $0x1, s1;
	[smem:$0x7FF] =	sst s2  }
0x4: {  	s1 =	stileid.u32;
	s3 =	sadd.s32 $0x4600, s4;
	s9 =	sadd.s32 $0x13F600, s4  }
0x5: {  	s10 =	sadd.s32 $0x141600, s4;
	s5 =	sshll.u32 s8, $0x4;
	_ =	strace $0x8000004A  }
0x6: {  	s29 =	ssub.s32 $0x2, s8;
	s13 =	sshll.u32 s8, $0xF;
	s8 =	sshll.u32 s8, $0x8  }
0x7: {  	s14 =	sshll.u32 s1, $0xB;
	s15 =	sshll.u32 s1, $0x4;
	s11 =	sor.u32 s1, s5  }
0x8: {  	s7 =	sshrl.u32 s29, $0x1;
	s13 =	sadd.s32 s13, s10;
	s6 =	sshll.u32 s11, $0x4  }
0x9: {  	s30 =	ssub.s32 s29, s7;
	s31 =	sshll.u32 s11, $0xB;
	s18 =	sor.u32 $0x1E0, s11  }
0xa: {  	s13 =	sadd.s32 s14, s13;
	s11 =	sor.u32 $0x20, s11;
	s14 =	simm.s32 $0x100  }
0xb: {  	s4 =	sadd.s32 s9, s6;
	s6 =	smax.u32 s30, $0x1;
	s7 =	sadd.s32 s31, s10  }
0xc: {  	s12 =	sshll.u32 s18, $0xB;
	s9 =	sadd.s32 s8, s9;
	p0 =	sgt.u32 s18, $0x1F3  }
0xd: {  	s18 =	simm.s32 $0x0;
	s5 =	sadd.s32 $0x200, s4;
	s7 =	sadd.s32 $0xE0000, s7  }
0xe: {  	s8 =	sadd.s32 s10, s12;
	s9 =	sadd.s32 s15, s9;
	s10 =	sadd.s32 $0x10000, s13  }
0xf: {  	s12 =	simm.s32 $0x3;
	s13 =	simm.s32 $0x80;
	s15 =	simm.s32 $0x4100  }
.LBB2_1:
0x10: {  	[tilespmem:s2], [sflag:$0x3] =	stream.linear.gather [hbm4b:s4+s2], $0x80, $0x38;
	[tilespmem:$0x8100] =	vst v63  }
0x11: {  	_ =	swait.ge [sflag:s12], $0x80  }
0x12: {  	[sflag:s12] =	ssyncset.done $0x0  }
0x13: {  	[sflag:s12] =	ssyncadd.s32 $0xFFFFFF80  }
0x14: {  	[tilespmem:s14], [sflag:$0x1] =	stream.indirect.gather [hbm4b:s3+s13], $0x80, s2, s13, $0xb8;
	[tilespmem:$0x8100] =	vst v63  }
0x15: {  	_ = 	snop  }
0x16: {  	[tilespmem:s13], [sflag:$0x3] =	stream.linear.gather [hbm4b:s5+s2], $0x80, $0x38;
	[tilespmem:$0x8100] =	vst v63  }
0x17: {  	_ =	swait.ge [sflag:s12], $0x80  }
0x18: {  	[sflag:s12] =	ssyncset.done $0x0  }
0x19: {  	[sflag:s12] =	ssyncadd.s32 $0xFFFFFF80  }
0x1a: {  	[tilespmem:s15], [sflag:$0x2] =	stream.indirect.gather [hbm4b:s3+s13], $0x80, s13, s13, $0xb8;
	[tilespmem:$0x8100] =	vst v63  }
0x1b: {  	_ =	swait.ge [sflag:s16], $0x4000  }
0x1c: {  	[sflag:s16] =	ssyncset.done $0x0  }
0x1d: {  	s19 =	sadd.s32 $0xFFFF0000, s10;
	[sflag:s16] =	ssyncadd.s32 $0xFFFFC000  }
0x1e: {  	[hbm4b:s19+s2] =	stream.linear.scatter [tilespmem:s14], [sflag:$0x3], $0x4000, $0x38;
	[tilespmem:$0x8100] =	vst v63  }
0x1f: {  	_ =	swait.ge [sflag:s12], $0x4000  }
0x20: {  	s31 =	sadd.s32 $0x0, s9;
	[sflag:s12] =	ssyncset.done $0x0  }
0x21: {  	s19 =	sadd.s32 $0x400, s31;
	[sflag:s12] =	ssyncadd.s32 $0xFFFFC000  }
0x22: {  	[tilespmem:s2], [sflag:$0x3] =	stream.linear.gather [hbm4b:s19+s2], $0x80, $0x38;
	[tilespmem:$0x8100] =	vst v63  }
0x23: {  	_ =	swait.ge [sflag:s12], $0x80  }
0x24: {  	[sflag:s12] =	ssyncset.done $0x0  }
0x25: {  	[sflag:s12] =	ssyncadd.s32 $0xFFFFFF80  }
0x26: {  	[tilespmem:s14], [sflag:$0x1] =	stream.indirect.gather [hbm4b:s3+s13], $0x80, s2, s13, $0xb8;
	[tilespmem:$0x8100] =	vst v63  }
0x27: {  	_ =	swait.ge [sflag:s17], $0x4000  }
0x28: {  	[sflag:s17] =	ssyncset.done $0x0  }
0x29: {  	p2 =	sgt.u32 s11, $0x1B3;
	[sflag:s17] =	ssyncadd.s32 $0xFFFFC000  }
0x2a: {  	[hbm4b:s10+s2] =	stream.linear.scatter [tilespmem:s15], [sflag:$0x3], $0x4000, $0x38;
	[tilespmem:$0x8100] =	vst v63  }
0x2b: {  	s20 =	simm.s32 @!p2 $0x0;
	_ =	swait.ge [sflag:s12], $0x4000  }
0x2c: {  	s22 =	simm.s32 @!p2 $0x80;
	s19 =	sadd.s32 @!p2 $0x0, s9;
	[sflag:s12] =	ssyncset.done $0x0  }
0x2d: {  	s23 =	simm.s32 @!p2 $0x3;
	s19 =	sadd.s32 @!p2 $0x600, s19;
	[sflag:s12] =	ssyncadd.s32 $0xFFFFC000  }
0x2e: {  	[tilespmem:s22], [sflag:$0x3] =	stream.linear.gather @!p2 [hbm4b:s19+s20], $0x80, $0x38;
	[tilespmem:$0x8100] =	vst v63  }
0x2f: {  	s21 =	smov.u32 s10;
	s24 =	simm.s32 @!p2 $0x4100;
	_ =	swait.ge @!p2 [sflag:s23], $0x80  }
0x30: {  	s19 =	simm.s32 $0x400;
	s20 =	sadd.s32 $0x40, s11;
	[sflag:s23] =	ssyncset.done @!p2 $0x0  }
.LBB2_2:
0x31: {  	[sflag:s23] =	ssyncadd.s32 @!p2 $0xFFFFFF80  }
0x32: {  	s21 =	sadd.s32 $0x20000, s21;
	s23 =	smov.u32 s19;
	s19 =	sadd.s32 $0x400, s19  }
0x33: {  	[tilespmem:s24], [sflag:$0x2] =	stream.indirect.gather @!p2 [hbm4b:s3+s22], $0x80, s22, s22, $0xb8;
	[tilespmem:$0x8100] =	vst v63  }
0x34: {  	p1 =	sne.s32 s19, $0x1C00;
	_ =	swait.ge [sflag:s16], $0x4000  }
0x35: {  	[sflag:s16] =	ssyncset.done $0x0  }
0x36: {  	s22 =	sadd.s32 $0xFFFF0000, s21;
	[sflag:s16] =	ssyncadd.s32 $0xFFFFC000  }
0x37: {  	[hbm4b:s22+s2] =	stream.linear.scatter [tilespmem:s14], [sflag:$0x3], $0x4000, $0x38;
	[tilespmem:$0x8100] =	vst v63  }
0x38: {  	_ =	swait.ge [sflag:s12], $0x4000  }
0x39: {  	s22 =	sadd.s32 s23, s9;
	[sflag:s12] =	ssyncset.done $0x0  }
0x3a: {  	s22 =	sadd.s32 $0x400, s22;
	[sflag:s12] =	ssyncadd.s32 $0xFFFFC000  }
0x3b: {  	[tilespmem:s2], [sflag:$0x3] =	stream.linear.gather [hbm4b:s22+s2], $0x80, $0x38;
	[tilespmem:$0x8100] =	vst v63  }
0x3c: {  	_ =	swait.ge [sflag:s12], $0x80  }
0x3d: {  	[sflag:s12] =	ssyncset.done $0x0  }
0x3e: {  	[sflag:s12] =	ssyncadd.s32 $0xFFFFFF80  }
0x3f: {  	[tilespmem:s14], [sflag:$0x1] =	stream.indirect.gather [hbm4b:s3+s13], $0x80, s2, s13, $0xb8;
	[tilespmem:$0x8100] =	vst v63  }
0x40: {  	_ =	swait.ge [sflag:s17], $0x4000  }
0x41: {  	[sflag:s17] =	ssyncset.done $0x0  }
0x42: {  	p2 =	sgt.u32 s20, $0x1B3;
	[sflag:s17] =	ssyncadd.s32 $0xFFFFC000  }
0x43: {  	[hbm4b:s21+s2] =	stream.linear.scatter [tilespmem:s15], [sflag:$0x3], $0x4000, $0x38;
	[tilespmem:$0x8100] =	vst v63  }
0x44: {  	s22 =	sadd.s32 @!p2 s23, s9;
	_ =	swait.ge [sflag:s12], $0x4000  }
0x45: {  	s23 =	simm.s32 @!p2 $0x0;
	s24 =	sadd.s32 @!p2 $0x600, s22;
	[sflag:s12] =	ssyncset.done $0x0  }
.Ltmp0:
0x46: {  	s22 =	simm.s32 @!p2 $0x80;
	[sflag:s12] =	ssyncadd.s32 $0xFFFFC000;
	(pc) =	sbr.rel @p1 .LBB2_2-.Ltmp0, $4  }
0x47: {  	[tilespmem:s22], [sflag:$0x3] =	stream.linear.gather @!p2 [hbm4b:s24+s23], $0x80, $0x38;
	[tilespmem:$0x8100] =	vst v63  }
0x48: {  	s23 =	simm.s32 @!p2 $0x3  }
0x49: {  	_ =	swait.ge @!p2 [sflag:s23], $0x80  }
0x4a: {  	s20 =	sadd.s32 $0x40, s20;
	s24 =	simm.s32 @!p2 $0x4100;
	[sflag:s23] =	ssyncset.done @!p2 $0x0  }
0x4b: {  	[sflag:s23] =	ssyncadd.s32 @!p2 $0xFFFFFF80  }
0x4c: {  	[tilespmem:s24], [sflag:$0x2] =	stream.indirect.gather @!p2 [hbm4b:s3+s22], $0x80, s22, s22, $0xb8;
	[tilespmem:$0x8100] =	vst v63  }
0x4d: {  	_ =	swait.ge [sflag:s16], $0x4000  }
0x4e: {  	[sflag:s16] =	ssyncset.done $0x0  }
0x4f: {  	[sflag:s16] =	ssyncadd.s32 $0xFFFFC000  }
0x50: {  	[hbm4b:s7+s2] =	stream.linear.scatter [tilespmem:s14], [sflag:$0x3], $0x4000, $0x38;
	[tilespmem:$0x8100] =	vst v63  }
0x51: {  	_ =	swait.ge [sflag:s12], $0x4000  }
0x52: {  	[sflag:s12] =	ssyncset.done $0x0  }
0x53: {  	s19 =	simm.s32 @!p0 $0x2;
	[sflag:s12] =	ssyncadd.s32 $0xFFFFC000  }
0x54: {  	_ =	swait.ge @!p0 [sflag:s19], $0x4000  }
0x55: {  	s20 =	simm.s32 @!p0 $0x4100;
	s18 =	sadd.s32 $0x1, s18;
	[sflag:s19] =	ssyncset.done @!p0 $0x0  }
0x56: {  	p1 =	sne.s32 s18, s6;
	[sflag:s19] =	ssyncadd.s32 @!p0 $0xFFFFC000;
	s19 =	simm.s32 @!p0 $0x0  }
0x57: {  	[hbm4b:s8+s19] =	stream.linear.scatter @!p0 [tilespmem:s20], [sflag:$0x3], $0x4000, $0x38;
	[tilespmem:$0x8100] =	vst v63  }
.Ltmp1:
0x58: {  	_ = 	snop;
	(pc) =	sbr.rel @p1 .LBB2_1-.Ltmp1, $4  }
0x59: {  	s19 =	simm.s32 @!p0 $0x3  }
0x5a: {  	_ =	swait.ge @!p0 [sflag:s19], $0x4000  }
0x5b: {  	[sflag:s19] =	ssyncset.done @!p0 $0x0  }
0x5c: {  	[sflag:s19] =	ssyncadd.s32 @!p0 $0xFFFFC000  }
0x5d: {  	_ =	sfence.sel $0x180000  }
0x5e: {  	[bflag:$0x0] =	sbarrier.arrive $0xFFFF  }
0x5f: {  	p0 =	sne.s32 s1, $0x0;
	_ =	strace $0x9000004A  }
0x60: {  	s0 =	sadd.s32 @!p0 $0x100000, s0;
	[bflag:$0x2] =	sbarrier.arrive $0xFFFF  }
0x61: {  	[sflag:s0] =	ssyncadd.tile.s32 @!p0 $0x1;
	_ =	shalt  }
.Lfunc_end2:
_tile_overlayer_lowered:
.L_overlay_start_2:
0x62: {  	(tag) =	ssettag $0x2  }
0x63: {  	s0 =	rddreg [dreg:$0x0];
	s2 =	stileid.u32  }
0x64: {  	s1 =	rddreg [dreg:$0x1];
	p0 =	sne.s32 s2, $0x0  }
0x65: {  	s3 =	rddreg [dreg:$0x2];
	[bflag:$0x3] =	sbarrier.arrive $0xFFFF;
	s2 =	simm.s32 @!p0 $0x1C03  }
0x66: {  	[timem:s3], [sflag:s2] =	dma.local @!p0 [hbm:s0], s1  }
0x67: {  	s0 =	simm.s32 @!p0 $0x3  }
0x68: {  	_ =	swait.ge @!p0 [sflag:s0], s1  }
0x69: {  	s1 =	ssub.s32 @!p0 $0x0, s1;
	[sflag:s0] =	ssyncset.done @!p0 $0x0  }
0x6a: {  	[sflag:s0] =	ssyncadd.s32 @!p0 s1  }
0x6b: {  	[bflag:$0x3] =	sbarrier.arrive $0xFFFF  }
0x6c: {  	_ =	shalt  }

// kernel: kernel.23.cloned.1.call-start
scs
__scs_entry_jumppad:
0x0: {  	(pc) =	sbr.rel $0x88, $3  }
0x1: {  	(tag) =	ssettag $0x0;
	lr =	simm.s32 $0x1  }
0x2: {  	[smem:$0x3F90] =	sst lr;
	_ =	strace $0xD0000000  }
0x3: {  	_ = 	snop  }
0x4: {  	_ = 	snop  }
0x5: {  	_ = 	snop  }
0x6: {  	_ = 	snop  }
0x7: {  	_ = 	snop  }
__scs_overlays_trampoline_lowered:
0x8: {  	[smem:$0x3F9F] =	sst s0  }
0x9: {  	[smem:$0x3FA0] =	sst s1  }
0xa: {  	[smem:$0x3FA1] =	sst s2  }
0xb: {  	[smem:$0x3FA2] =	sst s3  }
0xc: {  	[smem:$0x3FA3] =	sst s4  }
0xd: {  	[smem:$0x3FA4] =	sst s5  }
0xe: {  	[smem:$0x3FA5] =	sst s6  }
0xf: {  	[smem:$0x3FA6] =	sst s7  }
0x10: {  	[smem:$0x3FA7] =	sst s8  }
0x11: {  	[smem:$0x3FA8] =	sst s9;
	s0 =	simm.s32 @!p0 $0x0  }
0x12: {  	s1 =	sld [smem:$0x3F8E];
	s0 =	simm.s32 @p0 $0x1  }
0x13: {  	[smem:$0x3FA9] =	sst s0;
	s0 =	simm.s32 @!p1 $0x0  }
0x14: {  	s2 =	sld [smem:$0x3F8D];
	s0 =	simm.s32 @p1 $0x1  }
0x15: {  	[smem:$0x3FAA] =	sst s0;
	s0 =	simm.s32 @!p2 $0x0  }
0x16: {  	s3 =	sld [smem:$0x3FDB];
	s0 =	simm.s32 @p2 $0x1  }
0x17: {  	s4 =	simm.s32 $0x1BF5;
	[smem:$0x3FAC] =	sst s0  }
0x18: {  	s0 =	sld [smem:$0x3F8F];
	_ =	swait.ge [sflag:s4], $0x0  }
0x19: {  	s7 =	sld [smem:$0x3F90]  }
0x1a: {  	s8 =	sadd.s32 $0xFFFFE003, lr  }
0x1b: {  	s9 =	sadd.s32 $0xFFFFFEF7, lr;
	s5 =	simm.s32 $0xFFFFFFFF;
	p2 =	slt.u32 s8, $0xFFFFF086  }
0x1c: {  	p1 =	slt.u32 s9, $0xF7A;
	s5 =	simm.s32 @!p2 $0x0  }
0x1d: {  	s5 =	simm.s32 @p1 $0x1;
	p0 =	seq.s32 s7, s2  }
0x1e: {  	s7 =	smul.u32 @!p0 $0xF7A, s2;
	p2 =	seq.s32 @!p0 s5, $0x0  }
0x1f: {  	s9 =	smul.u32 $0xF7A, s1;
	s8 =	simm.s32 @!p0 $0x1BF5;
	p2 =	por !p2, p0  }
0x20: {  	[sflag:s8] =	ssyncset.s32 @!p0 $0xFFFFF086;
	s6 =	sadd.s32 @!p0 s3, s7;
	s7 =	simm.s32 @!p0 $0x108  }
0x21: {  	s3 =	sadd.s32 s3, s9;
	s6 =	sadd.s32 @!p0 $0x88, s6;
	s7 =	simm.s32 @p2 $0x1082  }
0x22: {  	[simem:s7], [sflag:s8] =	dma.local @!p0 [hbm:s6], $0xF7A  }
0x23: {  	s9 =	sor.u32 $0xD0000000, s2;
	s6 =	simm.s32 $0x108;
	_ =	swait.ge @!p0 [sflag:s8], $0x0  }
0x24: {  	s3 =	sadd.s32 $0x88, s3;
	s6 =	simm.s32 @!p1 $0x1082;
	[sflag:s4] =	ssyncset.s32 $0xFFFFF086  }
0x25: {  	[simem:s6], [sflag:s4] =	dma.local [hbm:s3], $0xF7A  }
0x26: {  	[smem:$0x3F90] =	sst s1;
	(tag) =	ssettag s2;
	_ =	strace s9  }
0x27: {  	s1 =	sld [smem:$0x3FA0]  }
0x28: {  	s2 =	sld [smem:$0x3FA1]  }
0x29: {  	s4 =	sld [smem:$0x3FA3]  }
0x2a: {  	p0 =	seq.s32 s5, $0x0;
	s5 =	sld [smem:$0x3FA4]  }
0x2b: {  	s6 =	sld [smem:$0x3FA5]  }
0x2c: {  	s7 =	sld [smem:$0x3FA6]  }
0x2d: {  	s3 =	simm.s32 $0x108;
	s8 =	sld [smem:$0x3FA7]  }
0x2e: {  	s3 =	simm.s32 @!p0 $0x1082;
	s9 =	sld [smem:$0x3FA8]  }
0x2f: {  	lr =	sadd.s32 s0, s3;
	s0 =	sld [smem:$0x3F9F]  }
0x30: {  	s3 =	sld [smem:$0x3FA2]  }
0x31: {  	[smem:$0x3FAB] =	sst s10  }
0x32: {  	s10 =	sld [smem:$0x3FA9];
	_ =	sdelay $0x3  }
0x33: {  	p0 =	seq.s32 s10, $0x1;
	s10 =	sld [smem:$0x3FAB];
	_ =	sdelay $0x3  }
0x34: {  	[smem:$0x3FAB] =	sst s10  }
0x35: {  	s10 =	sld [smem:$0x3FAA];
	_ =	sdelay $0x3  }
0x36: {  	p1 =	seq.s32 s10, $0x1;
	s10 =	sld [smem:$0x3FAB];
	_ =	sdelay $0x3  }
0x37: {  	[smem:$0x3FAB] =	sst s10  }
0x38: {  	s10 =	sld [smem:$0x3FAC]  }
0x39: {  	_ = 	snop;
	(pc) =	sbr.ind lr, $3  }
0x3a: {  	_ = 	snop  }
0x3b: {  	_ = 	snop  }
0x3c: {  	p2 =	seq.s32 s10, $0x1;
	s10 =	sld [smem:$0x3FAB]  }
0x3d: {  	_ =	shalt  }
0x3e: {  	_ =	shalt  }
0x3f: {  	_ =	shalt  }
0x40: {  	_ =	shalt  }
0x41: {  	_ =	shalt  }
0x42: {  	_ =	shalt  }
0x43: {  	_ =	shalt  }
0x44: {  	_ =	shalt  }
0x45: {  	_ =	shalt  }
0x46: {  	_ =	shalt  }
0x47: {  	_ =	shalt  }
0x48: {  	_ =	shalt  }
0x49: {  	_ =	shalt  }
0x4a: {  	_ =	shalt  }
0x4b: {  	_ =	shalt  }
0x4c: {  	_ =	shalt  }
0x4d: {  	_ =	shalt  }
0x4e: {  	_ =	shalt  }
0x4f: {  	_ =	shalt  }
0x50: {  	_ =	shalt  }
0x51: {  	_ =	shalt  }
0x52: {  	_ =	shalt  }
0x53: {  	_ =	shalt  }
0x54: {  	_ =	shalt  }
0x55: {  	_ =	shalt  }
0x56: {  	_ =	shalt  }
0x57: {  	_ =	shalt  }
0x58: {  	_ =	shalt  }
0x59: {  	_ =	shalt  }
0x5a: {  	_ =	shalt  }
0x5b: {  	_ =	shalt  }
0x5c: {  	_ =	shalt  }
0x5d: {  	_ =	shalt  }
0x5e: {  	_ =	shalt  }
0x5f: {  	_ =	shalt  }
0x60: {  	_ =	shalt  }
0x61: {  	_ =	shalt  }
0x62: {  	_ =	shalt  }
0x63: {  	_ =	shalt  }
0x64: {  	_ =	shalt  }
0x65: {  	_ =	shalt  }
0x66: {  	_ =	shalt  }
0x67: {  	_ =	shalt  }
0x68: {  	_ =	shalt  }
0x69: {  	_ =	shalt  }
0x6a: {  	_ =	shalt  }
0x6b: {  	_ =	shalt  }
0x6c: {  	_ =	shalt  }
0x6d: {  	_ =	shalt  }
0x6e: {  	_ =	shalt  }
0x6f: {  	_ =	shalt  }
0x70: {  	_ =	shalt  }
0x71: {  	_ =	shalt  }
0x72: {  	_ =	shalt  }
0x73: {  	_ =	shalt  }
0x74: {  	_ =	shalt  }
0x75: {  	_ =	shalt  }
0x76: {  	_ =	shalt  }
0x77: {  	_ =	shalt  }
0x78: {  	_ =	shalt  }
0x79: {  	_ =	shalt  }
0x7a: {  	_ =	shalt  }
0x7b: {  	_ =	shalt  }
0x7c: {  	_ =	shalt  }
0x7d: {  	_ =	shalt  }
0x7e: {  	_ =	shalt  }
0x7f: {  	_ =	shalt  }
0x80: {  	_ =	shalt  }
0x81: {  	_ =	shalt  }
0x82: {  	_ =	shalt  }
0x83: {  	_ =	shalt  }
0x84: {  	_ =	shalt  }
0x85: {  	_ =	shalt  }
0x86: {  	_ =	shalt  }
0x87: {  	_ =	shalt  }
.Lfunc_end0:
.L_simem_size_0:
called_computation.3_lowered:
.L_overlay_start_0:
0x88: {  	s2 =	sld [smem:$0x3FD9]  }
0x89: {  	s3 =	sld [smem:$0x3FFE];
	_ =	sdelay $0x1  }
0x8a: {  	s1 =	srdreg.scid  }
0x8b: {  	s0 =	sand.u32 $0x1, s1  }
0x8c: {  	s15 =	sshll.u32 s0, $0xA;
	s2 =	sadd.s32 s3, s2  }
0x8d: {  	s2 =	sadd.s32 s2, s15  }
0x8e: {  	[smem:$0x3FB7] =	sst s2  }
0x8f: {  	_ = 	snop  }
0x90: {  	s2 =	sld [smem:$0x3FD0];
	_ =	sdelay $0x2  }
0x91: {  	s16 =	simm.s32 $0xC;
	s4 =	simm.s32 $0x10  }
0x92: {  	[smem:s4], [sflag:s16] =	dma.local [hbm:s2], $0x1  }
0x93: {  	_ =	swait.eq [sflag:s16], $0x1  }
0x94: {  	[sflag:s16] =	ssyncset.done $0x0  }
0x95: {  	[sflag:s16] =	ssyncadd.s32 $0xFFFFFFFF  }
0x96: {  	s17 =	sld [smem:$0x11];
	(tm) =	ssettm $0x1  }
0x97: {  	s18 =	sld [smem:$0x3FFB];
	_ =	sdelay $0x3  }
0x98: {  	_ =	strace s18  }
0x99: {  	s2 =	sld [smem:$0x3FFC];
	_ =	sdelay $0x3  }
0x9a: {  	_ =	strace s2  }
0x9b: {  	s2 =	sld [smem:$0x3FFD];
	_ =	sdelay $0x3  }
0x9c: {  	_ =	strace s2  }
0x9d: {  	_ =	strace $0x8FFFFFFF  }
0x9e: {  	s19 =	sld [smem:$0x3FDB];
	_ =	sdelay $0x1  }
0x9f: {  	s20 =	simm.s32 $_scs_section_size  }
0xa0: {  	s5 =	simm.s32 $_size__tile_overlayer_lowered;
	s6 =	simm.s32 $_tile_overlayer_lowered  }
0xa1: {  	s7 =	simm.s32 $0x1BFF;
	s21 =	sshll.u32 s6, $0x1;
	s4 =	sadd.s32 s20, s19  }
0xa2: {  	s22 =	simm.s32 $0x0;
	s5 =	sshll.u32 s5, $0x1;
	s6 =	sadd.s32 s21, s4  }
0xa3: {  	[timem:s22], [sflag:s7] =	dma.local [hbm:s6], s5  }
0xa4: {  	_ =	swait.ge [sflag:s7], s5  }
0xa5: {  	s5 =	ssub.s32 $0x0, s5;
	[sflag:s7] =	ssyncset.done $0x0  }
0xa6: {  	[sflag:s7] =	ssyncadd.s32 s5;
	_ =	sdelay $0x1  }
0xa7: {  	s23 =	simm.s32 $0x1B8B  }
0xa8: {  	_ =	swait.ge [sflag:s23], $0x1  }
0xa9: {  	[sflag:s23] =	ssyncset.done $0x0  }
0xaa: {  	[sflag:s23] =	ssyncadd.s32 $0xFFFFFFFF  }
0xab: {  	s5 =	sld [smem:$0x0]  }
0xac: {  	s6 =	sand.u32 $0xFFFFFFFE, s1  }
0xad: {  	p0 =	sne.s32 s1, s6  }
0xae: {  	s6 =	sshll.u32 @p0 s6, $0xE  }
0xaf: {  	s6 =	sadd.s32 @p0 $0x11B8D, s6;
	s7 =	sshll.u32 @p0 s5, $0x11  }
0xb0: {  	s6 =	sor.u32 @p0 s7, s6  }
0xb1: {  	[sflag:s6] =	ssyncadd.remote.s32 @p0 $0x1;
	_ =	sdelay $0x1  }
0xb2: {  	s6 =	simm.s32 @p0 $0x1B8D  }
0xb3: {  	_ =	swait.eq @p0 [sflag:s6], $0x1  }
0xb4: {  	[sflag:s6] =	ssyncadd.s32 @p0 $0xFFFFFFFF  }
0xb5: {  	s7 =	sshll.u32 @!p0 s1, $0xE  }
0xb6: {  	s7 =	sor.u32 @!p0 $0x4000, s7;
	s6 =	simm.s32 @!p0 $0x1B8D  }
0xb7: {  	s5 =	sshll.u32 @!p0 s5, $0x11;
	s7 =	sadd.s32 @!p0 $0x11B8D, s7;
	_ =	swait.eq @!p0 [sflag:s6], $0x1  }
0xb8: {  	s5 =	sor.u32 @!p0 s5, s7;
	[sflag:s6] =	ssyncadd.s32 @!p0 $0xFFFFFFFF  }
0xb9: {  	s25 =	simm.s32 $0x1B8E;
	s24 =	sld [smem:$0x3FFE];
	[sflag:s5] =	ssyncadd.remote.s32 @!p0 $0x1  }
0xba: {  	s26 =	simm.s32 $execute0_lowered;
	[smem:$0x3FD2] =	sst s25  }
0xbb: {  	s6 =	sshll.u32 s26, $0x1;
	_ =	strace $0x80000052;
	[dreg:$0x1] =	wrdreg $0xFFFFFFFF  }
0xbc: {  	s28 =	simm.s32 $_size_execute0_lowered;
	s4 =	sadd.s32 s4, s6;
	[dreg:$0x0] =	wrdreg $0x0  }
0xbd: {  	s6 =	sshll.u32 s28, $0x1;
	[dreg:$0x2] =	wrdreg s4  }
0xbe: {  	[dreg:$0x3] =	wrdreg s6  }
0xbf: {  	[dreg:$0x4] =	wrdreg $0xC0  }
0xc0: {  	_ =	task [dreg:s22], $0x5FFFF  }
0xc1: {  	[dreg:$0x1] =	wrdreg $0xFFFFFFFF  }
0xc2: {  	[dreg:$0x0] =	wrdreg $0x60  }
0xc3: {  	[dreg:$0x2] =	wrdreg s24  }
0xc4: {  	[dreg:$0x3] =	wrdreg s17  }
0xc5: {  	[dreg:$0x4] =	wrdreg $0x21000  }
0xc6: {  	[dreg:$0x5] =	wrdreg $0xB  }
0xc7: {  	_ =	task.clear_ibuf [dreg:s22], $0x6FFFF;
	_ =	strace $0x90000052  }
0xc8: {  	s29 =	simm.s32 $0xB;
	_ =	strace $0x80000054  }
0xc9: {  	_ =	swait.ge [sflag:s29], $0x1  }
0xca: {  	[sflag:s29] =	ssyncadd.s32 $0xFFFFFFFF  }
0xcb: {  	_ =	strace $0x90000054  }
0xcc: {  	_ =	sfence  }
0xcd: {  	s30 =	sld [smem:$0x0];
	_ =	sdelay $0x2  }
0xce: {  	s31 =	sshll.u32 s1, $0xD;
	s1 =	sshrl.u32 s1, $0x2  }
0xcf: {  	s4 =	sand.u32 $0x4000, s31;
	s1 =	sadd.s32 s1, s30  }
0xd0: {  	s0 =	sor.u32 s4, s0;
	s1 =	sshll.u32 s1, $0x11  }
0xd1: {  	s0 =	sor.u32 s1, s0  }
0xd2: {  	s0 =	sadd.s32 $0x8F2B, s0  }
0xd3: {  	[sflag:s0] =	ssyncadd.remote.s32 $0x1  }
0xd4: {  	_ =	sfence.sel $0xFFFF  }
0xd5: {  	[dreg:$0x0] =	wrdreg $0xFFFFFFFF;
	(pc) =	sbr.abs _section_cstart, $3  }
0xd6: {  	[dreg:$0x1] =	wrdreg $0xFFFFFFFF  }
0xd7: {  	_ =	task.clear_ibuf [dreg:s22], $0x2FFFF;
	_ =	strace $0x9FFFFFFF  }
0xd8: {  	(tm) =	ssettm $0x7FFFFFFF  }
0xd9: {  	_ =	shalt  }
tec
execute0_lowered:
.L_overlay_start_1:
0x0: {  	(tag) =	ssettag $0x1  }
0x1: {  	s0 =	rddreg [dreg:$0x0]  }
0x2: {  	s1 =	rddreg [dreg:$0x1]  }
0x3: {  	s2 =	rddreg [dreg:$0x2]  }
0x4: {  	s9 =	stileid.u32;
	s3 =	srdreg.scid  }
0x5: {  	s5 =	simm.s32 $0x0;
	s22 =	simm.s32 $0x100;
	s23 =	simm.s32 $0x0  }
0x6: {  	s4 =	smul.u32 $0x5000, s9;
	s3 =	sand.u32 $0x1, s3;
	[smem:$0x7FF] =	sst s5  }
0x7: {  	s11 =	sadd.s32 $0x3B6600, s0;
	s28 =	sshll.u32 s9, $0x6;
	s26 =	smul.u32 $0x50000, s3  }
0x8: {  	_ =	strace $0x80000053;
	s7 =	ssub.s32 $0x2, s3;
	s3 =	smul.u32 $0xFA, s3  }
0x9: {  	s6 =	sshrl.u32 s4, $0x3;
	s8 =	sshrl.u32 s7, $0x1;
	s18 =	sadd.s32 s4, s2  }
0xa: {  	s6 =	sadd.s32 s6, s0;
	s5 =	sadd.s32 s4, s26;
	s13 =	ssub.s32 s7, s8  }
0xb: {  	s7 =	sadd.s32 $0xFA, s3;
	s18 =	sshrl.u32 s18, $0x3;
	s5 =	sshrl.u32 s5, $0x3  }
0xc: {  	s4 =	sadd.s32 $0x2C600, s6;
	s0 =	sadd.s32 s5, s0;
	s5 =	sadd.s32 s9, s3  }
0xd: {  	s6 =	sor.u32 $0x1C03, s28;
	s13 =	smax.u32 s13, $0x1;
	s29 =	sshll.u32 s5, $0x4  }
0xe: {  	s30 =	sshll.u32 s5, $0xB;
	s19 =	sadd.s32 $0x10, s5;
	s8 =	sadd.s32 s1, s29  }
0xf: {  	s9 =	sadd.s32 s11, s30;
	s31 =	sshll.u32 s19, $0x4;
	s12 =	sshll.u32 s19, $0xB  }
0x10: {  	p0 =	sge.u32 s19, s7;
	s19 =	simm.s32 $0x3;
	s10 =	sadd.s32 s1, s31  }
0x11: {  	s11 =	sadd.s32 s11, s12;
	s12 =	sadd.s32 $0x4A600, s0;
	s14 =	sadd.s32 $0x300, s8  }
0x12: {  	s15 =	sadd.s32 $0x18000, s9;
	s16 =	sadd.s32 $0x200, s8;
	s17 =	sadd.s32 $0x10000, s9  }
.LBB2_1:
0x13: {  	[spmem:s18], [sflag:s6] =	dma.local [hbm:s4], $0xA00  }
0x14: {  	_ =	swait.ge [sflag:s19], $0xA00  }
0x15: {  	[sflag:s19] =	ssyncset.done $0x0  }
0x16: {  	s0 =	simm.s32 $0x0;
	[sflag:s19] =	ssyncadd.s32 $0xFFFFF600  }
0x17: {  	[tilespmem:s0], [sflag:$0x3] =	stream.linear.gather [hbm4b:s8+s0], $0x80, $0x38;
	[tilespmem:$0x7100] =	vst v63  }
0x18: {  	_ =	swait.ge [sflag:s19], $0x80  }
0x19: {  	[sflag:s19] =	ssyncset.done $0x0  }
0x1a: {  	s20 =	simm.s32 $0x20;
	s1 =	simm.s32 $0x80;
	[sflag:s19] =	ssyncadd.s32 $0xFFFFFF80  }
0x1b: {  	[tilespmem:s22], [sflag:$0x1] =	stream.strided.gather [hbm4b:s9+s20], $0x1000, s1, s20, $0x38;
	[tilespmem:$0x7100] =	vst v63  }
0x1c: {  	s0 =	simm.s32 @!p0 $0x0;
	s1 =	simm.s32 @!p0 $0x80  }
0x1d: {  	[tilespmem:s1], [sflag:$0x3] =	stream.linear.gather @!p0 [hbm4b:s10+s0], $0x80, $0x38;
	[tilespmem:$0x7100] =	vst v63  }
0x1e: {  	s0 =	simm.s32 @!p0 $0x3  }
0x1f: {  	_ =	swait.ge @!p0 [sflag:s0], $0x80  }
0x20: {  	s3 =	simm.s32 @!p0 $0x1100;
	s21 =	sadd.s32 $0x0, s5;
	[sflag:s0] =	ssyncset.done @!p0 $0x0  }
0x21: {  	p1 =	sge.u32 s21, s7;
	[sflag:s0] =	ssyncadd.s32 @!p0 $0xFFFFFF80;
	s0 =	simm.s32 @!p0 $0x20  }
0x22: {  	[tilespmem:s3], [sflag:$0x2] =	stream.strided.gather @!p0 [hbm4b:s11+s0], $0x1000, s1, s0, $0x38;
	[tilespmem:$0x7100] =	vst v63  }
0x23: {  	s1 =	simm.s32 @!p1 $0x1;
	[bflag:$0x0] =	sbarrier.arrive $0xFFFF  }
0x24: {  	s24 =	simm.s32 @!p1 $0x3;
	s25 =	simm.s32 @!p1 $0x100;
	_ =	swait.ge @!p1 [sflag:s1], $0x1000  }
0x25: {  	s26 =	simm.s32 @!p1 $0x0;
	s3 =	sadd.s32 @!p1 $0x0, s5;
	[sflag:s1] =	ssyncset.done @!p1 $0x0  }
0x26: {  	s3 =	sadd.s32 @!p1 $0x20, s3;
	[sflag:s1] =	ssyncadd.s32 @!p1 $0xFFFFF000;
	s1 =	simm.s32 @!p1 $0x80  }
0x27: {  	[spmem:s2] =	stream.indirect.scatter.add.f32 @!p1 [tilespmem:s25], [sflag:$0x3], $0x20, s26, s1, $0xb8;
	[tilespmem:$0x7100] =	vst v63  }
0x28: {  	p2 =	sge.u32 @!p1 s3, s7;
	_ =	swait.ge @!p1 [sflag:s24], $0x1000  }
0x29: {  	p2 =	por p2, p1;
	[sflag:s24] =	ssyncset.done @!p1 $0x0  }
0x2a: {  	s3 =	simm.s32 @!p2 $0x3;
	s1 =	simm.s32 @!p2 $0x0;
	[sflag:s24] =	ssyncadd.s32 @!p1 $0xFFFFF000  }
0x2b: {  	[tilespmem:s1], [sflag:$0x3] =	stream.linear.gather @!p2 [hbm4b:s16+s1], $0x80, $0x38;
	[tilespmem:$0x7100] =	vst v63  }
0x2c: {  	s0 =	sadd.s32 $0x10, s21;
	s24 =	simm.s32 @!p2 $0x100;
	_ =	swait.ge @!p2 [sflag:s3], $0x80  }
0x2d: {  	p1 =	sge.u32 s0, s7;
	s0 =	simm.s32 @!p2 $0x20;
	[sflag:s3] =	ssyncset.done @!p2 $0x0  }
0x2e: {  	s1 =	simm.s32 @!p2 $0x80;
	[sflag:s3] =	ssyncadd.s32 @!p2 $0xFFFFFF80;
	s3 =	simm.s32 @!p1 $0x2  }
0x2f: {  	[tilespmem:s24], [sflag:$0x1] =	stream.strided.gather @!p2 [hbm4b:s17+s0], $0x1000, s1, s0, $0x38;
	[tilespmem:$0x7100] =	vst v63  }
0x30: {  	s0 =	sadd.s32 @!p1 $0x0, s5;
	_ =	swait.ge @!p1 [sflag:s3], $0x1000  }
0x31: {  	s1 =	simm.s32 @!p1 $0x3;
	s24 =	simm.s32 @!p1 $0x1100;
	[sflag:s3] =	ssyncset.done @!p1 $0x0  }
0x32: {  	s0 =	sadd.s32 @!p1 $0x30, s0;
	[sflag:s3] =	ssyncadd.s32 @!p1 $0xFFFFF000;
	s3 =	simm.s32 @!p1 $0x80  }
0x33: {  	[spmem:s2] =	stream.indirect.scatter.add.f32 @!p1 [tilespmem:s24], [sflag:$0x3], $0x20, s3, s3, $0xb8;
	[tilespmem:$0x7100] =	vst v63  }
0x34: {  	s28 =	sadd.s32 $0x200, s14;
	p2 =	sge.u32 @!p1 s0, s7;
	_ =	swait.ge @!p1 [sflag:s1], $0x1000  }
0x35: {  	s29 =	sadd.s32 $0x10000, s15;
	p2 =	por p2, p1;
	[sflag:s1] =	ssyncset.done @!p1 $0x0  }
0x36: {  	s0 =	simm.s32 @!p2 $0x0;
	s31 =	simm.s32 @!p2 $0x80;
	[sflag:s1] =	ssyncadd.s32 @!p1 $0xFFFFF000  }
0x37: {  	[tilespmem:s31], [sflag:$0x3] =	stream.linear.gather @!p2 [hbm4b:s14+s0], $0x80, $0x38;
	[tilespmem:$0x7100] =	vst v63  }
0x38: {  	s30 =	smov.u32 s15;
	s25 =	sadd.s32 $0x200, s16;
	s0 =	simm.s32 @!p2 $0x3  }
0x39: {  	s26 =	sadd.s32 $0x10000, s17;
	s24 =	simm.s32 $0x20;
	_ =	swait.ge @!p2 [sflag:s0], $0x80  }
0x3a: {  	s3 =	simm.s32 @!p2 $0x1100;
	s1 =	simm.s32 @!p2 $0x20;
	[sflag:s0] =	ssyncset.done @!p2 $0x0  }
.LBB2_2:
0x3b: {  	s20 =	sadd.s32 s24, s5  }
0x3c: {  	[sflag:s0] =	ssyncadd.s32 @!p2 $0xFFFFFF80;
	s0 =	smov.u32 s24;
	s24 =	sadd.s32 $0x20, s24  }
0x3d: {  	[tilespmem:s3], [sflag:$0x2] =	stream.strided.gather @!p2 [hbm4b:s30+s1], $0x1000, s31, s1, $0x38;
	[tilespmem:$0x7100] =	vst v63  }
0x3e: {  	p2 =	sge.u32 s20, s7;
	s1 =	sadd.s32 $0x10, s20;
	p1 =	sne.s32 s24, $0x100  }
0x3f: {  	s30 =	smov.u32 s29;
	s3 =	simm.s32 @!p2 $0x1;
	s20 =	sadd.s32 @!p2 s0, s5  }
0x40: {  	s31 =	simm.s32 @!p2 $0x3;
	s20 =	sadd.s32 @!p2 $0x20, s20;
	_ =	swait.ge @!p2 [sflag:s3], $0x1000  }
0x41: {  	s21 =	simm.s32 @!p2 $0x100;
	p3 =	sge.u32 @!p2 s20, s7;
	[sflag:s3] =	ssyncset.done @!p2 $0x0  }
0x42: {  	s20 =	simm.s32 @!p2 $0x0;
	[sflag:s3] =	ssyncadd.s32 @!p2 $0xFFFFF000;
	s3 =	simm.s32 @!p2 $0x80  }
0x43: {  	[spmem:s2] =	stream.indirect.scatter.add.f32 @!p2 [tilespmem:s21], [sflag:$0x3], $0x20, s20, s3, $0xb8;
	[tilespmem:$0x7100] =	vst v63  }
0x44: {  	_ =	swait.ge @!p2 [sflag:s31], $0x1000  }
0x45: {  	p4 =	por p3, p2;
	[sflag:s31] =	ssyncset.done @!p2 $0x0  }
0x46: {  	s3 =	simm.s32 @!p4 $0x0;
	s20 =	simm.s32 @!p4 $0x3;
	[sflag:s31] =	ssyncadd.s32 @!p2 $0xFFFFF000  }
0x47: {  	[tilespmem:s3], [sflag:$0x3] =	stream.linear.gather @!p4 [hbm4b:s25+s3], $0x80, $0x38;
	[tilespmem:$0x7100] =	vst v63  }
0x48: {  	p3 =	sge.u32 s1, s7;
	s3 =	simm.s32 @!p4 $0x80;
	_ =	swait.ge @!p4 [sflag:s20], $0x80  }
0x49: {  	s1 =	simm.s32 @!p4 $0x20;
	s21 =	simm.s32 @!p4 $0x100;
	[sflag:s20] =	ssyncset.done @!p4 $0x0  }
0x4a: {  	s0 =	sadd.s32 @!p3 s0, s5;
	[sflag:s20] =	ssyncadd.s32 @!p4 $0xFFFFFF80;
	s20 =	simm.s32 @!p3 $0x2  }
0x4b: {  	[tilespmem:s21], [sflag:$0x1] =	stream.strided.gather @!p4 [hbm4b:s26+s1], $0x1000, s3, s1, $0x38;
	[tilespmem:$0x7100] =	vst v63  }
0x4c: {  	s0 =	sadd.s32 @!p3 $0x30, s0;
	_ =	swait.ge @!p3 [sflag:s20], $0x1000  }
0x4d: {  	p2 =	sge.u32 @!p3 s0, s7;
	s1 =	simm.s32 @!p3 $0x3;
	[sflag:s20] =	ssyncset.done @!p3 $0x0  }
0x4e: {  	s3 =	simm.s32 @!p3 $0x80;
	[sflag:s20] =	ssyncadd.s32 @!p3 $0xFFFFF000;
	s20 =	simm.s32 @!p3 $0x1100  }
0x4f: {  	[spmem:s2] =	stream.indirect.scatter.add.f32 @!p3 [tilespmem:s20], [sflag:$0x3], $0x20, s3, s3, $0xb8;
	[tilespmem:$0x7100] =	vst v63  }
0x50: {  	p2 =	por p2, p3;
	_ =	swait.ge @!p3 [sflag:s1], $0x1000  }
0x51: {  	s0 =	simm.s32 @!p2 $0x0;
	[sflag:s1] =	ssyncset.done @!p3 $0x0  }
.Ltmp0:
0x52: {  	s31 =	simm.s32 @!p2 $0x80;
	[sflag:s1] =	ssyncadd.s32 @!p3 $0xFFFFF000;
	(pc) =	sbr.rel @p1 .LBB2_2-.Ltmp0, $4  }
0x53: {  	[tilespmem:s31], [sflag:$0x3] =	stream.linear.gather @!p2 [hbm4b:s28+s0], $0x80, $0x38;
	[tilespmem:$0x7100] =	vst v63  }
0x54: {  	s25 =	sadd.s32 $0x200, s25;
	s26 =	sadd.s32 $0x10000, s26;
	s0 =	simm.s32 @!p2 $0x3  }
0x55: {  	s29 =	sadd.s32 $0x10000, s29;
	s28 =	sadd.s32 $0x200, s28;
	_ =	swait.ge @!p2 [sflag:s0], $0x80  }
0x56: {  	s3 =	simm.s32 @!p2 $0x1100;
	s1 =	simm.s32 @!p2 $0x20;
	[sflag:s0] =	ssyncset.done @!p2 $0x0  }
0x57: {  	[sflag:s0] =	ssyncadd.s32 @!p2 $0xFFFFFF80;
	s23 =	sadd.s32 $0x1, s23  }
0x58: {  	[tilespmem:s3], [sflag:$0x2] =	stream.strided.gather @!p2 [hbm4b:s30+s1], $0x1000, s31, s1, $0x38;
	[tilespmem:$0x7100] =	vst v63  }
0x59: {  	p1 =	sne.s32 s23, s13  }
.Ltmp1:
0x5a: {  	[bflag:$0x0] =	sbarrier.arrive $0xFFFF;
	(pc) =	sbr.rel @p1 .LBB2_1-.Ltmp1, $4  }
0x5b: {  	[hbm:s12], [sflag:s6] =	dma.local [spmem:s18], $0xA00  }
0x5c: {  	_ =	swait.ge [sflag:s19], $0xA00  }
0x5d: {  	[sflag:s19] =	ssyncset.done $0x0  }
0x5e: {  	[sflag:s19] =	ssyncadd.s32 $0xFFFFF600  }
0x5f: {  	_ =	sfence.sel $0x180000  }
0x60: {  	[bflag:$0x0] =	sbarrier.arrive $0xFFFF  }
0x61: {  	_ =	strace $0x90000053  }
0x62: {  	s0 =	stileid.u32;
	[bflag:$0x2] =	sbarrier.arrive $0xFFFF  }
0x63: {  	p0 =	sne.s32 s0, $0x0;
	s0 =	rddreg [dreg:$0x3]  }
0x64: {  	s0 =	sadd.s32 @!p0 $0x100000, s0  }
0x65: {  	[sflag:s0] =	ssyncadd.tile.s32 @!p0 $0x1;
	_ =	shalt  }
.Lfunc_end2:
_tile_overlayer_lowered:
.L_overlay_start_2:
0x66: {  	(tag) =	ssettag $0x2  }
0x67: {  	s0 =	rddreg [dreg:$0x0];
	s2 =	stileid.u32  }
0x68: {  	s1 =	rddreg [dreg:$0x1];
	p0 =	sne.s32 s2, $0x0  }
0x69: {  	s3 =	rddreg [dreg:$0x2];
	[bflag:$0x3] =	sbarrier.arrive $0xFFFF;
	s2 =	simm.s32 @!p0 $0x1C03  }
0x6a: {  	[timem:s3], [sflag:s2] =	dma.local @!p0 [hbm:s0], s1  }
0x6b: {  	s0 =	simm.s32 @!p0 $0x3  }
0x6c: {  	_ =	swait.ge @!p0 [sflag:s0], s1  }
0x6d: {  	s1 =	ssub.s32 @!p0 $0x0, s1;
	[sflag:s0] =	ssyncset.done @!p0 $0x0  }
0x6e: {  	[sflag:s0] =	ssyncadd.s32 @!p0 s1  }
0x6f: {  	[bflag:$0x3] =	sbarrier.arrive $0xFFFF  }
0x70: {  	_ =	shalt  }

// kernel: kernel.26.cloned.1.call-start
scs
__scs_entry_jumppad:
0x0: {  	(pc) =	sbr.rel $0x88, $3  }
0x1: {  	(tag) =	ssettag $0x0;
	lr =	simm.s32 $0x1  }
0x2: {  	[smem:$0x3F90] =	sst lr;
	_ =	strace $0xD0000000  }
0x3: {  	_ = 	snop  }
0x4: {  	_ = 	snop  }
0x5: {  	_ = 	snop  }
0x6: {  	_ = 	snop  }
0x7: {  	_ = 	snop  }
__scs_overlays_trampoline_lowered:
0x8: {  	[smem:$0x3F9F] =	sst s0  }
0x9: {  	[smem:$0x3FA0] =	sst s1  }
0xa: {  	[smem:$0x3FA1] =	sst s2  }
0xb: {  	[smem:$0x3FA2] =	sst s3  }
0xc: {  	[smem:$0x3FA3] =	sst s4  }
0xd: {  	[smem:$0x3FA4] =	sst s5  }
0xe: {  	[smem:$0x3FA5] =	sst s6  }
0xf: {  	[smem:$0x3FA6] =	sst s7  }
0x10: {  	[smem:$0x3FA7] =	sst s8  }
0x11: {  	[smem:$0x3FA8] =	sst s9;
	s0 =	simm.s32 @!p0 $0x0  }
0x12: {  	s1 =	sld [smem:$0x3F8E];
	s0 =	simm.s32 @p0 $0x1  }
0x13: {  	[smem:$0x3FA9] =	sst s0;
	s0 =	simm.s32 @!p1 $0x0  }
0x14: {  	s2 =	sld [smem:$0x3F8D];
	s0 =	simm.s32 @p1 $0x1  }
0x15: {  	[smem:$0x3FAA] =	sst s0;
	s0 =	simm.s32 @!p2 $0x0  }
0x16: {  	s3 =	sld [smem:$0x3FDB];
	s0 =	simm.s32 @p2 $0x1  }
0x17: {  	s4 =	simm.s32 $0x1BF5;
	[smem:$0x3FAC] =	sst s0  }
0x18: {  	s0 =	sld [smem:$0x3F8F];
	_ =	swait.ge [sflag:s4], $0x0  }
0x19: {  	s7 =	sld [smem:$0x3F90]  }
0x1a: {  	s8 =	sadd.s32 $0xFFFFE003, lr  }
0x1b: {  	s9 =	sadd.s32 $0xFFFFFEF7, lr;
	s5 =	simm.s32 $0xFFFFFFFF;
	p2 =	slt.u32 s8, $0xFFFFF086  }
0x1c: {  	p1 =	slt.u32 s9, $0xF7A;
	s5 =	simm.s32 @!p2 $0x0  }
0x1d: {  	s5 =	simm.s32 @p1 $0x1;
	p0 =	seq.s32 s7, s2  }
0x1e: {  	s7 =	smul.u32 @!p0 $0xF7A, s2;
	p2 =	seq.s32 @!p0 s5, $0x0  }
0x1f: {  	s9 =	smul.u32 $0xF7A, s1;
	s8 =	simm.s32 @!p0 $0x1BF5;
	p2 =	por !p2, p0  }
0x20: {  	[sflag:s8] =	ssyncset.s32 @!p0 $0xFFFFF086;
	s6 =	sadd.s32 @!p0 s3, s7;
	s7 =	simm.s32 @!p0 $0x108  }
0x21: {  	s3 =	sadd.s32 s3, s9;
	s6 =	sadd.s32 @!p0 $0x88, s6;
	s7 =	simm.s32 @p2 $0x1082  }
0x22: {  	[simem:s7], [sflag:s8] =	dma.local @!p0 [hbm:s6], $0xF7A  }
0x23: {  	s9 =	sor.u32 $0xD0000000, s2;
	s6 =	simm.s32 $0x108;
	_ =	swait.ge @!p0 [sflag:s8], $0x0  }
0x24: {  	s3 =	sadd.s32 $0x88, s3;
	s6 =	simm.s32 @!p1 $0x1082;
	[sflag:s4] =	ssyncset.s32 $0xFFFFF086  }
0x25: {  	[simem:s6], [sflag:s4] =	dma.local [hbm:s3], $0xF7A  }
0x26: {  	[smem:$0x3F90] =	sst s1;
	(tag) =	ssettag s2;
	_ =	strace s9  }
0x27: {  	s1 =	sld [smem:$0x3FA0]  }
0x28: {  	s2 =	sld [smem:$0x3FA1]  }
0x29: {  	s4 =	sld [smem:$0x3FA3]  }
0x2a: {  	p0 =	seq.s32 s5, $0x0;
	s5 =	sld [smem:$0x3FA4]  }
0x2b: {  	s6 =	sld [smem:$0x3FA5]  }
0x2c: {  	s7 =	sld [smem:$0x3FA6]  }
0x2d: {  	s3 =	simm.s32 $0x108;
	s8 =	sld [smem:$0x3FA7]  }
0x2e: {  	s3 =	simm.s32 @!p0 $0x1082;
	s9 =	sld [smem:$0x3FA8]  }
0x2f: {  	lr =	sadd.s32 s0, s3;
	s0 =	sld [smem:$0x3F9F]  }
0x30: {  	s3 =	sld [smem:$0x3FA2]  }
0x31: {  	[smem:$0x3FAB] =	sst s10  }
0x32: {  	s10 =	sld [smem:$0x3FA9];
	_ =	sdelay $0x3  }
0x33: {  	p0 =	seq.s32 s10, $0x1;
	s10 =	sld [smem:$0x3FAB];
	_ =	sdelay $0x3  }
0x34: {  	[smem:$0x3FAB] =	sst s10  }
0x35: {  	s10 =	sld [smem:$0x3FAA];
	_ =	sdelay $0x3  }
0x36: {  	p1 =	seq.s32 s10, $0x1;
	s10 =	sld [smem:$0x3FAB];
	_ =	sdelay $0x3  }
0x37: {  	[smem:$0x3FAB] =	sst s10  }
0x38: {  	s10 =	sld [smem:$0x3FAC]  }
0x39: {  	_ = 	snop;
	(pc) =	sbr.ind lr, $3  }
0x3a: {  	_ = 	snop  }
0x3b: {  	_ = 	snop  }
0x3c: {  	p2 =	seq.s32 s10, $0x1;
	s10 =	sld [smem:$0x3FAB]  }
0x3d: {  	_ =	shalt  }
0x3e: {  	_ =	shalt  }
0x3f: {  	_ =	shalt  }
0x40: {  	_ =	shalt  }
0x41: {  	_ =	shalt  }
0x42: {  	_ =	shalt  }
0x43: {  	_ =	shalt  }
0x44: {  	_ =	shalt  }
0x45: {  	_ =	shalt  }
0x46: {  	_ =	shalt  }
0x47: {  	_ =	shalt  }
0x48: {  	_ =	shalt  }
0x49: {  	_ =	shalt  }
0x4a: {  	_ =	shalt  }
0x4b: {  	_ =	shalt  }
0x4c: {  	_ =	shalt  }
0x4d: {  	_ =	shalt  }
0x4e: {  	_ =	shalt  }
0x4f: {  	_ =	shalt  }
0x50: {  	_ =	shalt  }
0x51: {  	_ =	shalt  }
0x52: {  	_ =	shalt  }
0x53: {  	_ =	shalt  }
0x54: {  	_ =	shalt  }
0x55: {  	_ =	shalt  }
0x56: {  	_ =	shalt  }
0x57: {  	_ =	shalt  }
0x58: {  	_ =	shalt  }
0x59: {  	_ =	shalt  }
0x5a: {  	_ =	shalt  }
0x5b: {  	_ =	shalt  }
0x5c: {  	_ =	shalt  }
0x5d: {  	_ =	shalt  }
0x5e: {  	_ =	shalt  }
0x5f: {  	_ =	shalt  }
0x60: {  	_ =	shalt  }
0x61: {  	_ =	shalt  }
0x62: {  	_ =	shalt  }
0x63: {  	_ =	shalt  }
0x64: {  	_ =	shalt  }
0x65: {  	_ =	shalt  }
0x66: {  	_ =	shalt  }
0x67: {  	_ =	shalt  }
0x68: {  	_ =	shalt  }
0x69: {  	_ =	shalt  }
0x6a: {  	_ =	shalt  }
0x6b: {  	_ =	shalt  }
0x6c: {  	_ =	shalt  }
0x6d: {  	_ =	shalt  }
0x6e: {  	_ =	shalt  }
0x6f: {  	_ =	shalt  }
0x70: {  	_ =	shalt  }
0x71: {  	_ =	shalt  }
0x72: {  	_ =	shalt  }
0x73: {  	_ =	shalt  }
0x74: {  	_ =	shalt  }
0x75: {  	_ =	shalt  }
0x76: {  	_ =	shalt  }
0x77: {  	_ =	shalt  }
0x78: {  	_ =	shalt  }
0x79: {  	_ =	shalt  }
0x7a: {  	_ =	shalt  }
0x7b: {  	_ =	shalt  }
0x7c: {  	_ =	shalt  }
0x7d: {  	_ =	shalt  }
0x7e: {  	_ =	shalt  }
0x7f: {  	_ =	shalt  }
0x80: {  	_ =	shalt  }
0x81: {  	_ =	shalt  }
0x82: {  	_ =	shalt  }
0x83: {  	_ =	shalt  }
0x84: {  	_ =	shalt  }
0x85: {  	_ =	shalt  }
0x86: {  	_ =	shalt  }
0x87: {  	_ =	shalt  }
.Lfunc_end0:
.L_simem_size_0:
called_computation.4_lowered:
.L_overlay_start_0:
0x88: {  	s2 =	sld [smem:$0x3FD9]  }
0x89: {  	s3 =	sld [smem:$0x3FFE];
	_ =	sdelay $0x1  }
0x8a: {  	s1 =	srdreg.scid  }
0x8b: {  	s0 =	sand.u32 $0x1, s1  }
0x8c: {  	s14 =	sshll.u32 s0, $0xA;
	s2 =	sadd.s32 s3, s2  }
0x8d: {  	s2 =	sadd.s32 s2, s14  }
0x8e: {  	[smem:$0x3FB7] =	sst s2  }
0x8f: {  	_ = 	snop  }
0x90: {  	s2 =	sld [smem:$0x3FD0];
	_ =	sdelay $0x2  }
0x91: {  	s15 =	simm.s32 $0xC;
	s4 =	simm.s32 $0x10  }
0x92: {  	[smem:s4], [sflag:s15] =	dma.local [hbm:s2], $0x1  }
0x93: {  	_ =	swait.eq [sflag:s15], $0x1  }
0x94: {  	[sflag:s15] =	ssyncset.done $0x0  }
0x95: {  	[sflag:s15] =	ssyncadd.s32 $0xFFFFFFFF  }
0x96: {  	s16 =	sld [smem:$0x11];
	(tm) =	ssettm $0x1  }
0x97: {  	s17 =	sld [smem:$0x3FFB];
	_ =	sdelay $0x3  }
0x98: {  	_ =	strace s17  }
0x99: {  	s3 =	sld [smem:$0x3FFC];
	_ =	sdelay $0x3  }
0x9a: {  	_ =	strace s3  }
0x9b: {  	s3 =	sld [smem:$0x3FFD];
	_ =	sdelay $0x3  }
0x9c: {  	_ =	strace s3  }
0x9d: {  	_ =	strace $0x8FFFFFFF  }
0x9e: {  	s18 =	sld [smem:$0x3FDB];
	_ =	sdelay $0x1  }
0x9f: {  	s19 =	simm.s32 $_scs_section_size  }
0xa0: {  	s5 =	simm.s32 $_size__tile_overlayer_lowered;
	s6 =	simm.s32 $_tile_overlayer_lowered  }
0xa1: {  	s22 =	simm.s32 $0x1BFF;
	s21 =	sshll.u32 s6, $0x1;
	s3 =	sadd.s32 s19, s18  }
0xa2: {  	s7 =	simm.s32 $0x0;
	s20 =	sshll.u32 s5, $0x1;
	s5 =	sadd.s32 s21, s3  }
0xa3: {  	[timem:s7], [sflag:s22] =	dma.local [hbm:s5], s20  }
0xa4: {  	_ =	swait.ge [sflag:s22], s20  }
0xa5: {  	s4 =	ssub.s32 $0x0, s20;
	[sflag:s22] =	ssyncset.done $0x0  }
0xa6: {  	[sflag:s22] =	ssyncadd.s32 s4;
	_ =	sdelay $0x1  }
0xa7: {  	s23 =	simm.s32 $0x1B8B  }
0xa8: {  	_ =	swait.ge [sflag:s23], $0x1  }
0xa9: {  	[sflag:s23] =	ssyncset.done $0x0  }
0xaa: {  	s25 =	simm.s32 $0x1B8E;
	s24 =	sld [smem:$0x3FFE];
	[sflag:s23] =	ssyncadd.s32 $0xFFFFFFFF  }
0xab: {  	s26 =	simm.s32 $execute0_lowered;
	[smem:$0x3FD2] =	sst s25  }
0xac: {  	s5 =	sshll.u32 s26, $0x1;
	_ =	strace $0x80000046;
	[dreg:$0x1] =	wrdreg $0xFFFFFFFF  }
0xad: {  	s28 =	simm.s32 $_size_execute0_lowered;
	s3 =	sadd.s32 s3, s5;
	[dreg:$0x0] =	wrdreg $0x0  }
0xae: {  	s5 =	sshll.u32 s28, $0x1;
	[dreg:$0x2] =	wrdreg s3  }
0xaf: {  	[dreg:$0x3] =	wrdreg s5  }
0xb0: {  	[dreg:$0x4] =	wrdreg $0xC0  }
0xb1: {  	_ =	task [dreg:s7], $0x5FFFF  }
0xb2: {  	[dreg:$0x1] =	wrdreg $0xFFFFFFFF  }
0xb3: {  	[dreg:$0x0] =	wrdreg $0x60  }
0xb4: {  	[dreg:$0x2] =	wrdreg s24  }
0xb5: {  	[dreg:$0x3] =	wrdreg s16  }
0xb6: {  	[dreg:$0x4] =	wrdreg $0xA  }
0xb7: {  	_ =	task.clear_ibuf [dreg:s7], $0x5FFFF;
	_ =	strace $0x90000046  }
0xb8: {  	s29 =	simm.s32 $0xA;
	_ =	strace $0x80000048  }
0xb9: {  	_ =	swait.ge [sflag:s29], $0x1  }
0xba: {  	[sflag:s29] =	ssyncadd.s32 $0xFFFFFFFF  }
0xbb: {  	_ =	strace $0x90000048  }
0xbc: {  	_ =	sfence  }
0xbd: {  	s30 =	sld [smem:$0x0];
	_ =	sdelay $0x2  }
0xbe: {  	s31 =	sshll.u32 s1, $0xD;
	s1 =	sshrl.u32 s1, $0x2  }
0xbf: {  	s3 =	sand.u32 $0x4000, s31;
	s1 =	sadd.s32 s1, s30  }
0xc0: {  	s0 =	sor.u32 s3, s0;
	s1 =	sshll.u32 s1, $0x11  }
0xc1: {  	s0 =	sor.u32 s1, s0  }
0xc2: {  	s0 =	sadd.s32 $0x8F2B, s0  }
0xc3: {  	[sflag:s0] =	ssyncadd.remote.s32 $0x1  }
0xc4: {  	_ =	sfence.sel $0xFFFF  }
0xc5: {  	[dreg:$0x0] =	wrdreg $0xFFFFFFFF;
	(pc) =	sbr.abs _section_cstart, $3  }
0xc6: {  	[dreg:$0x1] =	wrdreg $0xFFFFFFFF  }
0xc7: {  	_ =	task.clear_ibuf [dreg:s7], $0x2FFFF;
	_ =	strace $0x9FFFFFFF  }
0xc8: {  	(tm) =	ssettm $0x7FFFFFFF  }
0xc9: {  	_ =	shalt  }
tec
execute0_lowered:
.L_overlay_start_1:
0x0: {  	(tag) =	ssettag $0x1  }
0x1: {  	s4 =	rddreg [dreg:$0x0]  }
0x2: {  	s8 =	rddreg [dreg:$0x1]  }
0x3: {  	s1 =	srdreg.scid;
	s0 =	rddreg [dreg:$0x2];
	s2 =	simm.s32 $0x0  }
0x4: {  	s16 =	simm.s32 $0x1;
	s17 =	simm.s32 $0x2;
	s9 =	sand.u32 $0x1, s1  }
0x5: {  	[smem:$0x7FF] =	sst s2;
	s1 =	stileid.u32;
	s10 =	sadd.s32 $0x2C600, s4  }
0x6: {  	s3 =	sshll.u32 s9, $0x4;
	_ =	strace $0x80000047;
	s5 =	ssub.s32 $0x2, s9  }
0x7: {  	s13 =	sshll.u32 s9, $0xF;
	s9 =	sshll.u32 s9, $0x8;
	s14 =	sshll.u32 s1, $0xB  }
0x8: {  	s15 =	sshll.u32 s1, $0x4;
	s11 =	sor.u32 s1, s3;
	s3 =	sadd.s32 $0x4600, s4  }
0x9: {  	s7 =	sshrl.u32 s5, $0x1;
	s13 =	sadd.s32 s13, s10;
	s9 =	sadd.s32 s9, s8  }
0xa: {  	s6 =	sshll.u32 s11, $0x4;
	s30 =	ssub.s32 s5, s7;
	s31 =	sshll.u32 s11, $0xB  }
0xb: {  	s18 =	sor.u32 $0x220, s11;
	s13 =	sadd.s32 s14, s13;
	s9 =	sadd.s32 s15, s9  }
0xc: {  	s11 =	sor.u32 $0x20, s11;
	s14 =	simm.s32 $0x100;
	s15 =	simm.s32 $0x4100  }
0xd: {  	s4 =	sadd.s32 s8, s6;
	s6 =	smax.u32 s30, $0x1;
	s7 =	sadd.s32 s31, s10  }
0xe: {  	s12 =	sshll.u32 s18, $0xB;
	p0 =	sgt.u32 s18, $0x225;
	s18 =	simm.s32 $0x0  }
0xf: {  	s5 =	sadd.s32 $0x200, s4;
	s7 =	sadd.s32 $0x100000, s7;
	s8 =	sadd.s32 s10, s12  }
0x10: {  	s10 =	sadd.s32 $0x10000, s13;
	s12 =	simm.s32 $0x3;
	s13 =	simm.s32 $0x80  }
.LBB2_1:
0x11: {  	[tilespmem:s2], [sflag:$0x3] =	stream.linear.gather [hbm4b:s4+s2], $0x80, $0x38;
	[tilespmem:$0x8100] =	vst v63  }
0x12: {  	_ =	swait.ge [sflag:s12], $0x80  }
0x13: {  	[sflag:s12] =	ssyncset.done $0x0  }
0x14: {  	[sflag:s12] =	ssyncadd.s32 $0xFFFFFF80  }
0x15: {  	[tilespmem:s14], [sflag:$0x1] =	stream.indirect.gather [hbm4b:s3+s13], $0x80, s2, s13, $0xb8;
	[tilespmem:$0x8100] =	vst v63  }
0x16: {  	_ = 	snop  }
0x17: {  	[tilespmem:s13], [sflag:$0x3] =	stream.linear.gather [hbm4b:s5+s2], $0x80, $0x38;
	[tilespmem:$0x8100] =	vst v63  }
0x18: {  	_ =	swait.ge [sflag:s12], $0x80  }
0x19: {  	[sflag:s12] =	ssyncset.done $0x0  }
0x1a: {  	[sflag:s12] =	ssyncadd.s32 $0xFFFFFF80  }
0x1b: {  	[tilespmem:s15], [sflag:$0x2] =	stream.indirect.gather [hbm4b:s3+s13], $0x80, s13, s13, $0xb8;
	[tilespmem:$0x8100] =	vst v63  }
0x1c: {  	_ =	swait.ge [sflag:s16], $0x4000  }
0x1d: {  	[sflag:s16] =	ssyncset.done $0x0  }
0x1e: {  	s19 =	sadd.s32 $0xFFFF0000, s10;
	[sflag:s16] =	ssyncadd.s32 $0xFFFFC000  }
0x1f: {  	[hbm4b:s19+s2] =	stream.linear.scatter [tilespmem:s14], [sflag:$0x3], $0x4000, $0x38;
	[tilespmem:$0x8100] =	vst v63  }
0x20: {  	_ =	swait.ge [sflag:s12], $0x4000  }
0x21: {  	s31 =	sadd.s32 $0x0, s9;
	[sflag:s12] =	ssyncset.done $0x0  }
0x22: {  	s19 =	sadd.s32 $0x400, s31;
	[sflag:s12] =	ssyncadd.s32 $0xFFFFC000  }
0x23: {  	[tilespmem:s2], [sflag:$0x3] =	stream.linear.gather [hbm4b:s19+s2], $0x80, $0x38;
	[tilespmem:$0x8100] =	vst v63  }
0x24: {  	_ =	swait.ge [sflag:s12], $0x80  }
0x25: {  	[sflag:s12] =	ssyncset.done $0x0  }
0x26: {  	[sflag:s12] =	ssyncadd.s32 $0xFFFFFF80  }
0x27: {  	[tilespmem:s14], [sflag:$0x1] =	stream.indirect.gather [hbm4b:s3+s13], $0x80, s2, s13, $0xb8;
	[tilespmem:$0x8100] =	vst v63  }
0x28: {  	_ =	swait.ge [sflag:s17], $0x4000  }
0x29: {  	[sflag:s17] =	ssyncset.done $0x0  }
0x2a: {  	p2 =	sgt.u32 s11, $0x1E5;
	[sflag:s17] =	ssyncadd.s32 $0xFFFFC000  }
0x2b: {  	[hbm4b:s10+s2] =	stream.linear.scatter [tilespmem:s15], [sflag:$0x3], $0x4000, $0x38;
	[tilespmem:$0x8100] =	vst v63  }
0x2c: {  	s20 =	simm.s32 @!p2 $0x0;
	_ =	swait.ge [sflag:s12], $0x4000  }
0x2d: {  	s22 =	simm.s32 @!p2 $0x80;
	s19 =	sadd.s32 @!p2 $0x0, s9;
	[sflag:s12] =	ssyncset.done $0x0  }
0x2e: {  	s23 =	simm.s32 @!p2 $0x3;
	s19 =	sadd.s32 @!p2 $0x600, s19;
	[sflag:s12] =	ssyncadd.s32 $0xFFFFC000  }
0x2f: {  	[tilespmem:s22], [sflag:$0x3] =	stream.linear.gather @!p2 [hbm4b:s19+s20], $0x80, $0x38;
	[tilespmem:$0x8100] =	vst v63  }
0x30: {  	s21 =	smov.u32 s10;
	s24 =	simm.s32 @!p2 $0x4100;
	_ =	swait.ge @!p2 [sflag:s23], $0x80  }
0x31: {  	s19 =	simm.s32 $0x400;
	s20 =	sadd.s32 $0x40, s11;
	[sflag:s23] =	ssyncset.done @!p2 $0x0  }
.LBB2_2:
0x32: {  	[sflag:s23] =	ssyncadd.s32 @!p2 $0xFFFFFF80  }
0x33: {  	s21 =	sadd.s32 $0x20000, s21;
	s23 =	smov.u32 s19;
	s19 =	sadd.s32 $0x400, s19  }
0x34: {  	[tilespmem:s24], [sflag:$0x2] =	stream.indirect.gather @!p2 [hbm4b:s3+s22], $0x80, s22, s22, $0xb8;
	[tilespmem:$0x8100] =	vst v63  }
0x35: {  	p1 =	sne.s32 s19, $0x2000;
	_ =	swait.ge [sflag:s16], $0x4000  }
0x36: {  	[sflag:s16] =	ssyncset.done $0x0  }
0x37: {  	s22 =	sadd.s32 $0xFFFF0000, s21;
	[sflag:s16] =	ssyncadd.s32 $0xFFFFC000  }
0x38: {  	[hbm4b:s22+s2] =	stream.linear.scatter [tilespmem:s14], [sflag:$0x3], $0x4000, $0x38;
	[tilespmem:$0x8100] =	vst v63  }
0x39: {  	_ =	swait.ge [sflag:s12], $0x4000  }
0x3a: {  	s22 =	sadd.s32 s23, s9;
	[sflag:s12] =	ssyncset.done $0x0  }
0x3b: {  	s22 =	sadd.s32 $0x400, s22;
	[sflag:s12] =	ssyncadd.s32 $0xFFFFC000  }
0x3c: {  	[tilespmem:s2], [sflag:$0x3] =	stream.linear.gather [hbm4b:s22+s2], $0x80, $0x38;
	[tilespmem:$0x8100] =	vst v63  }
0x3d: {  	_ =	swait.ge [sflag:s12], $0x80  }
0x3e: {  	[sflag:s12] =	ssyncset.done $0x0  }
0x3f: {  	[sflag:s12] =	ssyncadd.s32 $0xFFFFFF80  }
0x40: {  	[tilespmem:s14], [sflag:$0x1] =	stream.indirect.gather [hbm4b:s3+s13], $0x80, s2, s13, $0xb8;
	[tilespmem:$0x8100] =	vst v63  }
0x41: {  	_ =	swait.ge [sflag:s17], $0x4000  }
0x42: {  	[sflag:s17] =	ssyncset.done $0x0  }
0x43: {  	p2 =	sgt.u32 s20, $0x1E5;
	[sflag:s17] =	ssyncadd.s32 $0xFFFFC000  }
0x44: {  	[hbm4b:s21+s2] =	stream.linear.scatter [tilespmem:s15], [sflag:$0x3], $0x4000, $0x38;
	[tilespmem:$0x8100] =	vst v63  }
0x45: {  	s22 =	sadd.s32 @!p2 s23, s9;
	_ =	swait.ge [sflag:s12], $0x4000  }
0x46: {  	s23 =	simm.s32 @!p2 $0x0;
	s24 =	sadd.s32 @!p2 $0x600, s22;
	[sflag:s12] =	ssyncset.done $0x0  }
.Ltmp0:
0x47: {  	s22 =	simm.s32 @!p2 $0x80;
	[sflag:s12] =	ssyncadd.s32 $0xFFFFC000;
	(pc) =	sbr.rel @p1 .LBB2_2-.Ltmp0, $4  }
0x48: {  	[tilespmem:s22], [sflag:$0x3] =	stream.linear.gather @!p2 [hbm4b:s24+s23], $0x80, $0x38;
	[tilespmem:$0x8100] =	vst v63  }
0x49: {  	s23 =	simm.s32 @!p2 $0x3  }
0x4a: {  	_ =	swait.ge @!p2 [sflag:s23], $0x80  }
0x4b: {  	s20 =	sadd.s32 $0x40, s20;
	s24 =	simm.s32 @!p2 $0x4100;
	[sflag:s23] =	ssyncset.done @!p2 $0x0  }
0x4c: {  	[sflag:s23] =	ssyncadd.s32 @!p2 $0xFFFFFF80  }
0x4d: {  	[tilespmem:s24], [sflag:$0x2] =	stream.indirect.gather @!p2 [hbm4b:s3+s22], $0x80, s22, s22, $0xb8;
	[tilespmem:$0x8100] =	vst v63  }
0x4e: {  	_ =	swait.ge [sflag:s16], $0x4000  }
0x4f: {  	[sflag:s16] =	ssyncset.done $0x0  }
0x50: {  	[sflag:s16] =	ssyncadd.s32 $0xFFFFC000  }
0x51: {  	[hbm4b:s7+s2] =	stream.linear.scatter [tilespmem:s14], [sflag:$0x3], $0x4000, $0x38;
	[tilespmem:$0x8100] =	vst v63  }
0x52: {  	_ =	swait.ge [sflag:s12], $0x4000  }
0x53: {  	[sflag:s12] =	ssyncset.done $0x0  }
0x54: {  	s19 =	simm.s32 @!p0 $0x2;
	[sflag:s12] =	ssyncadd.s32 $0xFFFFC000  }
0x55: {  	_ =	swait.ge @!p0 [sflag:s19], $0x4000  }
0x56: {  	s20 =	simm.s32 @!p0 $0x4100;
	s18 =	sadd.s32 $0x1, s18;
	[sflag:s19] =	ssyncset.done @!p0 $0x0  }
0x57: {  	p1 =	sne.s32 s18, s6;
	[sflag:s19] =	ssyncadd.s32 @!p0 $0xFFFFC000;
	s19 =	simm.s32 @!p0 $0x0  }
0x58: {  	[hbm4b:s8+s19] =	stream.linear.scatter @!p0 [tilespmem:s20], [sflag:$0x3], $0x4000, $0x38;
	[tilespmem:$0x8100] =	vst v63  }
.Ltmp1:
0x59: {  	_ = 	snop;
	(pc) =	sbr.rel @p1 .LBB2_1-.Ltmp1, $4  }
0x5a: {  	s19 =	simm.s32 @!p0 $0x3  }
0x5b: {  	_ =	swait.ge @!p0 [sflag:s19], $0x4000  }
0x5c: {  	[sflag:s19] =	ssyncset.done @!p0 $0x0  }
0x5d: {  	[sflag:s19] =	ssyncadd.s32 @!p0 $0xFFFFC000  }
0x5e: {  	_ =	sfence.sel $0x180000  }
0x5f: {  	[bflag:$0x0] =	sbarrier.arrive $0xFFFF  }
0x60: {  	p0 =	sne.s32 s1, $0x0;
	_ =	strace $0x90000047  }
0x61: {  	s0 =	sadd.s32 @!p0 $0x100000, s0;
	[bflag:$0x2] =	sbarrier.arrive $0xFFFF  }
0x62: {  	[sflag:s0] =	ssyncadd.tile.s32 @!p0 $0x1;
	_ =	shalt  }
.Lfunc_end2:
_tile_overlayer_lowered:
.L_overlay_start_2:
0x63: {  	(tag) =	ssettag $0x2  }
0x64: {  	s0 =	rddreg [dreg:$0x0];
	s2 =	stileid.u32  }
0x65: {  	s1 =	rddreg [dreg:$0x1];
	p0 =	sne.s32 s2, $0x0  }
0x66: {  	s3 =	rddreg [dreg:$0x2];
	[bflag:$0x3] =	sbarrier.arrive $0xFFFF;
	s2 =	simm.s32 @!p0 $0x1C03  }
0x67: {  	[timem:s3], [sflag:s2] =	dma.local @!p0 [hbm:s0], s1  }
0x68: {  	s0 =	simm.s32 @!p0 $0x3  }
0x69: {  	_ =	swait.ge @!p0 [sflag:s0], s1  }
0x6a: {  	s1 =	ssub.s32 @!p0 $0x0, s1;
	[sflag:s0] =	ssyncset.done @!p0 $0x0  }
0x6b: {  	[sflag:s0] =	ssyncadd.s32 @!p0 s1  }
0x6c: {  	[bflag:$0x3] =	sbarrier.arrive $0xFFFF  }
0x6d: {  	_ =	shalt  }

// kernel: kernel.29.cloned.1.call-start
scs
__scs_entry_jumppad:
0x0: {  	(pc) =	sbr.rel $0x88, $3  }
0x1: {  	(tag) =	ssettag $0x0;
	lr =	simm.s32 $0x1  }
0x2: {  	[smem:$0x3F90] =	sst lr;
	_ =	strace $0xD0000000  }
0x3: {  	_ = 	snop  }
0x4: {  	_ = 	snop  }
0x5: {  	_ = 	snop  }
0x6: {  	_ = 	snop  }
0x7: {  	_ = 	snop  }
__scs_overlays_trampoline_lowered:
0x8: {  	[smem:$0x3F9F] =	sst s0  }
0x9: {  	[smem:$0x3FA0] =	sst s1  }
0xa: {  	[smem:$0x3FA1] =	sst s2  }
0xb: {  	[smem:$0x3FA2] =	sst s3  }
0xc: {  	[smem:$0x3FA3] =	sst s4  }
0xd: {  	[smem:$0x3FA4] =	sst s5  }
0xe: {  	[smem:$0x3FA5] =	sst s6  }
0xf: {  	[smem:$0x3FA6] =	sst s7  }
0x10: {  	[smem:$0x3FA7] =	sst s8  }
0x11: {  	[smem:$0x3FA8] =	sst s9;
	s0 =	simm.s32 @!p0 $0x0  }
0x12: {  	s1 =	sld [smem:$0x3F8E];
	s0 =	simm.s32 @p0 $0x1  }
0x13: {  	[smem:$0x3FA9] =	sst s0;
	s0 =	simm.s32 @!p1 $0x0  }
0x14: {  	s2 =	sld [smem:$0x3F8D];
	s0 =	simm.s32 @p1 $0x1  }
0x15: {  	[smem:$0x3FAA] =	sst s0;
	s0 =	simm.s32 @!p2 $0x0  }
0x16: {  	s3 =	sld [smem:$0x3FDB];
	s0 =	simm.s32 @p2 $0x1  }
0x17: {  	s4 =	simm.s32 $0x1BF5;
	[smem:$0x3FAC] =	sst s0  }
0x18: {  	s0 =	sld [smem:$0x3F8F];
	_ =	swait.ge [sflag:s4], $0x0  }
0x19: {  	s7 =	sld [smem:$0x3F90]  }
0x1a: {  	s8 =	sadd.s32 $0xFFFFE003, lr  }
0x1b: {  	s9 =	sadd.s32 $0xFFFFFEF7, lr;
	s5 =	simm.s32 $0xFFFFFFFF;
	p2 =	slt.u32 s8, $0xFFFFF086  }
0x1c: {  	p1 =	slt.u32 s9, $0xF7A;
	s5 =	simm.s32 @!p2 $0x0  }
0x1d: {  	s5 =	simm.s32 @p1 $0x1;
	p0 =	seq.s32 s7, s2  }
0x1e: {  	s7 =	smul.u32 @!p0 $0xF7A, s2;
	p2 =	seq.s32 @!p0 s5, $0x0  }
0x1f: {  	s9 =	smul.u32 $0xF7A, s1;
	s8 =	simm.s32 @!p0 $0x1BF5;
	p2 =	por !p2, p0  }
0x20: {  	[sflag:s8] =	ssyncset.s32 @!p0 $0xFFFFF086;
	s6 =	sadd.s32 @!p0 s3, s7;
	s7 =	simm.s32 @!p0 $0x108  }
0x21: {  	s3 =	sadd.s32 s3, s9;
	s6 =	sadd.s32 @!p0 $0x88, s6;
	s7 =	simm.s32 @p2 $0x1082  }
0x22: {  	[simem:s7], [sflag:s8] =	dma.local @!p0 [hbm:s6], $0xF7A  }
0x23: {  	s9 =	sor.u32 $0xD0000000, s2;
	s6 =	simm.s32 $0x108;
	_ =	swait.ge @!p0 [sflag:s8], $0x0  }
0x24: {  	s3 =	sadd.s32 $0x88, s3;
	s6 =	simm.s32 @!p1 $0x1082;
	[sflag:s4] =	ssyncset.s32 $0xFFFFF086  }
0x25: {  	[simem:s6], [sflag:s4] =	dma.local [hbm:s3], $0xF7A  }
0x26: {  	[smem:$0x3F90] =	sst s1;
	(tag) =	ssettag s2;
	_ =	strace s9  }
0x27: {  	s1 =	sld [smem:$0x3FA0]  }
0x28: {  	s2 =	sld [smem:$0x3FA1]  }
0x29: {  	s4 =	sld [smem:$0x3FA3]  }
0x2a: {  	p0 =	seq.s32 s5, $0x0;
	s5 =	sld [smem:$0x3FA4]  }
0x2b: {  	s6 =	sld [smem:$0x3FA5]  }
0x2c: {  	s7 =	sld [smem:$0x3FA6]  }
0x2d: {  	s3 =	simm.s32 $0x108;
	s8 =	sld [smem:$0x3FA7]  }
0x2e: {  	s3 =	simm.s32 @!p0 $0x1082;
	s9 =	sld [smem:$0x3FA8]  }
0x2f: {  	lr =	sadd.s32 s0, s3;
	s0 =	sld [smem:$0x3F9F]  }
0x30: {  	s3 =	sld [smem:$0x3FA2]  }
0x31: {  	[smem:$0x3FAB] =	sst s10  }
0x32: {  	s10 =	sld [smem:$0x3FA9];
	_ =	sdelay $0x3  }
0x33: {  	p0 =	seq.s32 s10, $0x1;
	s10 =	sld [smem:$0x3FAB];
	_ =	sdelay $0x3  }
0x34: {  	[smem:$0x3FAB] =	sst s10  }
0x35: {  	s10 =	sld [smem:$0x3FAA];
	_ =	sdelay $0x3  }
0x36: {  	p1 =	seq.s32 s10, $0x1;
	s10 =	sld [smem:$0x3FAB];
	_ =	sdelay $0x3  }
0x37: {  	[smem:$0x3FAB] =	sst s10  }
0x38: {  	s10 =	sld [smem:$0x3FAC]  }
0x39: {  	_ = 	snop;
	(pc) =	sbr.ind lr, $3  }
0x3a: {  	_ = 	snop  }
0x3b: {  	_ = 	snop  }
0x3c: {  	p2 =	seq.s32 s10, $0x1;
	s10 =	sld [smem:$0x3FAB]  }
0x3d: {  	_ =	shalt  }
0x3e: {  	_ =	shalt  }
0x3f: {  	_ =	shalt  }
0x40: {  	_ =	shalt  }
0x41: {  	_ =	shalt  }
0x42: {  	_ =	shalt  }
0x43: {  	_ =	shalt  }
0x44: {  	_ =	shalt  }
0x45: {  	_ =	shalt  }
0x46: {  	_ =	shalt  }
0x47: {  	_ =	shalt  }
0x48: {  	_ =	shalt  }
0x49: {  	_ =	shalt  }
0x4a: {  	_ =	shalt  }
0x4b: {  	_ =	shalt  }
0x4c: {  	_ =	shalt  }
0x4d: {  	_ =	shalt  }
0x4e: {  	_ =	shalt  }
0x4f: {  	_ =	shalt  }
0x50: {  	_ =	shalt  }
0x51: {  	_ =	shalt  }
0x52: {  	_ =	shalt  }
0x53: {  	_ =	shalt  }
0x54: {  	_ =	shalt  }
0x55: {  	_ =	shalt  }
0x56: {  	_ =	shalt  }
0x57: {  	_ =	shalt  }
0x58: {  	_ =	shalt  }
0x59: {  	_ =	shalt  }
0x5a: {  	_ =	shalt  }
0x5b: {  	_ =	shalt  }
0x5c: {  	_ =	shalt  }
0x5d: {  	_ =	shalt  }
0x5e: {  	_ =	shalt  }
0x5f: {  	_ =	shalt  }
0x60: {  	_ =	shalt  }
0x61: {  	_ =	shalt  }
0x62: {  	_ =	shalt  }
0x63: {  	_ =	shalt  }
0x64: {  	_ =	shalt  }
0x65: {  	_ =	shalt  }
0x66: {  	_ =	shalt  }
0x67: {  	_ =	shalt  }
0x68: {  	_ =	shalt  }
0x69: {  	_ =	shalt  }
0x6a: {  	_ =	shalt  }
0x6b: {  	_ =	shalt  }
0x6c: {  	_ =	shalt  }
0x6d: {  	_ =	shalt  }
0x6e: {  	_ =	shalt  }
0x6f: {  	_ =	shalt  }
0x70: {  	_ =	shalt  }
0x71: {  	_ =	shalt  }
0x72: {  	_ =	shalt  }
0x73: {  	_ =	shalt  }
0x74: {  	_ =	shalt  }
0x75: {  	_ =	shalt  }
0x76: {  	_ =	shalt  }
0x77: {  	_ =	shalt  }
0x78: {  	_ =	shalt  }
0x79: {  	_ =	shalt  }
0x7a: {  	_ =	shalt  }
0x7b: {  	_ =	shalt  }
0x7c: {  	_ =	shalt  }
0x7d: {  	_ =	shalt  }
0x7e: {  	_ =	shalt  }
0x7f: {  	_ =	shalt  }
0x80: {  	_ =	shalt  }
0x81: {  	_ =	shalt  }
0x82: {  	_ =	shalt  }
0x83: {  	_ =	shalt  }
0x84: {  	_ =	shalt  }
0x85: {  	_ =	shalt  }
0x86: {  	_ =	shalt  }
0x87: {  	_ =	shalt  }
.Lfunc_end0:
.L_simem_size_0:
called_computation.5_lowered:
.L_overlay_start_0:
0x88: {  	s2 =	sld [smem:$0x3FD9]  }
0x89: {  	s3 =	sld [smem:$0x3FFE];
	_ =	sdelay $0x1  }
0x8a: {  	s1 =	srdreg.scid  }
0x8b: {  	s0 =	sand.u32 $0x1, s1  }
0x8c: {  	s17 =	sshll.u32 s0, $0xA;
	s2 =	sadd.s32 s3, s2  }
0x8d: {  	s2 =	sadd.s32 s2, s17  }
0x8e: {  	[smem:$0x3FB7] =	sst s2  }
0x8f: {  	_ = 	snop  }
0x90: {  	(tm) =	ssettm $0x1  }
0x91: {  	s18 =	sld [smem:$0x3FFB];
	_ =	sdelay $0x3  }
0x92: {  	_ =	strace s18  }
0x93: {  	s2 =	sld [smem:$0x3FFC];
	_ =	sdelay $0x3  }
0x94: {  	_ =	strace s2  }
0x95: {  	s2 =	sld [smem:$0x3FFD];
	_ =	sdelay $0x3  }
0x96: {  	_ =	strace s2  }
0x97: {  	_ =	strace $0x8FFFFFFF  }
0x98: {  	s19 =	sld [smem:$0x3FDB];
	_ =	sdelay $0x1  }
0x99: {  	s20 =	simm.s32 $_scs_section_size  }
0x9a: {  	s4 =	simm.s32 $_size__tile_overlayer_lowered;
	s5 =	simm.s32 $_tile_overlayer_lowered  }
0x9b: {  	s6 =	simm.s32 $0x1BFF;
	s21 =	sshll.u32 s5, $0x1;
	s3 =	sadd.s32 s20, s19  }
0x9c: {  	s22 =	simm.s32 $0x0;
	s4 =	sshll.u32 s4, $0x1;
	s5 =	sadd.s32 s21, s3  }
0x9d: {  	[timem:s22], [sflag:s6] =	dma.local [hbm:s5], s4  }
0x9e: {  	_ =	swait.ge [sflag:s6], s4  }
0x9f: {  	s4 =	ssub.s32 $0x0, s4;
	[sflag:s6] =	ssyncset.done $0x0  }
0xa0: {  	[sflag:s6] =	ssyncadd.s32 s4;
	_ =	sdelay $0x1  }
0xa1: {  	s23 =	simm.s32 $0x1B8B  }
0xa2: {  	_ =	swait.ge [sflag:s23], $0x1  }
0xa3: {  	[sflag:s23] =	ssyncset.done $0x0  }
0xa4: {  	[sflag:s23] =	ssyncadd.s32 $0xFFFFFFFF  }
0xa5: {  	s4 =	sld [smem:$0x0]  }
0xa6: {  	s5 =	sand.u32 $0xFFFFFFFE, s1  }
0xa7: {  	p0 =	sne.s32 s1, s5  }
0xa8: {  	s5 =	sshll.u32 @p0 s5, $0xE  }
0xa9: {  	s5 =	sadd.s32 @p0 $0x11B8D, s5;
	s6 =	sshll.u32 @p0 s4, $0x11  }
0xaa: {  	s5 =	sor.u32 @p0 s6, s5  }
0xab: {  	[sflag:s5] =	ssyncadd.remote.s32 @p0 $0x1;
	_ =	sdelay $0x1  }
0xac: {  	s5 =	simm.s32 @p0 $0x1B8D  }
0xad: {  	_ =	swait.eq @p0 [sflag:s5], $0x1  }
0xae: {  	[sflag:s5] =	ssyncadd.s32 @p0 $0xFFFFFFFF  }
0xaf: {  	s6 =	sshll.u32 @!p0 s1, $0xE  }
0xb0: {  	s6 =	sor.u32 @!p0 $0x4000, s6;
	s5 =	simm.s32 @!p0 $0x1B8D  }
0xb1: {  	s4 =	sshll.u32 @!p0 s4, $0x11;
	s6 =	sadd.s32 @!p0 $0x11B8D, s6;
	_ =	swait.eq @!p0 [sflag:s5], $0x1  }
0xb2: {  	s4 =	sor.u32 @!p0 s4, s6;
	[sflag:s5] =	ssyncadd.s32 @!p0 $0xFFFFFFFF  }
0xb3: {  	s25 =	simm.s32 $0x1B8E;
	s24 =	sld [smem:$0x3FFE];
	[sflag:s4] =	ssyncadd.remote.s32 @!p0 $0x1  }
0xb4: {  	s26 =	simm.s32 $execute0_lowered;
	[smem:$0x3FD2] =	sst s25  }
0xb5: {  	s5 =	sshll.u32 s26, $0x1;
	_ =	strace $0x8000004F;
	[dreg:$0x1] =	wrdreg $0xFFFFFFFF  }
0xb6: {  	s28 =	simm.s32 $_size_execute0_lowered;
	s3 =	sadd.s32 s3, s5;
	[dreg:$0x0] =	wrdreg $0x0  }
0xb7: {  	s5 =	sshll.u32 s28, $0x1;
	[dreg:$0x2] =	wrdreg s3  }
0xb8: {  	[dreg:$0x3] =	wrdreg s5  }
0xb9: {  	[dreg:$0x4] =	wrdreg $0xC0  }
0xba: {  	_ =	task [dreg:s22], $0x5FFFF  }
0xbb: {  	[dreg:$0x1] =	wrdreg $0xFFFFFFFF  }
0xbc: {  	[dreg:$0x0] =	wrdreg $0x60  }
0xbd: {  	[dreg:$0x2] =	wrdreg s24  }
0xbe: {  	[dreg:$0x3] =	wrdreg $0x21000  }
0xbf: {  	[dreg:$0x4] =	wrdreg $0xA  }
0xc0: {  	_ =	task.clear_ibuf [dreg:s22], $0x5FFFF;
	_ =	strace $0x9000004F  }
0xc1: {  	s29 =	simm.s32 $0xA;
	_ =	strace $0x80000051  }
0xc2: {  	_ =	swait.ge [sflag:s29], $0x1  }
0xc3: {  	[sflag:s29] =	ssyncadd.s32 $0xFFFFFFFF  }
0xc4: {  	_ =	strace $0x90000051  }
0xc5: {  	_ =	sfence  }
0xc6: {  	s30 =	sld [smem:$0x0];
	_ =	sdelay $0x2  }
0xc7: {  	s31 =	sshll.u32 s1, $0xD;
	s1 =	sshrl.u32 s1, $0x2  }
0xc8: {  	s4 =	sand.u32 $0x4000, s31;
	s1 =	sadd.s32 s1, s30  }
0xc9: {  	s0 =	sor.u32 s4, s0;
	s1 =	sshll.u32 s1, $0x11  }
0xca: {  	s0 =	sor.u32 s1, s0  }
0xcb: {  	s0 =	sadd.s32 $0x8F2B, s0  }
0xcc: {  	[sflag:s0] =	ssyncadd.remote.s32 $0x1  }
0xcd: {  	_ =	sfence.sel $0xFFFF  }
0xce: {  	[dreg:$0x0] =	wrdreg $0xFFFFFFFF;
	(pc) =	sbr.abs _section_cstart, $3  }
0xcf: {  	[dreg:$0x1] =	wrdreg $0xFFFFFFFF  }
0xd0: {  	_ =	task.clear_ibuf [dreg:s22], $0x2FFFF;
	_ =	strace $0x9FFFFFFF  }
0xd1: {  	(tm) =	ssettm $0x7FFFFFFF  }
tec
execute0_lowered:
.L_overlay_start_1:
0x0: {  	(tag) =	ssettag $0x1  }
0x1: {  	s0 =	rddreg [dreg:$0x0]  }
0x2: {  	s2 =	rddreg [dreg:$0x1]  }
0x3: {  	s3 =	simm.s32 $0x0;
	s8 =	stileid.u32;
	s1 =	srdreg.scid  }
0x4: {  	s19 =	simm.s32 $0x3;
	s22 =	simm.s32 $0x100;
	s23 =	simm.s32 $0x0  }
0x5: {  	[smem:$0x7FF] =	sst s3;
	s26 =	smul.u32 $0x5000, s8;
	s1 =	sand.u32 $0x1, s1  }
0x6: {  	s11 =	sadd.s32 $0x2A3600, s0;
	s10 =	sadd.s32 $0x2A1200, s0;
	s28 =	sshll.u32 s8, $0x6  }
0x7: {  	_ =	strace $0x80000050;
	s4 =	smul.u32 $0x50000, s1;
	s6 =	ssub.s32 $0x2, s1  }
0x8: {  	s1 =	smul.u32 $0x113, s1;
	s5 =	sshrl.u32 s26, $0x3;
	s7 =	sshrl.u32 s6, $0x1  }
0x9: {  	s3 =	sadd.s32 s26, s2;
	s5 =	sadd.s32 s5, s0;
	s4 =	sadd.s32 s26, s4  }
0xa: {  	s13 =	ssub.s32 s6, s7;
	s6 =	sor.u32 $0x1C03, s28;
	s4 =	sshrl.u32 s4, $0x3  }
0xb: {  	s0 =	sadd.s32 s4, s0;
	s4 =	sadd.s32 $0x2C600, s5;
	s5 =	sadd.s32 s8, s1  }
0xc: {  	s7 =	sadd.s32 $0x113, s1;
	s13 =	smax.u32 s13, $0x1;
	s29 =	sshll.u32 s5, $0x4  }
0xd: {  	s30 =	sshll.u32 s5, $0xB;
	s18 =	sadd.s32 $0x10, s5;
	s8 =	sadd.s32 s10, s29  }
0xe: {  	s9 =	sadd.s32 s11, s30;
	s31 =	sshll.u32 s18, $0x4;
	s12 =	sshll.u32 s18, $0xB  }
0xf: {  	p0 =	sge.u32 s18, s7;
	s18 =	sshrl.u32 s3, $0x3;
	s10 =	sadd.s32 s10, s31  }
0x10: {  	s11 =	sadd.s32 s11, s12;
	s12 =	sadd.s32 $0x36600, s0;
	s14 =	sadd.s32 $0x300, s8  }
0x11: {  	s15 =	sadd.s32 $0x18000, s9;
	s16 =	sadd.s32 $0x200, s8;
	s17 =	sadd.s32 $0x10000, s9  }
.LBB2_1:
0x12: {  	[spmem:s18], [sflag:s6] =	dma.local [hbm:s4], $0xA00  }
0x13: {  	_ =	swait.ge [sflag:s19], $0xA00  }
0x14: {  	[sflag:s19] =	ssyncset.done $0x0  }
0x15: {  	s0 =	simm.s32 $0x0;
	[sflag:s19] =	ssyncadd.s32 $0xFFFFF600  }
0x16: {  	[tilespmem:s0], [sflag:$0x3] =	stream.linear.gather [hbm4b:s8+s0], $0x80, $0x38;
	[tilespmem:$0x7100] =	vst v63  }
0x17: {  	_ =	swait.ge [sflag:s19], $0x80  }
0x18: {  	[sflag:s19] =	ssyncset.done $0x0  }
0x19: {  	s20 =	simm.s32 $0x20;
	s1 =	simm.s32 $0x80;
	[sflag:s19] =	ssyncadd.s32 $0xFFFFFF80  }
0x1a: {  	[tilespmem:s22], [sflag:$0x1] =	stream.strided.gather [hbm4b:s9+s20], $0x1000, s1, s20, $0x38;
	[tilespmem:$0x7100] =	vst v63  }
0x1b: {  	s0 =	simm.s32 @!p0 $0x0;
	s1 =	simm.s32 @!p0 $0x80  }
0x1c: {  	[tilespmem:s1], [sflag:$0x3] =	stream.linear.gather @!p0 [hbm4b:s10+s0], $0x80, $0x38;
	[tilespmem:$0x7100] =	vst v63  }
0x1d: {  	s0 =	simm.s32 @!p0 $0x3  }
0x1e: {  	_ =	swait.ge @!p0 [sflag:s0], $0x80  }
0x1f: {  	s3 =	simm.s32 @!p0 $0x1100;
	s21 =	sadd.s32 $0x0, s5;
	[sflag:s0] =	ssyncset.done @!p0 $0x0  }
0x20: {  	p1 =	sge.u32 s21, s7;
	[sflag:s0] =	ssyncadd.s32 @!p0 $0xFFFFFF80;
	s0 =	simm.s32 @!p0 $0x20  }
0x21: {  	[tilespmem:s3], [sflag:$0x2] =	stream.strided.gather @!p0 [hbm4b:s11+s0], $0x1000, s1, s0, $0x38;
	[tilespmem:$0x7100] =	vst v63  }
0x22: {  	s1 =	simm.s32 @!p1 $0x1;
	[bflag:$0x0] =	sbarrier.arrive $0xFFFF  }
0x23: {  	s24 =	simm.s32 @!p1 $0x3;
	s25 =	simm.s32 @!p1 $0x100;
	_ =	swait.ge @!p1 [sflag:s1], $0x1000  }
0x24: {  	s26 =	simm.s32 @!p1 $0x0;
	s3 =	sadd.s32 @!p1 $0x0, s5;
	[sflag:s1] =	ssyncset.done @!p1 $0x0  }
0x25: {  	s3 =	sadd.s32 @!p1 $0x20, s3;
	[sflag:s1] =	ssyncadd.s32 @!p1 $0xFFFFF000;
	s1 =	simm.s32 @!p1 $0x80  }
0x26: {  	[spmem:s2] =	stream.indirect.scatter.add.f32 @!p1 [tilespmem:s25], [sflag:$0x3], $0x20, s26, s1, $0xb8;
	[tilespmem:$0x7100] =	vst v63  }
0x27: {  	p2 =	sge.u32 @!p1 s3, s7;
	_ =	swait.ge @!p1 [sflag:s24], $0x1000  }
0x28: {  	p2 =	por p2, p1;
	[sflag:s24] =	ssyncset.done @!p1 $0x0  }
0x29: {  	s3 =	simm.s32 @!p2 $0x3;
	s1 =	simm.s32 @!p2 $0x0;
	[sflag:s24] =	ssyncadd.s32 @!p1 $0xFFFFF000  }
0x2a: {  	[tilespmem:s1], [sflag:$0x3] =	stream.linear.gather @!p2 [hbm4b:s16+s1], $0x80, $0x38;
	[tilespmem:$0x7100] =	vst v63  }
0x2b: {  	s0 =	sadd.s32 $0x10, s21;
	s24 =	simm.s32 @!p2 $0x100;
	_ =	swait.ge @!p2 [sflag:s3], $0x80  }
0x2c: {  	p1 =	sge.u32 s0, s7;
	s0 =	simm.s32 @!p2 $0x20;
	[sflag:s3] =	ssyncset.done @!p2 $0x0  }
0x2d: {  	s1 =	simm.s32 @!p2 $0x80;
	[sflag:s3] =	ssyncadd.s32 @!p2 $0xFFFFFF80;
	s3 =	simm.s32 @!p1 $0x2  }
0x2e: {  	[tilespmem:s24], [sflag:$0x1] =	stream.strided.gather @!p2 [hbm4b:s17+s0], $0x1000, s1, s0, $0x38;
	[tilespmem:$0x7100] =	vst v63  }
0x2f: {  	s0 =	sadd.s32 @!p1 $0x0, s5;
	_ =	swait.ge @!p1 [sflag:s3], $0x1000  }
0x30: {  	s1 =	simm.s32 @!p1 $0x3;
	s24 =	simm.s32 @!p1 $0x1100;
	[sflag:s3] =	ssyncset.done @!p1 $0x0  }
0x31: {  	s0 =	sadd.s32 @!p1 $0x30, s0;
	[sflag:s3] =	ssyncadd.s32 @!p1 $0xFFFFF000;
	s3 =	simm.s32 @!p1 $0x80  }
0x32: {  	[spmem:s2] =	stream.indirect.scatter.add.f32 @!p1 [tilespmem:s24], [sflag:$0x3], $0x20, s3, s3, $0xb8;
	[tilespmem:$0x7100] =	vst v63  }
0x33: {  	s28 =	sadd.s32 $0x200, s14;
	p2 =	sge.u32 @!p1 s0, s7;
	_ =	swait.ge @!p1 [sflag:s1], $0x1000  }
0x34: {  	s29 =	sadd.s32 $0x10000, s15;
	p2 =	por p2, p1;
	[sflag:s1] =	ssyncset.done @!p1 $0x0  }
0x35: {  	s0 =	simm.s32 @!p2 $0x0;
	s31 =	simm.s32 @!p2 $0x80;
	[sflag:s1] =	ssyncadd.s32 @!p1 $0xFFFFF000  }
0x36: {  	[tilespmem:s31], [sflag:$0x3] =	stream.linear.gather @!p2 [hbm4b:s14+s0], $0x80, $0x38;
	[tilespmem:$0x7100] =	vst v63  }
0x37: {  	s30 =	smov.u32 s15;
	s25 =	sadd.s32 $0x200, s16;
	s0 =	simm.s32 @!p2 $0x3  }
0x38: {  	s26 =	sadd.s32 $0x10000, s17;
	s24 =	simm.s32 $0x20;
	_ =	swait.ge @!p2 [sflag:s0], $0x80  }
0x39: {  	s3 =	simm.s32 @!p2 $0x1100;
	s1 =	simm.s32 @!p2 $0x20;
	[sflag:s0] =	ssyncset.done @!p2 $0x0  }
.LBB2_2:
0x3a: {  	s20 =	sadd.s32 s24, s5  }
0x3b: {  	[sflag:s0] =	ssyncadd.s32 @!p2 $0xFFFFFF80;
	s0 =	smov.u32 s24;
	s24 =	sadd.s32 $0x20, s24  }
0x3c: {  	[tilespmem:s3], [sflag:$0x2] =	stream.strided.gather @!p2 [hbm4b:s30+s1], $0x1000, s31, s1, $0x38;
	[tilespmem:$0x7100] =	vst v63  }
0x3d: {  	p2 =	sge.u32 s20, s7;
	s1 =	sadd.s32 $0x10, s20;
	p1 =	sne.s32 s24, $0x120  }
0x3e: {  	s30 =	smov.u32 s29;
	s3 =	simm.s32 @!p2 $0x1;
	s20 =	sadd.s32 @!p2 s0, s5  }
0x3f: {  	s31 =	simm.s32 @!p2 $0x3;
	s20 =	sadd.s32 @!p2 $0x20, s20;
	_ =	swait.ge @!p2 [sflag:s3], $0x1000  }
0x40: {  	s21 =	simm.s32 @!p2 $0x100;
	p3 =	sge.u32 @!p2 s20, s7;
	[sflag:s3] =	ssyncset.done @!p2 $0x0  }
0x41: {  	s20 =	simm.s32 @!p2 $0x0;
	[sflag:s3] =	ssyncadd.s32 @!p2 $0xFFFFF000;
	s3 =	simm.s32 @!p2 $0x80  }
0x42: {  	[spmem:s2] =	stream.indirect.scatter.add.f32 @!p2 [tilespmem:s21], [sflag:$0x3], $0x20, s20, s3, $0xb8;
	[tilespmem:$0x7100] =	vst v63  }
0x43: {  	_ =	swait.ge @!p2 [sflag:s31], $0x1000  }
0x44: {  	p4 =	por p3, p2;
	[sflag:s31] =	ssyncset.done @!p2 $0x0  }
0x45: {  	s3 =	simm.s32 @!p4 $0x0;
	s20 =	simm.s32 @!p4 $0x3;
	[sflag:s31] =	ssyncadd.s32 @!p2 $0xFFFFF000  }
0x46: {  	[tilespmem:s3], [sflag:$0x3] =	stream.linear.gather @!p4 [hbm4b:s25+s3], $0x80, $0x38;
	[tilespmem:$0x7100] =	vst v63  }
0x47: {  	p3 =	sge.u32 s1, s7;
	s3 =	simm.s32 @!p4 $0x80;
	_ =	swait.ge @!p4 [sflag:s20], $0x80  }
0x48: {  	s1 =	simm.s32 @!p4 $0x20;
	s21 =	simm.s32 @!p4 $0x100;
	[sflag:s20] =	ssyncset.done @!p4 $0x0  }
0x49: {  	s0 =	sadd.s32 @!p3 s0, s5;
	[sflag:s20] =	ssyncadd.s32 @!p4 $0xFFFFFF80;
	s20 =	simm.s32 @!p3 $0x2  }
0x4a: {  	[tilespmem:s21], [sflag:$0x1] =	stream.strided.gather @!p4 [hbm4b:s26+s1], $0x1000, s3, s1, $0x38;
	[tilespmem:$0x7100] =	vst v63  }
0x4b: {  	s0 =	sadd.s32 @!p3 $0x30, s0;
	_ =	swait.ge @!p3 [sflag:s20], $0x1000  }
0x4c: {  	p2 =	sge.u32 @!p3 s0, s7;
	s1 =	simm.s32 @!p3 $0x3;
	[sflag:s20] =	ssyncset.done @!p3 $0x0  }
0x4d: {  	s3 =	simm.s32 @!p3 $0x80;
	[sflag:s20] =	ssyncadd.s32 @!p3 $0xFFFFF000;
	s20 =	simm.s32 @!p3 $0x1100  }
0x4e: {  	[spmem:s2] =	stream.indirect.scatter.add.f32 @!p3 [tilespmem:s20], [sflag:$0x3], $0x20, s3, s3, $0xb8;
	[tilespmem:$0x7100] =	vst v63  }
0x4f: {  	p2 =	por p2, p3;
	_ =	swait.ge @!p3 [sflag:s1], $0x1000  }
0x50: {  	s0 =	simm.s32 @!p2 $0x0;
	[sflag:s1] =	ssyncset.done @!p3 $0x0  }
.Ltmp0:
0x51: {  	s31 =	simm.s32 @!p2 $0x80;
	[sflag:s1] =	ssyncadd.s32 @!p3 $0xFFFFF000;
	(pc) =	sbr.rel @p1 .LBB2_2-.Ltmp0, $4  }
0x52: {  	[tilespmem:s31], [sflag:$0x3] =	stream.linear.gather @!p2 [hbm4b:s28+s0], $0x80, $0x38;
	[tilespmem:$0x7100] =	vst v63  }
0x53: {  	s25 =	sadd.s32 $0x200, s25;
	s26 =	sadd.s32 $0x10000, s26;
	s0 =	simm.s32 @!p2 $0x3  }
0x54: {  	s29 =	sadd.s32 $0x10000, s29;
	s28 =	sadd.s32 $0x200, s28;
	_ =	swait.ge @!p2 [sflag:s0], $0x80  }
0x55: {  	s3 =	simm.s32 @!p2 $0x1100;
	s1 =	simm.s32 @!p2 $0x20;
	[sflag:s0] =	ssyncset.done @!p2 $0x0  }
0x56: {  	[sflag:s0] =	ssyncadd.s32 @!p2 $0xFFFFFF80;
	s23 =	sadd.s32 $0x1, s23  }
0x57: {  	[tilespmem:s3], [sflag:$0x2] =	stream.strided.gather @!p2 [hbm4b:s30+s1], $0x1000, s31, s1, $0x38;
	[tilespmem:$0x7100] =	vst v63  }
0x58: {  	p1 =	sne.s32 s23, s13  }
.Ltmp1:
0x59: {  	[bflag:$0x0] =	sbarrier.arrive $0xFFFF;
	(pc) =	sbr.rel @p1 .LBB2_1-.Ltmp1, $4  }
0x5a: {  	[hbm:s12], [sflag:s6] =	dma.local [spmem:s18], $0xA00  }
0x5b: {  	_ =	swait.ge [sflag:s19], $0xA00  }
0x5c: {  	[sflag:s19] =	ssyncset.done $0x0  }
0x5d: {  	[sflag:s19] =	ssyncadd.s32 $0xFFFFF600  }
0x5e: {  	_ =	sfence.sel $0x180000  }
0x5f: {  	[bflag:$0x0] =	sbarrier.arrive $0xFFFF  }
0x60: {  	_ =	strace $0x90000050  }
0x61: {  	s0 =	stileid.u32;
	[bflag:$0x2] =	sbarrier.arrive $0xFFFF  }
0x62: {  	p0 =	sne.s32 s0, $0x0;
	s0 =	rddreg [dreg:$0x2]  }
0x63: {  	s0 =	sadd.s32 @!p0 $0x100000, s0  }
0x64: {  	[sflag:s0] =	ssyncadd.tile.s32 @!p0 $0x1;
	_ =	shalt  }
.Lfunc_end2:
_tile_overlayer_lowered:
.L_overlay_start_2:
0x65: {  	(tag) =	ssettag $0x2  }
0x66: {  	s0 =	rddreg [dreg:$0x0];
	s2 =	stileid.u32  }
0x67: {  	s1 =	rddreg [dreg:$0x1];
	p0 =	sne.s32 s2, $0x0  }
0x68: {  	s3 =	rddreg [dreg:$0x2];
	[bflag:$0x3] =	sbarrier.arrive $0xFFFF;
	s2 =	simm.s32 @!p0 $0x1C03  }
0x69: {  	[timem:s3], [sflag:s2] =	dma.local @!p0 [hbm:s0], s1  }
0x6a: {  	s0 =	simm.s32 @!p0 $0x3  }
0x6b: {  	_ =	swait.ge @!p0 [sflag:s0], s1  }
0x6c: {  	s1 =	ssub.s32 @!p0 $0x0, s1;
	[sflag:s0] =	ssyncset.done @!p0 $0x0  }
0x6d: {  	[sflag:s0] =	ssyncadd.s32 @!p0 s1  }
0x6e: {  	[bflag:$0x3] =	sbarrier.arrive $0xFFFF  }
0x6f: {  	_ =	shalt  }

</sc_bundles>
